<compile_context>
chip_gen: v7x
topology: tpu7x:2x2x1
jax: 0.10.2.dev20260603
libtpu: 0.0.44.dev20260713+nightly
codegen_flags: <defaults>
</compile_context>

<pallas_src>
import jax
import jax.numpy as jnp
from jax import lax
from jax.experimental import pallas as pl
from jax.experimental.pallas import tpu as pltpu
from jax.experimental.pallas import tpu_sc as plsc

N_NODES = 10000
N_EDGES = 160000
CH = 256

NC = 2
NS = 16
LANES = 16
HCH = CH // NC
CHUNK = 125
NCHT = N_EDGES // CHUNK
DEG_CPT = NCHT // (NC * NS)
SCAT_CPT = NCHT // NS
DEG_ROWS = 10240
ACC_ROWS = 10112
ROWS_PT = ACC_ROWS // NS
OUT_CHUNKS = (128, 128, 128, 128, 120)
IDX_HALF = SCAT_CPT // 2
HALF_PAIRS = IDX_HALF // 2


def _mesh():
    return plsc.VectorSubcoreMesh(core_axis_name="c", subcore_axis_name="s")


def _deg_body(col2d_hbm, deg_hbm, c2d, ones, zbuf, dacc):
    c = lax.axis_index("c")
    s = lax.axis_index("s")
    wid = c * NS + s

    def zb(i, carry):
        zbuf[pl.ds(i * LANES, LANES)] = jnp.zeros((LANES,), jnp.float32)
        return carry

    lax.fori_loop(0, 640 // LANES, zb, 0)
    for j in range(CHUNK // LANES + 1):
        ones[pl.ds(j * LANES, LANES)] = jnp.ones((LANES,), jnp.float32)

    pltpu.sync_copy(zbuf, dacc.at[pl.ds(s * 640, 640)])
    plsc.subcore_barrier()

    pltpu.sync_copy(col2d_hbm.at[pl.ds(wid * DEG_CPT, DEG_CPT)], c2d)

    def scat(q, carry):
        pltpu.sync_copy(ones.at[pl.ds(0, CHUNK)], dacc.at[c2d.at[q]], add=True)
        return carry

    lax.fori_loop(0, DEG_CPT, scat, 0)
    plsc.subcore_barrier()

    pltpu.sync_copy(dacc.at[pl.ds(s * 640, 640)], zbuf)
    pltpu.sync_copy(zbuf, deg_hbm.at[pl.ds(c * DEG_ROWS + s * 640, 640)])


_deg_call = pl.kernel(
    _deg_body,
    out_type=jax.ShapeDtypeStruct((NC * DEG_ROWS,), jnp.float32),
    mesh=_mesh(),
    scratch_types=[
        pltpu.VMEM((DEG_CPT, CHUNK), jnp.int32),
        pltpu.VMEM((CHUNK + LANES - CHUNK % LANES,), jnp.float32),
        pltpu.VMEM((640,), jnp.float32),
        pltpu.VMEM_SHARED((DEG_ROWS,), jnp.float32),
    ],
)


def _scat_body(g_hbm, row2d_hbm, col2d_hbm, acc_hbm,
               r2d, c2d, st0, st1, sacc, sem0, sem1):
    c = lax.axis_index("c")
    s = lax.axis_index("s")

    def zrow(i, carry):
        for j in range(HCH // LANES):
            st0[i, pl.ds(j * LANES, LANES)] = jnp.zeros((LANES,), jnp.float32)
        return carry

    lax.fori_loop(0, 128, zrow, 0)
    off = 0
    for n in OUT_CHUNKS:
        pltpu.sync_copy(st0.at[pl.ds(0, n)],
                        sacc.at[pl.ds(s * ROWS_PT + off, n)])
        off += n

    plsc.subcore_barrier()

    g0 = st0.at[pl.ds(0, CHUNK)]
    g1 = st1.at[pl.ds(0, CHUNK)]

    for half in range(2):
        hb = s * SCAT_CPT + half * IDX_HALF
        pltpu.sync_copy(row2d_hbm.at[pl.ds(hb, IDX_HALF)], r2d)
        pltpu.sync_copy(col2d_hbm.at[pl.ds(hb, IDX_HALF)], c2d)

        csl = pl.ds(c * HCH, HCH)
        pltpu.async_copy(g_hbm.at[r2d.at[0], csl], g0, sem0)
        pltpu.async_copy(g_hbm.at[r2d.at[1], csl], g1, sem1)

        def pair(h, carry):
            q0 = 2 * h
            pltpu.make_async_copy(g_hbm.at[r2d.at[0], csl], g0, sem0).wait()
            pltpu.sync_copy(g0, sacc.at[c2d.at[q0]], add=True)

            @pl.when(q0 + 2 < IDX_HALF)
            def _():
                pltpu.async_copy(g_hbm.at[r2d.at[q0 + 2], csl], g0, sem0)

            pltpu.make_async_copy(g_hbm.at[r2d.at[0], csl], g1, sem1).wait()
            pltpu.sync_copy(g1, sacc.at[c2d.at[q0 + 1]], add=True)

            @pl.when(q0 + 3 < IDX_HALF)
            def _():
                pltpu.async_copy(g_hbm.at[r2d.at[q0 + 3], csl], g1, sem1)

            return carry

        lax.fori_loop(0, HALF_PAIRS, pair, 0)

    plsc.subcore_barrier()

    off = 0
    for n in OUT_CHUNKS:
        base = s * ROWS_PT + off
        pltpu.sync_copy(sacc.at[pl.ds(base, n)], st0.at[pl.ds(0, n)])
        pltpu.sync_copy(st0.at[pl.ds(0, n)], acc_hbm.at[c, pl.ds(base, n)])
        off += n


_scat_call = pl.kernel(
    _scat_body,
    out_type=jax.ShapeDtypeStruct((NC, ACC_ROWS, HCH), jnp.float32),
    mesh=_mesh(),
    scratch_types=[
        pltpu.VMEM((IDX_HALF, CHUNK), jnp.int32),
        pltpu.VMEM((IDX_HALF, CHUNK), jnp.int32),
        pltpu.VMEM((128, HCH), jnp.float32),
        pltpu.VMEM((128, HCH), jnp.float32),
        pltpu.VMEM_SHARED((ACC_ROWS, HCH), jnp.float32),
        pltpu.SemaphoreType.DMA,
        pltpu.SemaphoreType.DMA,
    ],
)


_BM = 2000
_NB = N_NODES // _BM


def _mm_body(dinv_ref, x_ref, w_ref, o_ref):
    o_ref[...] = dinv_ref[pl.program_id(0)][:, None] * jnp.dot(
        x_ref[...], w_ref[...], preferred_element_type=jnp.float32)


def _mm(dinv2, x, w):
    return pl.pallas_call(
        _mm_body,
        grid=(_NB,),
        in_specs=[
            pl.BlockSpec((_NB, _BM), lambda i: (0, 0)),
            pl.BlockSpec((_BM, CH), lambda i: (i, 0)),
            pl.BlockSpec((CH, CH), lambda i: (0, 0)),
        ],
        out_specs=pl.BlockSpec((_BM, CH), lambda i: (i, 0)),
        out_shape=jax.ShapeDtypeStruct((N_NODES, CH), jnp.float32),
    )(dinv2, x, w)


def _stats_body(dinv_ref, a0_ref, a1_ref, g_ref, b_ref,
                y_ref, cs_ref, css_ref):
    t = jnp.concatenate([a0_ref[0], a1_ref[0]], axis=1) + g_ref[...]
    y = dinv_ref[pl.program_id(0)][:, None] * t + b_ref[...]
    y_ref[...] = y

    @pl.when(pl.program_id(0) == 0)
    def _():
        cs_ref[...] = jnp.zeros_like(cs_ref)
        css_ref[...] = jnp.zeros_like(css_ref)

    cs_ref[...] += jnp.sum(y, axis=0, keepdims=True)
    css_ref[...] += jnp.sum(y * y, axis=0, keepdims=True)


def _stats(dinv2, acc3, g, b2):
    return pl.pallas_call(
        _stats_body,
        grid=(_NB,),
        in_specs=[
            pl.BlockSpec((_NB, _BM), lambda i: (0, 0)),
            pl.BlockSpec((1, _BM, HCH), lambda i: (0, i, 0)),
            pl.BlockSpec((1, _BM, HCH), lambda i: (1, i, 0)),
            pl.BlockSpec((_BM, CH), lambda i: (i, 0)),
            pl.BlockSpec((1, CH), lambda i: (0, 0)),
        ],
        out_specs=[
            pl.BlockSpec((_BM, CH), lambda i: (i, 0)),
            pl.BlockSpec((1, CH), lambda i: (0, 0)),
            pl.BlockSpec((1, CH), lambda i: (0, 0)),
        ],
        out_shape=[
            jax.ShapeDtypeStruct((N_NODES, CH), jnp.float32),
            jax.ShapeDtypeStruct((1, CH), jnp.float32),
            jax.ShapeDtypeStruct((1, CH), jnp.float32),
        ],
    )(dinv2, acc3, acc3, g, b2)


def _nr_body(y_ref, cs_ref, css_ref, o_ref):
    mu = cs_ref[...] / N_NODES
    sval = jnp.sum(css_ref[...]) / N_NODES - jnp.sum(mu * mu)
    scale = lax.rsqrt(1e-5 + sval)
    o_ref[...] = jnp.maximum((y_ref[...] - mu) * scale, 0.0)


def _nr(y, cs, css):
    return pl.pallas_call(
        _nr_body,
        grid=(_NB,),
        in_specs=[
            pl.BlockSpec((_BM, CH), lambda i: (i, 0)),
            pl.BlockSpec((1, CH), lambda i: (0, 0)),
            pl.BlockSpec((1, CH), lambda i: (0, 0)),
        ],
        out_specs=pl.BlockSpec((_BM, CH), lambda i: (i, 0)),
        out_shape=jax.ShapeDtypeStruct((N_NODES, CH), jnp.float32),
    )(y, cs, css)


def kernel(x, edge_index, W, b):
    row = edge_index[0]
    col = edge_index[1]
    row2d = row.reshape(NCHT, CHUNK)
    col2d = col.reshape(NCHT, CHUNK)

    deg1 = _deg_call(col2d)
    deg = deg1[:N_NODES] + deg1[DEG_ROWS:DEG_ROWS + N_NODES]
    dinv = lax.rsqrt(deg + 1.0).reshape(_NB, _BM)

    g = _mm(dinv, x, W)
    acc3 = _scat_call(g, row2d, col2d)

    y, cs, css = _stats(dinv, acc3, g, b[None, :])
    return _nr(y, cs, css)

# --- scband reference (transcript-rebuilt; emitter-appended) ---
"""Pipeline reference for scband-gcnlayer-56547539419679 (READ-ONLY COPY).

The authoritative reference and input builder live on the scoring server;
editing this copy changes nothing except your own understanding.
"""

import jax, jax.numpy as jnp
import numpy as np

N_NODES = 10000
N_EDGES = 160000
IN_CH = 256
OUT_CH = 256


def setup_inputs(seed: int = 0) -> dict:
    key = jax.random.key(seed)
    k1, k2, k3 = jax.random.split(key, 3)
    x = jax.random.normal(k1, (N_NODES, IN_CH), dtype=jnp.float32)
    edge_index = jax.random.randint(k2, (2, N_EDGES), 0, N_NODES, dtype=jnp.int32)
    # GCNConv learned parameters (glorot-ish init)
    W = jax.random.normal(k3, (IN_CH, OUT_CH), dtype=jnp.float32) * (1.0 / np.sqrt(IN_CH))
    b = jnp.zeros((OUT_CH,), dtype=jnp.float32)
    return {"x": x, "edge_index": edge_index, "W": W, "b": b}


def reference(x, edge_index, W, b):
    # --- GCNConv (PyG semantics: add self-loops, symmetric deg normalization) ---
    n = x.shape[0]
    row = edge_index[0]
    col = edge_index[1]
    loop = jnp.arange(n, dtype=edge_index.dtype)
    row = jnp.concatenate([row, loop])
    col = jnp.concatenate([col, loop])
    ew = jnp.ones(row.shape[0], dtype=x.dtype)
    deg = jnp.zeros((n,), dtype=x.dtype).at[col].add(ew)
    dinv = jnp.where(deg > 0, jax.lax.rsqrt(deg), 0.0)
    norm = dinv[row] * ew * dinv[col]
    h = x @ W
    msg = h[row] * norm[:, None]
    out = jnp.zeros((n, h.shape[1]), dtype=x.dtype).at[col].add(msg)
    out = out + b
    # --- PairNorm (mode='PN', scale=1) ---
    out = out - out.mean(axis=0, keepdims=True)
    out = 1.0 * out / jnp.sqrt(1e-5 + jnp.mean(jnp.sum(out * out, axis=-1)))
    # --- ReLU (dropout is identity in eval) ---
    out = jax.nn.relu(out)
    return out

if __name__ == "__main__":
    import jax
    _d = setup_inputs()
    print(jax.jit(kernel)(*tuple(_d.values())))

</pallas_src>

<mosaic_0001>
#map = affine_map<(d0, d1) -> (0, 0)>
#map1 = affine_map<(d0, d1) -> (0)>
module attributes {stable_mosaic.version = 14 : i64} {
  func.func @_deg_body(%arg0: i32, %arg1: i32, %arg2: memref<1280x125xi32, #tpu.memory_space<hbm>>, %arg3: memref<20480xf32, #tpu.memory_space<hbm>>, %arg4: memref<40x125xi32, #tpu.memory_space<vmem>>, %arg5: memref<128xf32, #tpu.memory_space<vmem>>, %arg6: memref<640xf32, #tpu.memory_space<vmem>>, %arg7: memref<10240xf32, #tpu.memory_space<vmem_shared>>) attributes {dimension_semantics = [#tpu.dimension_semantics<core_parallel>, #tpu.dimension_semantics<subcore_parallel>], iteration_bounds = array<i64: 2, 16>, scalar_prefetch = 0 : i64, scratch_operands = 4 : i64, tpu.core_type = #tpu.core_type<sc_vector_subcore>, window_params = [{transform_indices = #map}, {transform_indices = #map1}]} {
    %mul3A = arith.constant 16 : i32
    %mul3A_0 = arith.muli %arg0, %mul3A : i32
    %add3A = arith.addi %mul3A_0, %arg1 : i32
    %scan3A = arith.constant 0 : i32
    %scan3A_1 = arith.constant 0 : i32
    %scan3A_2 = arith.constant 40 : i32
    %scan3A_3 = arith.addi %scan3A_1, %scan3A_2 : i32
    %scan3A_4 = arith.constant 1 : i32
    scf.for %scan3A_70 = %scan3A_1 to %scan3A_3 step %scan3A_4  : i32 {
      %broadcast_in_dim3A_71 = arith.constant 0.000000e+00 : f32
      %broadcast_in_dim3A_72 = vector.broadcast %broadcast_in_dim3A_71 : f32 to vector<16xf32>
      %mul3A_73 = arith.constant 16 : i32
      %mul3A_74 = arith.muli %scan3A_70, %mul3A_73 : i32
      %swap3A_75 = arith.index_cast %mul3A_74 : i32 to index
      %swap3A_76 = tpu.vector_load %arg6[%swap3A_75] {strides = array<i32>} : memref<640xf32, #tpu.memory_space<vmem>>, vector<16xf32>,
      %swap3A_77 = vector.shape_cast %swap3A_76 : vector<16xf32> to vector<16xf32>
      %swap3A_78 = vector.shape_cast %broadcast_in_dim3A_72 : vector<16xf32> to vector<16xf32>
      tpu.vector_store %arg6[%swap3A_75], %swap3A_78 {strides = array<i32>} : memref<640xf32, #tpu.memory_space<vmem>>, vector<16xf32>,
    }
    %scan3A_5 = arith.constant 40 : i32
    %broadcast_in_dim3A = arith.constant 1.000000e+00 : f32
    %broadcast_in_dim3A_6 = vector.broadcast %broadcast_in_dim3A : f32 to vector<16xf32>
    %swap3A = arith.constant 0 : index
    %swap3A_7 = tpu.vector_load %arg5[%swap3A] {strides = array<i32>} : memref<128xf32, #tpu.memory_space<vmem>>, vector<16xf32>,
    %swap3A_8 = vector.shape_cast %swap3A_7 : vector<16xf32> to vector<16xf32>
    %swap3A_9 = vector.shape_cast %broadcast_in_dim3A_6 : vector<16xf32> to vector<16xf32>
    tpu.vector_store %arg5[%swap3A], %swap3A_9 {strides = array<i32>} : memref<128xf32, #tpu.memory_space<vmem>>, vector<16xf32>,
    %broadcast_in_dim3A_10 = arith.constant 1.000000e+00 : f32
    %broadcast_in_dim3A_11 = vector.broadcast %broadcast_in_dim3A_10 : f32 to vector<16xf32>
    %swap3A_12 = arith.constant 16 : index
    %swap3A_13 = tpu.vector_load %arg5[%swap3A_12] {strides = array<i32>} : memref<128xf32, #tpu.memory_space<vmem>>, vector<16xf32>,
    %swap3A_14 = vector.shape_cast %swap3A_13 : vector<16xf32> to vector<16xf32>
    %swap3A_15 = vector.shape_cast %broadcast_in_dim3A_11 : vector<16xf32> to vector<16xf32>
    tpu.vector_store %arg5[%swap3A_12], %swap3A_15 {strides = array<i32>} : memref<128xf32, #tpu.memory_space<vmem>>, vector<16xf32>,
    %broadcast_in_dim3A_16 = arith.constant 1.000000e+00 : f32
    %broadcast_in_dim3A_17 = vector.broadcast %broadcast_in_dim3A_16 : f32 to vector<16xf32>
    %swap3A_18 = arith.constant 32 : index
    %swap3A_19 = tpu.vector_load %arg5[%swap3A_18] {strides = array<i32>} : memref<128xf32, #tpu.memory_space<vmem>>, vector<16xf32>,
    %swap3A_20 = vector.shape_cast %swap3A_19 : vector<16xf32> to vector<16xf32>
    %swap3A_21 = vector.shape_cast %broadcast_in_dim3A_17 : vector<16xf32> to vector<16xf32>
    tpu.vector_store %arg5[%swap3A_18], %swap3A_21 {strides = array<i32>} : memref<128xf32, #tpu.memory_space<vmem>>, vector<16xf32>,
    %broadcast_in_dim3A_22 = arith.constant 1.000000e+00 : f32
    %broadcast_in_dim3A_23 = vector.broadcast %broadcast_in_dim3A_22 : f32 to vector<16xf32>
    %swap3A_24 = arith.constant 48 : index
    %swap3A_25 = tpu.vector_load %arg5[%swap3A_24] {strides = array<i32>} : memref<128xf32, #tpu.memory_space<vmem>>, vector<16xf32>,
    %swap3A_26 = vector.shape_cast %swap3A_25 : vector<16xf32> to vector<16xf32>
    %swap3A_27 = vector.shape_cast %broadcast_in_dim3A_23 : vector<16xf32> to vector<16xf32>
    tpu.vector_store %arg5[%swap3A_24], %swap3A_27 {strides = array<i32>} : memref<128xf32, #tpu.memory_space<vmem>>, vector<16xf32>,
    %broadcast_in_dim3A_28 = arith.constant 1.000000e+00 : f32
    %broadcast_in_dim3A_29 = vector.broadcast %broadcast_in_dim3A_28 : f32 to vector<16xf32>
    %swap3A_30 = arith.constant 64 : index
    %swap3A_31 = tpu.vector_load %arg5[%swap3A_30] {strides = array<i32>} : memref<128xf32, #tpu.memory_space<vmem>>, vector<16xf32>,
    %swap3A_32 = vector.shape_cast %swap3A_31 : vector<16xf32> to vector<16xf32>
    %swap3A_33 = vector.shape_cast %broadcast_in_dim3A_29 : vector<16xf32> to vector<16xf32>
    tpu.vector_store %arg5[%swap3A_30], %swap3A_33 {strides = array<i32>} : memref<128xf32, #tpu.memory_space<vmem>>, vector<16xf32>,
    %broadcast_in_dim3A_34 = arith.constant 1.000000e+00 : f32
    %broadcast_in_dim3A_35 = vector.broadcast %broadcast_in_dim3A_34 : f32 to vector<16xf32>
    %swap3A_36 = arith.constant 80 : index
    %swap3A_37 = tpu.vector_load %arg5[%swap3A_36] {strides = array<i32>} : memref<128xf32, #tpu.memory_space<vmem>>, vector<16xf32>,
    %swap3A_38 = vector.shape_cast %swap3A_37 : vector<16xf32> to vector<16xf32>
    %swap3A_39 = vector.shape_cast %broadcast_in_dim3A_35 : vector<16xf32> to vector<16xf32>
    tpu.vector_store %arg5[%swap3A_36], %swap3A_39 {strides = array<i32>} : memref<128xf32, #tpu.memory_space<vmem>>, vector<16xf32>,
    %broadcast_in_dim3A_40 = arith.constant 1.000000e+00 : f32
    %broadcast_in_dim3A_41 = vector.broadcast %broadcast_in_dim3A_40 : f32 to vector<16xf32>
    %swap3A_42 = arith.constant 96 : index
    %swap3A_43 = tpu.vector_load %arg5[%swap3A_42] {strides = array<i32>} : memref<128xf32, #tpu.memory_space<vmem>>, vector<16xf32>,
    %swap3A_44 = vector.shape_cast %swap3A_43 : vector<16xf32> to vector<16xf32>
    %swap3A_45 = vector.shape_cast %broadcast_in_dim3A_41 : vector<16xf32> to vector<16xf32>
    tpu.vector_store %arg5[%swap3A_42], %swap3A_45 {strides = array<i32>} : memref<128xf32, #tpu.memory_space<vmem>>, vector<16xf32>,
    %broadcast_in_dim3A_46 = arith.constant 1.000000e+00 : f32
    %broadcast_in_dim3A_47 = vector.broadcast %broadcast_in_dim3A_46 : f32 to vector<16xf32>
    %swap3A_48 = arith.constant 112 : index
    %swap3A_49 = tpu.vector_load %arg5[%swap3A_48] {strides = array<i32>} : memref<128xf32, #tpu.memory_space<vmem>>, vector<16xf32>,
    %swap3A_50 = vector.shape_cast %swap3A_49 : vector<16xf32> to vector<16xf32>
    %swap3A_51 = vector.shape_cast %broadcast_in_dim3A_47 : vector<16xf32> to vector<16xf32>
    tpu.vector_store %arg5[%swap3A_48], %swap3A_51 {strides = array<i32>} : memref<128xf32, #tpu.memory_space<vmem>>, vector<16xf32>,
    %mul3A_52 = arith.constant 640 : i32
    %mul3A_53 = arith.muli %arg1, %mul3A_52 : i32
    "tpu.region"() ({
      %run_scoped3A = tpu.sem_alloc : memref<!tpu.dma_semaphore, #tpu.memory_space<semaphore_mem>>
      %dma_start3A = tpu.memref_slice %arg7[%mul3A_53] : memref<10240xf32, #tpu.memory_space<vmem_shared>> -> memref<640xf32, #tpu.memory_space<vmem_shared>>
      %dma_start3A_70 = tpu.memref_slice %arg7[%mul3A_53] : memref<10240xf32, #tpu.memory_space<vmem_shared>> -> memref<640xf32, #tpu.memory_space<vmem_shared>>
      tpu.enqueue_dma source(%arg6 : memref<640xf32, #tpu.memory_space<vmem>>) target(%dma_start3A_70 : memref<640xf32, #tpu.memory_space<vmem_shared>>) target_semaphore(%run_scoped3A : memref<!tpu.dma_semaphore, #tpu.memory_space<semaphore_mem>>)
      %dma_wait3A = tpu.memref_slice %arg7[%mul3A_53] : memref<10240xf32, #tpu.memory_space<vmem_shared>> -> memref<640xf32, #tpu.memory_space<vmem_shared>>
      %dma_wait3A_71 = tpu.memref_slice %arg7[%mul3A_53] : memref<10240xf32, #tpu.memory_space<vmem_shared>> -> memref<640xf32, #tpu.memory_space<vmem_shared>>
      tpu.wait_dma2 semaphore(%run_scoped3A : memref<!tpu.dma_semaphore, #tpu.memory_space<semaphore_mem>>) src(%arg6 : memref<640xf32, #tpu.memory_space<vmem>>) dst(%dma_wait3A_71 : memref<640xf32, #tpu.memory_space<vmem_shared>>)
      tpu.yield
    }) : () -> ()
    %barrier3A = arith.constant 0 : index
    tpu.barrier barrier_id(%barrier3A)
    %mul3A_54 = arith.constant 40 : i32
    %mul3A_55 = arith.muli %add3A, %mul3A_54 : i32
    "tpu.region"() ({
      %run_scoped3A = tpu.sem_alloc : memref<!tpu.dma_semaphore, #tpu.memory_space<semaphore_mem>>
      %dma_start3A = arith.constant 0 : i32
      %dma_start3A_70 = tpu.memref_slice %arg2[%mul3A_55, %dma_start3A] : memref<1280x125xi32, #tpu.memory_space<hbm>> -> memref<40x125xi32, #tpu.memory_space<hbm>>
      %dma_start3A_71 = arith.constant 0 : i32
      %dma_start3A_72 = tpu.memref_slice %arg2[%mul3A_55, %dma_start3A_71] : memref<1280x125xi32, #tpu.memory_space<hbm>> -> memref<40x125xi32, #tpu.memory_space<hbm>>
      tpu.enqueue_dma source(%dma_start3A_72 : memref<40x125xi32, #tpu.memory_space<hbm>>) target(%arg4 : memref<40x125xi32, #tpu.memory_space<vmem>>) target_semaphore(%run_scoped3A : memref<!tpu.dma_semaphore, #tpu.memory_space<semaphore_mem>>)
      %dma_wait3A = arith.constant 0 : i32
      %dma_wait3A_73 = tpu.memref_slice %arg2[%mul3A_55, %dma_wait3A] : memref<1280x125xi32, #tpu.memory_space<hbm>> -> memref<40x125xi32, #tpu.memory_space<hbm>>
      %dma_wait3A_74 = arith.constant 0 : i32
      %dma_wait3A_75 = tpu.memref_slice %arg2[%mul3A_55, %dma_wait3A_74] : memref<1280x125xi32, #tpu.memory_space<hbm>> -> memref<40x125xi32, #tpu.memory_space<hbm>>
      tpu.wait_dma2 semaphore(%run_scoped3A : memref<!tpu.dma_semaphore, #tpu.memory_space<semaphore_mem>>) src(%dma_wait3A_75 : memref<40x125xi32, #tpu.memory_space<hbm>>) dst(%arg4 : memref<40x125xi32, #tpu.memory_space<vmem>>)
      tpu.yield
    }) : () -> ()
    %scan3A_56 = arith.constant 0 : i32
    %scan3A_57 = arith.constant 0 : i32
    %scan3A_58 = arith.constant 40 : i32
    %scan3A_59 = arith.addi %scan3A_57, %scan3A_58 : i32
    %scan3A_60 = arith.constant 1 : i32
    scf.for %scan3A_70 = %scan3A_57 to %scan3A_59 step %scan3A_60  : i32 {
      "tpu.region"() ({
        %run_scoped3A = tpu.sem_alloc : memref<!tpu.dma_semaphore, #tpu.memory_space<semaphore_mem>>
        %dma_start3A = arith.constant 0 : i32
        %dma_start3A_71 = tpu.memref_slice %arg5[%dma_start3A] : memref<128xf32, #tpu.memory_space<vmem>> -> memref<125xf32, #tpu.memory_space<vmem>>
        %dma_start3A_72 = arith.constant 0 : i32
        %dma_start3A_73 = tpu.memref_slice %arg4[%scan3A_70, %dma_start3A_72] : memref<40x125xi32, #tpu.memory_space<vmem>> -> memref<1x125xi32, #tpu.memory_space<vmem>>
        %dma_start3A_74 = tpu.memref_squeeze %dma_start3A_73 : memref<1x125xi32, #tpu.memory_space<vmem>> -> memref<125xi32, #tpu.memory_space<vmem>>
        %dma_start3A_75 = arith.constant 0 : i32
        %dma_start3A_76 = tpu.memref_slice %arg7[%dma_start3A_75] : memref<10240xf32, #tpu.memory_space<vmem_shared>> -> memref<10240xf32, #tpu.memory_space<vmem_shared>>
        tpu.enqueue_indirect_dma source(%dma_start3A_71 : memref<125xf32, #tpu.memory_space<vmem>>) target(%dma_start3A_76 : memref<10240xf32, #tpu.memory_space<vmem_shared>>) offsets(%dma_start3A_74 : memref<125xi32, #tpu.memory_space<vmem>>) semaphore(%run_scoped3A : memref<!tpu.dma_semaphore, #tpu.memory_space<semaphore_mem>>) {add = true}
        %dma_wait3A = arith.constant 0 : i32
        %dma_wait3A_77 = tpu.memref_slice %arg5[%dma_wait3A] : memref<128xf32, #tpu.memory_space<vmem>> -> memref<125xf32, #tpu.memory_space<vmem>>
        %dma_wait3A_78 = arith.constant 0 : i32
        %dma_wait3A_79 = tpu.memref_slice %arg4[%scan3A_70, %dma_wait3A_78] : memref<40x125xi32, #tpu.memory_space<vmem>> -> memref<1x125xi32, #tpu.memory_space<vmem>>
        %dma_wait3A_80 = tpu.memref_squeeze %dma_wait3A_79 : memref<1x125xi32, #tpu.memory_space<vmem>> -> memref<125xi32, #tpu.memory_space<vmem>>
        %dma_wait3A_81 = arith.constant 0 : i32
        %dma_wait3A_82 = tpu.memref_slice %arg7[%dma_wait3A_81] : memref<10240xf32, #tpu.memory_space<vmem_shared>> -> memref<10240xf32, #tpu.memory_space<vmem_shared>>
        tpu.wait_indirect_dma semaphore(%run_scoped3A : memref<!tpu.dma_semaphore, #tpu.memory_space<semaphore_mem>>) src(%dma_wait3A_77 : memref<125xf32, #tpu.memory_space<vmem>>) dst(%dma_wait3A_82 : memref<10240xf32, #tpu.memory_space<vmem_shared>>)
        tpu.yield
      }) : () -> ()
    }
    %scan3A_61 = arith.constant 40 : i32
    %barrier3A_62 = arith.constant 0 : index
    tpu.barrier barrier_id(%barrier3A_62)
    %mul3A_63 = arith.constant 640 : i32
    %mul3A_64 = arith.muli %arg1, %mul3A_63 : i32
    "tpu.region"() ({
      %run_scoped3A = tpu.sem_alloc : memref<!tpu.dma_semaphore, #tpu.memory_space<semaphore_mem>>
      %dma_start3A = tpu.memref_slice %arg7[%mul3A_64] : memref<10240xf32, #tpu.memory_space<vmem_shared>> -> memref<640xf32, #tpu.memory_space<vmem_shared>>
      %dma_start3A_70 = tpu.memref_slice %arg7[%mul3A_64] : memref<10240xf32, #tpu.memory_space<vmem_shared>> -> memref<640xf32, #tpu.memory_space<vmem_shared>>
      tpu.enqueue_dma source(%dma_start3A_70 : memref<640xf32, #tpu.memory_space<vmem_shared>>) target(%arg6 : memref<640xf32, #tpu.memory_space<vmem>>) target_semaphore(%run_scoped3A : memref<!tpu.dma_semaphore, #tpu.memory_space<semaphore_mem>>)
      %dma_wait3A = tpu.memref_slice %arg7[%mul3A_64] : memref<10240xf32, #tpu.memory_space<vmem_shared>> -> memref<640xf32, #tpu.memory_space<vmem_shared>>
      %dma_wait3A_71 = tpu.memref_slice %arg7[%mul3A_64] : memref<10240xf32, #tpu.memory_space<vmem_shared>> -> memref<640xf32, #tpu.memory_space<vmem_shared>>
      tpu.wait_dma2 semaphore(%run_scoped3A : memref<!tpu.dma_semaphore, #tpu.memory_space<semaphore_mem>>) src(%dma_wait3A_71 : memref<640xf32, #tpu.memory_space<vmem_shared>>) dst(%arg6 : memref<640xf32, #tpu.memory_space<vmem>>)
      tpu.yield
    }) : () -> ()
    %mul3A_65 = arith.constant 10240 : i32
    %mul3A_66 = arith.muli %arg0, %mul3A_65 : i32
    %mul3A_67 = arith.constant 640 : i32
    %mul3A_68 = arith.muli %arg1, %mul3A_67 : i32
    %add3A_69 = arith.addi %mul3A_66, %mul3A_68 : i32
    "tpu.region"() ({
      %run_scoped3A = tpu.sem_alloc : memref<!tpu.dma_semaphore, #tpu.memory_space<semaphore_mem>>
      %dma_start3A = tpu.memref_slice %arg3[%add3A_69] : memref<20480xf32, #tpu.memory_space<hbm>> -> memref<640xf32, #tpu.memory_space<hbm>>
      %dma_start3A_70 = tpu.memref_slice %arg3[%add3A_69] : memref<20480xf32, #tpu.memory_space<hbm>> -> memref<640xf32, #tpu.memory_space<hbm>>
      tpu.enqueue_dma source(%arg6 : memref<640xf32, #tpu.memory_space<vmem>>) target(%dma_start3A_70 : memref<640xf32, #tpu.memory_space<hbm>>) target_semaphore(%run_scoped3A : memref<!tpu.dma_semaphore, #tpu.memory_space<semaphore_mem>>)
      %dma_wait3A = tpu.memref_slice %arg3[%add3A_69] : memref<20480xf32, #tpu.memory_space<hbm>> -> memref<640xf32, #tpu.memory_space<hbm>>
      %dma_wait3A_71 = tpu.memref_slice %arg3[%add3A_69] : memref<20480xf32, #tpu.memory_space<hbm>> -> memref<640xf32, #tpu.memory_space<hbm>>
      tpu.wait_dma2 semaphore(%run_scoped3A : memref<!tpu.dma_semaphore, #tpu.memory_space<semaphore_mem>>) src(%arg6 : memref<640xf32, #tpu.memory_space<vmem>>) dst(%dma_wait3A_71 : memref<640xf32, #tpu.memory_space<hbm>>)
      tpu.yield
    }) : () -> ()
    return
  }
}

#map = affine_map<(d0, d1) -> (0, 0)>
#map1 = affine_map<(d0, d1) -> (0, 0, 0)>
module attributes {stable_mosaic.version = 14 : i64} {
  func.func @_scat_body(%arg0: i32, %arg1: i32, %arg2: memref<10000x256xf32, #tpu.memory_space<hbm>>, %arg3: memref<1280x125xi32, #tpu.memory_space<hbm>>, %arg4: memref<1280x125xi32, #tpu.memory_space<hbm>>, %arg5: memref<2x10112x128xf32, #tpu.memory_space<hbm>>, %arg6: memref<40x125xi32, #tpu.memory_space<vmem>>, %arg7: memref<40x125xi32, #tpu.memory_space<vmem>>, %arg8: memref<128x128xf32, #tpu.memory_space<vmem>>, %arg9: memref<128x128xf32, #tpu.memory_space<vmem>>, %arg10: memref<10112x128xf32, #tpu.memory_space<vmem_shared>>, %arg11: memref<!tpu.dma_semaphore, #tpu.memory_space<semaphore_mem>>, %arg12: memref<!tpu.dma_semaphore, #tpu.memory_space<semaphore_mem>>) attributes {dimension_semantics = [#tpu.dimension_semantics<core_parallel>, #tpu.dimension_semantics<subcore_parallel>], iteration_bounds = array<i64: 2, 16>, scalar_prefetch = 0 : i64, scratch_operands = 7 : i64, tpu.core_type = #tpu.core_type<sc_vector_subcore>, window_params = [{transform_indices = #map}, {transform_indices = #map}, {transform_indices = #map}, {transform_indices = #map1}]} {
    %scan3A = arith.constant 0 : i32
    %scan3A_0 = arith.constant 0 : i32
    %scan3A_1 = arith.constant 128 : i32
    %scan3A_2 = arith.addi %scan3A_0, %scan3A_1 : i32
    %scan3A_3 = arith.constant 1 : i32
    scf.for %scan3A_103 = %scan3A_0 to %scan3A_2 step %scan3A_3  : i32 {
      %broadcast_in_dim3A = arith.constant 0.000000e+00 : f32
      %broadcast_in_dim3A_104 = vector.broadcast %broadcast_in_dim3A : f32 to vector<16xf32>
      %swap3A = arith.index_cast %scan3A_103 : i32 to index
      %swap3A_105 = arith.constant 0 : index
      %swap3A_106 = tpu.vector_load %arg8[%swap3A, %swap3A_105] {strides = array<i32>} : memref<128x128xf32, #tpu.memory_space<vmem>>, vector<1x16xf32>,
      %swap3A_107 = vector.shape_cast %swap3A_106 : vector<1x16xf32> to vector<16xf32>
      %swap3A_108 = vector.shape_cast %broadcast_in_dim3A_104 : vector<16xf32> to vector<1x16xf32>
      tpu.vector_store %arg8[%swap3A, %swap3A_105], %swap3A_108 {strides = array<i32>} : memref<128x128xf32, #tpu.memory_space<vmem>>, vector<1x16xf32>,
      %broadcast_in_dim3A_109 = arith.constant 0.000000e+00 : f32
      %broadcast_in_dim3A_110 = vector.broadcast %broadcast_in_dim3A_109 : f32 to vector<16xf32>
      %swap3A_111 = arith.index_cast %scan3A_103 : i32 to index
      %swap3A_112 = arith.constant 16 : index
      %swap3A_113 = tpu.vector_load %arg8[%swap3A_111, %swap3A_112] {strides = array<i32>} : memref<128x128xf32, #tpu.memory_space<vmem>>, vector<1x16xf32>,
      %swap3A_114 = vector.shape_cast %swap3A_113 : vector<1x16xf32> to vector<16xf32>
      %swap3A_115 = vector.shape_cast %broadcast_in_dim3A_110 : vector<16xf32> to vector<1x16xf32>
      tpu.vector_store %arg8[%swap3A_111, %swap3A_112], %swap3A_115 {strides = array<i32>} : memref<128x128xf32, #tpu.memory_space<vmem>>, vector<1x16xf32>,
      %broadcast_in_dim3A_116 = arith.constant 0.000000e+00 : f32
      %broadcast_in_dim3A_117 = vector.broadcast %broadcast_in_dim3A_116 : f32 to vector<16xf32>
      %swap3A_118 = arith.index_cast %scan3A_103 : i32 to index
      %swap3A_119 = arith.constant 32 : index
      %swap3A_120 = tpu.vector_load %arg8[%swap3A_118, %swap3A_119] {strides = array<i32>} : memref<128x128xf32, #tpu.memory_space<vmem>>, vector<1x16xf32>,
      %swap3A_121 = vector.shape_cast %swap3A_120 : vector<1x16xf32> to vector<16xf32>
      %swap3A_122 = vector.shape_cast %broadcast_in_dim3A_117 : vector<16xf32> to vector<1x16xf32>
      tpu.vector_store %arg8[%swap3A_118, %swap3A_119], %swap3A_122 {strides = array<i32>} : memref<128x128xf32, #tpu.memory_space<vmem>>, vector<1x16xf32>,
      %broadcast_in_dim3A_123 = arith.constant 0.000000e+00 : f32
      %broadcast_in_dim3A_124 = vector.broadcast %broadcast_in_dim3A_123 : f32 to vector<16xf32>
      %swap3A_125 = arith.index_cast %scan3A_103 : i32 to index
      %swap3A_126 = arith.constant 48 : index
      %swap3A_127 = tpu.vector_load %arg8[%swap3A_125, %swap3A_126] {strides = array<i32>} : memref<128x128xf32, #tpu.memory_space<vmem>>, vector<1x16xf32>,
      %swap3A_128 = vector.shape_cast %swap3A_127 : vector<1x16xf32> to vector<16xf32>
      %swap3A_129 = vector.shape_cast %broadcast_in_dim3A_124 : vector<16xf32> to vector<1x16xf32>
      tpu.vector_store %arg8[%swap3A_125, %swap3A_126], %swap3A_129 {strides = array<i32>} : memref<128x128xf32, #tpu.memory_space<vmem>>, vector<1x16xf32>,
      %broadcast_in_dim3A_130 = arith.constant 0.000000e+00 : f32
      %broadcast_in_dim3A_131 = vector.broadcast %broadcast_in_dim3A_130 : f32 to vector<16xf32>
      %swap3A_132 = arith.index_cast %scan3A_103 : i32 to index
      %swap3A_133 = arith.constant 64 : index
      %swap3A_134 = tpu.vector_load %arg8[%swap3A_132, %swap3A_133] {strides = array<i32>} : memref<128x128xf32, #tpu.memory_space<vmem>>, vector<1x16xf32>,
      %swap3A_135 = vector.shape_cast %swap3A_134 : vector<1x16xf32> to vector<16xf32>
      %swap3A_136 = vector.shape_cast %broadcast_in_dim3A_131 : vector<16xf32> to vector<1x16xf32>
      tpu.vector_store %arg8[%swap3A_132, %swap3A_133], %swap3A_136 {strides = array<i32>} : memref<128x128xf32, #tpu.memory_space<vmem>>, vector<1x16xf32>,
      %broadcast_in_dim3A_137 = arith.constant 0.000000e+00 : f32
      %broadcast_in_dim3A_138 = vector.broadcast %broadcast_in_dim3A_137 : f32 to vector<16xf32>
      %swap3A_139 = arith.index_cast %scan3A_103 : i32 to index
      %swap3A_140 = arith.constant 80 : index
      %swap3A_141 = tpu.vector_load %arg8[%swap3A_139, %swap3A_140] {strides = array<i32>} : memref<128x128xf32, #tpu.memory_space<vmem>>, vector<1x16xf32>,
      %swap3A_142 = vector.shape_cast %swap3A_141 : vector<1x16xf32> to vector<16xf32>
      %swap3A_143 = vector.shape_cast %broadcast_in_dim3A_138 : vector<16xf32> to vector<1x16xf32>
      tpu.vector_store %arg8[%swap3A_139, %swap3A_140], %swap3A_143 {strides = array<i32>} : memref<128x128xf32, #tpu.memory_space<vmem>>, vector<1x16xf32>,
      %broadcast_in_dim3A_144 = arith.constant 0.000000e+00 : f32
      %broadcast_in_dim3A_145 = vector.broadcast %broadcast_in_dim3A_144 : f32 to vector<16xf32>
      %swap3A_146 = arith.index_cast %scan3A_103 : i32 to index
      %swap3A_147 = arith.constant 96 : index
      %swap3A_148 = tpu.vector_load %arg8[%swap3A_146, %swap3A_147] {strides = array<i32>} : memref<128x128xf32, #tpu.memory_space<vmem>>, vector<1x16xf32>,
      %swap3A_149 = vector.shape_cast %swap3A_148 : vector<1x16xf32> to vector<16xf32>
      %swap3A_150 = vector.shape_cast %broadcast_in_dim3A_145 : vector<16xf32> to vector<1x16xf32>
      tpu.vector_store %arg8[%swap3A_146, %swap3A_147], %swap3A_150 {strides = array<i32>} : memref<128x128xf32, #tpu.memory_space<vmem>>, vector<1x16xf32>,
      %broadcast_in_dim3A_151 = arith.constant 0.000000e+00 : f32
      %broadcast_in_dim3A_152 = vector.broadcast %broadcast_in_dim3A_151 : f32 to vector<16xf32>
      %swap3A_153 = arith.index_cast %scan3A_103 : i32 to index
      %swap3A_154 = arith.constant 112 : index
      %swap3A_155 = tpu.vector_load %arg8[%swap3A_153, %swap3A_154] {strides = array<i32>} : memref<128x128xf32, #tpu.memory_space<vmem>>, vector<1x16xf32>,
      %swap3A_156 = vector.shape_cast %swap3A_155 : vector<1x16xf32> to vector<16xf32>
      %swap3A_157 = vector.shape_cast %broadcast_in_dim3A_152 : vector<16xf32> to vector<1x16xf32>
      tpu.vector_store %arg8[%swap3A_153, %swap3A_154], %swap3A_157 {strides = array<i32>} : memref<128x128xf32, #tpu.memory_space<vmem>>, vector<1x16xf32>,
    }
    %scan3A_4 = arith.constant 128 : i32
    %mul3A = arith.constant 632 : i32
    %mul3A_5 = arith.muli %arg1, %mul3A : i32
    %add3A = arith.constant 0 : i32
    %add3A_6 = arith.addi %mul3A_5, %add3A : i32
    "tpu.region"() ({
      %run_scoped3A = tpu.sem_alloc : memref<!tpu.dma_semaphore, #tpu.memory_space<semaphore_mem>>
      %dma_start3A_103 = arith.constant 0 : i32
      %dma_start3A_104 = arith.constant 0 : i32
      %dma_start3A_105 = tpu.memref_slice %arg8[%dma_start3A_103, %dma_start3A_104] : memref<128x128xf32, #tpu.memory_space<vmem>> -> memref<128x128xf32, #tpu.memory_space<vmem>>
      %dma_start3A_106 = arith.constant 0 : i32
      %dma_start3A_107 = tpu.memref_slice %arg10[%add3A_6, %dma_start3A_106] : memref<10112x128xf32, #tpu.memory_space<vmem_shared>> -> memref<128x128xf32, #tpu.memory_space<vmem_shared>>
      %dma_start3A_108 = arith.constant 0 : i32
      %dma_start3A_109 = tpu.memref_slice %arg10[%add3A_6, %dma_start3A_108] : memref<10112x128xf32, #tpu.memory_space<vmem_shared>> -> memref<128x128xf32, #tpu.memory_space<vmem_shared>>
      %dma_start3A_110 = arith.constant 0 : i32
      %dma_start3A_111 = arith.constant 0 : i32
      %dma_start3A_112 = tpu.memref_slice %arg8[%dma_start3A_110, %dma_start3A_111] : memref<128x128xf32, #tpu.memory_space<vmem>> -> memref<128x128xf32, #tpu.memory_space<vmem>>
      tpu.enqueue_dma source(%dma_start3A_112 : memref<128x128xf32, #tpu.memory_space<vmem>>) target(%dma_start3A_109 : memref<128x128xf32, #tpu.memory_space<vmem_shared>>) target_semaphore(%run_scoped3A : memref<!tpu.dma_semaphore, #tpu.memory_space<semaphore_mem>>)
      %dma_wait3A = arith.constant 0 : i32
      %dma_wait3A_113 = arith.constant 0 : i32
      %dma_wait3A_114 = tpu.memref_slice %arg8[%dma_wait3A, %dma_wait3A_113] : memref<128x128xf32, #tpu.memory_space<vmem>> -> memref<128x128xf32, #tpu.memory_space<vmem>>
      %dma_wait3A_115 = arith.constant 0 : i32
      %dma_wait3A_116 = tpu.memref_slice %arg10[%add3A_6, %dma_wait3A_115] : memref<10112x128xf32, #tpu.memory_space<vmem_shared>> -> memref<128x128xf32, #tpu.memory_space<vmem_shared>>
      %dma_wait3A_117 = arith.constant 0 : i32
      %dma_wait3A_118 = tpu.memref_slice %arg10[%add3A_6, %dma_wait3A_117] : memref<10112x128xf32, #tpu.memory_space<vmem_shared>> -> memref<128x128xf32, #tpu.memory_space<vmem_shared>>
      %dma_wait3A_119 = arith.constant 0 : i32
      %dma_wait3A_120 = arith.constant 0 : i32
      %dma_wait3A_121 = tpu.memref_slice %arg8[%dma_wait3A_119, %dma_wait3A_120] : memref<128x128xf32, #tpu.memory_space<vmem>> -> memref<128x128xf32, #tpu.memory_space<vmem>>
      tpu.wait_dma2 semaphore(%run_scoped3A : memref<!tpu.dma_semaphore, #tpu.memory_space<semaphore_mem>>) src(%dma_wait3A_121 : memref<128x128xf32, #tpu.memory_space<vmem>>) dst(%dma_wait3A_118 : memref<128x128xf32, #tpu.memory_space<vmem_shared>>)
      tpu.yield
    }) : () -> ()
    %mul3A_7 = arith.constant 632 : i32
    %mul3A_8 = arith.muli %arg1, %mul3A_7 : i32
    %add3A_9 = arith.constant 128 : i32
    %add3A_10 = arith.addi %mul3A_8, %add3A_9 : i32
    "tpu.region"() ({
      %run_scoped3A = tpu.sem_alloc : memref<!tpu.dma_semaphore, #tpu.memory_space<semaphore_mem>>
      %dma_start3A_103 = arith.constant 0 : i32
      %dma_start3A_104 = arith.constant 0 : i32
      %dma_start3A_105 = tpu.memref_slice %arg8[%dma_start3A_103, %dma_start3A_104] : memref<128x128xf32, #tpu.memory_space<vmem>> -> memref<128x128xf32, #tpu.memory_space<vmem>>
      %dma_start3A_106 = arith.constant 0 : i32
      %dma_start3A_107 = tpu.memref_slice %arg10[%add3A_10, %dma_start3A_106] : memref<10112x128xf32, #tpu.memory_space<vmem_shared>> -> memref<128x128xf32, #tpu.memory_space<vmem_shared>>
      %dma_start3A_108 = arith.constant 0 : i32
      %dma_start3A_109 = tpu.memref_slice %arg10[%add3A_10, %dma_start3A_108] : memref<10112x128xf32, #tpu.memory_space<vmem_shared>> -> memref<128x128xf32, #tpu.memory_space<vmem_shared>>
      %dma_start3A_110 = arith.constant 0 : i32
      %dma_start3A_111 = arith.constant 0 : i32
      %dma_start3A_112 = tpu.memref_slice %arg8[%dma_start3A_110, %dma_start3A_111] : memref<128x128xf32, #tpu.memory_space<vmem>> -> memref<128x128xf32, #tpu.memory_space<vmem>>
      tpu.enqueue_dma source(%dma_start3A_112 : memref<128x128xf32, #tpu.memory_space<vmem>>) target(%dma_start3A_109 : memref<128x128xf32, #tpu.memory_space<vmem_shared>>) target_semaphore(%run_scoped3A : memref<!tpu.dma_semaphore, #tpu.memory_space<semaphore_mem>>)
      %dma_wait3A = arith.constant 0 : i32
      %dma_wait3A_113 = arith.constant 0 : i32
      %dma_wait3A_114 = tpu.memref_slice %arg8[%dma_wait3A, %dma_wait3A_113] : memref<128x128xf32, #tpu.memory_space<vmem>> -> memref<128x128xf32, #tpu.memory_space<vmem>>
      %dma_wait3A_115 = arith.constant 0 : i32
      %dma_wait3A_116 = tpu.memref_slice %arg10[%add3A_10, %dma_wait3A_115] : memref<10112x128xf32, #tpu.memory_space<vmem_shared>> -> memref<128x128xf32, #tpu.memory_space<vmem_shared>>
      %dma_wait3A_117 = arith.constant 0 : i32
      %dma_wait3A_118 = tpu.memref_slice %arg10[%add3A_10, %dma_wait3A_117] : memref<10112x128xf32, #tpu.memory_space<vmem_shared>> -> memref<128x128xf32, #tpu.memory_space<vmem_shared>>
      %dma_wait3A_119 = arith.constant 0 : i32
      %dma_wait3A_120 = arith.constant 0 : i32
      %dma_wait3A_121 = tpu.memref_slice %arg8[%dma_wait3A_119, %dma_wait3A_120] : memref<128x128xf32, #tpu.memory_space<vmem>> -> memref<128x128xf32, #tpu.memory_space<vmem>>
      tpu.wait_dma2 semaphore(%run_scoped3A : memref<!tpu.dma_semaphore, #tpu.memory_space<semaphore_mem>>) src(%dma_wait3A_121 : memref<128x128xf32, #tpu.memory_space<vmem>>) dst(%dma_wait3A_118 : memref<128x128xf32, #tpu.memory_space<vmem_shared>>)
      tpu.yield
    }) : () -> ()
    %mul3A_11 = arith.constant 632 : i32
    %mul3A_12 = arith.muli %arg1, %mul3A_11 : i32
    %add3A_13 = arith.constant 256 : i32
    %add3A_14 = arith.addi %mul3A_12, %add3A_13 : i32
    "tpu.region"() ({
      %run_scoped3A = tpu.sem_alloc : memref<!tpu.dma_semaphore, #tpu.memory_space<semaphore_mem>>
      %dma_start3A_103 = arith.constant 0 : i32
      %dma_start3A_104 = arith.constant 0 : i32
      %dma_start3A_105 = tpu.memref_slice %arg8[%dma_start3A_103, %dma_start3A_104] : memref<128x128xf32, #tpu.memory_space<vmem>> -> memref<128x128xf32, #tpu.memory_space<vmem>>
      %dma_start3A_106 = arith.constant 0 : i32
      %dma_start3A_107 = tpu.memref_slice %arg10[%add3A_14, %dma_start3A_106] : memref<10112x128xf32, #tpu.memory_space<vmem_shared>> -> memref<128x128xf32, #tpu.memory_space<vmem_shared>>
      %dma_start3A_108 = arith.constant 0 : i32
      %dma_start3A_109 = tpu.memref_slice %arg10[%add3A_14, %dma_start3A_108] : memref<10112x128xf32, #tpu.memory_space<vmem_shared>> -> memref<128x128xf32, #tpu.memory_space<vmem_shared>>
      %dma_start3A_110 = arith.constant 0 : i32
      %dma_start3A_111 = arith.constant 0 : i32
      %dma_start3A_112 = tpu.memref_slice %arg8[%dma_start3A_110, %dma_start3A_111] : memref<128x128xf32, #tpu.memory_space<vmem>> -> memref<128x128xf32, #tpu.memory_space<vmem>>
      tpu.enqueue_dma source(%dma_start3A_112 : memref<128x128xf32, #tpu.memory_space<vmem>>) target(%dma_start3A_109 : memref<128x128xf32, #tpu.memory_space<vmem_shared>>) target_semaphore(%run_scoped3A : memref<!tpu.dma_semaphore, #tpu.memory_space<semaphore_mem>>)
      %dma_wait3A = arith.constant 0 : i32
      %dma_wait3A_113 = arith.constant 0 : i32
      %dma_wait3A_114 = tpu.memref_slice %arg8[%dma_wait3A, %dma_wait3A_113] : memref<128x128xf32, #tpu.memory_space<vmem>> -> memref<128x128xf32, #tpu.memory_space<vmem>>
      %dma_wait3A_115 = arith.constant 0 : i32
      %dma_wait3A_116 = tpu.memref_slice %arg10[%add3A_14, %dma_wait3A_115] : memref<10112x128xf32, #tpu.memory_space<vmem_shared>> -> memref<128x128xf32, #tpu.memory_space<vmem_shared>>
      %dma_wait3A_117 = arith.constant 0 : i32
      %dma_wait3A_118 = tpu.memref_slice %arg10[%add3A_14, %dma_wait3A_117] : memref<10112x128xf32, #tpu.memory_space<vmem_shared>> -> memref<128x128xf32, #tpu.memory_space<vmem_shared>>
      %dma_wait3A_119 = arith.constant 0 : i32
      %dma_wait3A_120 = arith.constant 0 : i32
      %dma_wait3A_121 = tpu.memref_slice %arg8[%dma_wait3A_119, %dma_wait3A_120] : memref<128x128xf32, #tpu.memory_space<vmem>> -> memref<128x128xf32, #tpu.memory_space<vmem>>
      tpu.wait_dma2 semaphore(%run_scoped3A : memref<!tpu.dma_semaphore, #tpu.memory_space<semaphore_mem>>) src(%dma_wait3A_121 : memref<128x128xf32, #tpu.memory_space<vmem>>) dst(%dma_wait3A_118 : memref<128x128xf32, #tpu.memory_space<vmem_shared>>)
      tpu.yield
    }) : () -> ()
    %mul3A_15 = arith.constant 632 : i32
    %mul3A_16 = arith.muli %arg1, %mul3A_15 : i32
    %add3A_17 = arith.constant 384 : i32
    %add3A_18 = arith.addi %mul3A_16, %add3A_17 : i32
    "tpu.region"() ({
      %run_scoped3A = tpu.sem_alloc : memref<!tpu.dma_semaphore, #tpu.memory_space<semaphore_mem>>
      %dma_start3A_103 = arith.constant 0 : i32
      %dma_start3A_104 = arith.constant 0 : i32
      %dma_start3A_105 = tpu.memref_slice %arg8[%dma_start3A_103, %dma_start3A_104] : memref<128x128xf32, #tpu.memory_space<vmem>> -> memref<128x128xf32, #tpu.memory_space<vmem>>
      %dma_start3A_106 = arith.constant 0 : i32
      %dma_start3A_107 = tpu.memref_slice %arg10[%add3A_18, %dma_start3A_106] : memref<10112x128xf32, #tpu.memory_space<vmem_shared>> -> memref<128x128xf32, #tpu.memory_space<vmem_shared>>
      %dma_start3A_108 = arith.constant 0 : i32
      %dma_start3A_109 = tpu.memref_slice %arg10[%add3A_18, %dma_start3A_108] : memref<10112x128xf32, #tpu.memory_space<vmem_shared>> -> memref<128x128xf32, #tpu.memory_space<vmem_shared>>
      %dma_start3A_110 = arith.constant 0 : i32
      %dma_start3A_111 = arith.constant 0 : i32
      %dma_start3A_112 = tpu.memref_slice %arg8[%dma_start3A_110, %dma_start3A_111] : memref<128x128xf32, #tpu.memory_space<vmem>> -> memref<128x128xf32, #tpu.memory_space<vmem>>
      tpu.enqueue_dma source(%dma_start3A_112 : memref<128x128xf32, #tpu.memory_space<vmem>>) target(%dma_start3A_109 : memref<128x128xf32, #tpu.memory_space<vmem_shared>>) target_semaphore(%run_scoped3A : memref<!tpu.dma_semaphore, #tpu.memory_space<semaphore_mem>>)
      %dma_wait3A = arith.constant 0 : i32
      %dma_wait3A_113 = arith.constant 0 : i32
      %dma_wait3A_114 = tpu.memref_slice %arg8[%dma_wait3A, %dma_wait3A_113] : memref<128x128xf32, #tpu.memory_space<vmem>> -> memref<128x128xf32, #tpu.memory_space<vmem>>
      %dma_wait3A_115 = arith.constant 0 : i32
      %dma_wait3A_116 = tpu.memref_slice %arg10[%add3A_18, %dma_wait3A_115] : memref<10112x128xf32, #tpu.memory_space<vmem_shared>> -> memref<128x128xf32, #tpu.memory_space<vmem_shared>>
      %dma_wait3A_117 = arith.constant 0 : i32
      %dma_wait3A_118 = tpu.memref_slice %arg10[%add3A_18, %dma_wait3A_117] : memref<10112x128xf32, #tpu.memory_space<vmem_shared>> -> memref<128x128xf32, #tpu.memory_space<vmem_shared>>
      %dma_wait3A_119 = arith.constant 0 : i32
      %dma_wait3A_120 = arith.constant 0 : i32
      %dma_wait3A_121 = tpu.memref_slice %arg8[%dma_wait3A_119, %dma_wait3A_120] : memref<128x128xf32, #tpu.memory_space<vmem>> -> memref<128x128xf32, #tpu.memory_space<vmem>>
      tpu.wait_dma2 semaphore(%run_scoped3A : memref<!tpu.dma_semaphore, #tpu.memory_space<semaphore_mem>>) src(%dma_wait3A_121 : memref<128x128xf32, #tpu.memory_space<vmem>>) dst(%dma_wait3A_118 : memref<128x128xf32, #tpu.memory_space<vmem_shared>>)
      tpu.yield
    }) : () -> ()
    %mul3A_19 = arith.constant 632 : i32
    %mul3A_20 = arith.muli %arg1, %mul3A_19 : i32
    %add3A_21 = arith.constant 512 : i32
    %add3A_22 = arith.addi %mul3A_20, %add3A_21 : i32
    "tpu.region"() ({
      %run_scoped3A = tpu.sem_alloc : memref<!tpu.dma_semaphore, #tpu.memory_space<semaphore_mem>>
      %dma_start3A_103 = arith.constant 0 : i32
      %dma_start3A_104 = arith.constant 0 : i32
      %dma_start3A_105 = tpu.memref_slice %arg8[%dma_start3A_103, %dma_start3A_104] : memref<128x128xf32, #tpu.memory_space<vmem>> -> memref<120x128xf32, #tpu.memory_space<vmem>>
      %dma_start3A_106 = arith.constant 0 : i32
      %dma_start3A_107 = tpu.memref_slice %arg10[%add3A_22, %dma_start3A_106] : memref<10112x128xf32, #tpu.memory_space<vmem_shared>> -> memref<120x128xf32, #tpu.memory_space<vmem_shared>>
      %dma_start3A_108 = arith.constant 0 : i32
      %dma_start3A_109 = tpu.memref_slice %arg10[%add3A_22, %dma_start3A_108] : memref<10112x128xf32, #tpu.memory_space<vmem_shared>> -> memref<120x128xf32, #tpu.memory_space<vmem_shared>>
      %dma_start3A_110 = arith.constant 0 : i32
      %dma_start3A_111 = arith.constant 0 : i32
      %dma_start3A_112 = tpu.memref_slice %arg8[%dma_start3A_110, %dma_start3A_111] : memref<128x128xf32, #tpu.memory_space<vmem>> -> memref<120x128xf32, #tpu.memory_space<vmem>>
      tpu.enqueue_dma source(%dma_start3A_112 : memref<120x128xf32, #tpu.memory_space<vmem>>) target(%dma_start3A_109 : memref<120x128xf32, #tpu.memory_space<vmem_shared>>) target_semaphore(%run_scoped3A : memref<!tpu.dma_semaphore, #tpu.memory_space<semaphore_mem>>)
      %dma_wait3A = arith.constant 0 : i32
      %dma_wait3A_113 = arith.constant 0 : i32
      %dma_wait3A_114 = tpu.memref_slice %arg8[%dma_wait3A, %dma_wait3A_113] : memref<128x128xf32, #tpu.memory_space<vmem>> -> memref<120x128xf32, #tpu.memory_space<vmem>>
      %dma_wait3A_115 = arith.constant 0 : i32
      %dma_wait3A_116 = tpu.memref_slice %arg10[%add3A_22, %dma_wait3A_115] : memref<10112x128xf32, #tpu.memory_space<vmem_shared>> -> memref<120x128xf32, #tpu.memory_space<vmem_shared>>
      %dma_wait3A_117 = arith.constant 0 : i32
      %dma_wait3A_118 = tpu.memref_slice %arg10[%add3A_22, %dma_wait3A_117] : memref<10112x128xf32, #tpu.memory_space<vmem_shared>> -> memref<120x128xf32, #tpu.memory_space<vmem_shared>>
      %dma_wait3A_119 = arith.constant 0 : i32
      %dma_wait3A_120 = arith.constant 0 : i32
      %dma_wait3A_121 = tpu.memref_slice %arg8[%dma_wait3A_119, %dma_wait3A_120] : memref<128x128xf32, #tpu.memory_space<vmem>> -> memref<120x128xf32, #tpu.memory_space<vmem>>
      tpu.wait_dma2 semaphore(%run_scoped3A : memref<!tpu.dma_semaphore, #tpu.memory_space<semaphore_mem>>) src(%dma_wait3A_121 : memref<120x128xf32, #tpu.memory_space<vmem>>) dst(%dma_wait3A_118 : memref<120x128xf32, #tpu.memory_space<vmem_shared>>)
      tpu.yield
    }) : () -> ()
    %barrier3A = arith.constant 0 : index
    tpu.barrier barrier_id(%barrier3A)
    %mul3A_23 = arith.constant 80 : i32
    %mul3A_24 = arith.muli %arg1, %mul3A_23 : i32
    %add3A_25 = arith.constant 0 : i32
    %add3A_26 = arith.addi %mul3A_24, %add3A_25 : i32
    "tpu.region"() ({
      %run_scoped3A = tpu.sem_alloc : memref<!tpu.dma_semaphore, #tpu.memory_space<semaphore_mem>>
      %dma_start3A_103 = arith.constant 0 : i32
      %dma_start3A_104 = tpu.memref_slice %arg3[%add3A_26, %dma_start3A_103] : memref<1280x125xi32, #tpu.memory_space<hbm>> -> memref<40x125xi32, #tpu.memory_space<hbm>>
      %dma_start3A_105 = arith.constant 0 : i32
      %dma_start3A_106 = tpu.memref_slice %arg3[%add3A_26, %dma_start3A_105] : memref<1280x125xi32, #tpu.memory_space<hbm>> -> memref<40x125xi32, #tpu.memory_space<hbm>>
      tpu.enqueue_dma source(%dma_start3A_106 : memref<40x125xi32, #tpu.memory_space<hbm>>) target(%arg6 : memref<40x125xi32, #tpu.memory_space<vmem>>) target_semaphore(%run_scoped3A : memref<!tpu.dma_semaphore, #tpu.memory_space<semaphore_mem>>)
      %dma_wait3A = arith.constant 0 : i32
      %dma_wait3A_107 = tpu.memref_slice %arg3[%add3A_26, %dma_wait3A] : memref<1280x125xi32, #tpu.memory_space<hbm>> -> memref<40x125xi32, #tpu.memory_space<hbm>>
      %dma_wait3A_108 = arith.constant 0 : i32
      %dma_wait3A_109 = tpu.memref_slice %arg3[%add3A_26, %dma_wait3A_108] : memref<1280x125xi32, #tpu.memory_space<hbm>> -> memref<40x125xi32, #tpu.memory_space<hbm>>
      tpu.wait_dma2 semaphore(%run_scoped3A : memref<!tpu.dma_semaphore, #tpu.memory_space<semaphore_mem>>) src(%dma_wait3A_109 : memref<40x125xi32, #tpu.memory_space<hbm>>) dst(%arg6 : memref<40x125xi32, #tpu.memory_space<vmem>>)
      tpu.yield
    }) : () -> ()
    "tpu.region"() ({
      %run_scoped3A = tpu.sem_alloc : memref<!tpu.dma_semaphore, #tpu.memory_space<semaphore_mem>>
      %dma_start3A_103 = arith.constant 0 : i32
      %dma_start3A_104 = tpu.memref_slice %arg4[%add3A_26, %dma_start3A_103] : memref<1280x125xi32, #tpu.memory_space<hbm>> -> memref<40x125xi32, #tpu.memory_space<hbm>>
      %dma_start3A_105 = arith.constant 0 : i32
      %dma_start3A_106 = tpu.memref_slice %arg4[%add3A_26, %dma_start3A_105] : memref<1280x125xi32, #tpu.memory_space<hbm>> -> memref<40x125xi32, #tpu.memory_space<hbm>>
      tpu.enqueue_dma source(%dma_start3A_106 : memref<40x125xi32, #tpu.memory_space<hbm>>) target(%arg7 : memref<40x125xi32, #tpu.memory_space<vmem>>) target_semaphore(%run_scoped3A : memref<!tpu.dma_semaphore, #tpu.memory_space<semaphore_mem>>)
      %dma_wait3A = arith.constant 0 : i32
      %dma_wait3A_107 = tpu.memref_slice %arg4[%add3A_26, %dma_wait3A] : memref<1280x125xi32, #tpu.memory_space<hbm>> -> memref<40x125xi32, #tpu.memory_space<hbm>>
      %dma_wait3A_108 = arith.constant 0 : i32
      %dma_wait3A_109 = tpu.memref_slice %arg4[%add3A_26, %dma_wait3A_108] : memref<1280x125xi32, #tpu.memory_space<hbm>> -> memref<40x125xi32, #tpu.memory_space<hbm>>
      tpu.wait_dma2 semaphore(%run_scoped3A : memref<!tpu.dma_semaphore, #tpu.memory_space<semaphore_mem>>) src(%dma_wait3A_109 : memref<40x125xi32, #tpu.memory_space<hbm>>) dst(%arg7 : memref<40x125xi32, #tpu.memory_space<vmem>>)
      tpu.yield
    }) : () -> ()
    %mul3A_27 = arith.constant 128 : i32
    %mul3A_28 = arith.muli %arg0, %mul3A_27 : i32
    %dma_start3A = arith.constant 0 : i32
    %dma_start3A_29 = arith.constant 0 : i32
    %dma_start3A_30 = arith.constant 0 : i32
    %dma_start3A_31 = tpu.memref_slice %arg8[%dma_start3A_29, %dma_start3A_30] : memref<128x128xf32, #tpu.memory_space<vmem>> -> memref<125x128xf32, #tpu.memory_space<vmem>>
    %dma_start3A_32 = arith.constant 0 : i32
    %dma_start3A_33 = tpu.memref_slice %arg6[%dma_start3A, %dma_start3A_32] : memref<40x125xi32, #tpu.memory_space<vmem>> -> memref<1x125xi32, #tpu.memory_space<vmem>>
    %dma_start3A_34 = tpu.memref_squeeze %dma_start3A_33 : memref<1x125xi32, #tpu.memory_space<vmem>> -> memref<125xi32, #tpu.memory_space<vmem>>
    %dma_start3A_35 = arith.constant 0 : i32
    %dma_start3A_36 = tpu.memref_slice %arg2[%dma_start3A_35, %mul3A_28] : memref<10000x256xf32, #tpu.memory_space<hbm>> -> memref<10000x128xf32, #tpu.memory_space<hbm>>
    tpu.enqueue_indirect_dma source(%dma_start3A_36 : memref<10000x128xf32, #tpu.memory_space<hbm>>) target(%dma_start3A_31 : memref<125x128xf32, #tpu.memory_space<vmem>>) offsets(%dma_start3A_34 : memref<125xi32, #tpu.memory_space<vmem>>) semaphore(%arg11 : memref<!tpu.dma_semaphore, #tpu.memory_space<semaphore_mem>>)
    %dma_start3A_37 = arith.constant 1 : i32
    %dma_start3A_38 = arith.constant 0 : i32
    %dma_start3A_39 = arith.constant 0 : i32
    %dma_start3A_40 = tpu.memref_slice %arg9[%dma_start3A_38, %dma_start3A_39] : memref<128x128xf32, #tpu.memory_space<vmem>> -> memref<125x128xf32, #tpu.memory_space<vmem>>
    %dma_start3A_41 = arith.constant 0 : i32
    %dma_start3A_42 = tpu.memref_slice %arg6[%dma_start3A_37, %dma_start3A_41] : memref<40x125xi32, #tpu.memory_space<vmem>> -> memref<1x125xi32, #tpu.memory_space<vmem>>
    %dma_start3A_43 = tpu.memref_squeeze %dma_start3A_42 : memref<1x125xi32, #tpu.memory_space<vmem>> -> memref<125xi32, #tpu.memory_space<vmem>>
    %dma_start3A_44 = arith.constant 0 : i32
    %dma_start3A_45 = tpu.memref_slice %arg2[%dma_start3A_44, %mul3A_28] : memref<10000x256xf32, #tpu.memory_space<hbm>> -> memref<10000x128xf32, #tpu.memory_space<hbm>>
    tpu.enqueue_indirect_dma source(%dma_start3A_45 : memref<10000x128xf32, #tpu.memory_space<hbm>>) target(%dma_start3A_40 : memref<125x128xf32, #tpu.memory_space<vmem>>) offsets(%dma_start3A_43 : memref<125xi32, #tpu.memory_space<vmem>>) semaphore(%arg12 : memref<!tpu.dma_semaphore, #tpu.memory_space<semaphore_mem>>)
    %scan3A_46 = arith.constant 0 : i32
    %scan3A_47 = arith.constant 0 : i32
    %scan3A_48 = arith.constant 20 : i32
    %scan3A_49 = arith.addi %scan3A_47, %scan3A_48 : i32
    %scan3A_50 = arith.constant 1 : i32
    scf.for %scan3A_103 = %scan3A_47 to %scan3A_49 step %scan3A_50  : i32 {
      %mul3A_104 = arith.constant 2 : i32
      %mul3A_105 = arith.muli %mul3A_104, %scan3A_103 : i32
      %dma_wait3A = arith.constant 0 : i32
      %dma_wait3A_106 = arith.constant 0 : i32
      %dma_wait3A_107 = arith.constant 0 : i32
      %dma_wait3A_108 = tpu.memref_slice %arg8[%dma_wait3A_106, %dma_wait3A_107] : memref<128x128xf32, #tpu.memory_space<vmem>> -> memref<125x128xf32, #tpu.memory_space<vmem>>
      %dma_wait3A_109 = arith.constant 0 : i32
      %dma_wait3A_110 = tpu.memref_slice %arg6[%dma_wait3A, %dma_wait3A_109] : memref<40x125xi32, #tpu.memory_space<vmem>> -> memref<1x125xi32, #tpu.memory_space<vmem>>
      %dma_wait3A_111 = tpu.memref_squeeze %dma_wait3A_110 : memref<1x125xi32, #tpu.memory_space<vmem>> -> memref<125xi32, #tpu.memory_space<vmem>>
      %dma_wait3A_112 = arith.constant 0 : i32
      %dma_wait3A_113 = tpu.memref_slice %arg2[%dma_wait3A_112, %mul3A_28] : memref<10000x256xf32, #tpu.memory_space<hbm>> -> memref<10000x128xf32, #tpu.memory_space<hbm>>
      tpu.wait_indirect_dma semaphore(%arg11 : memref<!tpu.dma_semaphore, #tpu.memory_space<semaphore_mem>>) src(%dma_wait3A_113 : memref<10000x128xf32, #tpu.memory_space<hbm>>) dst(%dma_wait3A_108 : memref<125x128xf32, #tpu.memory_space<vmem>>)
      "tpu.region"() ({
        %run_scoped3A = tpu.sem_alloc : memref<!tpu.dma_semaphore, #tpu.memory_space<semaphore_mem>>
        %dma_start3A_136 = arith.constant 0 : i32
        %dma_start3A_137 = arith.constant 0 : i32
        %dma_start3A_138 = tpu.memref_slice %arg8[%dma_start3A_136, %dma_start3A_137] : memref<128x128xf32, #tpu.memory_space<vmem>> -> memref<125x128xf32, #tpu.memory_space<vmem>>
        %dma_start3A_139 = arith.constant 0 : i32
        %dma_start3A_140 = tpu.memref_slice %arg7[%mul3A_105, %dma_start3A_139] : memref<40x125xi32, #tpu.memory_space<vmem>> -> memref<1x125xi32, #tpu.memory_space<vmem>>
        %dma_start3A_141 = tpu.memref_squeeze %dma_start3A_140 : memref<1x125xi32, #tpu.memory_space<vmem>> -> memref<125xi32, #tpu.memory_space<vmem>>
        %dma_start3A_142 = arith.constant 0 : i32
        %dma_start3A_143 = arith.constant 0 : i32
        %dma_start3A_144 = tpu.memref_slice %arg10[%dma_start3A_142, %dma_start3A_143] : memref<10112x128xf32, #tpu.memory_space<vmem_shared>> -> memref<10112x128xf32, #tpu.memory_space<vmem_shared>>
        tpu.enqueue_indirect_dma source(%dma_start3A_138 : memref<125x128xf32, #tpu.memory_space<vmem>>) target(%dma_start3A_144 : memref<10112x128xf32, #tpu.memory_space<vmem_shared>>) offsets(%dma_start3A_141 : memref<125xi32, #tpu.memory_space<vmem>>) semaphore(%run_scoped3A : memref<!tpu.dma_semaphore, #tpu.memory_space<semaphore_mem>>) {add = true}
        %dma_wait3A_145 = arith.constant 0 : i32
        %dma_wait3A_146 = arith.constant 0 : i32
        %dma_wait3A_147 = tpu.memref_slice %arg8[%dma_wait3A_145, %dma_wait3A_146] : memref<128x128xf32, #tpu.memory_space<vmem>> -> memref<125x128xf32, #tpu.memory_space<vmem>>
        %dma_wait3A_148 = arith.constant 0 : i32
        %dma_wait3A_149 = tpu.memref_slice %arg7[%mul3A_105, %dma_wait3A_148] : memref<40x125xi32, #tpu.memory_space<vmem>> -> memref<1x125xi32, #tpu.memory_space<vmem>>
        %dma_wait3A_150 = tpu.memref_squeeze %dma_wait3A_149 : memref<1x125xi32, #tpu.memory_space<vmem>> -> memref<125xi32, #tpu.memory_space<vmem>>
        %dma_wait3A_151 = arith.constant 0 : i32
        %dma_wait3A_152 = arith.constant 0 : i32
        %dma_wait3A_153 = tpu.memref_slice %arg10[%dma_wait3A_151, %dma_wait3A_152] : memref<10112x128xf32, #tpu.memory_space<vmem_shared>> -> memref<10112x128xf32, #tpu.memory_space<vmem_shared>>
        tpu.wait_indirect_dma semaphore(%run_scoped3A : memref<!tpu.dma_semaphore, #tpu.memory_space<semaphore_mem>>) src(%dma_wait3A_147 : memref<125x128xf32, #tpu.memory_space<vmem>>) dst(%dma_wait3A_153 : memref<10112x128xf32, #tpu.memory_space<vmem_shared>>)
        tpu.yield
      }) : () -> ()
      %add3A_114 = arith.constant 2 : i32
      %add3A_115 = arith.addi %mul3A_105, %add3A_114 : i32
      %lt3A = arith.constant 40 : i32
      %lt3A_116 = arith.cmpi slt, %add3A_115, %lt3A : i32
      %convert_element_type3A = arith.extui %lt3A_116 : i1 to i32
      %cond3A = arith.constant 0 : i32
      %cond3A_117 = arith.cmpi ne, %convert_element_type3A, %cond3A : i32
      scf.if %cond3A_117 {
        %add3A_136 = arith.constant 2 : i32
        %add3A_137 = arith.addi %mul3A_105, %add3A_136 : i32
        %dma_start3A_138 = arith.constant 0 : i32
        %dma_start3A_139 = arith.constant 0 : i32
        %dma_start3A_140 = tpu.memref_slice %arg8[%dma_start3A_138, %dma_start3A_139] : memref<128x128xf32, #tpu.memory_space<vmem>> -> memref<125x128xf32, #tpu.memory_space<vmem>>
        %dma_start3A_141 = arith.constant 0 : i32
        %dma_start3A_142 = tpu.memref_slice %arg6[%add3A_137, %dma_start3A_141] : memref<40x125xi32, #tpu.memory_space<vmem>> -> memref<1x125xi32, #tpu.memory_space<vmem>>
        %dma_start3A_143 = tpu.memref_squeeze %dma_start3A_142 : memref<1x125xi32, #tpu.memory_space<vmem>> -> memref<125xi32, #tpu.memory_space<vmem>>
        %dma_start3A_144 = arith.constant 0 : i32
        %dma_start3A_145 = tpu.memref_slice %arg2[%dma_start3A_144, %mul3A_28] : memref<10000x256xf32, #tpu.memory_space<hbm>> -> memref<10000x128xf32, #tpu.memory_space<hbm>>
        tpu.enqueue_indirect_dma source(%dma_start3A_145 : memref<10000x128xf32, #tpu.memory_space<hbm>>) target(%dma_start3A_140 : memref<125x128xf32, #tpu.memory_space<vmem>>) offsets(%dma_start3A_143 : memref<125xi32, #tpu.memory_space<vmem>>) semaphore(%arg11 : memref<!tpu.dma_semaphore, #tpu.memory_space<semaphore_mem>>)
      } else {
      }
      %dma_wait3A_118 = arith.constant 0 : i32
      %dma_wait3A_119 = arith.constant 0 : i32
      %dma_wait3A_120 = arith.constant 0 : i32
      %dma_wait3A_121 = tpu.memref_slice %arg9[%dma_wait3A_119, %dma_wait3A_120] : memref<128x128xf32, #tpu.memory_space<vmem>> -> memref<125x128xf32, #tpu.memory_space<vmem>>
      %dma_wait3A_122 = arith.constant 0 : i32
      %dma_wait3A_123 = tpu.memref_slice %arg6[%dma_wait3A_118, %dma_wait3A_122] : memref<40x125xi32, #tpu.memory_space<vmem>> -> memref<1x125xi32, #tpu.memory_space<vmem>>
      %dma_wait3A_124 = tpu.memref_squeeze %dma_wait3A_123 : memref<1x125xi32, #tpu.memory_space<vmem>> -> memref<125xi32, #tpu.memory_space<vmem>>
      %dma_wait3A_125 = arith.constant 0 : i32
      %dma_wait3A_126 = tpu.memref_slice %arg2[%dma_wait3A_125, %mul3A_28] : memref<10000x256xf32, #tpu.memory_space<hbm>> -> memref<10000x128xf32, #tpu.memory_space<hbm>>
      tpu.wait_indirect_dma semaphore(%arg12 : memref<!tpu.dma_semaphore, #tpu.memory_space<semaphore_mem>>) src(%dma_wait3A_126 : memref<10000x128xf32, #tpu.memory_space<hbm>>) dst(%dma_wait3A_121 : memref<125x128xf32, #tpu.memory_space<vmem>>)
      %add3A_127 = arith.constant 1 : i32
      %add3A_128 = arith.addi %mul3A_105, %add3A_127 : i32
      "tpu.region"() ({
        %run_scoped3A = tpu.sem_alloc : memref<!tpu.dma_semaphore, #tpu.memory_space<semaphore_mem>>
        %dma_start3A_136 = arith.constant 0 : i32
        %dma_start3A_137 = arith.constant 0 : i32
        %dma_start3A_138 = tpu.memref_slice %arg9[%dma_start3A_136, %dma_start3A_137] : memref<128x128xf32, #tpu.memory_space<vmem>> -> memref<125x128xf32, #tpu.memory_space<vmem>>
        %dma_start3A_139 = arith.constant 0 : i32
        %dma_start3A_140 = tpu.memref_slice %arg7[%add3A_128, %dma_start3A_139] : memref<40x125xi32, #tpu.memory_space<vmem>> -> memref<1x125xi32, #tpu.memory_space<vmem>>
        %dma_start3A_141 = tpu.memref_squeeze %dma_start3A_140 : memref<1x125xi32, #tpu.memory_space<vmem>> -> memref<125xi32, #tpu.memory_space<vmem>>
        %dma_start3A_142 = arith.constant 0 : i32
        %dma_start3A_143 = arith.constant 0 : i32
        %dma_start3A_144 = tpu.memref_slice %arg10[%dma_start3A_142, %dma_start3A_143] : memref<10112x128xf32, #tpu.memory_space<vmem_shared>> -> memref<10112x128xf32, #tpu.memory_space<vmem_shared>>
        tpu.enqueue_indirect_dma source(%dma_start3A_138 : memref<125x128xf32, #tpu.memory_space<vmem>>) target(%dma_start3A_144 : memref<10112x128xf32, #tpu.memory_space<vmem_shared>>) offsets(%dma_start3A_141 : memref<125xi32, #tpu.memory_space<vmem>>) semaphore(%run_scoped3A : memref<!tpu.dma_semaphore, #tpu.memory_space<semaphore_mem>>) {add = true}
        %dma_wait3A_145 = arith.constant 0 : i32
        %dma_wait3A_146 = arith.constant 0 : i32
        %dma_wait3A_147 = tpu.memref_slice %arg9[%dma_wait3A_145, %dma_wait3A_146] : memref<128x128xf32, #tpu.memory_space<vmem>> -> memref<125x128xf32, #tpu.memory_space<vmem>>
        %dma_wait3A_148 = arith.constant 0 : i32
        %dma_wait3A_149 = tpu.memref_slice %arg7[%add3A_128, %dma_wait3A_148] : memref<40x125xi32, #tpu.memory_space<vmem>> -> memref<1x125xi32, #tpu.memory_space<vmem>>
        %dma_wait3A_150 = tpu.memref_squeeze %dma_wait3A_149 : memref<1x125xi32, #tpu.memory_space<vmem>> -> memref<125xi32, #tpu.memory_space<vmem>>
        %dma_wait3A_151 = arith.constant 0 : i32
        %dma_wait3A_152 = arith.constant 0 : i32
        %dma_wait3A_153 = tpu.memref_slice %arg10[%dma_wait3A_151, %dma_wait3A_152] : memref<10112x128xf32, #tpu.memory_space<vmem_shared>> -> memref<10112x128xf32, #tpu.memory_space<vmem_shared>>
        tpu.wait_indirect_dma semaphore(%run_scoped3A : memref<!tpu.dma_semaphore, #tpu.memory_space<semaphore_mem>>) src(%dma_wait3A_147 : memref<125x128xf32, #tpu.memory_space<vmem>>) dst(%dma_wait3A_153 : memref<10112x128xf32, #tpu.memory_space<vmem_shared>>)
        tpu.yield
      }) : () -> ()
      %add3A_129 = arith.constant 3 : i32
      %add3A_130 = arith.addi %mul3A_105, %add3A_129 : i32
      %lt3A_131 = arith.constant 40 : i32
      %lt3A_132 = arith.cmpi slt, %add3A_130, %lt3A_131 : i32
      %convert_element_type3A_133 = arith.extui %lt3A_132 : i1 to i32
      %cond3A_134 = arith.constant 0 : i32
      %cond3A_135 = arith.cmpi ne, %convert_element_type3A_133, %cond3A_134 : i32
      scf.if %cond3A_135 {
        %add3A_136 = arith.constant 3 : i32
        %add3A_137 = arith.addi %mul3A_105, %add3A_136 : i32
        %dma_start3A_138 = arith.constant 0 : i32
        %dma_start3A_139 = arith.constant 0 : i32
        %dma_start3A_140 = tpu.memref_slice %arg9[%dma_start3A_138, %dma_start3A_139] : memref<128x128xf32, #tpu.memory_space<vmem>> -> memref<125x128xf32, #tpu.memory_space<vmem>>
        %dma_start3A_141 = arith.constant 0 : i32
        %dma_start3A_142 = tpu.memref_slice %arg6[%add3A_137, %dma_start3A_141] : memref<40x125xi32, #tpu.memory_space<vmem>> -> memref<1x125xi32, #tpu.memory_space<vmem>>
        %dma_start3A_143 = tpu.memref_squeeze %dma_start3A_142 : memref<1x125xi32, #tpu.memory_space<vmem>> -> memref<125xi32, #tpu.memory_space<vmem>>
        %dma_start3A_144 = arith.constant 0 : i32
        %dma_start3A_145 = tpu.memref_slice %arg2[%dma_start3A_144, %mul3A_28] : memref<10000x256xf32, #tpu.memory_space<hbm>> -> memref<10000x128xf32, #tpu.memory_space<hbm>>
        tpu.enqueue_indirect_dma source(%dma_start3A_145 : memref<10000x128xf32, #tpu.memory_space<hbm>>) target(%dma_start3A_140 : memref<125x128xf32, #tpu.memory_space<vmem>>) offsets(%dma_start3A_143 : memref<125xi32, #tpu.memory_space<vmem>>) semaphore(%arg12 : memref<!tpu.dma_semaphore, #tpu.memory_space<semaphore_mem>>)
      } else {
      }
    }
    %scan3A_51 = arith.constant 20 : i32
    %mul3A_52 = arith.constant 80 : i32
    %mul3A_53 = arith.muli %arg1, %mul3A_52 : i32
    %add3A_54 = arith.constant 40 : i32
    %add3A_55 = arith.addi %mul3A_53, %add3A_54 : i32
    "tpu.region"() ({
      %run_scoped3A = tpu.sem_alloc : memref<!tpu.dma_semaphore, #tpu.memory_space<semaphore_mem>>
      %dma_start3A_103 = arith.constant 0 : i32
      %dma_start3A_104 = tpu.memref_slice %arg3[%add3A_55, %dma_start3A_103] : memref<1280x125xi32, #tpu.memory_space<hbm>> -> memref<40x125xi32, #tpu.memory_space<hbm>>
      %dma_start3A_105 = arith.constant 0 : i32
      %dma_start3A_106 = tpu.memref_slice %arg3[%add3A_55, %dma_start3A_105] : memref<1280x125xi32, #tpu.memory_space<hbm>> -> memref<40x125xi32, #tpu.memory_space<hbm>>
      tpu.enqueue_dma source(%dma_start3A_106 : memref<40x125xi32, #tpu.memory_space<hbm>>) target(%arg6 : memref<40x125xi32, #tpu.memory_space<vmem>>) target_semaphore(%run_scoped3A : memref<!tpu.dma_semaphore, #tpu.memory_space<semaphore_mem>>)
      %dma_wait3A = arith.constant 0 : i32
      %dma_wait3A_107 = tpu.memref_slice %arg3[%add3A_55, %dma_wait3A] : memref<1280x125xi32, #tpu.memory_space<hbm>> -> memref<40x125xi32, #tpu.memory_space<hbm>>
      %dma_wait3A_108 = arith.constant 0 : i32
      %dma_wait3A_109 = tpu.memref_slice %arg3[%add3A_55, %dma_wait3A_108] : memref<1280x125xi32, #tpu.memory_space<hbm>> -> memref<40x125xi32, #tpu.memory_space<hbm>>
      tpu.wait_dma2 semaphore(%run_scoped3A : memref<!tpu.dma_semaphore, #tpu.memory_space<semaphore_mem>>) src(%dma_wait3A_109 : memref<40x125xi32, #tpu.memory_space<hbm>>) dst(%arg6 : memref<40x125xi32, #tpu.memory_space<vmem>>)
      tpu.yield
    }) : () -> ()
    "tpu.region"() ({
      %run_scoped3A = tpu.sem_alloc : memref<!tpu.dma_semaphore, #tpu.memory_space<semaphore_mem>>
      %dma_start3A_103 = arith.constant 0 : i32
      %dma_start3A_104 = tpu.memref_slice %arg4[%add3A_55, %dma_start3A_103] : memref<1280x125xi32, #tpu.memory_space<hbm>> -> memref<40x125xi32, #tpu.memory_space<hbm>>
      %dma_start3A_105 = arith.constant 0 : i32
      %dma_start3A_106 = tpu.memref_slice %arg4[%add3A_55, %dma_start3A_105] : memref<1280x125xi32, #tpu.memory_space<hbm>> -> memref<40x125xi32, #tpu.memory_space<hbm>>
      tpu.enqueue_dma source(%dma_start3A_106 : memref<40x125xi32, #tpu.memory_space<hbm>>) target(%arg7 : memref<40x125xi32, #tpu.memory_space<vmem>>) target_semaphore(%run_scoped3A : memref<!tpu.dma_semaphore, #tpu.memory_space<semaphore_mem>>)
      %dma_wait3A = arith.constant 0 : i32
      %dma_wait3A_107 = tpu.memref_slice %arg4[%add3A_55, %dma_wait3A] : memref<1280x125xi32, #tpu.memory_space<hbm>> -> memref<40x125xi32, #tpu.memory_space<hbm>>
      %dma_wait3A_108 = arith.constant 0 : i32
      %dma_wait3A_109 = tpu.memref_slice %arg4[%add3A_55, %dma_wait3A_108] : memref<1280x125xi32, #tpu.memory_space<hbm>> -> memref<40x125xi32, #tpu.memory_space<hbm>>
      tpu.wait_dma2 semaphore(%run_scoped3A : memref<!tpu.dma_semaphore, #tpu.memory_space<semaphore_mem>>) src(%dma_wait3A_109 : memref<40x125xi32, #tpu.memory_space<hbm>>) dst(%arg7 : memref<40x125xi32, #tpu.memory_space<vmem>>)
      tpu.yield
    }) : () -> ()
    %mul3A_56 = arith.constant 128 : i32
    %mul3A_57 = arith.muli %arg0, %mul3A_56 : i32
    %dma_start3A_58 = arith.constant 0 : i32
    %dma_start3A_59 = arith.constant 0 : i32
    %dma_start3A_60 = arith.constant 0 : i32
    %dma_start3A_61 = tpu.memref_slice %arg8[%dma_start3A_59, %dma_start3A_60] : memref<128x128xf32, #tpu.memory_space<vmem>> -> memref<125x128xf32, #tpu.memory_space<vmem>>
    %dma_start3A_62 = arith.constant 0 : i32
    %dma_start3A_63 = tpu.memref_slice %arg6[%dma_start3A_58, %dma_start3A_62] : memref<40x125xi32, #tpu.memory_space<vmem>> -> memref<1x125xi32, #tpu.memory_space<vmem>>
    %dma_start3A_64 = tpu.memref_squeeze %dma_start3A_63 : memref<1x125xi32, #tpu.memory_space<vmem>> -> memref<125xi32, #tpu.memory_space<vmem>>
    %dma_start3A_65 = arith.constant 0 : i32
    %dma_start3A_66 = tpu.memref_slice %arg2[%dma_start3A_65, %mul3A_57] : memref<10000x256xf32, #tpu.memory_space<hbm>> -> memref<10000x128xf32, #tpu.memory_space<hbm>>
    tpu.enqueue_indirect_dma source(%dma_start3A_66 : memref<10000x128xf32, #tpu.memory_space<hbm>>) target(%dma_start3A_61 : memref<125x128xf32, #tpu.memory_space<vmem>>) offsets(%dma_start3A_64 : memref<125xi32, #tpu.memory_space<vmem>>) semaphore(%arg11 : memref<!tpu.dma_semaphore, #tpu.memory_space<semaphore_mem>>)
    %dma_start3A_67 = arith.constant 1 : i32
    %dma_start3A_68 = arith.constant 0 : i32
    %dma_start3A_69 = arith.constant 0 : i32
    %dma_start3A_70 = tpu.memref_slice %arg9[%dma_start3A_68, %dma_start3A_69] : memref<128x128xf32, #tpu.memory_space<vmem>> -> memref<125x128xf32, #tpu.memory_space<vmem>>
    %dma_start3A_71 = arith.constant 0 : i32
    %dma_start3A_72 = tpu.memref_slice %arg6[%dma_start3A_67, %dma_start3A_71] : memref<40x125xi32, #tpu.memory_space<vmem>> -> memref<1x125xi32, #tpu.memory_space<vmem>>
    %dma_start3A_73 = tpu.memref_squeeze %dma_start3A_72 : memref<1x125xi32, #tpu.memory_space<vmem>> -> memref<125xi32, #tpu.memory_space<vmem>>
    %dma_start3A_74 = arith.constant 0 : i32
    %dma_start3A_75 = tpu.memref_slice %arg2[%dma_start3A_74, %mul3A_57] : memref<10000x256xf32, #tpu.memory_space<hbm>> -> memref<10000x128xf32, #tpu.memory_space<hbm>>
    tpu.enqueue_indirect_dma source(%dma_start3A_75 : memref<10000x128xf32, #tpu.memory_space<hbm>>) target(%dma_start3A_70 : memref<125x128xf32, #tpu.memory_space<vmem>>) offsets(%dma_start3A_73 : memref<125xi32, #tpu.memory_space<vmem>>) semaphore(%arg12 : memref<!tpu.dma_semaphore, #tpu.memory_space<semaphore_mem>>)
    %scan3A_76 = arith.constant 0 : i32
    %scan3A_77 = arith.constant 0 : i32
    %scan3A_78 = arith.constant 20 : i32
    %scan3A_79 = arith.addi %scan3A_77, %scan3A_78 : i32
    %scan3A_80 = arith.constant 1 : i32
    scf.for %scan3A_103 = %scan3A_77 to %scan3A_79 step %scan3A_80  : i32 {
      %mul3A_104 = arith.constant 2 : i32
      %mul3A_105 = arith.muli %mul3A_104, %scan3A_103 : i32
      %dma_wait3A = arith.constant 0 : i32
      %dma_wait3A_106 = arith.constant 0 : i32
      %dma_wait3A_107 = arith.constant 0 : i32
      %dma_wait3A_108 = tpu.memref_slice %arg8[%dma_wait3A_106, %dma_wait3A_107] : memref<128x128xf32, #tpu.memory_space<vmem>> -> memref<125x128xf32, #tpu.memory_space<vmem>>
      %dma_wait3A_109 = arith.constant 0 : i32
      %dma_wait3A_110 = tpu.memref_slice %arg6[%dma_wait3A, %dma_wait3A_109] : memref<40x125xi32, #tpu.memory_space<vmem>> -> memref<1x125xi32, #tpu.memory_space<vmem>>
      %dma_wait3A_111 = tpu.memref_squeeze %dma_wait3A_110 : memref<1x125xi32, #tpu.memory_space<vmem>> -> memref<125xi32, #tpu.memory_space<vmem>>
      %dma_wait3A_112 = arith.constant 0 : i32
      %dma_wait3A_113 = tpu.memref_slice %arg2[%dma_wait3A_112, %mul3A_57] : memref<10000x256xf32, #tpu.memory_space<hbm>> -> memref<10000x128xf32, #tpu.memory_space<hbm>>
      tpu.wait_indirect_dma semaphore(%arg11 : memref<!tpu.dma_semaphore, #tpu.memory_space<semaphore_mem>>) src(%dma_wait3A_113 : memref<10000x128xf32, #tpu.memory_space<hbm>>) dst(%dma_wait3A_108 : memref<125x128xf32, #tpu.memory_space<vmem>>)
      "tpu.region"() ({
        %run_scoped3A = tpu.sem_alloc : memref<!tpu.dma_semaphore, #tpu.memory_space<semaphore_mem>>
        %dma_start3A_136 = arith.constant 0 : i32
        %dma_start3A_137 = arith.constant 0 : i32
        %dma_start3A_138 = tpu.memref_slice %arg8[%dma_start3A_136, %dma_start3A_137] : memref<128x128xf32, #tpu.memory_space<vmem>> -> memref<125x128xf32, #tpu.memory_space<vmem>>
        %dma_start3A_139 = arith.constant 0 : i32
        %dma_start3A_140 = tpu.memref_slice %arg7[%mul3A_105, %dma_start3A_139] : memref<40x125xi32, #tpu.memory_space<vmem>> -> memref<1x125xi32, #tpu.memory_space<vmem>>
        %dma_start3A_141 = tpu.memref_squeeze %dma_start3A_140 : memref<1x125xi32, #tpu.memory_space<vmem>> -> memref<125xi32, #tpu.memory_space<vmem>>
        %dma_start3A_142 = arith.constant 0 : i32
        %dma_start3A_143 = arith.constant 0 : i32
        %dma_start3A_144 = tpu.memref_slice %arg10[%dma_start3A_142, %dma_start3A_143] : memref<10112x128xf32, #tpu.memory_space<vmem_shared>> -> memref<10112x128xf32, #tpu.memory_space<vmem_shared>>
        tpu.enqueue_indirect_dma source(%dma_start3A_138 : memref<125x128xf32, #tpu.memory_space<vmem>>) target(%dma_start3A_144 : memref<10112x128xf32, #tpu.memory_space<vmem_shared>>) offsets(%dma_start3A_141 : memref<125xi32, #tpu.memory_space<vmem>>) semaphore(%run_scoped3A : memref<!tpu.dma_semaphore, #tpu.memory_space<semaphore_mem>>) {add = true}
        %dma_wait3A_145 = arith.constant 0 : i32
        %dma_wait3A_146 = arith.constant 0 : i32
        %dma_wait3A_147 = tpu.memref_slice %arg8[%dma_wait3A_145, %dma_wait3A_146] : memref<128x128xf32, #tpu.memory_space<vmem>> -> memref<125x128xf32, #tpu.memory_space<vmem>>
        %dma_wait3A_148 = arith.constant 0 : i32
        %dma_wait3A_149 = tpu.memref_slice %arg7[%mul3A_105, %dma_wait3A_148] : memref<40x125xi32, #tpu.memory_space<vmem>> -> memref<1x125xi32, #tpu.memory_space<vmem>>
        %dma_wait3A_150 = tpu.memref_squeeze %dma_wait3A_149 : memref<1x125xi32, #tpu.memory_space<vmem>> -> memref<125xi32, #tpu.memory_space<vmem>>
        %dma_wait3A_151 = arith.constant 0 : i32
        %dma_wait3A_152 = arith.constant 0 : i32
        %dma_wait3A_153 = tpu.memref_slice %arg10[%dma_wait3A_151, %dma_wait3A_152] : memref<10112x128xf32, #tpu.memory_space<vmem_shared>> -> memref<10112x128xf32, #tpu.memory_space<vmem_shared>>
        tpu.wait_indirect_dma semaphore(%run_scoped3A : memref<!tpu.dma_semaphore, #tpu.memory_space<semaphore_mem>>) src(%dma_wait3A_147 : memref<125x128xf32, #tpu.memory_space<vmem>>) dst(%dma_wait3A_153 : memref<10112x128xf32, #tpu.memory_space<vmem_shared>>)
        tpu.yield
      }) : () -> ()
      %add3A_114 = arith.constant 2 : i32
      %add3A_115 = arith.addi %mul3A_105, %add3A_114 : i32
      %lt3A = arith.constant 40 : i32
      %lt3A_116 = arith.cmpi slt, %add3A_115, %lt3A : i32
      %convert_element_type3A = arith.extui %lt3A_116 : i1 to i32
      %cond3A = arith.constant 0 : i32
      %cond3A_117 = arith.cmpi ne, %convert_element_type3A, %cond3A : i32
      scf.if %cond3A_117 {
        %add3A_136 = arith.constant 2 : i32
        %add3A_137 = arith.addi %mul3A_105, %add3A_136 : i32
        %dma_start3A_138 = arith.constant 0 : i32
        %dma_start3A_139 = arith.constant 0 : i32
        %dma_start3A_140 = tpu.memref_slice %arg8[%dma_start3A_138, %dma_start3A_139] : memref<128x128xf32, #tpu.memory_space<vmem>> -> memref<125x128xf32, #tpu.memory_space<vmem>>
        %dma_start3A_141 = arith.constant 0 : i32
        %dma_start3A_142 = tpu.memref_slice %arg6[%add3A_137, %dma_start3A_141] : memref<40x125xi32, #tpu.memory_space<vmem>> -> memref<1x125xi32, #tpu.memory_space<vmem>>
        %dma_start3A_143 = tpu.memref_squeeze %dma_start3A_142 : memref<1x125xi32, #tpu.memory_space<vmem>> -> memref<125xi32, #tpu.memory_space<vmem>>
        %dma_start3A_144 = arith.constant 0 : i32
        %dma_start3A_145 = tpu.memref_slice %arg2[%dma_start3A_144, %mul3A_57] : memref<10000x256xf32, #tpu.memory_space<hbm>> -> memref<10000x128xf32, #tpu.memory_space<hbm>>
        tpu.enqueue_indirect_dma source(%dma_start3A_145 : memref<10000x128xf32, #tpu.memory_space<hbm>>) target(%dma_start3A_140 : memref<125x128xf32, #tpu.memory_space<vmem>>) offsets(%dma_start3A_143 : memref<125xi32, #tpu.memory_space<vmem>>) semaphore(%arg11 : memref<!tpu.dma_semaphore, #tpu.memory_space<semaphore_mem>>)
      } else {
      }
      %dma_wait3A_118 = arith.constant 0 : i32
      %dma_wait3A_119 = arith.constant 0 : i32
      %dma_wait3A_120 = arith.constant 0 : i32
      %dma_wait3A_121 = tpu.memref_slice %arg9[%dma_wait3A_119, %dma_wait3A_120] : memref<128x128xf32, #tpu.memory_space<vmem>> -> memref<125x128xf32, #tpu.memory_space<vmem>>
      %dma_wait3A_122 = arith.constant 0 : i32
      %dma_wait3A_123 = tpu.memref_slice %arg6[%dma_wait3A_118, %dma_wait3A_122] : memref<40x125xi32, #tpu.memory_space<vmem>> -> memref<1x125xi32, #tpu.memory_space<vmem>>
      %dma_wait3A_124 = tpu.memref_squeeze %dma_wait3A_123 : memref<1x125xi32, #tpu.memory_space<vmem>> -> memref<125xi32, #tpu.memory_space<vmem>>
      %dma_wait3A_125 = arith.constant 0 : i32
      %dma_wait3A_126 = tpu.memref_slice %arg2[%dma_wait3A_125, %mul3A_57] : memref<10000x256xf32, #tpu.memory_space<hbm>> -> memref<10000x128xf32, #tpu.memory_space<hbm>>
      tpu.wait_indirect_dma semaphore(%arg12 : memref<!tpu.dma_semaphore, #tpu.memory_space<semaphore_mem>>) src(%dma_wait3A_126 : memref<10000x128xf32, #tpu.memory_space<hbm>>) dst(%dma_wait3A_121 : memref<125x128xf32, #tpu.memory_space<vmem>>)
      %add3A_127 = arith.constant 1 : i32
      %add3A_128 = arith.addi %mul3A_105, %add3A_127 : i32
      "tpu.region"() ({
        %run_scoped3A = tpu.sem_alloc : memref<!tpu.dma_semaphore, #tpu.memory_space<semaphore_mem>>
        %dma_start3A_136 = arith.constant 0 : i32
        %dma_start3A_137 = arith.constant 0 : i32
        %dma_start3A_138 = tpu.memref_slice %arg9[%dma_start3A_136, %dma_start3A_137] : memref<128x128xf32, #tpu.memory_space<vmem>> -> memref<125x128xf32, #tpu.memory_space<vmem>>
        %dma_start3A_139 = arith.constant 0 : i32
        %dma_start3A_140 = tpu.memref_slice %arg7[%add3A_128, %dma_start3A_139] : memref<40x125xi32, #tpu.memory_space<vmem>> -> memref<1x125xi32, #tpu.memory_space<vmem>>
        %dma_start3A_141 = tpu.memref_squeeze %dma_start3A_140 : memref<1x125xi32, #tpu.memory_space<vmem>> -> memref<125xi32, #tpu.memory_space<vmem>>
        %dma_start3A_142 = arith.constant 0 : i32
        %dma_start3A_143 = arith.constant 0 : i32
        %dma_start3A_144 = tpu.memref_slice %arg10[%dma_start3A_142, %dma_start3A_143] : memref<10112x128xf32, #tpu.memory_space<vmem_shared>> -> memref<10112x128xf32, #tpu.memory_space<vmem_shared>>
        tpu.enqueue_indirect_dma source(%dma_start3A_138 : memref<125x128xf32, #tpu.memory_space<vmem>>) target(%dma_start3A_144 : memref<10112x128xf32, #tpu.memory_space<vmem_shared>>) offsets(%dma_start3A_141 : memref<125xi32, #tpu.memory_space<vmem>>) semaphore(%run_scoped3A : memref<!tpu.dma_semaphore, #tpu.memory_space<semaphore_mem>>) {add = true}
        %dma_wait3A_145 = arith.constant 0 : i32
        %dma_wait3A_146 = arith.constant 0 : i32
        %dma_wait3A_147 = tpu.memref_slice %arg9[%dma_wait3A_145, %dma_wait3A_146] : memref<128x128xf32, #tpu.memory_space<vmem>> -> memref<125x128xf32, #tpu.memory_space<vmem>>
        %dma_wait3A_148 = arith.constant 0 : i32
        %dma_wait3A_149 = tpu.memref_slice %arg7[%add3A_128, %dma_wait3A_148] : memref<40x125xi32, #tpu.memory_space<vmem>> -> memref<1x125xi32, #tpu.memory_space<vmem>>
        %dma_wait3A_150 = tpu.memref_squeeze %dma_wait3A_149 : memref<1x125xi32, #tpu.memory_space<vmem>> -> memref<125xi32, #tpu.memory_space<vmem>>
        %dma_wait3A_151 = arith.constant 0 : i32
        %dma_wait3A_152 = arith.constant 0 : i32
        %dma_wait3A_153 = tpu.memref_slice %arg10[%dma_wait3A_151, %dma_wait3A_152] : memref<10112x128xf32, #tpu.memory_space<vmem_shared>> -> memref<10112x128xf32, #tpu.memory_space<vmem_shared>>
        tpu.wait_indirect_dma semaphore(%run_scoped3A : memref<!tpu.dma_semaphore, #tpu.memory_space<semaphore_mem>>) src(%dma_wait3A_147 : memref<125x128xf32, #tpu.memory_space<vmem>>) dst(%dma_wait3A_153 : memref<10112x128xf32, #tpu.memory_space<vmem_shared>>)
        tpu.yield
      }) : () -> ()
      %add3A_129 = arith.constant 3 : i32
      %add3A_130 = arith.addi %mul3A_105, %add3A_129 : i32
      %lt3A_131 = arith.constant 40 : i32
      %lt3A_132 = arith.cmpi slt, %add3A_130, %lt3A_131 : i32
      %convert_element_type3A_133 = arith.extui %lt3A_132 : i1 to i32
      %cond3A_134 = arith.constant 0 : i32
      %cond3A_135 = arith.cmpi ne, %convert_element_type3A_133, %cond3A_134 : i32
      scf.if %cond3A_135 {
        %add3A_136 = arith.constant 3 : i32
        %add3A_137 = arith.addi %mul3A_105, %add3A_136 : i32
        %dma_start3A_138 = arith.constant 0 : i32
        %dma_start3A_139 = arith.constant 0 : i32
        %dma_start3A_140 = tpu.memref_slice %arg9[%dma_start3A_138, %dma_start3A_139] : memref<128x128xf32, #tpu.memory_space<vmem>> -> memref<125x128xf32, #tpu.memory_space<vmem>>
        %dma_start3A_141 = arith.constant 0 : i32
        %dma_start3A_142 = tpu.memref_slice %arg6[%add3A_137, %dma_start3A_141] : memref<40x125xi32, #tpu.memory_space<vmem>> -> memref<1x125xi32, #tpu.memory_space<vmem>>
        %dma_start3A_143 = tpu.memref_squeeze %dma_start3A_142 : memref<1x125xi32, #tpu.memory_space<vmem>> -> memref<125xi32, #tpu.memory_space<vmem>>
        %dma_start3A_144 = arith.constant 0 : i32
        %dma_start3A_145 = tpu.memref_slice %arg2[%dma_start3A_144, %mul3A_57] : memref<10000x256xf32, #tpu.memory_space<hbm>> -> memref<10000x128xf32, #tpu.memory_space<hbm>>
        tpu.enqueue_indirect_dma source(%dma_start3A_145 : memref<10000x128xf32, #tpu.memory_space<hbm>>) target(%dma_start3A_140 : memref<125x128xf32, #tpu.memory_space<vmem>>) offsets(%dma_start3A_143 : memref<125xi32, #tpu.memory_space<vmem>>) semaphore(%arg12 : memref<!tpu.dma_semaphore, #tpu.memory_space<semaphore_mem>>)
      } else {
      }
    }
    %scan3A_81 = arith.constant 20 : i32
    %barrier3A_82 = arith.constant 0 : index
    tpu.barrier barrier_id(%barrier3A_82)
    %mul3A_83 = arith.constant 632 : i32
    %mul3A_84 = arith.muli %arg1, %mul3A_83 : i32
    %add3A_85 = arith.constant 0 : i32
    %add3A_86 = arith.addi %mul3A_84, %add3A_85 : i32
    "tpu.region"() ({
      %run_scoped3A = tpu.sem_alloc : memref<!tpu.dma_semaphore, #tpu.memory_space<semaphore_mem>>
      %dma_start3A_103 = arith.constant 0 : i32
      %dma_start3A_104 = arith.constant 0 : i32
      %dma_start3A_105 = tpu.memref_slice %arg8[%dma_start3A_103, %dma_start3A_104] : memref<128x128xf32, #tpu.memory_space<vmem>> -> memref<128x128xf32, #tpu.memory_space<vmem>>
      %dma_start3A_106 = arith.constant 0 : i32
      %dma_start3A_107 = tpu.memref_slice %arg10[%add3A_86, %dma_start3A_106] : memref<10112x128xf32, #tpu.memory_space<vmem_shared>> -> memref<128x128xf32, #tpu.memory_space<vmem_shared>>
      %dma_start3A_108 = arith.constant 0 : i32
      %dma_start3A_109 = arith.constant 0 : i32
      %dma_start3A_110 = tpu.memref_slice %arg8[%dma_start3A_108, %dma_start3A_109] : memref<128x128xf32, #tpu.memory_space<vmem>> -> memref<128x128xf32, #tpu.memory_space<vmem>>
      %dma_start3A_111 = arith.constant 0 : i32
      %dma_start3A_112 = tpu.memref_slice %arg10[%add3A_86, %dma_start3A_111] : memref<10112x128xf32, #tpu.memory_space<vmem_shared>> -> memref<128x128xf32, #tpu.memory_space<vmem_shared>>
      tpu.enqueue_dma source(%dma_start3A_112 : memref<128x128xf32, #tpu.memory_space<vmem_shared>>) target(%dma_start3A_110 : memref<128x128xf32, #tpu.memory_space<vmem>>) target_semaphore(%run_scoped3A : memref<!tpu.dma_semaphore, #tpu.memory_space<semaphore_mem>>)
      %dma_wait3A = arith.constant 0 : i32
      %dma_wait3A_113 = arith.constant 0 : i32
      %dma_wait3A_114 = tpu.memref_slice %arg8[%dma_wait3A, %dma_wait3A_113] : memref<128x128xf32, #tpu.memory_space<vmem>> -> memref<128x128xf32, #tpu.memory_space<vmem>>
      %dma_wait3A_115 = arith.constant 0 : i32
      %dma_wait3A_116 = tpu.memref_slice %arg10[%add3A_86, %dma_wait3A_115] : memref<10112x128xf32, #tpu.memory_space<vmem_shared>> -> memref<128x128xf32, #tpu.memory_space<vmem_shared>>
      %dma_wait3A_117 = arith.constant 0 : i32
      %dma_wait3A_118 = arith.constant 0 : i32
      %dma_wait3A_119 = tpu.memref_slice %arg8[%dma_wait3A_117, %dma_wait3A_118] : memref<128x128xf32, #tpu.memory_space<vmem>> -> memref<128x128xf32, #tpu.memory_space<vmem>>
      %dma_wait3A_120 = arith.constant 0 : i32
      %dma_wait3A_121 = tpu.memref_slice %arg10[%add3A_86, %dma_wait3A_120] : memref<10112x128xf32, #tpu.memory_space<vmem_shared>> -> memref<128x128xf32, #tpu.memory_space<vmem_shared>>
      tpu.wait_dma2 semaphore(%run_scoped3A : memref<!tpu.dma_semaphore, #tpu.memory_space<semaphore_mem>>) src(%dma_wait3A_121 : memref<128x128xf32, #tpu.memory_space<vmem_shared>>) dst(%dma_wait3A_119 : memref<128x128xf32, #tpu.memory_space<vmem>>)
      tpu.yield
    }) : () -> ()
    "tpu.region"() ({
      %run_scoped3A = tpu.sem_alloc : memref<!tpu.dma_semaphore, #tpu.memory_space<semaphore_mem>>
      %dma_start3A_103 = arith.constant 0 : i32
      %dma_start3A_104 = arith.constant 0 : i32
      %dma_start3A_105 = tpu.memref_slice %arg8[%dma_start3A_103, %dma_start3A_104] : memref<128x128xf32, #tpu.memory_space<vmem>> -> memref<128x128xf32, #tpu.memory_space<vmem>>
      %dma_start3A_106 = arith.constant 0 : i32
      %dma_start3A_107 = tpu.memref_slice %arg5[%arg0, %add3A_86, %dma_start3A_106] : memref<2x10112x128xf32, #tpu.memory_space<hbm>> -> memref<1x128x128xf32, #tpu.memory_space<hbm>>
      %dma_start3A_108 = tpu.memref_squeeze %dma_start3A_107 : memref<1x128x128xf32, #tpu.memory_space<hbm>> -> memref<128x128xf32, #tpu.memory_space<hbm>>
      %dma_start3A_109 = arith.constant 0 : i32
      %dma_start3A_110 = tpu.memref_slice %arg5[%arg0, %add3A_86, %dma_start3A_109] : memref<2x10112x128xf32, #tpu.memory_space<hbm>> -> memref<1x128x128xf32, #tpu.memory_space<hbm>>
      %dma_start3A_111 = tpu.memref_squeeze %dma_start3A_110 : memref<1x128x128xf32, #tpu.memory_space<hbm>> -> memref<128x128xf32, #tpu.memory_space<hbm>>
      %dma_start3A_112 = arith.constant 0 : i32
      %dma_start3A_113 = arith.constant 0 : i32
      %dma_start3A_114 = tpu.memref_slice %arg8[%dma_start3A_112, %dma_start3A_113] : memref<128x128xf32, #tpu.memory_space<vmem>> -> memref<128x128xf32, #tpu.memory_space<vmem>>
      tpu.enqueue_dma source(%dma_start3A_114 : memref<128x128xf32, #tpu.memory_space<vmem>>) target(%dma_start3A_111 : memref<128x128xf32, #tpu.memory_space<hbm>>) target_semaphore(%run_scoped3A : memref<!tpu.dma_semaphore, #tpu.memory_space<semaphore_mem>>)
      %dma_wait3A = arith.constant 0 : i32
      %dma_wait3A_115 = arith.constant 0 : i32
      %dma_wait3A_116 = tpu.memref_slice %arg8[%dma_wait3A, %dma_wait3A_115] : memref<128x128xf32, #tpu.memory_space<vmem>> -> memref<128x128xf32, #tpu.memory_space<vmem>>
      %dma_wait3A_117 = arith.constant 0 : i32
      %dma_wait3A_118 = tpu.memref_slice %arg5[%arg0, %add3A_86, %dma_wait3A_117] : memref<2x10112x128xf32, #tpu.memory_space<hbm>> -> memref<1x128x128xf32, #tpu.memory_space<hbm>>
      %dma_wait3A_119 = tpu.memref_squeeze %dma_wait3A_118 : memref<1x128x128xf32, #tpu.memory_space<hbm>> -> memref<128x128xf32, #tpu.memory_space<hbm>>
      %dma_wait3A_120 = arith.constant 0 : i32
      %dma_wait3A_121 = tpu.memref_slice %arg5[%arg0, %add3A_86, %dma_wait3A_120] : memref<2x10112x128xf32, #tpu.memory_space<hbm>> -> memref<1x128x128xf32, #tpu.memory_space<hbm>>
      %dma_wait3A_122 = tpu.memref_squeeze %dma_wait3A_121 : memref<1x128x128xf32, #tpu.memory_space<hbm>> -> memref<128x128xf32, #tpu.memory_space<hbm>>
      %dma_wait3A_123 = arith.constant 0 : i32
      %dma_wait3A_124 = arith.constant 0 : i32
      %dma_wait3A_125 = tpu.memref_slice %arg8[%dma_wait3A_123, %dma_wait3A_124] : memref<128x128xf32, #tpu.memory_space<vmem>> -> memref<128x128xf32, #tpu.memory_space<vmem>>
      tpu.wait_dma2 semaphore(%run_scoped3A : memref<!tpu.dma_semaphore, #tpu.memory_space<semaphore_mem>>) src(%dma_wait3A_125 : memref<128x128xf32, #tpu.memory_space<vmem>>) dst(%dma_wait3A_122 : memref<128x128xf32, #tpu.memory_space<hbm>>)
      tpu.yield
    }) : () -> ()
    %mul3A_87 = arith.constant 632 : i32
    %mul3A_88 = arith.muli %arg1, %mul3A_87 : i32
    %add3A_89 = arith.constant 128 : i32
    %add3A_90 = arith.addi %mul3A_88, %add3A_89 : i32
    "tpu.region"() ({
      %run_scoped3A = tpu.sem_alloc : memref<!tpu.dma_semaphore, #tpu.memory_space<semaphore_mem>>
      %dma_start3A_103 = arith.constant 0 : i32
      %dma_start3A_104 = arith.constant 0 : i32
      %dma_start3A_105 = tpu.memref_slice %arg8[%dma_start3A_103, %dma_start3A_104] : memref<128x128xf32, #tpu.memory_space<vmem>> -> memref<128x128xf32, #tpu.memory_space<vmem>>
      %dma_start3A_106 = arith.constant 0 : i32
      %dma_start3A_107 = tpu.memref_slice %arg10[%add3A_90, %dma_start3A_106] : memref<10112x128xf32, #tpu.memory_space<vmem_shared>> -> memref<128x128xf32, #tpu.memory_space<vmem_shared>>
      %dma_start3A_108 = arith.constant 0 : i32
      %dma_start3A_109 = arith.constant 0 : i32
      %dma_start3A_110 = tpu.memref_slice %arg8[%dma_start3A_108, %dma_start3A_109] : memref<128x128xf32, #tpu.memory_space<vmem>> -> memref<128x128xf32, #tpu.memory_space<vmem>>
      %dma_start3A_111 = arith.constant 0 : i32
      %dma_start3A_112 = tpu.memref_slice %arg10[%add3A_90, %dma_start3A_111] : memref<10112x128xf32, #tpu.memory_space<vmem_shared>> -> memref<128x128xf32, #tpu.memory_space<vmem_shared>>
      tpu.enqueue_dma source(%dma_start3A_112 : memref<128x128xf32, #tpu.memory_space<vmem_shared>>) target(%dma_start3A_110 : memref<128x128xf32, #tpu.memory_space<vmem>>) target_semaphore(%run_scoped3A : memref<!tpu.dma_semaphore, #tpu.memory_space<semaphore_mem>>)
      %dma_wait3A = arith.constant 0 : i32
      %dma_wait3A_113 = arith.constant 0 : i32
      %dma_wait3A_114 = tpu.memref_slice %arg8[%dma_wait3A, %dma_wait3A_113] : memref<128x128xf32, #tpu.memory_space<vmem>> -> memref<128x128xf32, #tpu.memory_space<vmem>>
      %dma_wait3A_115 = arith.constant 0 : i32
      %dma_wait3A_116 = tpu.memref_slice %arg10[%add3A_90, %dma_wait3A_115] : memref<10112x128xf32, #tpu.memory_space<vmem_shared>> -> memref<128x128xf32, #tpu.memory_space<vmem_shared>>
      %dma_wait3A_117 = arith.constant 0 : i32
      %dma_wait3A_118 = arith.constant 0 : i32
      %dma_wait3A_119 = tpu.memref_slice %arg8[%dma_wait3A_117, %dma_wait3A_118] : memref<128x128xf32, #tpu.memory_space<vmem>> -> memref<128x128xf32, #tpu.memory_space<vmem>>
      %dma_wait3A_120 = arith.constant 0 : i32
      %dma_wait3A_121 = tpu.memref_slice %arg10[%add3A_90, %dma_wait3A_120] : memref<10112x128xf32, #tpu.memory_space<vmem_shared>> -> memref<128x128xf32, #tpu.memory_space<vmem_shared>>
      tpu.wait_dma2 semaphore(%run_scoped3A : memref<!tpu.dma_semaphore, #tpu.memory_space<semaphore_mem>>) src(%dma_wait3A_121 : memref<128x128xf32, #tpu.memory_space<vmem_shared>>) dst(%dma_wait3A_119 : memref<128x128xf32, #tpu.memory_space<vmem>>)
      tpu.yield
    }) : () -> ()
    "tpu.region"() ({
      %run_scoped3A = tpu.sem_alloc : memref<!tpu.dma_semaphore, #tpu.memory_space<semaphore_mem>>
      %dma_start3A_103 = arith.constant 0 : i32
      %dma_start3A_104 = arith.constant 0 : i32
      %dma_start3A_105 = tpu.memref_slice %arg8[%dma_start3A_103, %dma_start3A_104] : memref<128x128xf32, #tpu.memory_space<vmem>> -> memref<128x128xf32, #tpu.memory_space<vmem>>
      %dma_start3A_106 = arith.constant 0 : i32
      %dma_start3A_107 = tpu.memref_slice %arg5[%arg0, %add3A_90, %dma_start3A_106] : memref<2x10112x128xf32, #tpu.memory_space<hbm>> -> memref<1x128x128xf32, #tpu.memory_space<hbm>>
      %dma_start3A_108 = tpu.memref_squeeze %dma_start3A_107 : memref<1x128x128xf32, #tpu.memory_space<hbm>> -> memref<128x128xf32, #tpu.memory_space<hbm>>
      %dma_start3A_109 = arith.constant 0 : i32
      %dma_start3A_110 = tpu.memref_slice %arg5[%arg0, %add3A_90, %dma_start3A_109] : memref<2x10112x128xf32, #tpu.memory_space<hbm>> -> memref<1x128x128xf32, #tpu.memory_space<hbm>>
      %dma_start3A_111 = tpu.memref_squeeze %dma_start3A_110 : memref<1x128x128xf32, #tpu.memory_space<hbm>> -> memref<128x128xf32, #tpu.memory_space<hbm>>
      %dma_start3A_112 = arith.constant 0 : i32
      %dma_start3A_113 = arith.constant 0 : i32
      %dma_start3A_114 = tpu.memref_slice %arg8[%dma_start3A_112, %dma_start3A_113] : memref<128x128xf32, #tpu.memory_space<vmem>> -> memref<128x128xf32, #tpu.memory_space<vmem>>
      tpu.enqueue_dma source(%dma_start3A_114 : memref<128x128xf32, #tpu.memory_space<vmem>>) target(%dma_start3A_111 : memref<128x128xf32, #tpu.memory_space<hbm>>) target_semaphore(%run_scoped3A : memref<!tpu.dma_semaphore, #tpu.memory_space<semaphore_mem>>)
      %dma_wait3A = arith.constant 0 : i32
      %dma_wait3A_115 = arith.constant 0 : i32
      %dma_wait3A_116 = tpu.memref_slice %arg8[%dma_wait3A, %dma_wait3A_115] : memref<128x128xf32, #tpu.memory_space<vmem>> -> memref<128x128xf32, #tpu.memory_space<vmem>>
      %dma_wait3A_117 = arith.constant 0 : i32
      %dma_wait3A_118 = tpu.memref_slice %arg5[%arg0, %add3A_90, %dma_wait3A_117] : memref<2x10112x128xf32, #tpu.memory_space<hbm>> -> memref<1x128x128xf32, #tpu.memory_space<hbm>>
      %dma_wait3A_119 = tpu.memref_squeeze %dma_wait3A_118 : memref<1x128x128xf32, #tpu.memory_space<hbm>> -> memref<128x128xf32, #tpu.memory_space<hbm>>
      %dma_wait3A_120 = arith.constant 0 : i32
      %dma_wait3A_121 = tpu.memref_slice %arg5[%arg0, %add3A_90, %dma_wait3A_120] : memref<2x10112x128xf32, #tpu.memory_space<hbm>> -> memref<1x128x128xf32, #tpu.memory_space<hbm>>
      %dma_wait3A_122 = tpu.memref_squeeze %dma_wait3A_121 : memref<1x128x128xf32, #tpu.memory_space<hbm>> -> memref<128x128xf32, #tpu.memory_space<hbm>>
      %dma_wait3A_123 = arith.constant 0 : i32
      %dma_wait3A_124 = arith.constant 0 : i32
      %dma_wait3A_125 = tpu.memref_slice %arg8[%dma_wait3A_123, %dma_wait3A_124] : memref<128x128xf32, #tpu.memory_space<vmem>> -> memref<128x128xf32, #tpu.memory_space<vmem>>
      tpu.wait_dma2 semaphore(%run_scoped3A : memref<!tpu.dma_semaphore, #tpu.memory_space<semaphore_mem>>) src(%dma_wait3A_125 : memref<128x128xf32, #tpu.memory_space<vmem>>) dst(%dma_wait3A_122 : memref<128x128xf32, #tpu.memory_space<hbm>>)
      tpu.yield
    }) : () -> ()
    %mul3A_91 = arith.constant 632 : i32
    %mul3A_92 = arith.muli %arg1, %mul3A_91 : i32
    %add3A_93 = arith.constant 256 : i32
    %add3A_94 = arith.addi %mul3A_92, %add3A_93 : i32
    "tpu.region"() ({
      %run_scoped3A = tpu.sem_alloc : memref<!tpu.dma_semaphore, #tpu.memory_space<semaphore_mem>>
      %dma_start3A_103 = arith.constant 0 : i32
      %dma_start3A_104 = arith.constant 0 : i32
      %dma_start3A_105 = tpu.memref_slice %arg8[%dma_start3A_103, %dma_start3A_104] : memref<128x128xf32, #tpu.memory_space<vmem>> -> memref<128x128xf32, #tpu.memory_space<vmem>>
      %dma_start3A_106 = arith.constant 0 : i32
      %dma_start3A_107 = tpu.memref_slice %arg10[%add3A_94, %dma_start3A_106] : memref<10112x128xf32, #tpu.memory_space<vmem_shared>> -> memref<128x128xf32, #tpu.memory_space<vmem_shared>>
      %dma_start3A_108 = arith.constant 0 : i32
      %dma_start3A_109 = arith.constant 0 : i32
      %dma_start3A_110 = tpu.memref_slice %arg8[%dma_start3A_108, %dma_start3A_109] : memref<128x128xf32, #tpu.memory_space<vmem>> -> memref<128x128xf32, #tpu.memory_space<vmem>>
      %dma_start3A_111 = arith.constant 0 : i32
      %dma_start3A_112 = tpu.memref_slice %arg10[%add3A_94, %dma_start3A_111] : memref<10112x128xf32, #tpu.memory_space<vmem_shared>> -> memref<128x128xf32, #tpu.memory_space<vmem_shared>>
      tpu.enqueue_dma source(%dma_start3A_112 : memref<128x128xf32, #tpu.memory_space<vmem_shared>>) target(%dma_start3A_110 : memref<128x128xf32, #tpu.memory_space<vmem>>) target_semaphore(%run_scoped3A : memref<!tpu.dma_semaphore, #tpu.memory_space<semaphore_mem>>)
      %dma_wait3A = arith.constant 0 : i32
      %dma_wait3A_113 = arith.constant 0 : i32
      %dma_wait3A_114 = tpu.memref_slice %arg8[%dma_wait3A, %dma_wait3A_113] : memref<128x128xf32, #tpu.memory_space<vmem>> -> memref<128x128xf32, #tpu.memory_space<vmem>>
      %dma_wait3A_115 = arith.constant 0 : i32
      %dma_wait3A_116 = tpu.memref_slice %arg10[%add3A_94, %dma_wait3A_115] : memref<10112x128xf32, #tpu.memory_space<vmem_shared>> -> memref<128x128xf32, #tpu.memory_space<vmem_shared>>
      %dma_wait3A_117 = arith.constant 0 : i32
      %dma_wait3A_118 = arith.constant 0 : i32
      %dma_wait3A_119 = tpu.memref_slice %arg8[%dma_wait3A_117, %dma_wait3A_118] : memref<128x128xf32, #tpu.memory_space<vmem>> -> memref<128x128xf32, #tpu.memory_space<vmem>>
      %dma_wait3A_120 = arith.constant 0 : i32
      %dma_wait3A_121 = tpu.memref_slice %arg10[%add3A_94, %dma_wait3A_120] : memref<10112x128xf32, #tpu.memory_space<vmem_shared>> -> memref<128x128xf32, #tpu.memory_space<vmem_shared>>
      tpu.wait_dma2 semaphore(%run_scoped3A : memref<!tpu.dma_semaphore, #tpu.memory_space<semaphore_mem>>) src(%dma_wait3A_121 : memref<128x128xf32, #tpu.memory_space<vmem_shared>>) dst(%dma_wait3A_119 : memref<128x128xf32, #tpu.memory_space<vmem>>)
      tpu.yield
    }) : () -> ()
    "tpu.region"() ({
      %run_scoped3A = tpu.sem_alloc : memref<!tpu.dma_semaphore, #tpu.memory_space<semaphore_mem>>
      %dma_start3A_103 = arith.constant 0 : i32
      %dma_start3A_104 = arith.constant 0 : i32
      %dma_start3A_105 = tpu.memref_slice %arg8[%dma_start3A_103, %dma_start3A_104] : memref<128x128xf32, #tpu.memory_space<vmem>> -> memref<128x128xf32, #tpu.memory_space<vmem>>
      %dma_start3A_106 = arith.constant 0 : i32
      %dma_start3A_107 = tpu.memref_slice %arg5[%arg0, %add3A_94, %dma_start3A_106] : memref<2x10112x128xf32, #tpu.memory_space<hbm>> -> memref<1x128x128xf32, #tpu.memory_space<hbm>>
      %dma_start3A_108 = tpu.memref_squeeze %dma_start3A_107 : memref<1x128x128xf32, #tpu.memory_space<hbm>> -> memref<128x128xf32, #tpu.memory_space<hbm>>
      %dma_start3A_109 = arith.constant 0 : i32
      %dma_start3A_110 = tpu.memref_slice %arg5[%arg0, %add3A_94, %dma_start3A_109] : memref<2x10112x128xf32, #tpu.memory_space<hbm>> -> memref<1x128x128xf32, #tpu.memory_space<hbm>>
      %dma_start3A_111 = tpu.memref_squeeze %dma_start3A_110 : memref<1x128x128xf32, #tpu.memory_space<hbm>> -> memref<128x128xf32, #tpu.memory_space<hbm>>
      %dma_start3A_112 = arith.constant 0 : i32
      %dma_start3A_113 = arith.constant 0 : i32
      %dma_start3A_114 = tpu.memref_slice %arg8[%dma_start3A_112, %dma_start3A_113] : memref<128x128xf32, #tpu.memory_space<vmem>> -> memref<128x128xf32, #tpu.memory_space<vmem>>
      tpu.enqueue_dma source(%dma_start3A_114 : memref<128x128xf32, #tpu.memory_space<vmem>>) target(%dma_start3A_111 : memref<128x128xf32, #tpu.memory_space<hbm>>) target_semaphore(%run_scoped3A : memref<!tpu.dma_semaphore, #tpu.memory_space<semaphore_mem>>)
      %dma_wait3A = arith.constant 0 : i32
      %dma_wait3A_115 = arith.constant 0 : i32
      %dma_wait3A_116 = tpu.memref_slice %arg8[%dma_wait3A, %dma_wait3A_115] : memref<128x128xf32, #tpu.memory_space<vmem>> -> memref<128x128xf32, #tpu.memory_space<vmem>>
      %dma_wait3A_117 = arith.constant 0 : i32
      %dma_wait3A_118 = tpu.memref_slice %arg5[%arg0, %add3A_94, %dma_wait3A_117] : memref<2x10112x128xf32, #tpu.memory_space<hbm>> -> memref<1x128x128xf32, #tpu.memory_space<hbm>>
      %dma_wait3A_119 = tpu.memref_squeeze %dma_wait3A_118 : memref<1x128x128xf32, #tpu.memory_space<hbm>> -> memref<128x128xf32, #tpu.memory_space<hbm>>
      %dma_wait3A_120 = arith.constant 0 : i32
      %dma_wait3A_121 = tpu.memref_slice %arg5[%arg0, %add3A_94, %dma_wait3A_120] : memref<2x10112x128xf32, #tpu.memory_space<hbm>> -> memref<1x128x128xf32, #tpu.memory_space<hbm>>
      %dma_wait3A_122 = tpu.memref_squeeze %dma_wait3A_121 : memref<1x128x128xf32, #tpu.memory_space<hbm>> -> memref<128x128xf32, #tpu.memory_space<hbm>>
      %dma_wait3A_123 = arith.constant 0 : i32
      %dma_wait3A_124 = arith.constant 0 : i32
      %dma_wait3A_125 = tpu.memref_slice %arg8[%dma_wait3A_123, %dma_wait3A_124] : memref<128x128xf32, #tpu.memory_space<vmem>> -> memref<128x128xf32, #tpu.memory_space<vmem>>
      tpu.wait_dma2 semaphore(%run_scoped3A : memref<!tpu.dma_semaphore, #tpu.memory_space<semaphore_mem>>) src(%dma_wait3A_125 : memref<128x128xf32, #tpu.memory_space<vmem>>) dst(%dma_wait3A_122 : memref<128x128xf32, #tpu.memory_space<hbm>>)
      tpu.yield
    }) : () -> ()
    %mul3A_95 = arith.constant 632 : i32
    %mul3A_96 = arith.muli %arg1, %mul3A_95 : i32
    %add3A_97 = arith.constant 384 : i32
    %add3A_98 = arith.addi %mul3A_96, %add3A_97 : i32
    "tpu.region"() ({
      %run_scoped3A = tpu.sem_alloc : memref<!tpu.dma_semaphore, #tpu.memory_space<semaphore_mem>>
      %dma_start3A_103 = arith.constant 0 : i32
      %dma_start3A_104 = arith.constant 0 : i32
      %dma_start3A_105 = tpu.memref_slice %arg8[%dma_start3A_103, %dma_start3A_104] : memref<128x128xf32, #tpu.memory_space<vmem>> -> memref<128x128xf32, #tpu.memory_space<vmem>>
      %dma_start3A_106 = arith.constant 0 : i32
      %dma_start3A_107 = tpu.memref_slice %arg10[%add3A_98, %dma_start3A_106] : memref<10112x128xf32, #tpu.memory_space<vmem_shared>> -> memref<128x128xf32, #tpu.memory_space<vmem_shared>>
      %dma_start3A_108 = arith.constant 0 : i32
      %dma_start3A_109 = arith.constant 0 : i32
      %dma_start3A_110 = tpu.memref_slice %arg8[%dma_start3A_108, %dma_start3A_109] : memref<128x128xf32, #tpu.memory_space<vmem>> -> memref<128x128xf32, #tpu.memory_space<vmem>>
      %dma_start3A_111 = arith.constant 0 : i32
      %dma_start3A_112 = tpu.memref_slice %arg10[%add3A_98, %dma_start3A_111] : memref<10112x128xf32, #tpu.memory_space<vmem_shared>> -> memref<128x128xf32, #tpu.memory_space<vmem_shared>>
      tpu.enqueue_dma source(%dma_start3A_112 : memref<128x128xf32, #tpu.memory_space<vmem_shared>>) target(%dma_start3A_110 : memref<128x128xf32, #tpu.memory_space<vmem>>) target_semaphore(%run_scoped3A : memref<!tpu.dma_semaphore, #tpu.memory_space<semaphore_mem>>)
      %dma_wait3A = arith.constant 0 : i32
      %dma_wait3A_113 = arith.constant 0 : i32
      %dma_wait3A_114 = tpu.memref_slice %arg8[%dma_wait3A, %dma_wait3A_113] : memref<128x128xf32, #tpu.memory_space<vmem>> -> memref<128x128xf32, #tpu.memory_space<vmem>>
      %dma_wait3A_115 = arith.constant 0 : i32
      %dma_wait3A_116 = tpu.memref_slice %arg10[%add3A_98, %dma_wait3A_115] : memref<10112x128xf32, #tpu.memory_space<vmem_shared>> -> memref<128x128xf32, #tpu.memory_space<vmem_shared>>
      %dma_wait3A_117 = arith.constant 0 : i32
      %dma_wait3A_118 = arith.constant 0 : i32
      %dma_wait3A_119 = tpu.memref_slice %arg8[%dma_wait3A_117, %dma_wait3A_118] : memref<128x128xf32, #tpu.memory_space<vmem>> -> memref<128x128xf32, #tpu.memory_space<vmem>>
      %dma_wait3A_120 = arith.constant 0 : i32
      %dma_wait3A_121 = tpu.memref_slice %arg10[%add3A_98, %dma_wait3A_120] : memref<10112x128xf32, #tpu.memory_space<vmem_shared>> -> memref<128x128xf32, #tpu.memory_space<vmem_shared>>
      tpu.wait_dma2 semaphore(%run_scoped3A : memref<!tpu.dma_semaphore, #tpu.memory_space<semaphore_mem>>) src(%dma_wait3A_121 : memref<128x128xf32, #tpu.memory_space<vmem_shared>>) dst(%dma_wait3A_119 : memref<128x128xf32, #tpu.memory_space<vmem>>)
      tpu.yield
    }) : () -> ()
    "tpu.region"() ({
      %run_scoped3A = tpu.sem_alloc : memref<!tpu.dma_semaphore, #tpu.memory_space<semaphore_mem>>
      %dma_start3A_103 = arith.constant 0 : i32
      %dma_start3A_104 = arith.constant 0 : i32
      %dma_start3A_105 = tpu.memref_slice %arg8[%dma_start3A_103, %dma_start3A_104] : memref<128x128xf32, #tpu.memory_space<vmem>> -> memref<128x128xf32, #tpu.memory_space<vmem>>
      %dma_start3A_106 = arith.constant 0 : i32
      %dma_start3A_107 = tpu.memref_slice %arg5[%arg0, %add3A_98, %dma_start3A_106] : memref<2x10112x128xf32, #tpu.memory_space<hbm>> -> memref<1x128x128xf32, #tpu.memory_space<hbm>>
      %dma_start3A_108 = tpu.memref_squeeze %dma_start3A_107 : memref<1x128x128xf32, #tpu.memory_space<hbm>> -> memref<128x128xf32, #tpu.memory_space<hbm>>
      %dma_start3A_109 = arith.constant 0 : i32
      %dma_start3A_110 = tpu.memref_slice %arg5[%arg0, %add3A_98, %dma_start3A_109] : memref<2x10112x128xf32, #tpu.memory_space<hbm>> -> memref<1x128x128xf32, #tpu.memory_space<hbm>>
      %dma_start3A_111 = tpu.memref_squeeze %dma_start3A_110 : memref<1x128x128xf32, #tpu.memory_space<hbm>> -> memref<128x128xf32, #tpu.memory_space<hbm>>
      %dma_start3A_112 = arith.constant 0 : i32
      %dma_start3A_113 = arith.constant 0 : i32
      %dma_start3A_114 = tpu.memref_slice %arg8[%dma_start3A_112, %dma_start3A_113] : memref<128x128xf32, #tpu.memory_space<vmem>> -> memref<128x128xf32, #tpu.memory_space<vmem>>
      tpu.enqueue_dma source(%dma_start3A_114 : memref<128x128xf32, #tpu.memory_space<vmem>>) target(%dma_start3A_111 : memref<128x128xf32, #tpu.memory_space<hbm>>) target_semaphore(%run_scoped3A : memref<!tpu.dma_semaphore, #tpu.memory_space<semaphore_mem>>)
      %dma_wait3A = arith.constant 0 : i32
      %dma_wait3A_115 = arith.constant 0 : i32
      %dma_wait3A_116 = tpu.memref_slice %arg8[%dma_wait3A, %dma_wait3A_115] : memref<128x128xf32, #tpu.memory_space<vmem>> -> memref<128x128xf32, #tpu.memory_space<vmem>>
      %dma_wait3A_117 = arith.constant 0 : i32
      %dma_wait3A_118 = tpu.memref_slice %arg5[%arg0, %add3A_98, %dma_wait3A_117] : memref<2x10112x128xf32, #tpu.memory_space<hbm>> -> memref<1x128x128xf32, #tpu.memory_space<hbm>>
      %dma_wait3A_119 = tpu.memref_squeeze %dma_wait3A_118 : memref<1x128x128xf32, #tpu.memory_space<hbm>> -> memref<128x128xf32, #tpu.memory_space<hbm>>
      %dma_wait3A_120 = arith.constant 0 : i32
      %dma_wait3A_121 = tpu.memref_slice %arg5[%arg0, %add3A_98, %dma_wait3A_120] : memref<2x10112x128xf32, #tpu.memory_space<hbm>> -> memref<1x128x128xf32, #tpu.memory_space<hbm>>
      %dma_wait3A_122 = tpu.memref_squeeze %dma_wait3A_121 : memref<1x128x128xf32, #tpu.memory_space<hbm>> -> memref<128x128xf32, #tpu.memory_space<hbm>>
      %dma_wait3A_123 = arith.constant 0 : i32
      %dma_wait3A_124 = arith.constant 0 : i32
      %dma_wait3A_125 = tpu.memref_slice %arg8[%dma_wait3A_123, %dma_wait3A_124] : memref<128x128xf32, #tpu.memory_space<vmem>> -> memref<128x128xf32, #tpu.memory_space<vmem>>
      tpu.wait_dma2 semaphore(%run_scoped3A : memref<!tpu.dma_semaphore, #tpu.memory_space<semaphore_mem>>) src(%dma_wait3A_125 : memref<128x128xf32, #tpu.memory_space<vmem>>) dst(%dma_wait3A_122 : memref<128x128xf32, #tpu.memory_space<hbm>>)
      tpu.yield
    }) : () -> ()
    %mul3A_99 = arith.constant 632 : i32
    %mul3A_100 = arith.muli %arg1, %mul3A_99 : i32
    %add3A_101 = arith.constant 512 : i32
    %add3A_102 = arith.addi %mul3A_100, %add3A_101 : i32
    "tpu.region"() ({
      %run_scoped3A = tpu.sem_alloc : memref<!tpu.dma_semaphore, #tpu.memory_space<semaphore_mem>>
      %dma_start3A_103 = arith.constant 0 : i32
      %dma_start3A_104 = arith.constant 0 : i32
      %dma_start3A_105 = tpu.memref_slice %arg8[%dma_start3A_103, %dma_start3A_104] : memref<128x128xf32, #tpu.memory_space<vmem>> -> memref<120x128xf32, #tpu.memory_space<vmem>>
      %dma_start3A_106 = arith.constant 0 : i32
      %dma_start3A_107 = tpu.memref_slice %arg10[%add3A_102, %dma_start3A_106] : memref<10112x128xf32, #tpu.memory_space<vmem_shared>> -> memref<120x128xf32, #tpu.memory_space<vmem_shared>>
      %dma_start3A_108 = arith.constant 0 : i32
      %dma_start3A_109 = arith.constant 0 : i32
      %dma_start3A_110 = tpu.memref_slice %arg8[%dma_start3A_108, %dma_start3A_109] : memref<128x128xf32, #tpu.memory_space<vmem>> -> memref<120x128xf32, #tpu.memory_space<vmem>>
      %dma_start3A_111 = arith.constant 0 : i32
      %dma_start3A_112 = tpu.memref_slice %arg10[%add3A_102, %dma_start3A_111] : memref<10112x128xf32, #tpu.memory_space<vmem_shared>> -> memref<120x128xf32, #tpu.memory_space<vmem_shared>>
      tpu.enqueue_dma source(%dma_start3A_112 : memref<120x128xf32, #tpu.memory_space<vmem_shared>>) target(%dma_start3A_110 : memref<120x128xf32, #tpu.memory_space<vmem>>) target_semaphore(%run_scoped3A : memref<!tpu.dma_semaphore, #tpu.memory_space<semaphore_mem>>)
      %dma_wait3A = arith.constant 0 : i32
      %dma_wait3A_113 = arith.constant 0 : i32
      %dma_wait3A_114 = tpu.memref_slice %arg8[%dma_wait3A, %dma_wait3A_113] : memref<128x128xf32, #tpu.memory_space<vmem>> -> memref<120x128xf32, #tpu.memory_space<vmem>>
      %dma_wait3A_115 = arith.constant 0 : i32
      %dma_wait3A_116 = tpu.memref_slice %arg10[%add3A_102, %dma_wait3A_115] : memref<10112x128xf32, #tpu.memory_space<vmem_shared>> -> memref<120x128xf32, #tpu.memory_space<vmem_shared>>
      %dma_wait3A_117 = arith.constant 0 : i32
      %dma_wait3A_118 = arith.constant 0 : i32
      %dma_wait3A_119 = tpu.memref_slice %arg8[%dma_wait3A_117, %dma_wait3A_118] : memref<128x128xf32, #tpu.memory_space<vmem>> -> memref<120x128xf32, #tpu.memory_space<vmem>>
      %dma_wait3A_120 = arith.constant 0 : i32
      %dma_wait3A_121 = tpu.memref_slice %arg10[%add3A_102, %dma_wait3A_120] : memref<10112x128xf32, #tpu.memory_space<vmem_shared>> -> memref<120x128xf32, #tpu.memory_space<vmem_shared>>
      tpu.wait_dma2 semaphore(%run_scoped3A : memref<!tpu.dma_semaphore, #tpu.memory_space<semaphore_mem>>) src(%dma_wait3A_121 : memref<120x128xf32, #tpu.memory_space<vmem_shared>>) dst(%dma_wait3A_119 : memref<120x128xf32, #tpu.memory_space<vmem>>)
      tpu.yield
    }) : () -> ()
    "tpu.region"() ({
      %run_scoped3A = tpu.sem_alloc : memref<!tpu.dma_semaphore, #tpu.memory_space<semaphore_mem>>
      %dma_start3A_103 = arith.constant 0 : i32
      %dma_start3A_104 = arith.constant 0 : i32
      %dma_start3A_105 = tpu.memref_slice %arg8[%dma_start3A_103, %dma_start3A_104] : memref<128x128xf32, #tpu.memory_space<vmem>> -> memref<120x128xf32, #tpu.memory_space<vmem>>
      %dma_start3A_106 = arith.constant 0 : i32
      %dma_start3A_107 = tpu.memref_slice %arg5[%arg0, %add3A_102, %dma_start3A_106] : memref<2x10112x128xf32, #tpu.memory_space<hbm>> -> memref<1x120x128xf32, #tpu.memory_space<hbm>>
      %dma_start3A_108 = tpu.memref_squeeze %dma_start3A_107 : memref<1x120x128xf32, #tpu.memory_space<hbm>> -> memref<120x128xf32, #tpu.memory_space<hbm>>
      %dma_start3A_109 = arith.constant 0 : i32
      %dma_start3A_110 = tpu.memref_slice %arg5[%arg0, %add3A_102, %dma_start3A_109] : memref<2x10112x128xf32, #tpu.memory_space<hbm>> -> memref<1x120x128xf32, #tpu.memory_space<hbm>>
      %dma_start3A_111 = tpu.memref_squeeze %dma_start3A_110 : memref<1x120x128xf32, #tpu.memory_space<hbm>> -> memref<120x128xf32, #tpu.memory_space<hbm>>
      %dma_start3A_112 = arith.constant 0 : i32
      %dma_start3A_113 = arith.constant 0 : i32
      %dma_start3A_114 = tpu.memref_slice %arg8[%dma_start3A_112, %dma_start3A_113] : memref<128x128xf32, #tpu.memory_space<vmem>> -> memref<120x128xf32, #tpu.memory_space<vmem>>
      tpu.enqueue_dma source(%dma_start3A_114 : memref<120x128xf32, #tpu.memory_space<vmem>>) target(%dma_start3A_111 : memref<120x128xf32, #tpu.memory_space<hbm>>) target_semaphore(%run_scoped3A : memref<!tpu.dma_semaphore, #tpu.memory_space<semaphore_mem>>)
      %dma_wait3A = arith.constant 0 : i32
      %dma_wait3A_115 = arith.constant 0 : i32
      %dma_wait3A_116 = tpu.memref_slice %arg8[%dma_wait3A, %dma_wait3A_115] : memref<128x128xf32, #tpu.memory_space<vmem>> -> memref<120x128xf32, #tpu.memory_space<vmem>>
      %dma_wait3A_117 = arith.constant 0 : i32
      %dma_wait3A_118 = tpu.memref_slice %arg5[%arg0, %add3A_102, %dma_wait3A_117] : memref<2x10112x128xf32, #tpu.memory_space<hbm>> -> memref<1x120x128xf32, #tpu.memory_space<hbm>>
      %dma_wait3A_119 = tpu.memref_squeeze %dma_wait3A_118 : memref<1x120x128xf32, #tpu.memory_space<hbm>> -> memref<120x128xf32, #tpu.memory_space<hbm>>
      %dma_wait3A_120 = arith.constant 0 : i32
      %dma_wait3A_121 = tpu.memref_slice %arg5[%arg0, %add3A_102, %dma_wait3A_120] : memref<2x10112x128xf32, #tpu.memory_space<hbm>> -> memref<1x120x128xf32, #tpu.memory_space<hbm>>
      %dma_wait3A_122 = tpu.memref_squeeze %dma_wait3A_121 : memref<1x120x128xf32, #tpu.memory_space<hbm>> -> memref<120x128xf32, #tpu.memory_space<hbm>>
      %dma_wait3A_123 = arith.constant 0 : i32
      %dma_wait3A_124 = arith.constant 0 : i32
      %dma_wait3A_125 = tpu.memref_slice %arg8[%dma_wait3A_123, %dma_wait3A_124] : memref<128x128xf32, #tpu.memory_space<vmem>> -> memref<120x128xf32, #tpu.memory_space<vmem>>
      tpu.wait_dma2 semaphore(%run_scoped3A : memref<!tpu.dma_semaphore, #tpu.memory_space<semaphore_mem>>) src(%dma_wait3A_125 : memref<120x128xf32, #tpu.memory_space<vmem>>) dst(%dma_wait3A_122 : memref<120x128xf32, #tpu.memory_space<hbm>>)
      tpu.yield
    }) : () -> ()
    return
  }
}

module attributes {stable_mosaic.version = 14 : i64} {
  func.func @_mm_body(%arg0: i32, %arg1: memref<5x2000xf32, #tpu.memory_space<vmem>>, %arg2: memref<2000x256xf32, #tpu.memory_space<vmem>>, %arg3: memref<256x256xf32, #tpu.memory_space<vmem>>, %arg4: memref<2000x256xf32, #tpu.memory_space<vmem>>) attributes {dimension_semantics = [#tpu.dimension_semantics<arbitrary>], iteration_bounds = array<i64: 5>, scalar_prefetch = 0 : i64, scratch_operands = 0 : i64, tpu.core_type = #tpu.core_type<tc>, window_params = [{pipeline_mode = #tpu.pipeline_mode<synchronous>, transform_indices = @transform_0, window_bounds = array<i64: 5, 2000>}, {transform_indices = @transform_1, window_bounds = array<i64: 2000, 256>}, {pipeline_mode = #tpu.pipeline_mode<synchronous>, transform_indices = @transform_2, window_bounds = array<i64: 256, 256>}, {transform_indices = @transform_3, window_bounds = array<i64: 2000, 256>}]} {
    %get3A = arith.index_cast %arg0 : i32 to index
    %get3A_0 = arith.constant 0 : index
    %get3A_1 = vector.load %arg1[%get3A, %get3A_0] : memref<5x2000xf32, #tpu.memory_space<vmem>>, vector<1x2000xf32>
    %get3A_2 = vector.shape_cast %get3A_1 : vector<1x2000xf32> to vector<2000xf32>
    %broadcast_in_dim3A = vector.shape_cast %get3A_2 : vector<2000xf32> to vector<2000x1xf32>
    %get3A_3 = arith.constant 0 : index
    %get3A_4 = arith.constant 0 : index
    %get3A_5 = vector.load %arg2[%get3A_3, %get3A_4] : memref<2000x256xf32, #tpu.memory_space<vmem>>, vector<2000x256xf32>
    %get3A_6 = arith.constant 0 : index
    %get3A_7 = arith.constant 0 : index
    %get3A_8 = vector.load %arg3[%get3A_6, %get3A_7] : memref<256x256xf32, #tpu.memory_space<vmem>>, vector<256x256xf32>
    %dot_general3A = arith.constant dense<0.000000e+00> : vector<2000x256xf32>
    %dot_general3A_9 = tpu.matmul %get3A_5, %get3A_8, %dot_general3A {dimension_numbers = #tpu.dot_dimension_numbers<[1], [0], [0], [1], [0, 0, 1, 1], [], []>, transpose_lhs_hint = false} : vector<2000x256xf32>, vector<256x256xf32>, vector<2000x256xf32> -> vector<2000x256xf32>
    %mul3A = vector.broadcast %broadcast_in_dim3A : vector<2000x1xf32> to vector<2000x256xf32>
    %mul3A_10 = arith.mulf %mul3A, %dot_general3A_9 : vector<2000x256xf32>
    %swap3A = arith.constant 0 : index
    %swap3A_11 = arith.constant 0 : index
    %swap3A_12 = vector.load %arg4[%swap3A, %swap3A_11] : memref<2000x256xf32, #tpu.memory_space<vmem>>, vector<2000x256xf32>
    tpu.vector_store %arg4[%swap3A, %swap3A_11], %mul3A_10 {strides = array<i32>} : memref<2000x256xf32, #tpu.memory_space<vmem>>, vector<2000x256xf32>,
    return
  }
  func.func @transform_0(%arg0: i32) -> (i32, i32) {
    %c0_i32 = arith.constant 0 : i32
    %c0_i32_0 = arith.constant 0 : i32
    %c0_i32_1 = arith.constant 0 : i32
    return %c0_i32, %c0_i32_0 : i32, i32
  }
  func.func @transform_1(%arg0: i32) -> (i32, i32) {
    %c0_i32 = arith.constant 0 : i32
    %c0_i32_0 = arith.constant 0 : i32
    return %arg0, %c0_i32 : i32, i32
  }
  func.func @transform_2(%arg0: i32) -> (i32, i32) {
    %c0_i32 = arith.constant 0 : i32
    %c0_i32_0 = arith.constant 0 : i32
    %c0_i32_1 = arith.constant 0 : i32
    return %c0_i32, %c0_i32_0 : i32, i32
  }
  func.func @transform_3(%arg0: i32) -> (i32, i32) {
    %c0_i32 = arith.constant 0 : i32
    %c0_i32_0 = arith.constant 0 : i32
    return %arg0, %c0_i32 : i32, i32
  }
}

module attributes {stable_mosaic.version = 14 : i64} {
  func.func @_stats_body(%arg0: i32, %arg1: memref<5x2000xf32, #tpu.memory_space<vmem>>, %arg2: memref<1x2000x128xf32, #tpu.memory_space<vmem>>, %arg3: memref<1x2000x128xf32, #tpu.memory_space<vmem>>, %arg4: memref<2000x256xf32, #tpu.memory_space<vmem>>, %arg5: memref<1x256xf32, #tpu.memory_space<vmem>>, %arg6: memref<2000x256xf32, #tpu.memory_space<vmem>>, %arg7: memref<1x256xf32, #tpu.memory_space<vmem>>, %arg8: memref<1x256xf32, #tpu.memory_space<vmem>>) attributes {dimension_semantics = [#tpu.dimension_semantics<arbitrary>], iteration_bounds = array<i64: 5>, scalar_prefetch = 0 : i64, scratch_operands = 0 : i64, tpu.core_type = #tpu.core_type<tc>, window_params = [{pipeline_mode = #tpu.pipeline_mode<synchronous>, transform_indices = @transform_0, window_bounds = array<i64: 5, 2000>}, {transform_indices = @transform_1, window_bounds = array<i64: 1, 2000, 128>}, {transform_indices = @transform_2, window_bounds = array<i64: 1, 2000, 128>}, {transform_indices = @transform_3, window_bounds = array<i64: 2000, 256>}, {pipeline_mode = #tpu.pipeline_mode<synchronous>, transform_indices = @transform_4, window_bounds = array<i64: 1, 256>}, {transform_indices = @transform_5, window_bounds = array<i64: 2000, 256>}, {pipeline_mode = #tpu.pipeline_mode<synchronous>, transform_indices = @transform_6, window_bounds = array<i64: 1, 256>}, {pipeline_mode = #tpu.pipeline_mode<synchronous>, transform_indices = @transform_7, window_bounds = array<i64: 1, 256>}]} {
    %get3A = arith.constant 0 : index
    %get3A_0 = arith.constant 0 : index
    %get3A_1 = arith.constant 0 : index
    %get3A_2 = vector.load %arg2[%get3A, %get3A_0, %get3A_1] : memref<1x2000x128xf32, #tpu.memory_space<vmem>>, vector<1x2000x128xf32>
    %get3A_3 = vector.shape_cast %get3A_2 : vector<1x2000x128xf32> to vector<2000x128xf32>
    %get3A_4 = arith.constant 0 : index
    %get3A_5 = arith.constant 0 : index
    %get3A_6 = arith.constant 0 : index
    %get3A_7 = vector.load %arg3[%get3A_4, %get3A_5, %get3A_6] : memref<1x2000x128xf32, #tpu.memory_space<vmem>>, vector<1x2000x128xf32>
    %get3A_8 = vector.shape_cast %get3A_7 : vector<1x2000x128xf32> to vector<2000x128xf32>
    %concatenate3A = tpu.concatenate %get3A_3, %get3A_8 in 1 : vector<2000x128xf32>, vector<2000x128xf32> -> vector<2000x256xf32>
    %get3A_9 = arith.constant 0 : index
    %get3A_10 = arith.constant 0 : index
    %get3A_11 = vector.load %arg4[%get3A_9, %get3A_10] : memref<2000x256xf32, #tpu.memory_space<vmem>>, vector<2000x256xf32>
    %add3A = arith.addf %concatenate3A, %get3A_11 : vector<2000x256xf32>
    %get3A_12 = arith.index_cast %arg0 : i32 to index
    %get3A_13 = arith.constant 0 : index
    %get3A_14 = vector.load %arg1[%get3A_12, %get3A_13] : memref<5x2000xf32, #tpu.memory_space<vmem>>, vector<1x2000xf32>
    %get3A_15 = vector.shape_cast %get3A_14 : vector<1x2000xf32> to vector<2000xf32>
    %broadcast_in_dim3A = vector.shape_cast %get3A_15 : vector<2000xf32> to vector<2000x1xf32>
    %mul3A = vector.broadcast %broadcast_in_dim3A : vector<2000x1xf32> to vector<2000x256xf32>
    %mul3A_16 = arith.mulf %mul3A, %add3A : vector<2000x256xf32>
    %get3A_17 = arith.constant 0 : index
    %get3A_18 = arith.constant 0 : index
    %get3A_19 = vector.load %arg5[%get3A_17, %get3A_18] : memref<1x256xf32, #tpu.memory_space<vmem>>, vector<1x256xf32>
    %add3A_20 = vector.broadcast %get3A_19 : vector<1x256xf32> to vector<2000x256xf32>
    %add3A_21 = arith.addf %mul3A_16, %add3A_20 : vector<2000x256xf32>
    %swap3A = arith.constant 0 : index
    %swap3A_22 = arith.constant 0 : index
    %swap3A_23 = vector.load %arg6[%swap3A, %swap3A_22] : memref<2000x256xf32, #tpu.memory_space<vmem>>, vector<2000x256xf32>
    tpu.vector_store %arg6[%swap3A, %swap3A_22], %add3A_21 {strides = array<i32>} : memref<2000x256xf32, #tpu.memory_space<vmem>>, vector<2000x256xf32>,
    %eq3A = arith.constant 0 : i32
    %eq3A_24 = arith.cmpi eq, %arg0, %eq3A : i32
    %convert_element_type3A = arith.extui %eq3A_24 : i1 to i32
    %cond3A = arith.constant 0 : i32
    %cond3A_25 = arith.cmpi ne, %convert_element_type3A, %cond3A : i32
    scf.if %cond3A_25 {
      %broadcast_in_dim3A_46 = arith.constant 0.000000e+00 : f32
      %broadcast_in_dim3A_47 = vector.broadcast %broadcast_in_dim3A_46 : f32 to vector<1x256xf32>
      %swap3A_48 = arith.constant 0 : index
      %swap3A_49 = arith.constant 0 : index
      %swap3A_50 = vector.load %arg7[%swap3A_48, %swap3A_49] : memref<1x256xf32, #tpu.memory_space<vmem>>, vector<1x256xf32>
      tpu.vector_store %arg7[%swap3A_48, %swap3A_49], %broadcast_in_dim3A_47 {strides = array<i32>} : memref<1x256xf32, #tpu.memory_space<vmem>>, vector<1x256xf32>,
      %broadcast_in_dim3A_51 = arith.constant 0.000000e+00 : f32
      %broadcast_in_dim3A_52 = vector.broadcast %broadcast_in_dim3A_51 : f32 to vector<1x256xf32>
      %swap3A_53 = arith.constant 0 : index
      %swap3A_54 = arith.constant 0 : index
      %swap3A_55 = vector.load %arg8[%swap3A_53, %swap3A_54] : memref<1x256xf32, #tpu.memory_space<vmem>>, vector<1x256xf32>
      tpu.vector_store %arg8[%swap3A_53, %swap3A_54], %broadcast_in_dim3A_52 {strides = array<i32>} : memref<1x256xf32, #tpu.memory_space<vmem>>, vector<1x256xf32>,
    } else {
    }
    %get3A_26 = arith.constant 0 : index
    %get3A_27 = arith.constant 0 : index
    %get3A_28 = vector.load %arg7[%get3A_26, %get3A_27] : memref<1x256xf32, #tpu.memory_space<vmem>>, vector<1x256xf32>
    %reduce_sum3A = arith.constant dense<0.000000e+00> : vector<256xf32>
    %reduce_sum3A_29 = vector.multi_reduction <add>, %add3A_21, %reduce_sum3A [0] : vector<2000x256xf32> to vector<256xf32>
    %broadcast_in_dim3A_30 = vector.shape_cast %reduce_sum3A_29 : vector<256xf32> to vector<1x256xf32>
    %add3A_31 = arith.addf %get3A_28, %broadcast_in_dim3A_30 : vector<1x256xf32>
    %swap3A_32 = arith.constant 0 : index
    %swap3A_33 = arith.constant 0 : index
    %swap3A_34 = vector.load %arg7[%swap3A_32, %swap3A_33] : memref<1x256xf32, #tpu.memory_space<vmem>>, vector<1x256xf32>
    tpu.vector_store %arg7[%swap3A_32, %swap3A_33], %add3A_31 {strides = array<i32>} : memref<1x256xf32, #tpu.memory_space<vmem>>, vector<1x256xf32>,
    %get3A_35 = arith.constant 0 : index
    %get3A_36 = arith.constant 0 : index
    %get3A_37 = vector.load %arg8[%get3A_35, %get3A_36] : memref<1x256xf32, #tpu.memory_space<vmem>>, vector<1x256xf32>
    %mul3A_38 = arith.mulf %add3A_21, %add3A_21 : vector<2000x256xf32>
    %reduce_sum3A_39 = arith.constant dense<0.000000e+00> : vector<256xf32>
    %reduce_sum3A_40 = vector.multi_reduction <add>, %mul3A_38, %reduce_sum3A_39 [0] : vector<2000x256xf32> to vector<256xf32>
    %broadcast_in_dim3A_41 = vector.shape_cast %reduce_sum3A_40 : vector<256xf32> to vector<1x256xf32>
    %add3A_42 = arith.addf %get3A_37, %broadcast_in_dim3A_41 : vector<1x256xf32>
    %swap3A_43 = arith.constant 0 : index
    %swap3A_44 = arith.constant 0 : index
    %swap3A_45 = vector.load %arg8[%swap3A_43, %swap3A_44] : memref<1x256xf32, #tpu.memory_space<vmem>>, vector<1x256xf32>
    tpu.vector_store %arg8[%swap3A_43, %swap3A_44], %add3A_42 {strides = array<i32>} : memref<1x256xf32, #tpu.memory_space<vmem>>, vector<1x256xf32>,
    return
  }
  func.func @transform_0(%arg0: i32) -> (i32, i32) {
    %c0_i32 = arith.constant 0 : i32
    %c0_i32_0 = arith.constant 0 : i32
    %c0_i32_1 = arith.constant 0 : i32
    return %c0_i32, %c0_i32_0 : i32, i32
  }
  func.func @transform_1(%arg0: i32) -> (i32, i32, i32) {
    %c0_i32 = arith.constant 0 : i32
    %c0_i32_0 = arith.constant 0 : i32
    %c0_i32_1 = arith.constant 0 : i32
    return %c0_i32, %arg0, %c0_i32_0 : i32, i32, i32
  }
  func.func @transform_2(%arg0: i32) -> (i32, i32, i32) {
    %c1_i32 = arith.constant 1 : i32
    %c0_i32 = arith.constant 0 : i32
    %c0_i32_0 = arith.constant 0 : i32
    return %c1_i32, %arg0, %c0_i32 : i32, i32, i32
  }
  func.func @transform_3(%arg0: i32) -> (i32, i32) {
    %c0_i32 = arith.constant 0 : i32
    %c0_i32_0 = arith.constant 0 : i32
    return %arg0, %c0_i32 : i32, i32
  }
  func.func @transform_4(%arg0: i32) -> (i32, i32) {
    %c0_i32 = arith.constant 0 : i32
    %c0_i32_0 = arith.constant 0 : i32
    %c0_i32_1 = arith.constant 0 : i32
    return %c0_i32, %c0_i32_0 : i32, i32
  }
  func.func @transform_5(%arg0: i32) -> (i32, i32) {
    %c0_i32 = arith.constant 0 : i32
    %c0_i32_0 = arith.constant 0 : i32
    return %arg0, %c0_i32 : i32, i32
  }
  func.func @transform_6(%arg0: i32) -> (i32, i32) {
    %c0_i32 = arith.constant 0 : i32
    %c0_i32_0 = arith.constant 0 : i32
    %c0_i32_1 = arith.constant 0 : i32
    return %c0_i32, %c0_i32_0 : i32, i32
  }
  func.func @transform_7(%arg0: i32) -> (i32, i32) {
    %c0_i32 = arith.constant 0 : i32
    %c0_i32_0 = arith.constant 0 : i32
    %c0_i32_1 = arith.constant 0 : i32
    return %c0_i32, %c0_i32_0 : i32, i32
  }
}

module attributes {stable_mosaic.version = 14 : i64} {
  func.func @_nr_body(%arg0: i32, %arg1: memref<2000x256xf32, #tpu.memory_space<vmem>>, %arg2: memref<1x256xf32, #tpu.memory_space<vmem>>, %arg3: memref<1x256xf32, #tpu.memory_space<vmem>>, %arg4: memref<2000x256xf32, #tpu.memory_space<vmem>>) attributes {dimension_semantics = [#tpu.dimension_semantics<arbitrary>], iteration_bounds = array<i64: 5>, scalar_prefetch = 0 : i64, scratch_operands = 0 : i64, tpu.core_type = #tpu.core_type<tc>, window_params = [{transform_indices = @transform_0, window_bounds = array<i64: 2000, 256>}, {pipeline_mode = #tpu.pipeline_mode<synchronous>, transform_indices = @transform_1, window_bounds = array<i64: 1, 256>}, {pipeline_mode = #tpu.pipeline_mode<synchronous>, transform_indices = @transform_2, window_bounds = array<i64: 1, 256>}, {transform_indices = @transform_3, window_bounds = array<i64: 2000, 256>}]} {
    %get3A = arith.constant 0 : index
    %get3A_0 = arith.constant 0 : index
    %get3A_1 = vector.load %arg2[%get3A, %get3A_0] : memref<1x256xf32, #tpu.memory_space<vmem>>, vector<1x256xf32>
    %div3A = arith.constant 1.000000e+04 : f32
    %div3A_2 = vector.broadcast %div3A : f32 to vector<1x256xf32>
    %div3A_3 = arith.divf %get3A_1, %div3A_2 : vector<1x256xf32>
    %get3A_4 = arith.constant 0 : index
    %get3A_5 = arith.constant 0 : index
    %get3A_6 = vector.load %arg3[%get3A_4, %get3A_5] : memref<1x256xf32, #tpu.memory_space<vmem>>, vector<1x256xf32>
    %reduce_sum3A = vector.shape_cast %get3A_6 : vector<1x256xf32> to vector<1x1x256xf32>
    %reduce_sum3A_7 = arith.constant dense<0.000000e+00> : vector<1xf32>
    %reduce_sum3A_8 = vector.multi_reduction <add>, %reduce_sum3A, %reduce_sum3A_7 [1, 2] : vector<1x1x256xf32> to vector<1xf32>
    %reduce_sum3A_9 = vector.shape_cast %reduce_sum3A_8 : vector<1xf32> to vector<1x1x1xf32>
    %reduce_sum3A_10 = vector.extract %reduce_sum3A_9[0, 0, 0] : f32 from vector<1x1x1xf32>
    %div3A_11 = arith.constant 1.000000e+04 : f32
    %div3A_12 = arith.divf %reduce_sum3A_10, %div3A_11 : f32
    %mul3A = arith.mulf %div3A_3, %div3A_3 : vector<1x256xf32>
    %reduce_sum3A_13 = vector.shape_cast %mul3A : vector<1x256xf32> to vector<1x1x256xf32>
    %reduce_sum3A_14 = arith.constant dense<0.000000e+00> : vector<1xf32>
    %reduce_sum3A_15 = vector.multi_reduction <add>, %reduce_sum3A_13, %reduce_sum3A_14 [1, 2] : vector<1x1x256xf32> to vector<1xf32>
    %reduce_sum3A_16 = vector.shape_cast %reduce_sum3A_15 : vector<1xf32> to vector<1x1x1xf32>
    %reduce_sum3A_17 = vector.extract %reduce_sum3A_16[0, 0, 0] : f32 from vector<1x1x1xf32>
    %sub3A = arith.subf %div3A_12, %reduce_sum3A_17 : f32
    %add3A = arith.constant 9.99999974E-6 : f32
    %add3A_18 = arith.addf %add3A, %sub3A : f32
    %rsqrt3A = math.rsqrt %add3A_18 : f32
    %get3A_19 = arith.constant 0 : index
    %get3A_20 = arith.constant 0 : index
    %get3A_21 = vector.load %arg1[%get3A_19, %get3A_20] : memref<2000x256xf32, #tpu.memory_space<vmem>>, vector<2000x256xf32>
    %sub3A_22 = vector.broadcast %div3A_3 : vector<1x256xf32> to vector<2000x256xf32>
    %sub3A_23 = arith.subf %get3A_21, %sub3A_22 : vector<2000x256xf32>
    %mul3A_24 = vector.broadcast %rsqrt3A : f32 to vector<2000x256xf32>
    %mul3A_25 = arith.mulf %sub3A_23, %mul3A_24 : vector<2000x256xf32>
    %max3A = arith.constant 0.000000e+00 : f32
    %max3A_26 = vector.broadcast %max3A : f32 to vector<2000x256xf32>
    %max3A_27 = arith.maximumf %mul3A_25, %max3A_26 : vector<2000x256xf32>
    %swap3A = arith.constant 0 : index
    %swap3A_28 = arith.constant 0 : index
    %swap3A_29 = vector.load %arg4[%swap3A, %swap3A_28] : memref<2000x256xf32, #tpu.memory_space<vmem>>, vector<2000x256xf32>
    tpu.vector_store %arg4[%swap3A, %swap3A_28], %max3A_27 {strides = array<i32>} : memref<2000x256xf32, #tpu.memory_space<vmem>>, vector<2000x256xf32>,
    return
  }
  func.func @transform_0(%arg0: i32) -> (i32, i32) {
    %c0_i32 = arith.constant 0 : i32
    %c0_i32_0 = arith.constant 0 : i32
    return %arg0, %c0_i32 : i32, i32
  }
  func.func @transform_1(%arg0: i32) -> (i32, i32) {
    %c0_i32 = arith.constant 0 : i32
    %c0_i32_0 = arith.constant 0 : i32
    %c0_i32_1 = arith.constant 0 : i32
    return %c0_i32, %c0_i32_0 : i32, i32
  }
  func.func @transform_2(%arg0: i32) -> (i32, i32) {
    %c0_i32 = arith.constant 0 : i32
    %c0_i32_0 = arith.constant 0 : i32
    %c0_i32_1 = arith.constant 0 : i32
    return %c0_i32, %c0_i32_0 : i32, i32
  }
  func.func @transform_3(%arg0: i32) -> (i32, i32) {
    %c0_i32 = arith.constant 0 : i32
    %c0_i32_0 = arith.constant 0 : i32
    return %arg0, %c0_i32 : i32, i32
  }
}

</mosaic_0001>

<sc_bundles>
// kernel: kernel.10.cloned.1.call-start
scs
__scs_entry_jumppad:
0x0: {  	(pc) =	sbr.rel $0x88, $3  }
0x1: {  	(tag) =	ssettag $0x0;
	lr =	simm.s32 $0x1  }
0x2: {  	[smem:$0x3F9D] =	sst lr;
	_ =	strace $0xD0000000  }
0x3: {  	_ = 	snop  }
0x4: {  	_ = 	snop  }
0x5: {  	_ = 	snop  }
0x6: {  	_ = 	snop  }
0x7: {  	_ = 	snop  }
__scs_overlays_trampoline_lowered:
0x8: {  	[smem:$0x3FAC] =	sst s0  }
0x9: {  	[smem:$0x3FAD] =	sst s1  }
0xa: {  	[smem:$0x3FAE] =	sst s2  }
0xb: {  	[smem:$0x3FAF] =	sst s3  }
0xc: {  	[smem:$0x3FB0] =	sst s4  }
0xd: {  	[smem:$0x3FB1] =	sst s5  }
0xe: {  	[smem:$0x3FB2] =	sst s6  }
0xf: {  	[smem:$0x3FB3] =	sst s7  }
0x10: {  	[smem:$0x3FB4] =	sst s8  }
0x11: {  	[smem:$0x3FB5] =	sst s9;
	s0 =	simm.s32 @!p0 $0x0  }
0x12: {  	s1 =	sld [smem:$0x3F9B];
	s0 =	simm.s32 @p0 $0x1  }
0x13: {  	[smem:$0x3FB6] =	sst s0;
	s0 =	simm.s32 @!p1 $0x0  }
0x14: {  	s2 =	sld [smem:$0x3F9A];
	s0 =	simm.s32 @p1 $0x1  }
0x15: {  	[smem:$0x3FB7] =	sst s0;
	s0 =	simm.s32 @!p2 $0x0  }
0x16: {  	s3 =	sld [smem:$0x3FDB];
	s0 =	simm.s32 @p2 $0x1  }
0x17: {  	s4 =	simm.s32 $0x1BF5;
	[smem:$0x3FB9] =	sst s0  }
0x18: {  	s0 =	sld [smem:$0x3F9C];
	_ =	swait.ge [sflag:s4], $0x0  }
0x19: {  	s7 =	sld [smem:$0x3F9D]  }
0x1a: {  	s8 =	sadd.s32 $0xFFFFE003, lr  }
0x1b: {  	s9 =	sadd.s32 $0xFFFFFEF7, lr;
	s5 =	simm.s32 $0xFFFFFFFF;
	p2 =	slt.u32 s8, $0xFFFFF086  }
0x1c: {  	p1 =	slt.u32 s9, $0xF7A;
	s5 =	simm.s32 @!p2 $0x0  }
0x1d: {  	s5 =	simm.s32 @p1 $0x1;
	p0 =	seq.s32 s7, s2  }
0x1e: {  	s7 =	smul.u32 @!p0 $0xF7A, s2;
	p2 =	seq.s32 @!p0 s5, $0x0  }
0x1f: {  	s9 =	smul.u32 $0xF7A, s1;
	s8 =	simm.s32 @!p0 $0x1BF5;
	p2 =	por !p2, p0  }
0x20: {  	[sflag:s8] =	ssyncset.s32 @!p0 $0xFFFFF086;
	s6 =	sadd.s32 @!p0 s3, s7;
	s7 =	simm.s32 @!p0 $0x108  }
0x21: {  	s3 =	sadd.s32 s3, s9;
	s6 =	sadd.s32 @!p0 $0x88, s6;
	s7 =	simm.s32 @p2 $0x1082  }
0x22: {  	[simem:s7], [sflag:s8] =	dma.local @!p0 [hbm:s6], $0xF7A  }
0x23: {  	s9 =	sor.u32 $0xD0000000, s2;
	s6 =	simm.s32 $0x108;
	_ =	swait.ge @!p0 [sflag:s8], $0x0  }
0x24: {  	s3 =	sadd.s32 $0x88, s3;
	s6 =	simm.s32 @!p1 $0x1082;
	[sflag:s4] =	ssyncset.s32 $0xFFFFF086  }
0x25: {  	[simem:s6], [sflag:s4] =	dma.local [hbm:s3], $0xF7A  }
0x26: {  	[smem:$0x3F9D] =	sst s1;
	(tag) =	ssettag s2;
	_ =	strace s9  }
0x27: {  	s1 =	sld [smem:$0x3FAD]  }
0x28: {  	s2 =	sld [smem:$0x3FAE]  }
0x29: {  	s4 =	sld [smem:$0x3FB0]  }
0x2a: {  	p0 =	seq.s32 s5, $0x0;
	s5 =	sld [smem:$0x3FB1]  }
0x2b: {  	s6 =	sld [smem:$0x3FB2]  }
0x2c: {  	s7 =	sld [smem:$0x3FB3]  }
0x2d: {  	s3 =	simm.s32 $0x108;
	s8 =	sld [smem:$0x3FB4]  }
0x2e: {  	s3 =	simm.s32 @!p0 $0x1082;
	s9 =	sld [smem:$0x3FB5]  }
0x2f: {  	lr =	sadd.s32 s0, s3;
	s0 =	sld [smem:$0x3FAC]  }
0x30: {  	s3 =	sld [smem:$0x3FAF]  }
0x31: {  	[smem:$0x3FB8] =	sst s10  }
0x32: {  	s10 =	sld [smem:$0x3FB6];
	_ =	sdelay $0x3  }
0x33: {  	p0 =	seq.s32 s10, $0x1;
	s10 =	sld [smem:$0x3FB8];
	_ =	sdelay $0x3  }
0x34: {  	[smem:$0x3FB8] =	sst s10  }
0x35: {  	s10 =	sld [smem:$0x3FB7];
	_ =	sdelay $0x3  }
0x36: {  	p1 =	seq.s32 s10, $0x1;
	s10 =	sld [smem:$0x3FB8];
	_ =	sdelay $0x3  }
0x37: {  	[smem:$0x3FB8] =	sst s10  }
0x38: {  	s10 =	sld [smem:$0x3FB9]  }
0x39: {  	_ = 	snop;
	(pc) =	sbr.ind lr, $3  }
0x3a: {  	_ = 	snop  }
0x3b: {  	_ = 	snop  }
0x3c: {  	p2 =	seq.s32 s10, $0x1;
	s10 =	sld [smem:$0x3FB8]  }
0x3d: {  	_ =	shalt  }
0x3e: {  	_ =	shalt  }
0x3f: {  	_ =	shalt  }
0x40: {  	_ =	shalt  }
0x41: {  	_ =	shalt  }
0x42: {  	_ =	shalt  }
0x43: {  	_ =	shalt  }
0x44: {  	_ =	shalt  }
0x45: {  	_ =	shalt  }
0x46: {  	_ =	shalt  }
0x47: {  	_ =	shalt  }
0x48: {  	_ =	shalt  }
0x49: {  	_ =	shalt  }
0x4a: {  	_ =	shalt  }
0x4b: {  	_ =	shalt  }
0x4c: {  	_ =	shalt  }
0x4d: {  	_ =	shalt  }
0x4e: {  	_ =	shalt  }
0x4f: {  	_ =	shalt  }
0x50: {  	_ =	shalt  }
0x51: {  	_ =	shalt  }
0x52: {  	_ =	shalt  }
0x53: {  	_ =	shalt  }
0x54: {  	_ =	shalt  }
0x55: {  	_ =	shalt  }
0x56: {  	_ =	shalt  }
0x57: {  	_ =	shalt  }
0x58: {  	_ =	shalt  }
0x59: {  	_ =	shalt  }
0x5a: {  	_ =	shalt  }
0x5b: {  	_ =	shalt  }
0x5c: {  	_ =	shalt  }
0x5d: {  	_ =	shalt  }
0x5e: {  	_ =	shalt  }
0x5f: {  	_ =	shalt  }
0x60: {  	_ =	shalt  }
0x61: {  	_ =	shalt  }
0x62: {  	_ =	shalt  }
0x63: {  	_ =	shalt  }
0x64: {  	_ =	shalt  }
0x65: {  	_ =	shalt  }
0x66: {  	_ =	shalt  }
0x67: {  	_ =	shalt  }
0x68: {  	_ =	shalt  }
0x69: {  	_ =	shalt  }
0x6a: {  	_ =	shalt  }
0x6b: {  	_ =	shalt  }
0x6c: {  	_ =	shalt  }
0x6d: {  	_ =	shalt  }
0x6e: {  	_ =	shalt  }
0x6f: {  	_ =	shalt  }
0x70: {  	_ =	shalt  }
0x71: {  	_ =	shalt  }
0x72: {  	_ =	shalt  }
0x73: {  	_ =	shalt  }
0x74: {  	_ =	shalt  }
0x75: {  	_ =	shalt  }
0x76: {  	_ =	shalt  }
0x77: {  	_ =	shalt  }
0x78: {  	_ =	shalt  }
0x79: {  	_ =	shalt  }
0x7a: {  	_ =	shalt  }
0x7b: {  	_ =	shalt  }
0x7c: {  	_ =	shalt  }
0x7d: {  	_ =	shalt  }
0x7e: {  	_ =	shalt  }
0x7f: {  	_ =	shalt  }
0x80: {  	_ =	shalt  }
0x81: {  	_ =	shalt  }
0x82: {  	_ =	shalt  }
0x83: {  	_ =	shalt  }
0x84: {  	_ =	shalt  }
0x85: {  	_ =	shalt  }
0x86: {  	_ =	shalt  }
0x87: {  	_ =	shalt  }
.Lfunc_end0:
.L_simem_size_0:
called_computation.1_lowered:
.L_overlay_start_0:
0x88: {  	s2 =	sld [smem:$0x3FD9]  }
0x89: {  	s3 =	sld [smem:$0x3FFE];
	_ =	sdelay $0x1  }
0x8a: {  	s1 =	srdreg.scid  }
0x8b: {  	s0 =	sand.u32 $0x1, s1  }
0x8c: {  	s17 =	sshll.u32 s0, $0xA;
	s2 =	sadd.s32 s3, s2  }
0x8d: {  	s2 =	sadd.s32 s2, s17  }
0x8e: {  	[smem:$0x3FC4] =	sst s2  }
0x8f: {  	_ = 	snop  }
0x90: {  	s2 =	sld [smem:$0x3FD0];
	(tm) =	ssettm $0x1  }
0x91: {  	s18 =	sld [smem:$0x3FFB];
	_ =	sdelay $0x3  }
0x92: {  	_ =	strace s18  }
0x93: {  	s3 =	sld [smem:$0x3FFC];
	_ =	sdelay $0x3  }
0x94: {  	_ =	strace s3  }
0x95: {  	s3 =	sld [smem:$0x3FFD];
	_ =	sdelay $0x3  }
0x96: {  	_ =	strace s3  }
0x97: {  	_ =	strace $0x8FFFFFFF  }
0x98: {  	s19 =	sld [smem:$0x3FDB];
	_ =	sdelay $0x1  }
0x99: {  	s4 =	simm.s32 $_scs_section_size  }
0x9a: {  	s5 =	simm.s32 $_size__tile_overlayer_lowered;
	s6 =	simm.s32 $_tile_overlayer_lowered  }
0x9b: {  	s22 =	simm.s32 $0x1BFF;
	s21 =	sshll.u32 s6, $0x1;
	s3 =	sadd.s32 s4, s19  }
0x9c: {  	s7 =	simm.s32 $0x0;
	s20 =	sshll.u32 s5, $0x1;
	s5 =	sadd.s32 s21, s3  }
0x9d: {  	[timem:s7], [sflag:s22] =	dma.local [hbm:s5], s20  }
0x9e: {  	_ =	swait.ge [sflag:s22], s20  }
0x9f: {  	s4 =	ssub.s32 $0x0, s20;
	[sflag:s22] =	ssyncset.done $0x0  }
0xa0: {  	[sflag:s22] =	ssyncadd.s32 s4;
	_ =	sdelay $0x1  }
0xa1: {  	s23 =	simm.s32 $0x1B8B  }
0xa2: {  	_ =	swait.ge [sflag:s23], $0x1  }
0xa3: {  	[sflag:s23] =	ssyncset.done $0x0  }
0xa4: {  	s25 =	simm.s32 $0x1B8E;
	s24 =	sld [smem:$0x3FFE];
	[sflag:s23] =	ssyncadd.s32 $0xFFFFFFFF  }
0xa5: {  	s26 =	simm.s32 $execute0_lowered;
	[smem:$0x3FD2] =	sst s25  }
0xa6: {  	s5 =	sshll.u32 s26, $0x1;
	_ =	strace $0x80000049;
	[dreg:$0x1] =	wrdreg $0xFFFFFFFF  }
0xa7: {  	s28 =	simm.s32 $_size_execute0_lowered;
	s3 =	sadd.s32 s3, s5;
	[dreg:$0x0] =	wrdreg $0x0  }
0xa8: {  	s5 =	sshll.u32 s28, $0x1;
	[dreg:$0x2] =	wrdreg s3  }
0xa9: {  	[dreg:$0x3] =	wrdreg s5  }
0xaa: {  	[dreg:$0x4] =	wrdreg $0xC0  }
0xab: {  	_ =	task [dreg:s7], $0x5FFFF  }
0xac: {  	[dreg:$0x1] =	wrdreg $0xFFFFFFFF  }
0xad: {  	[dreg:$0x0] =	wrdreg $0x60  }
0xae: {  	[dreg:$0x2] =	wrdreg s2  }
0xaf: {  	[dreg:$0x3] =	wrdreg s24  }
0xb0: {  	[dreg:$0x4] =	wrdreg $0xA8000  }
0xb1: {  	[dreg:$0x5] =	wrdreg $0x9  }
0xb2: {  	_ =	task.clear_ibuf [dreg:s7], $0x6FFFF;
	_ =	strace $0x90000049  }
0xb3: {  	s29 =	simm.s32 $0x9;
	_ =	strace $0x8000004B  }
0xb4: {  	_ =	swait.ge [sflag:s29], $0x1  }
0xb5: {  	[sflag:s29] =	ssyncadd.s32 $0xFFFFFFFF  }
0xb6: {  	_ =	strace $0x9000004B  }
0xb7: {  	_ =	sfence  }
0xb8: {  	s30 =	sld [smem:$0x0];
	_ =	sdelay $0x2  }
0xb9: {  	s31 =	sshll.u32 s1, $0xD;
	s1 =	sshrl.u32 s1, $0x2  }
0xba: {  	s3 =	sand.u32 $0x4000, s31;
	s1 =	sadd.s32 s1, s30  }
0xbb: {  	s0 =	sor.u32 s3, s0;
	s1 =	sshll.u32 s1, $0x11  }
0xbc: {  	s0 =	sor.u32 s1, s0  }
0xbd: {  	s0 =	sadd.s32 $0x8F2B, s0  }
0xbe: {  	[sflag:s0] =	ssyncadd.remote.s32 $0x1  }
0xbf: {  	_ =	sfence.sel $0xFFFF  }
0xc0: {  	[dreg:$0x0] =	wrdreg $0xFFFFFFFF;
	(pc) =	sbr.abs _section_cstart, $3  }
0xc1: {  	[dreg:$0x1] =	wrdreg $0xFFFFFFFF  }
0xc2: {  	_ =	task.clear_ibuf [dreg:s7], $0x2FFFF;
	_ =	strace $0x9FFFFFFF  }
0xc3: {  	(tm) =	ssettm $0x7FFFFFFF  }
tec
execute0_lowered:
.L_overlay_start_1:
0x0: {  	(tag) =	ssettag $0x1  }
0x1: {  	s0 =	rddreg [dreg:$0x0]  }
0x2: {  	s2 =	rddreg [dreg:$0x1]  }
0x3: {  	s1 =	rddreg [dreg:$0x2];
	s14 =	stileid.u32  }
0x4: {  	s3 =	simm.s32 $0x0;
	s4 =	srdreg.scid;
	s5 =	smul.u32 $0x4F000, s14  }
0x5: {  	[smem:$0x7FF] =	sst s3;
	s4 =	sand.u32 $0x1, s4;
	s8 =	smul.u32 $0x13C00, s14  }
0x6: {  	s6 =	sadd.s32 $0x5C00, s2;
	s9 =	sadd.s32 $0xC00, s2;
	s16 =	smul.u32 $0x500, s14  }
0x7: {  	s2 =	sadd.s32 $0xAC00, s2;
	s14 =	smul.u32 $0x2800, s14;
	_ =	strace $0x8000004A  }
0x8: {  	s7 =	ssub.s32 $0x2, s4;
	s19 =	smul.u32 $0x13C000, s4;
	s4 =	sshll.u32 s4, $0x7  }
0x9: {  	s10 =	sshrl.u32 s7, $0x1;
	s5 =	sshrl.u32 s5, $0x2;
	s29 =	sadd.s32 $0x4000, s8  }
0xa: {  	s31 =	sadd.s32 $0x8000, s8;
	s12 =	sadd.s32 $0xC000, s8;
	s17 =	sadd.s32 $0x10000, s8  }
0xb: {  	s18 =	sadd.s32 s6, s16;
	s14 =	sshrl.u32 s14, $0x3;
	s7 =	ssub.s32 s7, s10  }
0xc: {  	s5 =	sadd.s32 s5, s1;
	s30 =	sadd.s32 s29, s1;
	[dreg:$0x9] =	wrdreg s18  }
0xd: {  	s11 =	sadd.s32 s31, s1;
	s13 =	sadd.s32 s12, s1;
	[dreg:$0x4] =	wrdreg s5  }
0xe: {  	s15 =	sadd.s32 s17, s1;
	s20 =	sadd.s32 $0x280, s14;
	[dreg:$0x5] =	wrdreg s30  }
0xf: {  	s21 =	sadd.s32 s8, s19;
	s22 =	sadd.s32 s19, s29;
	[dreg:$0x6] =	wrdreg s11  }
0x10: {  	s25 =	sadd.s32 s19, s31;
	s26 =	sadd.s32 s19, s12;
	[dreg:$0x7] =	wrdreg s13  }
0x11: {  	s28 =	sadd.s32 s19, s17;
	s19 =	simm.s32 $0x1;
	[dreg:$0x8] =	wrdreg s15  }
0x12: {  	s11 =	sadd.s32 s9, s16;
	s6 =	sadd.s32 s6, s20;
	s24 =	sshrl.u32 s22, $0x3  }
0x13: {  	s30 =	sshrl.u32 s28, $0x3;
	s31 =	smax.u32 s7, $0x1;
	[dreg:$0xa] =	wrdreg s11  }
0x14: {  	s5 =	simm.s32 $0x7D;
	s11 =	sadd.s32 s0, s4;
	[dreg:$0xb] =	wrdreg s6  }
0x15: {  	v0 =	vimm.f32 $0.0e+00;
	v1 =	vimm.s32 $0x7;
	s4 =	sshrl.u32 s21, $0x3;
	s0 =	sadd.s32 s9, s20;
	[dreg:$0x12] =	wrdreg s31  }
0x16: {  	v2 =	vimm.s32 $0x1;
	v3 =	vimm.s32 $0x0;
	v4 =	vlaneseq.u32;
	s20 =	simm.s32 $0x2800;
	[dreg:$0xc] =	wrdreg s0;
	s23 =	sadd.s32 s2, s4  }
0x17: {  	vm0 =	vmmov $0x1;
	v5 =	vimm.s32 $0x2;
	v6 =	vimm.s32 $0x3;
	s0 =	sadd.s32 s2, s24;
	s4 =	sshrl.u32 s26, $0x3;
	[dreg:$0xd] =	wrdreg s23  }
0x18: {  	v7 =	vimm.s32 $0x4;
	v8 =	vimm.s32 $0x5;
	v9 =	vimm.s32 $0x6;
	[dreg:$0xe] =	wrdreg s0;
	s0 =	sshrl.u32 s25, $0x3;
	s29 =	sadd.s32 s2, s4  }
0x19: {  	v10 =	vimm.s32 $0x8;
	v11 =	vimm.s32 $0x9;
	v12 =	vimm.s32 $0xA;
	s21 =	simm.s32 $0x3;
	s0 =	sadd.s32 s2, s0;
	[dreg:$0x10] =	wrdreg s29  }
0x1a: {  	v13 =	vimm.s32 $0xB;
	v14 =	vimm.s32 $0xC;
	v15 =	vimm.s32 $0xD;
	s6 =	simm.s32 $0x2;
	[dreg:$0xf] =	wrdreg s0;
	s0 =	sadd.s32 s2, s30  }
0x1b: {  	v16 =	vimm.s32 $0xE;
	v17 =	vimm.s32 $0xF;
	v4 =	vmul.u32 $0x8, v4;
	s4 =	simm.s32 $0x6800;
	[dreg:$0x11] =	wrdreg s0;
	s0 =	simm.s32 $0x0  }
.LBB2_1:
0x1c: {  	[dreg:$0x13] =	wrdreg s0;
	s7 =	simm.s32 $0x0;
	s22 =	simm.s32 $0x200  }
.LBB2_2:
0x1d: {  	p0 =	sne.s32 s22, $0xFE00;
	[tilespmem:s7+$0x2870] =	vst v0  }
0x1e: {  	[tilespmem:s7+$0x2800] =	vst v0  }
0x1f: {  	[tilespmem:s7+$0x2810] =	vst v0  }
.Ltmp0:
0x20: {  	[tilespmem:s7+$0x2820] =	vst v0;
	(pc) =	sbr.rel @p0 .LBB2_2-.Ltmp0, $4  }
0x21: {  	[tilespmem:s7+$0x2830] =	vst v0  }
0x22: {  	[tilespmem:s7+$0x2840] =	vst v0  }
0x23: {  	[tilespmem:s7+$0x2850] =	vst v0  }
0x24: {  	[tilespmem:s7+$0x2860] =	vst v0;
	s7 =	sshra.s32 s22, $0x2;
	s22 =	sadd.s32 $0x200, s22  }
0x25: {  	[tilespmem:s7+$0x2870] =	vst v0  }
0x26: {  	[tilespmem:s7+$0x2800] =	vst v0  }
0x27: {  	[tilespmem:s7+$0x2810] =	vst v0  }
0x28: {  	[tilespmem:s7+$0x2820] =	vst v0  }
0x29: {  	[tilespmem:s7+$0x2830] =	vst v0  }
0x2a: {  	[tilespmem:s7+$0x2840] =	vst v0  }
0x2b: {  	[tilespmem:s7+$0x2850] =	vst v0  }
0x2c: {  	[tilespmem:s7+$0x2860] =	vst v0;
	s18 =	rddreg [dreg:$0x4]  }
0x2d: {  	[spmem:s18] =	stream.linear.scatter [tilespmem:s20], [sflag:$0x3], $0x4000, $0x38;
	[tilespmem:$0x1E400] =	vst v63  }
0x2e: {  	_ =	swait.ge [sflag:s21], $0x4000  }
0x2f: {  	[sflag:s21] =	ssyncset.done $0x0  }
0x30: {  	s22 =	rddreg [dreg:$0x5];
	[sflag:s21] =	ssyncadd.s32 $0xFFFFC000  }
0x31: {  	[spmem:s22] =	stream.linear.scatter [tilespmem:s20], [sflag:$0x3], $0x4000, $0x38;
	[tilespmem:$0x1E400] =	vst v63  }
0x32: {  	_ =	swait.ge [sflag:s21], $0x4000  }
0x33: {  	[sflag:s21] =	ssyncset.done $0x0  }
0x34: {  	s23 =	rddreg [dreg:$0x6];
	[sflag:s21] =	ssyncadd.s32 $0xFFFFC000  }
0x35: {  	[spmem:s23] =	stream.linear.scatter [tilespmem:s20], [sflag:$0x3], $0x4000, $0x38;
	[tilespmem:$0x1E400] =	vst v63  }
0x36: {  	_ =	swait.ge [sflag:s21], $0x4000  }
0x37: {  	[sflag:s21] =	ssyncset.done $0x0  }
0x38: {  	s24 =	rddreg [dreg:$0x7];
	[sflag:s21] =	ssyncadd.s32 $0xFFFFC000  }
0x39: {  	[spmem:s24] =	stream.linear.scatter [tilespmem:s20], [sflag:$0x3], $0x4000, $0x38;
	[tilespmem:$0x1E400] =	vst v63  }
0x3a: {  	_ =	swait.ge [sflag:s21], $0x4000  }
0x3b: {  	[sflag:s21] =	ssyncset.done $0x0  }
0x3c: {  	s25 =	rddreg [dreg:$0x8];
	[sflag:s21] =	ssyncadd.s32 $0xFFFFC000  }
0x3d: {  	[spmem:s25] =	stream.linear.scatter [tilespmem:s20], [sflag:$0x3], $0x3C00, $0x38;
	[tilespmem:$0x1E400] =	vst v63  }
0x3e: {  	_ =	swait.ge [sflag:s21], $0x3C00  }
0x3f: {  	[sflag:s21] =	ssyncset.done $0x0  }
0x40: {  	[sflag:s21] =	ssyncadd.s32 $0xFFFFC400  }
0x41: {  	[bflag:$0x0] =	sbarrier.arrive $0xFFFF  }
0x42: {  	s7 =	simm.s32 $0x0;
	s8 =	rddreg [dreg:$0x9]  }
0x43: {  	[tilespmem:s7], [sflag:$0x3] =	stream.linear.gather [hbm4b:s8+s7], $0x1400, $0x38;
	[tilespmem:$0x1E400] =	vst v63  }
0x44: {  	_ =	swait.ge [sflag:s21], $0x1400  }
0x45: {  	[sflag:s21] =	ssyncset.done $0x0  }
0x46: {  	s22 =	simm.s32 $0x1400;
	s26 =	rddreg [dreg:$0xa];
	[sflag:s21] =	ssyncadd.s32 $0xFFFFEC00  }
0x47: {  	[tilespmem:s22], [sflag:$0x3] =	stream.linear.gather [hbm4b:s26+s7], $0x1400, $0x38;
	[tilespmem:$0x1E400] =	vst v63  }
0x48: {  	_ =	swait.ge [sflag:s21], $0x1400  }
0x49: {  	[sflag:s21] =	ssyncset.done $0x0  }
0x4a: {  	[sflag:s21] =	ssyncadd.s32 $0xFFFFEC00  }
0x4b: {  	v18 =	vld [tilespmem:$0x0];
	_ =	sdelay $0x4  }
0x4c: {  	v19 =	vshll.u32 v18, $0x1  }
0x4d: {  	v18 =	vand.u32 $0x7, v18;
	v19 =	vand.u32 $0xFFFFFFF0, v19  }
0x4e: {  	v18 =	vor.u32 v18, v19  }
0x4f: {  	v19 =	vperm.xlane v18, v3;
	_ =	sdelay $0x1  }
0x50: {  	v20 =	vperm.xlane v18, v2;
	v19 =	vadd.s32 v4, v19;
	_ =	sdelay $0x1  }
0x51: {  	v21 =	vperm.xlane v18, v5;
	v20 =	vadd.s32 v4, v20;
	_ =	sdelay $0x1  }
0x52: {  	v22 =	vperm.xlane v18, v6;
	v21 =	vadd.s32 v4, v21  }
0x53: {  	[tilespmem:s20], [sflag:$0x1] =	stream.indirect_vreg.gather [hbm4b:s11+s7], $0x80, v19, vm0, $0xb8;
	[tilespmem:$0x1E400] =	vst v63  }
0x54: {  	s23 =	simm.s32 $0x2880;
	v45 =	vperm.xlane v18, v7;
	v19 =	vadd.s32 v4, v22  }
0x55: {  	[tilespmem:s23], [sflag:$0x1] =	stream.indirect_vreg.gather [hbm4b:s11+s7], $0x80, v20, vm0, $0xb8;
	[tilespmem:$0x1E400] =	vst v63  }
0x56: {  	s24 =	simm.s32 $0x2900;
	v47 =	vperm.xlane v18, v8;
	v46 =	vadd.s32 v4, v45  }
0x57: {  	[tilespmem:s24], [sflag:$0x1] =	stream.indirect_vreg.gather [hbm4b:s11+s7], $0x80, v21, vm0, $0xb8;
	[tilespmem:$0x1E400] =	vst v63  }
0x58: {  	s25 =	simm.s32 $0x2980;
	v49 =	vperm.xlane v18, v9;
	v48 =	vadd.s32 v4, v47  }
0x59: {  	[tilespmem:s25], [sflag:$0x1] =	stream.indirect_vreg.gather [hbm4b:s11+s7], $0x80, v19, vm0, $0xb8;
	[tilespmem:$0x1E400] =	vst v63  }
0x5a: {  	s26 =	simm.s32 $0x2A00;
	v50 =	vperm.xlane v18, v1;
	v19 =	vadd.s32 v4, v49  }
0x5b: {  	[tilespmem:s26], [sflag:$0x1] =	stream.indirect_vreg.gather [hbm4b:s11+s7], $0x80, v46, vm0, $0xb8;
	[tilespmem:$0x1E400] =	vst v63  }
0x5c: {  	s28 =	simm.s32 $0x2A80;
	v52 =	vperm.xlane v18, v10;
	v51 =	vadd.s32 v4, v50  }
0x5d: {  	[tilespmem:s28], [sflag:$0x1] =	stream.indirect_vreg.gather [hbm4b:s11+s7], $0x80, v48, vm0, $0xb8;
	[tilespmem:$0x1E400] =	vst v63  }
0x5e: {  	s29 =	simm.s32 $0x2B00;
	v54 =	vperm.xlane v18, v11;
	v53 =	vadd.s32 v4, v52  }
0x5f: {  	[tilespmem:s29], [sflag:$0x1] =	stream.indirect_vreg.gather [hbm4b:s11+s7], $0x80, v19, vm0, $0xb8;
	[tilespmem:$0x1E400] =	vst v63  }
0x60: {  	s30 =	simm.s32 $0x2B80;
	v55 =	vperm.xlane v18, v12;
	v19 =	vadd.s32 v4, v54  }
0x61: {  	[tilespmem:s30], [sflag:$0x1] =	stream.indirect_vreg.gather [hbm4b:s11+s7], $0x80, v51, vm0, $0xb8;
	[tilespmem:$0x1E400] =	vst v63  }
0x62: {  	s31 =	simm.s32 $0x2C00;
	v57 =	vperm.xlane v18, v13;
	v56 =	vadd.s32 v4, v55  }
0x63: {  	[tilespmem:s31], [sflag:$0x1] =	stream.indirect_vreg.gather [hbm4b:s11+s7], $0x80, v53, vm0, $0xb8;
	[tilespmem:$0x1E400] =	vst v63  }
0x64: {  	s0 =	simm.s32 $0x2C80;
	v59 =	vperm.xlane v18, v14;
	v58 =	vadd.s32 v4, v57  }
0x65: {  	[tilespmem:s0], [sflag:$0x1] =	stream.indirect_vreg.gather [hbm4b:s11+s7], $0x80, v19, vm0, $0xb8;
	[tilespmem:$0x1E400] =	vst v63  }
0x66: {  	s2 =	simm.s32 $0x2D00;
	v60 =	vperm.xlane v18, v15;
	v19 =	vadd.s32 v4, v59  }
0x67: {  	[tilespmem:s2], [sflag:$0x1] =	stream.indirect_vreg.gather [hbm4b:s11+s7], $0x80, v56, vm0, $0xb8;
	[tilespmem:$0x1E400] =	vst v63  }
0x68: {  	s9 =	simm.s32 $0x2D80;
	v62 =	vperm.xlane v18, v16;
	v61 =	vadd.s32 v4, v60  }
0x69: {  	[tilespmem:s9], [sflag:$0x1] =	stream.indirect_vreg.gather [hbm4b:s11+s7], $0x80, v58, vm0, $0xb8;
	[tilespmem:$0x1E400] =	vst v63  }
0x6a: {  	s10 =	simm.s32 $0x2E00;
	v18 =	vperm.xlane v18, v17;
	v63 =	vadd.s32 v4, v62  }
0x6b: {  	[tilespmem:s10], [sflag:$0x1] =	stream.indirect_vreg.gather [hbm4b:s11+s7], $0x80, v19, vm0, $0xb8;
	[tilespmem:$0x1E400] =	vst v63  }
0x6c: {  	s12 =	simm.s32 $0x2E80;
	v18 =	vadd.s32 v4, v18  }
0x6d: {  	[tilespmem:s12], [sflag:$0x1] =	stream.indirect_vreg.gather [hbm4b:s11+s7], $0x80, v61, vm0, $0xb8;
	[tilespmem:$0x1E400] =	vst v63  }
0x6e: {  	s13 =	simm.s32 $0x2F00  }
0x6f: {  	[tilespmem:s13], [sflag:$0x1] =	stream.indirect_vreg.gather [hbm4b:s11+s7], $0x80, v63, vm0, $0xb8;
	[tilespmem:$0x1E400] =	vst v63  }
0x70: {  	s14 =	simm.s32 $0x2F80  }
0x71: {  	[tilespmem:s14], [sflag:$0x1] =	stream.indirect_vreg.gather [hbm4b:s11+s7], $0x80, v18, vm0, $0xb8;
	[tilespmem:$0x1E400] =	vst v63  }
0x72: {  	v18 =	vld [tilespmem:$0x10];
	_ =	sdelay $0x4  }
0x73: {  	v19 =	vshll.u32 v18, $0x1  }
0x74: {  	v18 =	vand.u32 $0x7, v18;
	v19 =	vand.u32 $0xFFFFFFF0, v19  }
0x75: {  	v18 =	vor.u32 v18, v19  }
0x76: {  	v19 =	vperm.xlane v18, v3;
	_ =	sdelay $0x1  }
0x77: {  	v24 =	vperm.xlane v18, v2;
	v19 =	vadd.s32 v4, v19;
	_ =	sdelay $0x1  }
0x78: {  	v25 =	vperm.xlane v18, v5;
	v20 =	vadd.s32 v4, v24;
	_ =	sdelay $0x1  }
0x79: {  	s15 =	simm.s32 $0x3000;
	v26 =	vperm.xlane v18, v6;
	v21 =	vadd.s32 v4, v25  }
0x7a: {  	[tilespmem:s15], [sflag:$0x1] =	stream.indirect_vreg.gather [hbm4b:s11+s7], $0x80, v19, vm0, $0xb8;
	[tilespmem:$0x1E400] =	vst v63  }
0x7b: {  	s16 =	simm.s32 $0x3080;
	v27 =	vperm.xlane v18, v7;
	v19 =	vadd.s32 v4, v26  }
0x7c: {  	[tilespmem:s16], [sflag:$0x1] =	stream.indirect_vreg.gather [hbm4b:s11+s7], $0x80, v20, vm0, $0xb8;
	[tilespmem:$0x1E400] =	vst v63  }
0x7d: {  	s17 =	simm.s32 $0x3100;
	v29 =	vperm.xlane v18, v8;
	v28 =	vadd.s32 v4, v27  }
0x7e: {  	[tilespmem:s17], [sflag:$0x1] =	stream.indirect_vreg.gather [hbm4b:s11+s7], $0x80, v21, vm0, $0xb8;
	[tilespmem:$0x1E400] =	vst v63  }
0x7f: {  	s18 =	simm.s32 $0x3180;
	v31 =	vperm.xlane v18, v9;
	v30 =	vadd.s32 v4, v29  }
0x80: {  	[tilespmem:s18], [sflag:$0x1] =	stream.indirect_vreg.gather [hbm4b:s11+s7], $0x80, v19, vm0, $0xb8;
	[tilespmem:$0x1E400] =	vst v63  }
0x81: {  	s8 =	simm.s32 $0x3200;
	v32 =	vperm.xlane v18, v1;
	v19 =	vadd.s32 v4, v31  }
0x82: {  	[tilespmem:s8], [sflag:$0x1] =	stream.indirect_vreg.gather [hbm4b:s11+s7], $0x80, v28, vm0, $0xb8;
	[tilespmem:$0x1E400] =	vst v63  }
0x83: {  	v34 =	vperm.xlane v18, v10;
	v33 =	vadd.s32 v4, v32;
	s8 =	simm.s32 $0x3280  }
0x84: {  	[tilespmem:s8], [sflag:$0x1] =	stream.indirect_vreg.gather [hbm4b:s11+s7], $0x80, v30, vm0, $0xb8;
	[tilespmem:$0x1E400] =	vst v63  }
0x85: {  	v36 =	vperm.xlane v18, v11;
	v35 =	vadd.s32 v4, v34;
	s8 =	simm.s32 $0x3300  }
0x86: {  	[tilespmem:s8], [sflag:$0x1] =	stream.indirect_vreg.gather [hbm4b:s11+s7], $0x80, v19, vm0, $0xb8;
	[tilespmem:$0x1E400] =	vst v63  }
0x87: {  	v37 =	vperm.xlane v18, v12;
	v19 =	vadd.s32 v4, v36;
	s8 =	simm.s32 $0x3380  }
0x88: {  	[tilespmem:s8], [sflag:$0x1] =	stream.indirect_vreg.gather [hbm4b:s11+s7], $0x80, v33, vm0, $0xb8;
	[tilespmem:$0x1E400] =	vst v63  }
0x89: {  	v39 =	vperm.xlane v18, v13;
	v38 =	vadd.s32 v4, v37;
	s8 =	simm.s32 $0x3400  }
0x8a: {  	[tilespmem:s8], [sflag:$0x1] =	stream.indirect_vreg.gather [hbm4b:s11+s7], $0x80, v35, vm0, $0xb8;
	[tilespmem:$0x1E400] =	vst v63  }
0x8b: {  	v41 =	vperm.xlane v18, v14;
	v40 =	vadd.s32 v4, v39;
	s8 =	simm.s32 $0x3480  }
0x8c: {  	[tilespmem:s8], [sflag:$0x1] =	stream.indirect_vreg.gather [hbm4b:s11+s7], $0x80, v19, vm0, $0xb8;
	[tilespmem:$0x1E400] =	vst v63  }
0x8d: {  	v42 =	vperm.xlane v18, v15;
	v19 =	vadd.s32 v4, v41;
	s8 =	simm.s32 $0x3500  }
0x8e: {  	[tilespmem:s8], [sflag:$0x1] =	stream.indirect_vreg.gather [hbm4b:s11+s7], $0x80, v38, vm0, $0xb8;
	[tilespmem:$0x1E400] =	vst v63  }
0x8f: {  	v44 =	vperm.xlane v18, v16;
	v43 =	vadd.s32 v4, v42;
	s8 =	simm.s32 $0x3580  }
0x90: {  	[tilespmem:s8], [sflag:$0x1] =	stream.indirect_vreg.gather [hbm4b:s11+s7], $0x80, v40, vm0, $0xb8;
	[tilespmem:$0x1E400] =	vst v63  }
0x91: {  	v18 =	vperm.xlane v18, v17;
	v45 =	vadd.s32 v4, v44;
	s8 =	simm.s32 $0x3600  }
0x92: {  	[tilespmem:s8], [sflag:$0x1] =	stream.indirect_vreg.gather [hbm4b:s11+s7], $0x80, v19, vm0, $0xb8;
	[tilespmem:$0x1E400] =	vst v63  }
0x93: {  	v18 =	vadd.s32 v4, v18;
	s8 =	simm.s32 $0x3680  }
0x94: {  	[tilespmem:s8], [sflag:$0x1] =	stream.indirect_vreg.gather [hbm4b:s11+s7], $0x80, v43, vm0, $0xb8;
	[tilespmem:$0x1E400] =	vst v63  }
0x95: {  	s8 =	simm.s32 $0x3700  }
0x96: {  	[tilespmem:s8], [sflag:$0x1] =	stream.indirect_vreg.gather [hbm4b:s11+s7], $0x80, v45, vm0, $0xb8;
	[tilespmem:$0x1E400] =	vst v63  }
0x97: {  	s8 =	simm.s32 $0x3780  }
0x98: {  	[tilespmem:s8], [sflag:$0x1] =	stream.indirect_vreg.gather [hbm4b:s11+s7], $0x80, v18, vm0, $0xb8;
	[tilespmem:$0x1E400] =	vst v63  }
0x99: {  	v18 =	vld [tilespmem:$0x20];
	_ =	sdelay $0x4  }
0x9a: {  	v19 =	vshll.u32 v18, $0x1  }
0x9b: {  	v18 =	vand.u32 $0x7, v18;
	v19 =	vand.u32 $0xFFFFFFF0, v19  }
0x9c: {  	v18 =	vor.u32 v18, v19  }
0x9d: {  	v19 =	vperm.xlane v18, v3;
	_ =	sdelay $0x1  }
0x9e: {  	v46 =	vperm.xlane v18, v2;
	v19 =	vadd.s32 v4, v19;
	_ =	sdelay $0x1  }
0x9f: {  	v47 =	vperm.xlane v18, v5;
	v20 =	vadd.s32 v4, v46;
	_ =	sdelay $0x1  }
0xa0: {  	s8 =	simm.s32 $0x3800;
	v48 =	vperm.xlane v18, v6;
	v21 =	vadd.s32 v4, v47  }
0xa1: {  	[tilespmem:s8], [sflag:$0x1] =	stream.indirect_vreg.gather [hbm4b:s11+s7], $0x80, v19, vm0, $0xb8;
	[tilespmem:$0x1E400] =	vst v63  }
0xa2: {  	v49 =	vperm.xlane v18, v7;
	v19 =	vadd.s32 v4, v48;
	s8 =	simm.s32 $0x3880  }
0xa3: {  	[tilespmem:s8], [sflag:$0x1] =	stream.indirect_vreg.gather [hbm4b:s11+s7], $0x80, v20, vm0, $0xb8;
	[tilespmem:$0x1E400] =	vst v63  }
0xa4: {  	v51 =	vperm.xlane v18, v8;
	v50 =	vadd.s32 v4, v49;
	s8 =	simm.s32 $0x3900  }
0xa5: {  	[tilespmem:s8], [sflag:$0x1] =	stream.indirect_vreg.gather [hbm4b:s11+s7], $0x80, v21, vm0, $0xb8;
	[tilespmem:$0x1E400] =	vst v63  }
0xa6: {  	v53 =	vperm.xlane v18, v9;
	v52 =	vadd.s32 v4, v51;
	s8 =	simm.s32 $0x3980  }
0xa7: {  	[tilespmem:s8], [sflag:$0x1] =	stream.indirect_vreg.gather [hbm4b:s11+s7], $0x80, v19, vm0, $0xb8;
	[tilespmem:$0x1E400] =	vst v63  }
0xa8: {  	v54 =	vperm.xlane v18, v1;
	v19 =	vadd.s32 v4, v53;
	s8 =	simm.s32 $0x3A00  }
0xa9: {  	[tilespmem:s8], [sflag:$0x1] =	stream.indirect_vreg.gather [hbm4b:s11+s7], $0x80, v50, vm0, $0xb8;
	[tilespmem:$0x1E400] =	vst v63  }
0xaa: {  	v56 =	vperm.xlane v18, v10;
	v55 =	vadd.s32 v4, v54;
	s8 =	simm.s32 $0x3A80  }
0xab: {  	[tilespmem:s8], [sflag:$0x1] =	stream.indirect_vreg.gather [hbm4b:s11+s7], $0x80, v52, vm0, $0xb8;
	[tilespmem:$0x1E400] =	vst v63  }
0xac: {  	v58 =	vperm.xlane v18, v11;
	v57 =	vadd.s32 v4, v56;
	s8 =	simm.s32 $0x3B00  }
0xad: {  	[tilespmem:s8], [sflag:$0x1] =	stream.indirect_vreg.gather [hbm4b:s11+s7], $0x80, v19, vm0, $0xb8;
	[tilespmem:$0x1E400] =	vst v63  }
0xae: {  	v59 =	vperm.xlane v18, v12;
	v19 =	vadd.s32 v4, v58;
	s8 =	simm.s32 $0x3B80  }
0xaf: {  	[tilespmem:s8], [sflag:$0x1] =	stream.indirect_vreg.gather [hbm4b:s11+s7], $0x80, v55, vm0, $0xb8;
	[tilespmem:$0x1E400] =	vst v63  }
0xb0: {  	v61 =	vperm.xlane v18, v13;
	v60 =	vadd.s32 v4, v59;
	s8 =	simm.s32 $0x3C00  }
0xb1: {  	[tilespmem:s8], [sflag:$0x1] =	stream.indirect_vreg.gather [hbm4b:s11+s7], $0x80, v57, vm0, $0xb8;
	[tilespmem:$0x1E400] =	vst v63  }
0xb2: {  	v63 =	vperm.xlane v18, v14;
	v62 =	vadd.s32 v4, v61;
	s8 =	simm.s32 $0x3C80  }
0xb3: {  	[tilespmem:s8], [sflag:$0x1] =	stream.indirect_vreg.gather [hbm4b:s11+s7], $0x80, v19, vm0, $0xb8;
	[tilespmem:$0x1E400] =	vst v63  }
0xb4: {  	v24 =	vperm.xlane v18, v15;
	v19 =	vadd.s32 v4, v63;
	s8 =	simm.s32 $0x3D00  }
0xb5: {  	[tilespmem:s8], [sflag:$0x1] =	stream.indirect_vreg.gather [hbm4b:s11+s7], $0x80, v60, vm0, $0xb8;
	[tilespmem:$0x1E400] =	vst v63  }
0xb6: {  	v26 =	vperm.xlane v18, v16;
	v25 =	vadd.s32 v4, v24;
	s8 =	simm.s32 $0x3D80  }
0xb7: {  	[tilespmem:s8], [sflag:$0x1] =	stream.indirect_vreg.gather [hbm4b:s11+s7], $0x80, v62, vm0, $0xb8;
	[tilespmem:$0x1E400] =	vst v63  }
0xb8: {  	v18 =	vperm.xlane v18, v17;
	v27 =	vadd.s32 v4, v26;
	s8 =	simm.s32 $0x3E00  }
0xb9: {  	[tilespmem:s8], [sflag:$0x1] =	stream.indirect_vreg.gather [hbm4b:s11+s7], $0x80, v19, vm0, $0xb8;
	[tilespmem:$0x1E400] =	vst v63  }
0xba: {  	v18 =	vadd.s32 v4, v18;
	s8 =	simm.s32 $0x3E80  }
0xbb: {  	[tilespmem:s8], [sflag:$0x1] =	stream.indirect_vreg.gather [hbm4b:s11+s7], $0x80, v25, vm0, $0xb8;
	[tilespmem:$0x1E400] =	vst v63  }
0xbc: {  	s8 =	simm.s32 $0x3F00  }
0xbd: {  	[tilespmem:s8], [sflag:$0x1] =	stream.indirect_vreg.gather [hbm4b:s11+s7], $0x80, v27, vm0, $0xb8;
	[tilespmem:$0x1E400] =	vst v63  }
0xbe: {  	s8 =	simm.s32 $0x3F80  }
0xbf: {  	[tilespmem:s8], [sflag:$0x1] =	stream.indirect_vreg.gather [hbm4b:s11+s7], $0x80, v18, vm0, $0xb8;
	[tilespmem:$0x1E400] =	vst v63  }
0xc0: {  	v18 =	vld [tilespmem:$0x30];
	_ =	sdelay $0x4  }
0xc1: {  	v19 =	vshll.u32 v18, $0x1  }
0xc2: {  	v18 =	vand.u32 $0x7, v18;
	v19 =	vand.u32 $0xFFFFFFF0, v19  }
0xc3: {  	v18 =	vor.u32 v18, v19  }
0xc4: {  	v19 =	vperm.xlane v18, v3;
	_ =	sdelay $0x1  }
0xc5: {  	v28 =	vperm.xlane v18, v2;
	v19 =	vadd.s32 v4, v19;
	_ =	sdelay $0x1  }
0xc6: {  	v29 =	vperm.xlane v18, v5;
	v20 =	vadd.s32 v4, v28;
	_ =	sdelay $0x1  }
0xc7: {  	s8 =	simm.s32 $0x4000;
	v30 =	vperm.xlane v18, v6;
	v21 =	vadd.s32 v4, v29  }
0xc8: {  	[tilespmem:s8], [sflag:$0x1] =	stream.indirect_vreg.gather [hbm4b:s11+s7], $0x80, v19, vm0, $0xb8;
	[tilespmem:$0x1E400] =	vst v63  }
0xc9: {  	v31 =	vperm.xlane v18, v7;
	v19 =	vadd.s32 v4, v30;
	s8 =	simm.s32 $0x4080  }
0xca: {  	[tilespmem:s8], [sflag:$0x1] =	stream.indirect_vreg.gather [hbm4b:s11+s7], $0x80, v20, vm0, $0xb8;
	[tilespmem:$0x1E400] =	vst v63  }
0xcb: {  	v33 =	vperm.xlane v18, v8;
	v32 =	vadd.s32 v4, v31;
	s8 =	simm.s32 $0x4100  }
0xcc: {  	[tilespmem:s8], [sflag:$0x1] =	stream.indirect_vreg.gather [hbm4b:s11+s7], $0x80, v21, vm0, $0xb8;
	[tilespmem:$0x1E400] =	vst v63  }
0xcd: {  	v35 =	vperm.xlane v18, v9;
	v34 =	vadd.s32 v4, v33;
	s8 =	simm.s32 $0x4180  }
0xce: {  	[tilespmem:s8], [sflag:$0x1] =	stream.indirect_vreg.gather [hbm4b:s11+s7], $0x80, v19, vm0, $0xb8;
	[tilespmem:$0x1E400] =	vst v63  }
0xcf: {  	v36 =	vperm.xlane v18, v1;
	v19 =	vadd.s32 v4, v35;
	s8 =	simm.s32 $0x4200  }
0xd0: {  	[tilespmem:s8], [sflag:$0x1] =	stream.indirect_vreg.gather [hbm4b:s11+s7], $0x80, v32, vm0, $0xb8;
	[tilespmem:$0x1E400] =	vst v63  }
0xd1: {  	v38 =	vperm.xlane v18, v10;
	v37 =	vadd.s32 v4, v36;
	s8 =	simm.s32 $0x4280  }
0xd2: {  	[tilespmem:s8], [sflag:$0x1] =	stream.indirect_vreg.gather [hbm4b:s11+s7], $0x80, v34, vm0, $0xb8;
	[tilespmem:$0x1E400] =	vst v63  }
0xd3: {  	v40 =	vperm.xlane v18, v11;
	v39 =	vadd.s32 v4, v38;
	s8 =	simm.s32 $0x4300  }
0xd4: {  	[tilespmem:s8], [sflag:$0x1] =	stream.indirect_vreg.gather [hbm4b:s11+s7], $0x80, v19, vm0, $0xb8;
	[tilespmem:$0x1E400] =	vst v63  }
0xd5: {  	v41 =	vperm.xlane v18, v12;
	v19 =	vadd.s32 v4, v40;
	s8 =	simm.s32 $0x4380  }
0xd6: {  	[tilespmem:s8], [sflag:$0x1] =	stream.indirect_vreg.gather [hbm4b:s11+s7], $0x80, v37, vm0, $0xb8;
	[tilespmem:$0x1E400] =	vst v63  }
0xd7: {  	v43 =	vperm.xlane v18, v13;
	v42 =	vadd.s32 v4, v41;
	s8 =	simm.s32 $0x4400  }
0xd8: {  	[tilespmem:s8], [sflag:$0x1] =	stream.indirect_vreg.gather [hbm4b:s11+s7], $0x80, v39, vm0, $0xb8;
	[tilespmem:$0x1E400] =	vst v63  }
0xd9: {  	v45 =	vperm.xlane v18, v14;
	v44 =	vadd.s32 v4, v43;
	s8 =	simm.s32 $0x4480  }
0xda: {  	[tilespmem:s8], [sflag:$0x1] =	stream.indirect_vreg.gather [hbm4b:s11+s7], $0x80, v19, vm0, $0xb8;
	[tilespmem:$0x1E400] =	vst v63  }
0xdb: {  	v46 =	vperm.xlane v18, v15;
	v19 =	vadd.s32 v4, v45;
	s8 =	simm.s32 $0x4500  }
0xdc: {  	[tilespmem:s8], [sflag:$0x1] =	stream.indirect_vreg.gather [hbm4b:s11+s7], $0x80, v42, vm0, $0xb8;
	[tilespmem:$0x1E400] =	vst v63  }
0xdd: {  	v48 =	vperm.xlane v18, v16;
	v47 =	vadd.s32 v4, v46;
	s8 =	simm.s32 $0x4580  }
0xde: {  	[tilespmem:s8], [sflag:$0x1] =	stream.indirect_vreg.gather [hbm4b:s11+s7], $0x80, v44, vm0, $0xb8;
	[tilespmem:$0x1E400] =	vst v63  }
0xdf: {  	v18 =	vperm.xlane v18, v17;
	v49 =	vadd.s32 v4, v48;
	s8 =	simm.s32 $0x4600  }
0xe0: {  	[tilespmem:s8], [sflag:$0x1] =	stream.indirect_vreg.gather [hbm4b:s11+s7], $0x80, v19, vm0, $0xb8;
	[tilespmem:$0x1E400] =	vst v63  }
0xe1: {  	v18 =	vadd.s32 v4, v18;
	s8 =	simm.s32 $0x4680  }
0xe2: {  	[tilespmem:s8], [sflag:$0x1] =	stream.indirect_vreg.gather [hbm4b:s11+s7], $0x80, v47, vm0, $0xb8;
	[tilespmem:$0x1E400] =	vst v63  }
0xe3: {  	s8 =	simm.s32 $0x4700  }
0xe4: {  	[tilespmem:s8], [sflag:$0x1] =	stream.indirect_vreg.gather [hbm4b:s11+s7], $0x80, v49, vm0, $0xb8;
	[tilespmem:$0x1E400] =	vst v63  }
0xe5: {  	s8 =	simm.s32 $0x4780  }
0xe6: {  	[tilespmem:s8], [sflag:$0x1] =	stream.indirect_vreg.gather [hbm4b:s11+s7], $0x80, v18, vm0, $0xb8;
	[tilespmem:$0x1E400] =	vst v63  }
0xe7: {  	v18 =	vld [tilespmem:$0x40];
	_ =	sdelay $0x4  }
0xe8: {  	v19 =	vshll.u32 v18, $0x1  }
0xe9: {  	v18 =	vand.u32 $0x7, v18;
	v19 =	vand.u32 $0xFFFFFFF0, v19  }
0xea: {  	v18 =	vor.u32 v18, v19  }
0xeb: {  	v19 =	vperm.xlane v18, v3;
	_ =	sdelay $0x1  }
0xec: {  	v50 =	vperm.xlane v18, v2;
	v19 =	vadd.s32 v4, v19;
	_ =	sdelay $0x1  }
0xed: {  	v51 =	vperm.xlane v18, v5;
	v20 =	vadd.s32 v4, v50;
	_ =	sdelay $0x1  }
0xee: {  	s8 =	simm.s32 $0x4800;
	v52 =	vperm.xlane v18, v6;
	v21 =	vadd.s32 v4, v51  }
0xef: {  	[tilespmem:s8], [sflag:$0x1] =	stream.indirect_vreg.gather [hbm4b:s11+s7], $0x80, v19, vm0, $0xb8;
	[tilespmem:$0x1E400] =	vst v63  }
0xf0: {  	v53 =	vperm.xlane v18, v7;
	v19 =	vadd.s32 v4, v52;
	s8 =	simm.s32 $0x4880  }
0xf1: {  	[tilespmem:s8], [sflag:$0x1] =	stream.indirect_vreg.gather [hbm4b:s11+s7], $0x80, v20, vm0, $0xb8;
	[tilespmem:$0x1E400] =	vst v63  }
0xf2: {  	v55 =	vperm.xlane v18, v8;
	v54 =	vadd.s32 v4, v53;
	s8 =	simm.s32 $0x4900  }
0xf3: {  	[tilespmem:s8], [sflag:$0x1] =	stream.indirect_vreg.gather [hbm4b:s11+s7], $0x80, v21, vm0, $0xb8;
	[tilespmem:$0x1E400] =	vst v63  }
0xf4: {  	v57 =	vperm.xlane v18, v9;
	v56 =	vadd.s32 v4, v55;
	s8 =	simm.s32 $0x4980  }
0xf5: {  	[tilespmem:s8], [sflag:$0x1] =	stream.indirect_vreg.gather [hbm4b:s11+s7], $0x80, v19, vm0, $0xb8;
	[tilespmem:$0x1E400] =	vst v63  }
0xf6: {  	v58 =	vperm.xlane v18, v1;
	v19 =	vadd.s32 v4, v57;
	s8 =	simm.s32 $0x4A00  }
0xf7: {  	[tilespmem:s8], [sflag:$0x1] =	stream.indirect_vreg.gather [hbm4b:s11+s7], $0x80, v54, vm0, $0xb8;
	[tilespmem:$0x1E400] =	vst v63  }
0xf8: {  	v60 =	vperm.xlane v18, v10;
	v59 =	vadd.s32 v4, v58;
	s8 =	simm.s32 $0x4A80  }
0xf9: {  	[tilespmem:s8], [sflag:$0x1] =	stream.indirect_vreg.gather [hbm4b:s11+s7], $0x80, v56, vm0, $0xb8;
	[tilespmem:$0x1E400] =	vst v63  }
0xfa: {  	v62 =	vperm.xlane v18, v11;
	v61 =	vadd.s32 v4, v60;
	s8 =	simm.s32 $0x4B00  }
0xfb: {  	[tilespmem:s8], [sflag:$0x1] =	stream.indirect_vreg.gather [hbm4b:s11+s7], $0x80, v19, vm0, $0xb8;
	[tilespmem:$0x1E400] =	vst v63  }
0xfc: {  	v63 =	vperm.xlane v18, v12;
	v19 =	vadd.s32 v4, v62;
	s8 =	simm.s32 $0x4B80  }
0xfd: {  	[tilespmem:s8], [sflag:$0x1] =	stream.indirect_vreg.gather [hbm4b:s11+s7], $0x80, v59, vm0, $0xb8;
	[tilespmem:$0x1E400] =	vst v63  }
0xfe: {  	v25 =	vperm.xlane v18, v13;
	v24 =	vadd.s32 v4, v63;
	s8 =	simm.s32 $0x4C00  }
0xff: {  	[tilespmem:s8], [sflag:$0x1] =	stream.indirect_vreg.gather [hbm4b:s11+s7], $0x80, v61, vm0, $0xb8;
	[tilespmem:$0x1E400] =	vst v63  }
0x100: {  	v27 =	vperm.xlane v18, v14;
	v26 =	vadd.s32 v4, v25;
	s8 =	simm.s32 $0x4C80  }
0x101: {  	[tilespmem:s8], [sflag:$0x1] =	stream.indirect_vreg.gather [hbm4b:s11+s7], $0x80, v19, vm0, $0xb8;
	[tilespmem:$0x1E400] =	vst v63  }
0x102: {  	v28 =	vperm.xlane v18, v15;
	v19 =	vadd.s32 v4, v27;
	s8 =	simm.s32 $0x4D00  }
0x103: {  	[tilespmem:s8], [sflag:$0x1] =	stream.indirect_vreg.gather [hbm4b:s11+s7], $0x80, v24, vm0, $0xb8;
	[tilespmem:$0x1E400] =	vst v63  }
0x104: {  	v30 =	vperm.xlane v18, v16;
	v29 =	vadd.s32 v4, v28;
	s8 =	simm.s32 $0x4D80  }
0x105: {  	[tilespmem:s8], [sflag:$0x1] =	stream.indirect_vreg.gather [hbm4b:s11+s7], $0x80, v26, vm0, $0xb8;
	[tilespmem:$0x1E400] =	vst v63  }
0x106: {  	v18 =	vperm.xlane v18, v17;
	v31 =	vadd.s32 v4, v30;
	s8 =	simm.s32 $0x4E00  }
0x107: {  	[tilespmem:s8], [sflag:$0x1] =	stream.indirect_vreg.gather [hbm4b:s11+s7], $0x80, v19, vm0, $0xb8;
	[tilespmem:$0x1E400] =	vst v63  }
0x108: {  	v18 =	vadd.s32 v4, v18;
	s8 =	simm.s32 $0x4E80  }
0x109: {  	[tilespmem:s8], [sflag:$0x1] =	stream.indirect_vreg.gather [hbm4b:s11+s7], $0x80, v29, vm0, $0xb8;
	[tilespmem:$0x1E400] =	vst v63  }
0x10a: {  	s8 =	simm.s32 $0x4F00  }
0x10b: {  	[tilespmem:s8], [sflag:$0x1] =	stream.indirect_vreg.gather [hbm4b:s11+s7], $0x80, v31, vm0, $0xb8;
	[tilespmem:$0x1E400] =	vst v63  }
0x10c: {  	s8 =	simm.s32 $0x4F80  }
0x10d: {  	[tilespmem:s8], [sflag:$0x1] =	stream.indirect_vreg.gather [hbm4b:s11+s7], $0x80, v18, vm0, $0xb8;
	[tilespmem:$0x1E400] =	vst v63  }
0x10e: {  	v18 =	vld [tilespmem:$0x50];
	_ =	sdelay $0x4  }
0x10f: {  	v19 =	vshll.u32 v18, $0x1  }
0x110: {  	v18 =	vand.u32 $0x7, v18;
	v19 =	vand.u32 $0xFFFFFFF0, v19  }
0x111: {  	v18 =	vor.u32 v18, v19  }
0x112: {  	v19 =	vperm.xlane v18, v3;
	_ =	sdelay $0x1  }
0x113: {  	v32 =	vperm.xlane v18, v2;
	v19 =	vadd.s32 v4, v19;
	_ =	sdelay $0x1  }
0x114: {  	v33 =	vperm.xlane v18, v5;
	v20 =	vadd.s32 v4, v32;
	_ =	sdelay $0x1  }
0x115: {  	s8 =	simm.s32 $0x5000;
	v34 =	vperm.xlane v18, v6;
	v21 =	vadd.s32 v4, v33  }
0x116: {  	[tilespmem:s8], [sflag:$0x1] =	stream.indirect_vreg.gather [hbm4b:s11+s7], $0x80, v19, vm0, $0xb8;
	[tilespmem:$0x1E400] =	vst v63  }
0x117: {  	v35 =	vperm.xlane v18, v7;
	v19 =	vadd.s32 v4, v34;
	s8 =	simm.s32 $0x5080  }
0x118: {  	[tilespmem:s8], [sflag:$0x1] =	stream.indirect_vreg.gather [hbm4b:s11+s7], $0x80, v20, vm0, $0xb8;
	[tilespmem:$0x1E400] =	vst v63  }
0x119: {  	v37 =	vperm.xlane v18, v8;
	v36 =	vadd.s32 v4, v35;
	s8 =	simm.s32 $0x5100  }
0x11a: {  	[tilespmem:s8], [sflag:$0x1] =	stream.indirect_vreg.gather [hbm4b:s11+s7], $0x80, v21, vm0, $0xb8;
	[tilespmem:$0x1E400] =	vst v63  }
0x11b: {  	v39 =	vperm.xlane v18, v9;
	v38 =	vadd.s32 v4, v37;
	s8 =	simm.s32 $0x5180  }
0x11c: {  	[tilespmem:s8], [sflag:$0x1] =	stream.indirect_vreg.gather [hbm4b:s11+s7], $0x80, v19, vm0, $0xb8;
	[tilespmem:$0x1E400] =	vst v63  }
0x11d: {  	v40 =	vperm.xlane v18, v1;
	v19 =	vadd.s32 v4, v39;
	s8 =	simm.s32 $0x5200  }
0x11e: {  	[tilespmem:s8], [sflag:$0x1] =	stream.indirect_vreg.gather [hbm4b:s11+s7], $0x80, v36, vm0, $0xb8;
	[tilespmem:$0x1E400] =	vst v63  }
0x11f: {  	v42 =	vperm.xlane v18, v10;
	v41 =	vadd.s32 v4, v40;
	s8 =	simm.s32 $0x5280  }
0x120: {  	[tilespmem:s8], [sflag:$0x1] =	stream.indirect_vreg.gather [hbm4b:s11+s7], $0x80, v38, vm0, $0xb8;
	[tilespmem:$0x1E400] =	vst v63  }
0x121: {  	v44 =	vperm.xlane v18, v11;
	v43 =	vadd.s32 v4, v42;
	s8 =	simm.s32 $0x5300  }
0x122: {  	[tilespmem:s8], [sflag:$0x1] =	stream.indirect_vreg.gather [hbm4b:s11+s7], $0x80, v19, vm0, $0xb8;
	[tilespmem:$0x1E400] =	vst v63  }
0x123: {  	v45 =	vperm.xlane v18, v12;
	v19 =	vadd.s32 v4, v44;
	s8 =	simm.s32 $0x5380  }
0x124: {  	[tilespmem:s8], [sflag:$0x1] =	stream.indirect_vreg.gather [hbm4b:s11+s7], $0x80, v41, vm0, $0xb8;
	[tilespmem:$0x1E400] =	vst v63  }
0x125: {  	v47 =	vperm.xlane v18, v13;
	v46 =	vadd.s32 v4, v45;
	s8 =	simm.s32 $0x5400  }
0x126: {  	[tilespmem:s8], [sflag:$0x1] =	stream.indirect_vreg.gather [hbm4b:s11+s7], $0x80, v43, vm0, $0xb8;
	[tilespmem:$0x1E400] =	vst v63  }
0x127: {  	v49 =	vperm.xlane v18, v14;
	v48 =	vadd.s32 v4, v47;
	s8 =	simm.s32 $0x5480  }
0x128: {  	[tilespmem:s8], [sflag:$0x1] =	stream.indirect_vreg.gather [hbm4b:s11+s7], $0x80, v19, vm0, $0xb8;
	[tilespmem:$0x1E400] =	vst v63  }
0x129: {  	v50 =	vperm.xlane v18, v15;
	v19 =	vadd.s32 v4, v49;
	s8 =	simm.s32 $0x5500  }
0x12a: {  	[tilespmem:s8], [sflag:$0x1] =	stream.indirect_vreg.gather [hbm4b:s11+s7], $0x80, v46, vm0, $0xb8;
	[tilespmem:$0x1E400] =	vst v63  }
0x12b: {  	v52 =	vperm.xlane v18, v16;
	v51 =	vadd.s32 v4, v50;
	s8 =	simm.s32 $0x5580  }
0x12c: {  	[tilespmem:s8], [sflag:$0x1] =	stream.indirect_vreg.gather [hbm4b:s11+s7], $0x80, v48, vm0, $0xb8;
	[tilespmem:$0x1E400] =	vst v63  }
0x12d: {  	v18 =	vperm.xlane v18, v17;
	v53 =	vadd.s32 v4, v52;
	s8 =	simm.s32 $0x5600  }
0x12e: {  	[tilespmem:s8], [sflag:$0x1] =	stream.indirect_vreg.gather [hbm4b:s11+s7], $0x80, v19, vm0, $0xb8;
	[tilespmem:$0x1E400] =	vst v63  }
0x12f: {  	v18 =	vadd.s32 v4, v18;
	s8 =	simm.s32 $0x5680  }
0x130: {  	[tilespmem:s8], [sflag:$0x1] =	stream.indirect_vreg.gather [hbm4b:s11+s7], $0x80, v51, vm0, $0xb8;
	[tilespmem:$0x1E400] =	vst v63  }
0x131: {  	s8 =	simm.s32 $0x5700  }
0x132: {  	[tilespmem:s8], [sflag:$0x1] =	stream.indirect_vreg.gather [hbm4b:s11+s7], $0x80, v53, vm0, $0xb8;
	[tilespmem:$0x1E400] =	vst v63  }
0x133: {  	s8 =	simm.s32 $0x5780  }
0x134: {  	[tilespmem:s8], [sflag:$0x1] =	stream.indirect_vreg.gather [hbm4b:s11+s7], $0x80, v18, vm0, $0xb8;
	[tilespmem:$0x1E400] =	vst v63  }
0x135: {  	v18 =	vld [tilespmem:$0x60];
	_ =	sdelay $0x4  }
0x136: {  	v19 =	vshll.u32 v18, $0x1  }
0x137: {  	v18 =	vand.u32 $0x7, v18;
	v19 =	vand.u32 $0xFFFFFFF0, v19  }
0x138: {  	v18 =	vor.u32 v18, v19  }
0x139: {  	v19 =	vperm.xlane v18, v3;
	_ =	sdelay $0x1  }
0x13a: {  	v54 =	vperm.xlane v18, v2;
	v19 =	vadd.s32 v4, v19;
	_ =	sdelay $0x1  }
0x13b: {  	v55 =	vperm.xlane v18, v5;
	v20 =	vadd.s32 v4, v54;
	_ =	sdelay $0x1  }
0x13c: {  	s8 =	simm.s32 $0x5800;
	v56 =	vperm.xlane v18, v6;
	v21 =	vadd.s32 v4, v55  }
0x13d: {  	[tilespmem:s8], [sflag:$0x1] =	stream.indirect_vreg.gather [hbm4b:s11+s7], $0x80, v19, vm0, $0xb8;
	[tilespmem:$0x1E400] =	vst v63  }
0x13e: {  	v57 =	vperm.xlane v18, v7;
	v19 =	vadd.s32 v4, v56;
	s8 =	simm.s32 $0x5880  }
0x13f: {  	[tilespmem:s8], [sflag:$0x1] =	stream.indirect_vreg.gather [hbm4b:s11+s7], $0x80, v20, vm0, $0xb8;
	[tilespmem:$0x1E400] =	vst v63  }
0x140: {  	v59 =	vperm.xlane v18, v8;
	v58 =	vadd.s32 v4, v57;
	s8 =	simm.s32 $0x5900  }
0x141: {  	[tilespmem:s8], [sflag:$0x1] =	stream.indirect_vreg.gather [hbm4b:s11+s7], $0x80, v21, vm0, $0xb8;
	[tilespmem:$0x1E400] =	vst v63  }
0x142: {  	v61 =	vperm.xlane v18, v9;
	v60 =	vadd.s32 v4, v59;
	s8 =	simm.s32 $0x5980  }
0x143: {  	[tilespmem:s8], [sflag:$0x1] =	stream.indirect_vreg.gather [hbm4b:s11+s7], $0x80, v19, vm0, $0xb8;
	[tilespmem:$0x1E400] =	vst v63  }
0x144: {  	v62 =	vperm.xlane v18, v1;
	v19 =	vadd.s32 v4, v61;
	s8 =	simm.s32 $0x5A00  }
0x145: {  	[tilespmem:s8], [sflag:$0x1] =	stream.indirect_vreg.gather [hbm4b:s11+s7], $0x80, v58, vm0, $0xb8;
	[tilespmem:$0x1E400] =	vst v63  }
0x146: {  	v24 =	vperm.xlane v18, v10;
	v63 =	vadd.s32 v4, v62;
	s8 =	simm.s32 $0x5A80  }
0x147: {  	[tilespmem:s8], [sflag:$0x1] =	stream.indirect_vreg.gather [hbm4b:s11+s7], $0x80, v60, vm0, $0xb8;
	[tilespmem:$0x1E400] =	vst v63  }
0x148: {  	v26 =	vperm.xlane v18, v11;
	v25 =	vadd.s32 v4, v24;
	s8 =	simm.s32 $0x5B00  }
0x149: {  	[tilespmem:s8], [sflag:$0x1] =	stream.indirect_vreg.gather [hbm4b:s11+s7], $0x80, v19, vm0, $0xb8;
	[tilespmem:$0x1E400] =	vst v63  }
0x14a: {  	v27 =	vperm.xlane v18, v12;
	v19 =	vadd.s32 v4, v26;
	s8 =	simm.s32 $0x5B80  }
0x14b: {  	[tilespmem:s8], [sflag:$0x1] =	stream.indirect_vreg.gather [hbm4b:s11+s7], $0x80, v63, vm0, $0xb8;
	[tilespmem:$0x1E400] =	vst v63  }
0x14c: {  	v29 =	vperm.xlane v18, v13;
	v28 =	vadd.s32 v4, v27;
	s8 =	simm.s32 $0x5C00  }
0x14d: {  	[tilespmem:s8], [sflag:$0x1] =	stream.indirect_vreg.gather [hbm4b:s11+s7], $0x80, v25, vm0, $0xb8;
	[tilespmem:$0x1E400] =	vst v63  }
0x14e: {  	v31 =	vperm.xlane v18, v14;
	v30 =	vadd.s32 v4, v29;
	s8 =	simm.s32 $0x5C80  }
0x14f: {  	[tilespmem:s8], [sflag:$0x1] =	stream.indirect_vreg.gather [hbm4b:s11+s7], $0x80, v19, vm0, $0xb8;
	[tilespmem:$0x1E400] =	vst v63  }
0x150: {  	v32 =	vperm.xlane v18, v15;
	v19 =	vadd.s32 v4, v31;
	s8 =	simm.s32 $0x5D00  }
0x151: {  	[tilespmem:s8], [sflag:$0x1] =	stream.indirect_vreg.gather [hbm4b:s11+s7], $0x80, v28, vm0, $0xb8;
	[tilespmem:$0x1E400] =	vst v63  }
0x152: {  	v34 =	vperm.xlane v18, v16;
	v33 =	vadd.s32 v4, v32;
	s8 =	simm.s32 $0x5D80  }
0x153: {  	[tilespmem:s8], [sflag:$0x1] =	stream.indirect_vreg.gather [hbm4b:s11+s7], $0x80, v30, vm0, $0xb8;
	[tilespmem:$0x1E400] =	vst v63  }
0x154: {  	v18 =	vperm.xlane v18, v17;
	v35 =	vadd.s32 v4, v34;
	s8 =	simm.s32 $0x5E00  }
0x155: {  	[tilespmem:s8], [sflag:$0x1] =	stream.indirect_vreg.gather [hbm4b:s11+s7], $0x80, v19, vm0, $0xb8;
	[tilespmem:$0x1E400] =	vst v63  }
0x156: {  	v18 =	vadd.s32 v4, v18;
	s8 =	simm.s32 $0x5E80  }
0x157: {  	[tilespmem:s8], [sflag:$0x1] =	stream.indirect_vreg.gather [hbm4b:s11+s7], $0x80, v33, vm0, $0xb8;
	[tilespmem:$0x1E400] =	vst v63  }
0x158: {  	s8 =	simm.s32 $0x5F00  }
0x159: {  	[tilespmem:s8], [sflag:$0x1] =	stream.indirect_vreg.gather [hbm4b:s11+s7], $0x80, v35, vm0, $0xb8;
	[tilespmem:$0x1E400] =	vst v63  }
0x15a: {  	s8 =	simm.s32 $0x5F80  }
0x15b: {  	[tilespmem:s8], [sflag:$0x1] =	stream.indirect_vreg.gather [hbm4b:s11+s7], $0x80, v18, vm0, $0xb8;
	[tilespmem:$0x1E400] =	vst v63  }
0x15c: {  	v18 =	vld.msk [tilespmem:$0x70], $0x1fff;
	_ =	sdelay $0x4  }
0x15d: {  	v19 =	vshll.u32 v18, $0x1  }
0x15e: {  	v18 =	vand.u32 $0x7, v18;
	v19 =	vand.u32 $0xFFFFFFF0, v19  }
0x15f: {  	v18 =	vor.u32 v18, v19  }
0x160: {  	v19 =	vperm.xlane v18, v3;
	_ =	sdelay $0x1  }
0x161: {  	v36 =	vperm.xlane v18, v2;
	v19 =	vadd.s32 v4, v19;
	_ =	sdelay $0x1  }
0x162: {  	v37 =	vperm.xlane v18, v5;
	v20 =	vadd.s32 v4, v36;
	_ =	sdelay $0x1  }
0x163: {  	s8 =	simm.s32 $0x6000;
	v38 =	vperm.xlane v18, v6;
	v21 =	vadd.s32 v4, v37  }
0x164: {  	[tilespmem:s8], [sflag:$0x1] =	stream.indirect_vreg.gather [hbm4b:s11+s7], $0x80, v19, vm0, $0xb8;
	[tilespmem:$0x1E400] =	vst v63  }
0x165: {  	v39 =	vperm.xlane v18, v7;
	v19 =	vadd.s32 v4, v38;
	s8 =	simm.s32 $0x6080  }
0x166: {  	[tilespmem:s8], [sflag:$0x1] =	stream.indirect_vreg.gather [hbm4b:s11+s7], $0x80, v20, vm0, $0xb8;
	[tilespmem:$0x1E400] =	vst v63  }
0x167: {  	v41 =	vperm.xlane v18, v8;
	v40 =	vadd.s32 v4, v39;
	s8 =	simm.s32 $0x6100  }
0x168: {  	[tilespmem:s8], [sflag:$0x1] =	stream.indirect_vreg.gather [hbm4b:s11+s7], $0x80, v21, vm0, $0xb8;
	[tilespmem:$0x1E400] =	vst v63  }
0x169: {  	v43 =	vperm.xlane v18, v9;
	v42 =	vadd.s32 v4, v41;
	s8 =	simm.s32 $0x6180  }
0x16a: {  	[tilespmem:s8], [sflag:$0x1] =	stream.indirect_vreg.gather [hbm4b:s11+s7], $0x80, v19, vm0, $0xb8;
	[tilespmem:$0x1E400] =	vst v63  }
0x16b: {  	v44 =	vperm.xlane v18, v1;
	v19 =	vadd.s32 v4, v43;
	s8 =	simm.s32 $0x6200  }
0x16c: {  	[tilespmem:s8], [sflag:$0x1] =	stream.indirect_vreg.gather [hbm4b:s11+s7], $0x80, v40, vm0, $0xb8;
	[tilespmem:$0x1E400] =	vst v63  }
0x16d: {  	v46 =	vperm.xlane v18, v10;
	v45 =	vadd.s32 v4, v44;
	s8 =	simm.s32 $0x6280  }
0x16e: {  	[tilespmem:s8], [sflag:$0x1] =	stream.indirect_vreg.gather [hbm4b:s11+s7], $0x80, v42, vm0, $0xb8;
	[tilespmem:$0x1E400] =	vst v63  }
0x16f: {  	v48 =	vperm.xlane v18, v11;
	v47 =	vadd.s32 v4, v46;
	s8 =	simm.s32 $0x6300  }
0x170: {  	[tilespmem:s8], [sflag:$0x1] =	stream.indirect_vreg.gather [hbm4b:s11+s7], $0x80, v19, vm0, $0xb8;
	[tilespmem:$0x1E400] =	vst v63  }
0x171: {  	v49 =	vperm.xlane v18, v12;
	v19 =	vadd.s32 v4, v48;
	s8 =	simm.s32 $0x6380  }
0x172: {  	[tilespmem:s8], [sflag:$0x1] =	stream.indirect_vreg.gather [hbm4b:s11+s7], $0x80, v45, vm0, $0xb8;
	[tilespmem:$0x1E400] =	vst v63  }
0x173: {  	v51 =	vperm.xlane v18, v13;
	v50 =	vadd.s32 v4, v49;
	s8 =	simm.s32 $0x6400  }
0x174: {  	[tilespmem:s8], [sflag:$0x1] =	stream.indirect_vreg.gather [hbm4b:s11+s7], $0x80, v47, vm0, $0xb8;
	[tilespmem:$0x1E400] =	vst v63  }
0x175: {  	v18 =	vperm.xlane v18, v14;
	v52 =	vadd.s32 v4, v51;
	s8 =	simm.s32 $0x6480  }
0x176: {  	[tilespmem:s8], [sflag:$0x1] =	stream.indirect_vreg.gather [hbm4b:s11+s7], $0x80, v19, vm0, $0xb8;
	[tilespmem:$0x1E400] =	vst v63  }
0x177: {  	v18 =	vadd.s32 v4, v18;
	s8 =	simm.s32 $0x6500  }
0x178: {  	[tilespmem:s8], [sflag:$0x1] =	stream.indirect_vreg.gather [hbm4b:s11+s7], $0x80, v50, vm0, $0xb8;
	[tilespmem:$0x1E400] =	vst v63  }
0x179: {  	s8 =	simm.s32 $0x6580  }
0x17a: {  	[tilespmem:s8], [sflag:$0x1] =	stream.indirect_vreg.gather [hbm4b:s11+s7], $0x80, v52, vm0, $0xb8;
	[tilespmem:$0x1E400] =	vst v63  }
0x17b: {  	s8 =	simm.s32 $0x6600  }
0x17c: {  	[tilespmem:s8], [sflag:$0x1] =	stream.indirect_vreg.gather [hbm4b:s11+s7], $0x80, v18, vm0, $0xb8;
	[tilespmem:$0x1E400] =	vst v63  }
0x17d: {  	v18 =	vld [tilespmem:$0x80];
	_ =	sdelay $0x4  }
0x17e: {  	v19 =	vshll.u32 v18, $0x1  }
0x17f: {  	v18 =	vand.u32 $0x7, v18;
	v19 =	vand.u32 $0xFFFFFFF0, v19  }
0x180: {  	v18 =	vor.u32 v18, v19  }
0x181: {  	v19 =	vperm.xlane v18, v3;
	_ =	sdelay $0x1  }
0x182: {  	v53 =	vperm.xlane v18, v2;
	v19 =	vadd.s32 v4, v19;
	_ =	sdelay $0x1  }
0x183: {  	v54 =	vperm.xlane v18, v5;
	v20 =	vadd.s32 v4, v53;
	_ =	sdelay $0x1  }
0x184: {  	v55 =	vperm.xlane v18, v6;
	v21 =	vadd.s32 v4, v54  }
0x185: {  	[tilespmem:s4], [sflag:$0x2] =	stream.indirect_vreg.gather [hbm4b:s11+s7], $0x80, v19, vm0, $0xb8;
	[tilespmem:$0x1E400] =	vst v63  }
0x186: {  	s8 =	simm.s32 $0x6880;
	v56 =	vperm.xlane v18, v7;
	v19 =	vadd.s32 v4, v55  }
0x187: {  	[tilespmem:s8], [sflag:$0x2] =	stream.indirect_vreg.gather [hbm4b:s11+s7], $0x80, v20, vm0, $0xb8;
	[tilespmem:$0x1E400] =	vst v63  }
0x188: {  	v58 =	vperm.xlane v18, v8;
	v57 =	vadd.s32 v4, v56;
	s8 =	simm.s32 $0x6900  }
0x189: {  	[tilespmem:s8], [sflag:$0x2] =	stream.indirect_vreg.gather [hbm4b:s11+s7], $0x80, v21, vm0, $0xb8;
	[tilespmem:$0x1E400] =	vst v63  }
0x18a: {  	v60 =	vperm.xlane v18, v9;
	v59 =	vadd.s32 v4, v58;
	s8 =	simm.s32 $0x6980  }
0x18b: {  	[tilespmem:s8], [sflag:$0x2] =	stream.indirect_vreg.gather [hbm4b:s11+s7], $0x80, v19, vm0, $0xb8;
	[tilespmem:$0x1E400] =	vst v63  }
0x18c: {  	v61 =	vperm.xlane v18, v1;
	v19 =	vadd.s32 v4, v60;
	s8 =	simm.s32 $0x6A00  }
0x18d: {  	[tilespmem:s8], [sflag:$0x2] =	stream.indirect_vreg.gather [hbm4b:s11+s7], $0x80, v57, vm0, $0xb8;
	[tilespmem:$0x1E400] =	vst v63  }
0x18e: {  	v63 =	vperm.xlane v18, v10;
	v62 =	vadd.s32 v4, v61;
	s8 =	simm.s32 $0x6A80  }
0x18f: {  	[tilespmem:s8], [sflag:$0x2] =	stream.indirect_vreg.gather [hbm4b:s11+s7], $0x80, v59, vm0, $0xb8;
	[tilespmem:$0x1E400] =	vst v63  }
0x190: {  	v25 =	vperm.xlane v18, v11;
	v24 =	vadd.s32 v4, v63;
	s8 =	simm.s32 $0x6B00  }
0x191: {  	[tilespmem:s8], [sflag:$0x2] =	stream.indirect_vreg.gather [hbm4b:s11+s7], $0x80, v19, vm0, $0xb8;
	[tilespmem:$0x1E400] =	vst v63  }
0x192: {  	v26 =	vperm.xlane v18, v12;
	v19 =	vadd.s32 v4, v25;
	s8 =	simm.s32 $0x6B80  }
0x193: {  	[tilespmem:s8], [sflag:$0x2] =	stream.indirect_vreg.gather [hbm4b:s11+s7], $0x80, v62, vm0, $0xb8;
	[tilespmem:$0x1E400] =	vst v63  }
0x194: {  	v28 =	vperm.xlane v18, v13;
	v27 =	vadd.s32 v4, v26;
	s8 =	simm.s32 $0x6C00  }
0x195: {  	[tilespmem:s8], [sflag:$0x2] =	stream.indirect_vreg.gather [hbm4b:s11+s7], $0x80, v24, vm0, $0xb8;
	[tilespmem:$0x1E400] =	vst v63  }
0x196: {  	v30 =	vperm.xlane v18, v14;
	v29 =	vadd.s32 v4, v28;
	s8 =	simm.s32 $0x6C80  }
0x197: {  	[tilespmem:s8], [sflag:$0x2] =	stream.indirect_vreg.gather [hbm4b:s11+s7], $0x80, v19, vm0, $0xb8;
	[tilespmem:$0x1E400] =	vst v63  }
0x198: {  	v31 =	vperm.xlane v18, v15;
	v19 =	vadd.s32 v4, v30;
	s8 =	simm.s32 $0x6D00  }
0x199: {  	[tilespmem:s8], [sflag:$0x2] =	stream.indirect_vreg.gather [hbm4b:s11+s7], $0x80, v27, vm0, $0xb8;
	[tilespmem:$0x1E400] =	vst v63  }
0x19a: {  	v33 =	vperm.xlane v18, v16;
	v32 =	vadd.s32 v4, v31;
	s8 =	simm.s32 $0x6D80  }
0x19b: {  	[tilespmem:s8], [sflag:$0x2] =	stream.indirect_vreg.gather [hbm4b:s11+s7], $0x80, v29, vm0, $0xb8;
	[tilespmem:$0x1E400] =	vst v63  }
0x19c: {  	v18 =	vperm.xlane v18, v17;
	v34 =	vadd.s32 v4, v33;
	s8 =	simm.s32 $0x6E00  }
0x19d: {  	[tilespmem:s8], [sflag:$0x2] =	stream.indirect_vreg.gather [hbm4b:s11+s7], $0x80, v19, vm0, $0xb8;
	[tilespmem:$0x1E400] =	vst v63  }
0x19e: {  	v18 =	vadd.s32 v4, v18;
	s8 =	simm.s32 $0x6E80  }
0x19f: {  	[tilespmem:s8], [sflag:$0x2] =	stream.indirect_vreg.gather [hbm4b:s11+s7], $0x80, v32, vm0, $0xb8;
	[tilespmem:$0x1E400] =	vst v63  }
0x1a0: {  	s8 =	simm.s32 $0x6F00  }
0x1a1: {  	[tilespmem:s8], [sflag:$0x2] =	stream.indirect_vreg.gather [hbm4b:s11+s7], $0x80, v34, vm0, $0xb8;
	[tilespmem:$0x1E400] =	vst v63  }
0x1a2: {  	s8 =	simm.s32 $0x6F80  }
0x1a3: {  	[tilespmem:s8], [sflag:$0x2] =	stream.indirect_vreg.gather [hbm4b:s11+s7], $0x80, v18, vm0, $0xb8;
	[tilespmem:$0x1E400] =	vst v63  }
0x1a4: {  	v18 =	vld [tilespmem:$0x90];
	_ =	sdelay $0x4  }
0x1a5: {  	v19 =	vshll.u32 v18, $0x1  }
0x1a6: {  	v18 =	vand.u32 $0x7, v18;
	v19 =	vand.u32 $0xFFFFFFF0, v19  }
0x1a7: {  	v18 =	vor.u32 v18, v19  }
0x1a8: {  	v19 =	vperm.xlane v18, v3;
	_ =	sdelay $0x1  }
0x1a9: {  	v35 =	vperm.xlane v18, v2;
	v19 =	vadd.s32 v4, v19;
	_ =	sdelay $0x1  }
0x1aa: {  	v36 =	vperm.xlane v18, v5;
	v20 =	vadd.s32 v4, v35;
	_ =	sdelay $0x1  }
0x1ab: {  	s8 =	simm.s32 $0x7000;
	v37 =	vperm.xlane v18, v6;
	v21 =	vadd.s32 v4, v36  }
0x1ac: {  	[tilespmem:s8], [sflag:$0x2] =	stream.indirect_vreg.gather [hbm4b:s11+s7], $0x80, v19, vm0, $0xb8;
	[tilespmem:$0x1E400] =	vst v63  }
0x1ad: {  	v38 =	vperm.xlane v18, v7;
	v19 =	vadd.s32 v4, v37;
	s8 =	simm.s32 $0x7080  }
0x1ae: {  	[tilespmem:s8], [sflag:$0x2] =	stream.indirect_vreg.gather [hbm4b:s11+s7], $0x80, v20, vm0, $0xb8;
	[tilespmem:$0x1E400] =	vst v63  }
0x1af: {  	v40 =	vperm.xlane v18, v8;
	v39 =	vadd.s32 v4, v38;
	s8 =	simm.s32 $0x7100  }
0x1b0: {  	[tilespmem:s8], [sflag:$0x2] =	stream.indirect_vreg.gather [hbm4b:s11+s7], $0x80, v21, vm0, $0xb8;
	[tilespmem:$0x1E400] =	vst v63  }
0x1b1: {  	v42 =	vperm.xlane v18, v9;
	v41 =	vadd.s32 v4, v40;
	s8 =	simm.s32 $0x7180  }
0x1b2: {  	[tilespmem:s8], [sflag:$0x2] =	stream.indirect_vreg.gather [hbm4b:s11+s7], $0x80, v19, vm0, $0xb8;
	[tilespmem:$0x1E400] =	vst v63  }
0x1b3: {  	v43 =	vperm.xlane v18, v1;
	v19 =	vadd.s32 v4, v42;
	s8 =	simm.s32 $0x7200  }
0x1b4: {  	[tilespmem:s8], [sflag:$0x2] =	stream.indirect_vreg.gather [hbm4b:s11+s7], $0x80, v39, vm0, $0xb8;
	[tilespmem:$0x1E400] =	vst v63  }
0x1b5: {  	v45 =	vperm.xlane v18, v10;
	v44 =	vadd.s32 v4, v43;
	s8 =	simm.s32 $0x7280  }
0x1b6: {  	[tilespmem:s8], [sflag:$0x2] =	stream.indirect_vreg.gather [hbm4b:s11+s7], $0x80, v41, vm0, $0xb8;
	[tilespmem:$0x1E400] =	vst v63  }
0x1b7: {  	v47 =	vperm.xlane v18, v11;
	v46 =	vadd.s32 v4, v45;
	s8 =	simm.s32 $0x7300  }
0x1b8: {  	[tilespmem:s8], [sflag:$0x2] =	stream.indirect_vreg.gather [hbm4b:s11+s7], $0x80, v19, vm0, $0xb8;
	[tilespmem:$0x1E400] =	vst v63  }
0x1b9: {  	v48 =	vperm.xlane v18, v12;
	v19 =	vadd.s32 v4, v47;
	s8 =	simm.s32 $0x7380  }
0x1ba: {  	[tilespmem:s8], [sflag:$0x2] =	stream.indirect_vreg.gather [hbm4b:s11+s7], $0x80, v44, vm0, $0xb8;
	[tilespmem:$0x1E400] =	vst v63  }
0x1bb: {  	v50 =	vperm.xlane v18, v13;
	v49 =	vadd.s32 v4, v48;
	s8 =	simm.s32 $0x7400  }
0x1bc: {  	[tilespmem:s8], [sflag:$0x2] =	stream.indirect_vreg.gather [hbm4b:s11+s7], $0x80, v46, vm0, $0xb8;
	[tilespmem:$0x1E400] =	vst v63  }
0x1bd: {  	v52 =	vperm.xlane v18, v14;
	v51 =	vadd.s32 v4, v50;
	s8 =	simm.s32 $0x7480  }
0x1be: {  	[tilespmem:s8], [sflag:$0x2] =	stream.indirect_vreg.gather [hbm4b:s11+s7], $0x80, v19, vm0, $0xb8;
	[tilespmem:$0x1E400] =	vst v63  }
0x1bf: {  	v53 =	vperm.xlane v18, v15;
	v19 =	vadd.s32 v4, v52;
	s8 =	simm.s32 $0x7500  }
0x1c0: {  	[tilespmem:s8], [sflag:$0x2] =	stream.indirect_vreg.gather [hbm4b:s11+s7], $0x80, v49, vm0, $0xb8;
	[tilespmem:$0x1E400] =	vst v63  }
0x1c1: {  	v55 =	vperm.xlane v18, v16;
	v54 =	vadd.s32 v4, v53;
	s8 =	simm.s32 $0x7580  }
0x1c2: {  	[tilespmem:s8], [sflag:$0x2] =	stream.indirect_vreg.gather [hbm4b:s11+s7], $0x80, v51, vm0, $0xb8;
	[tilespmem:$0x1E400] =	vst v63  }
0x1c3: {  	v18 =	vperm.xlane v18, v17;
	v56 =	vadd.s32 v4, v55;
	s8 =	simm.s32 $0x7600  }
0x1c4: {  	[tilespmem:s8], [sflag:$0x2] =	stream.indirect_vreg.gather [hbm4b:s11+s7], $0x80, v19, vm0, $0xb8;
	[tilespmem:$0x1E400] =	vst v63  }
0x1c5: {  	v18 =	vadd.s32 v4, v18;
	s8 =	simm.s32 $0x7680  }
0x1c6: {  	[tilespmem:s8], [sflag:$0x2] =	stream.indirect_vreg.gather [hbm4b:s11+s7], $0x80, v54, vm0, $0xb8;
	[tilespmem:$0x1E400] =	vst v63  }
0x1c7: {  	s8 =	simm.s32 $0x7700  }
0x1c8: {  	[tilespmem:s8], [sflag:$0x2] =	stream.indirect_vreg.gather [hbm4b:s11+s7], $0x80, v56, vm0, $0xb8;
	[tilespmem:$0x1E400] =	vst v63  }
0x1c9: {  	s8 =	simm.s32 $0x7780  }
0x1ca: {  	[tilespmem:s8], [sflag:$0x2] =	stream.indirect_vreg.gather [hbm4b:s11+s7], $0x80, v18, vm0, $0xb8;
	[tilespmem:$0x1E400] =	vst v63  }
0x1cb: {  	v18 =	vld [tilespmem:$0xA0];
	_ =	sdelay $0x4  }
0x1cc: {  	v19 =	vshll.u32 v18, $0x1  }
0x1cd: {  	v18 =	vand.u32 $0x7, v18;
	v19 =	vand.u32 $0xFFFFFFF0, v19  }
0x1ce: {  	v18 =	vor.u32 v18, v19  }
0x1cf: {  	v19 =	vperm.xlane v18, v3;
	_ =	sdelay $0x1  }
0x1d0: {  	v57 =	vperm.xlane v18, v2;
	v19 =	vadd.s32 v4, v19;
	_ =	sdelay $0x1  }
0x1d1: {  	v58 =	vperm.xlane v18, v5;
	v20 =	vadd.s32 v4, v57;
	_ =	sdelay $0x1  }
0x1d2: {  	s8 =	simm.s32 $0x7800;
	v59 =	vperm.xlane v18, v6;
	v21 =	vadd.s32 v4, v58  }
0x1d3: {  	[tilespmem:s8], [sflag:$0x2] =	stream.indirect_vreg.gather [hbm4b:s11+s7], $0x80, v19, vm0, $0xb8;
	[tilespmem:$0x1E400] =	vst v63  }
0x1d4: {  	v60 =	vperm.xlane v18, v7;
	v19 =	vadd.s32 v4, v59;
	s8 =	simm.s32 $0x7880  }
0x1d5: {  	[tilespmem:s8], [sflag:$0x2] =	stream.indirect_vreg.gather [hbm4b:s11+s7], $0x80, v20, vm0, $0xb8;
	[tilespmem:$0x1E400] =	vst v63  }
0x1d6: {  	v62 =	vperm.xlane v18, v8;
	v61 =	vadd.s32 v4, v60;
	s8 =	simm.s32 $0x7900  }
0x1d7: {  	[tilespmem:s8], [sflag:$0x2] =	stream.indirect_vreg.gather [hbm4b:s11+s7], $0x80, v21, vm0, $0xb8;
	[tilespmem:$0x1E400] =	vst v63  }
0x1d8: {  	v24 =	vperm.xlane v18, v9;
	v63 =	vadd.s32 v4, v62;
	s8 =	simm.s32 $0x7980  }
0x1d9: {  	[tilespmem:s8], [sflag:$0x2] =	stream.indirect_vreg.gather [hbm4b:s11+s7], $0x80, v19, vm0, $0xb8;
	[tilespmem:$0x1E400] =	vst v63  }
0x1da: {  	v25 =	vperm.xlane v18, v1;
	v19 =	vadd.s32 v4, v24;
	s8 =	simm.s32 $0x7A00  }
0x1db: {  	[tilespmem:s8], [sflag:$0x2] =	stream.indirect_vreg.gather [hbm4b:s11+s7], $0x80, v61, vm0, $0xb8;
	[tilespmem:$0x1E400] =	vst v63  }
0x1dc: {  	v27 =	vperm.xlane v18, v10;
	v26 =	vadd.s32 v4, v25;
	s8 =	simm.s32 $0x7A80  }
0x1dd: {  	[tilespmem:s8], [sflag:$0x2] =	stream.indirect_vreg.gather [hbm4b:s11+s7], $0x80, v63, vm0, $0xb8;
	[tilespmem:$0x1E400] =	vst v63  }
0x1de: {  	v29 =	vperm.xlane v18, v11;
	v28 =	vadd.s32 v4, v27;
	s8 =	simm.s32 $0x7B00  }
0x1df: {  	[tilespmem:s8], [sflag:$0x2] =	stream.indirect_vreg.gather [hbm4b:s11+s7], $0x80, v19, vm0, $0xb8;
	[tilespmem:$0x1E400] =	vst v63  }
0x1e0: {  	v30 =	vperm.xlane v18, v12;
	v19 =	vadd.s32 v4, v29;
	s8 =	simm.s32 $0x7B80  }
0x1e1: {  	[tilespmem:s8], [sflag:$0x2] =	stream.indirect_vreg.gather [hbm4b:s11+s7], $0x80, v26, vm0, $0xb8;
	[tilespmem:$0x1E400] =	vst v63  }
0x1e2: {  	v32 =	vperm.xlane v18, v13;
	v31 =	vadd.s32 v4, v30;
	s8 =	simm.s32 $0x7C00  }
0x1e3: {  	[tilespmem:s8], [sflag:$0x2] =	stream.indirect_vreg.gather [hbm4b:s11+s7], $0x80, v28, vm0, $0xb8;
	[tilespmem:$0x1E400] =	vst v63  }
0x1e4: {  	v34 =	vperm.xlane v18, v14;
	v33 =	vadd.s32 v4, v32;
	s8 =	simm.s32 $0x7C80  }
0x1e5: {  	[tilespmem:s8], [sflag:$0x2] =	stream.indirect_vreg.gather [hbm4b:s11+s7], $0x80, v19, vm0, $0xb8;
	[tilespmem:$0x1E400] =	vst v63  }
0x1e6: {  	v35 =	vperm.xlane v18, v15;
	v19 =	vadd.s32 v4, v34;
	s8 =	simm.s32 $0x7D00  }
0x1e7: {  	[tilespmem:s8], [sflag:$0x2] =	stream.indirect_vreg.gather [hbm4b:s11+s7], $0x80, v31, vm0, $0xb8;
	[tilespmem:$0x1E400] =	vst v63  }
0x1e8: {  	v37 =	vperm.xlane v18, v16;
	v36 =	vadd.s32 v4, v35;
	s8 =	simm.s32 $0x7D80  }
0x1e9: {  	[tilespmem:s8], [sflag:$0x2] =	stream.indirect_vreg.gather [hbm4b:s11+s7], $0x80, v33, vm0, $0xb8;
	[tilespmem:$0x1E400] =	vst v63  }
0x1ea: {  	v18 =	vperm.xlane v18, v17;
	v38 =	vadd.s32 v4, v37;
	s8 =	simm.s32 $0x7E00  }
0x1eb: {  	[tilespmem:s8], [sflag:$0x2] =	stream.indirect_vreg.gather [hbm4b:s11+s7], $0x80, v19, vm0, $0xb8;
	[tilespmem:$0x1E400] =	vst v63  }
0x1ec: {  	v18 =	vadd.s32 v4, v18;
	s8 =	simm.s32 $0x7E80  }
0x1ed: {  	[tilespmem:s8], [sflag:$0x2] =	stream.indirect_vreg.gather [hbm4b:s11+s7], $0x80, v36, vm0, $0xb8;
	[tilespmem:$0x1E400] =	vst v63  }
0x1ee: {  	s8 =	simm.s32 $0x7F00  }
0x1ef: {  	[tilespmem:s8], [sflag:$0x2] =	stream.indirect_vreg.gather [hbm4b:s11+s7], $0x80, v38, vm0, $0xb8;
	[tilespmem:$0x1E400] =	vst v63  }
0x1f0: {  	s8 =	simm.s32 $0x7F80  }
0x1f1: {  	[tilespmem:s8], [sflag:$0x2] =	stream.indirect_vreg.gather [hbm4b:s11+s7], $0x80, v18, vm0, $0xb8;
	[tilespmem:$0x1E400] =	vst v63  }
0x1f2: {  	v18 =	vld [tilespmem:$0xB0];
	_ =	sdelay $0x4  }
0x1f3: {  	v19 =	vshll.u32 v18, $0x1  }
0x1f4: {  	v18 =	vand.u32 $0x7, v18;
	v19 =	vand.u32 $0xFFFFFFF0, v19  }
0x1f5: {  	v18 =	vor.u32 v18, v19  }
0x1f6: {  	v19 =	vperm.xlane v18, v3;
	_ =	sdelay $0x1  }
0x1f7: {  	v39 =	vperm.xlane v18, v2;
	v19 =	vadd.s32 v4, v19;
	_ =	sdelay $0x1  }
0x1f8: {  	v40 =	vperm.xlane v18, v5;
	v20 =	vadd.s32 v4, v39;
	_ =	sdelay $0x1  }
0x1f9: {  	s8 =	simm.s32 $0x8000;
	v41 =	vperm.xlane v18, v6;
	v21 =	vadd.s32 v4, v40  }
0x1fa: {  	[tilespmem:s8], [sflag:$0x2] =	stream.indirect_vreg.gather [hbm4b:s11+s7], $0x80, v19, vm0, $0xb8;
	[tilespmem:$0x1E400] =	vst v63  }
0x1fb: {  	v42 =	vperm.xlane v18, v7;
	v19 =	vadd.s32 v4, v41;
	s8 =	simm.s32 $0x8080  }
0x1fc: {  	[tilespmem:s8], [sflag:$0x2] =	stream.indirect_vreg.gather [hbm4b:s11+s7], $0x80, v20, vm0, $0xb8;
	[tilespmem:$0x1E400] =	vst v63  }
0x1fd: {  	v44 =	vperm.xlane v18, v8;
	v43 =	vadd.s32 v4, v42;
	s8 =	simm.s32 $0x8100  }
0x1fe: {  	[tilespmem:s8], [sflag:$0x2] =	stream.indirect_vreg.gather [hbm4b:s11+s7], $0x80, v21, vm0, $0xb8;
	[tilespmem:$0x1E400] =	vst v63  }
0x1ff: {  	v46 =	vperm.xlane v18, v9;
	v45 =	vadd.s32 v4, v44;
	s8 =	simm.s32 $0x8180  }
0x200: {  	[tilespmem:s8], [sflag:$0x2] =	stream.indirect_vreg.gather [hbm4b:s11+s7], $0x80, v19, vm0, $0xb8;
	[tilespmem:$0x1E400] =	vst v63  }
0x201: {  	v47 =	vperm.xlane v18, v1;
	v19 =	vadd.s32 v4, v46;
	s8 =	simm.s32 $0x8200  }
0x202: {  	[tilespmem:s8], [sflag:$0x2] =	stream.indirect_vreg.gather [hbm4b:s11+s7], $0x80, v43, vm0, $0xb8;
	[tilespmem:$0x1E400] =	vst v63  }
0x203: {  	v49 =	vperm.xlane v18, v10;
	v48 =	vadd.s32 v4, v47;
	s8 =	simm.s32 $0x8280  }
0x204: {  	[tilespmem:s8], [sflag:$0x2] =	stream.indirect_vreg.gather [hbm4b:s11+s7], $0x80, v45, vm0, $0xb8;
	[tilespmem:$0x1E400] =	vst v63  }
0x205: {  	v51 =	vperm.xlane v18, v11;
	v50 =	vadd.s32 v4, v49;
	s8 =	simm.s32 $0x8300  }
0x206: {  	[tilespmem:s8], [sflag:$0x2] =	stream.indirect_vreg.gather [hbm4b:s11+s7], $0x80, v19, vm0, $0xb8;
	[tilespmem:$0x1E400] =	vst v63  }
0x207: {  	v52 =	vperm.xlane v18, v12;
	v19 =	vadd.s32 v4, v51;
	s8 =	simm.s32 $0x8380  }
0x208: {  	[tilespmem:s8], [sflag:$0x2] =	stream.indirect_vreg.gather [hbm4b:s11+s7], $0x80, v48, vm0, $0xb8;
	[tilespmem:$0x1E400] =	vst v63  }
0x209: {  	v54 =	vperm.xlane v18, v13;
	v53 =	vadd.s32 v4, v52;
	s8 =	simm.s32 $0x8400  }
0x20a: {  	[tilespmem:s8], [sflag:$0x2] =	stream.indirect_vreg.gather [hbm4b:s11+s7], $0x80, v50, vm0, $0xb8;
	[tilespmem:$0x1E400] =	vst v63  }
0x20b: {  	v56 =	vperm.xlane v18, v14;
	v55 =	vadd.s32 v4, v54;
	s8 =	simm.s32 $0x8480  }
0x20c: {  	[tilespmem:s8], [sflag:$0x2] =	stream.indirect_vreg.gather [hbm4b:s11+s7], $0x80, v19, vm0, $0xb8;
	[tilespmem:$0x1E400] =	vst v63  }
0x20d: {  	v57 =	vperm.xlane v18, v15;
	v19 =	vadd.s32 v4, v56;
	s8 =	simm.s32 $0x8500  }
0x20e: {  	[tilespmem:s8], [sflag:$0x2] =	stream.indirect_vreg.gather [hbm4b:s11+s7], $0x80, v53, vm0, $0xb8;
	[tilespmem:$0x1E400] =	vst v63  }
0x20f: {  	v59 =	vperm.xlane v18, v16;
	v58 =	vadd.s32 v4, v57;
	s8 =	simm.s32 $0x8580  }
0x210: {  	[tilespmem:s8], [sflag:$0x2] =	stream.indirect_vreg.gather [hbm4b:s11+s7], $0x80, v55, vm0, $0xb8;
	[tilespmem:$0x1E400] =	vst v63  }
0x211: {  	v18 =	vperm.xlane v18, v17;
	v60 =	vadd.s32 v4, v59;
	s8 =	simm.s32 $0x8600  }
0x212: {  	[tilespmem:s8], [sflag:$0x2] =	stream.indirect_vreg.gather [hbm4b:s11+s7], $0x80, v19, vm0, $0xb8;
	[tilespmem:$0x1E400] =	vst v63  }
0x213: {  	v18 =	vadd.s32 v4, v18;
	s8 =	simm.s32 $0x8680  }
0x214: {  	[tilespmem:s8], [sflag:$0x2] =	stream.indirect_vreg.gather [hbm4b:s11+s7], $0x80, v58, vm0, $0xb8;
	[tilespmem:$0x1E400] =	vst v63  }
0x215: {  	s8 =	simm.s32 $0x8700  }
0x216: {  	[tilespmem:s8], [sflag:$0x2] =	stream.indirect_vreg.gather [hbm4b:s11+s7], $0x80, v60, vm0, $0xb8;
	[tilespmem:$0x1E400] =	vst v63  }
0x217: {  	s8 =	simm.s32 $0x8780  }
0x218: {  	[tilespmem:s8], [sflag:$0x2] =	stream.indirect_vreg.gather [hbm4b:s11+s7], $0x80, v18, vm0, $0xb8;
	[tilespmem:$0x1E400] =	vst v63  }
0x219: {  	v18 =	vld [tilespmem:$0xC0];
	_ =	sdelay $0x4  }
0x21a: {  	v19 =	vshll.u32 v18, $0x1  }
0x21b: {  	v18 =	vand.u32 $0x7, v18;
	v19 =	vand.u32 $0xFFFFFFF0, v19  }
0x21c: {  	v18 =	vor.u32 v18, v19  }
0x21d: {  	v19 =	vperm.xlane v18, v3;
	_ =	sdelay $0x1  }
0x21e: {  	v61 =	vperm.xlane v18, v2;
	v19 =	vadd.s32 v4, v19;
	_ =	sdelay $0x1  }
0x21f: {  	v62 =	vperm.xlane v18, v5;
	v20 =	vadd.s32 v4, v61;
	_ =	sdelay $0x1  }
0x220: {  	s8 =	simm.s32 $0x8800;
	v63 =	vperm.xlane v18, v6;
	v21 =	vadd.s32 v4, v62  }
0x221: {  	[tilespmem:s8], [sflag:$0x2] =	stream.indirect_vreg.gather [hbm4b:s11+s7], $0x80, v19, vm0, $0xb8;
	[tilespmem:$0x1E400] =	vst v63  }
0x222: {  	v24 =	vperm.xlane v18, v7;
	v19 =	vadd.s32 v4, v63;
	s8 =	simm.s32 $0x8880  }
0x223: {  	[tilespmem:s8], [sflag:$0x2] =	stream.indirect_vreg.gather [hbm4b:s11+s7], $0x80, v20, vm0, $0xb8;
	[tilespmem:$0x1E400] =	vst v63  }
0x224: {  	v26 =	vperm.xlane v18, v8;
	v25 =	vadd.s32 v4, v24;
	s8 =	simm.s32 $0x8900  }
0x225: {  	[tilespmem:s8], [sflag:$0x2] =	stream.indirect_vreg.gather [hbm4b:s11+s7], $0x80, v21, vm0, $0xb8;
	[tilespmem:$0x1E400] =	vst v63  }
0x226: {  	v28 =	vperm.xlane v18, v9;
	v27 =	vadd.s32 v4, v26;
	s8 =	simm.s32 $0x8980  }
0x227: {  	[tilespmem:s8], [sflag:$0x2] =	stream.indirect_vreg.gather [hbm4b:s11+s7], $0x80, v19, vm0, $0xb8;
	[tilespmem:$0x1E400] =	vst v63  }
0x228: {  	v29 =	vperm.xlane v18, v1;
	v19 =	vadd.s32 v4, v28;
	s8 =	simm.s32 $0x8A00  }
0x229: {  	[tilespmem:s8], [sflag:$0x2] =	stream.indirect_vreg.gather [hbm4b:s11+s7], $0x80, v25, vm0, $0xb8;
	[tilespmem:$0x1E400] =	vst v63  }
0x22a: {  	v31 =	vperm.xlane v18, v10;
	v30 =	vadd.s32 v4, v29;
	s8 =	simm.s32 $0x8A80  }
0x22b: {  	[tilespmem:s8], [sflag:$0x2] =	stream.indirect_vreg.gather [hbm4b:s11+s7], $0x80, v27, vm0, $0xb8;
	[tilespmem:$0x1E400] =	vst v63  }
0x22c: {  	v33 =	vperm.xlane v18, v11;
	v32 =	vadd.s32 v4, v31;
	s8 =	simm.s32 $0x8B00  }
0x22d: {  	[tilespmem:s8], [sflag:$0x2] =	stream.indirect_vreg.gather [hbm4b:s11+s7], $0x80, v19, vm0, $0xb8;
	[tilespmem:$0x1E400] =	vst v63  }
0x22e: {  	v34 =	vperm.xlane v18, v12;
	v19 =	vadd.s32 v4, v33;
	s8 =	simm.s32 $0x8B80  }
0x22f: {  	[tilespmem:s8], [sflag:$0x2] =	stream.indirect_vreg.gather [hbm4b:s11+s7], $0x80, v30, vm0, $0xb8;
	[tilespmem:$0x1E400] =	vst v63  }
0x230: {  	v36 =	vperm.xlane v18, v13;
	v35 =	vadd.s32 v4, v34;
	s8 =	simm.s32 $0x8C00  }
0x231: {  	[tilespmem:s8], [sflag:$0x2] =	stream.indirect_vreg.gather [hbm4b:s11+s7], $0x80, v32, vm0, $0xb8;
	[tilespmem:$0x1E400] =	vst v63  }
0x232: {  	v38 =	vperm.xlane v18, v14;
	v37 =	vadd.s32 v4, v36;
	s8 =	simm.s32 $0x8C80  }
0x233: {  	[tilespmem:s8], [sflag:$0x2] =	stream.indirect_vreg.gather [hbm4b:s11+s7], $0x80, v19, vm0, $0xb8;
	[tilespmem:$0x1E400] =	vst v63  }
0x234: {  	v39 =	vperm.xlane v18, v15;
	v19 =	vadd.s32 v4, v38;
	s8 =	simm.s32 $0x8D00  }
0x235: {  	[tilespmem:s8], [sflag:$0x2] =	stream.indirect_vreg.gather [hbm4b:s11+s7], $0x80, v35, vm0, $0xb8;
	[tilespmem:$0x1E400] =	vst v63  }
0x236: {  	v41 =	vperm.xlane v18, v16;
	v40 =	vadd.s32 v4, v39;
	s8 =	simm.s32 $0x8D80  }
0x237: {  	[tilespmem:s8], [sflag:$0x2] =	stream.indirect_vreg.gather [hbm4b:s11+s7], $0x80, v37, vm0, $0xb8;
	[tilespmem:$0x1E400] =	vst v63  }
0x238: {  	v18 =	vperm.xlane v18, v17;
	v42 =	vadd.s32 v4, v41;
	s8 =	simm.s32 $0x8E00  }
0x239: {  	[tilespmem:s8], [sflag:$0x2] =	stream.indirect_vreg.gather [hbm4b:s11+s7], $0x80, v19, vm0, $0xb8;
	[tilespmem:$0x1E400] =	vst v63  }
0x23a: {  	v18 =	vadd.s32 v4, v18;
	s8 =	simm.s32 $0x8E80  }
0x23b: {  	[tilespmem:s8], [sflag:$0x2] =	stream.indirect_vreg.gather [hbm4b:s11+s7], $0x80, v40, vm0, $0xb8;
	[tilespmem:$0x1E400] =	vst v63  }
0x23c: {  	s8 =	simm.s32 $0x8F00  }
0x23d: {  	[tilespmem:s8], [sflag:$0x2] =	stream.indirect_vreg.gather [hbm4b:s11+s7], $0x80, v42, vm0, $0xb8;
	[tilespmem:$0x1E400] =	vst v63  }
0x23e: {  	s8 =	simm.s32 $0x8F80  }
0x23f: {  	[tilespmem:s8], [sflag:$0x2] =	stream.indirect_vreg.gather [hbm4b:s11+s7], $0x80, v18, vm0, $0xb8;
	[tilespmem:$0x1E400] =	vst v63  }
0x240: {  	v18 =	vld [tilespmem:$0xD0];
	_ =	sdelay $0x4  }
0x241: {  	v19 =	vshll.u32 v18, $0x1  }
0x242: {  	v18 =	vand.u32 $0x7, v18;
	v19 =	vand.u32 $0xFFFFFFF0, v19  }
0x243: {  	v18 =	vor.u32 v18, v19  }
0x244: {  	v19 =	vperm.xlane v18, v3;
	_ =	sdelay $0x1  }
0x245: {  	v43 =	vperm.xlane v18, v2;
	v19 =	vadd.s32 v4, v19;
	_ =	sdelay $0x1  }
0x246: {  	v44 =	vperm.xlane v18, v5;
	v20 =	vadd.s32 v4, v43;
	_ =	sdelay $0x1  }
0x247: {  	s8 =	simm.s32 $0x9000;
	v45 =	vperm.xlane v18, v6;
	v21 =	vadd.s32 v4, v44  }
0x248: {  	[tilespmem:s8], [sflag:$0x2] =	stream.indirect_vreg.gather [hbm4b:s11+s7], $0x80, v19, vm0, $0xb8;
	[tilespmem:$0x1E400] =	vst v63  }
0x249: {  	v46 =	vperm.xlane v18, v7;
	v19 =	vadd.s32 v4, v45;
	s8 =	simm.s32 $0x9080  }
0x24a: {  	[tilespmem:s8], [sflag:$0x2] =	stream.indirect_vreg.gather [hbm4b:s11+s7], $0x80, v20, vm0, $0xb8;
	[tilespmem:$0x1E400] =	vst v63  }
0x24b: {  	v48 =	vperm.xlane v18, v8;
	v47 =	vadd.s32 v4, v46;
	s8 =	simm.s32 $0x9100  }
0x24c: {  	[tilespmem:s8], [sflag:$0x2] =	stream.indirect_vreg.gather [hbm4b:s11+s7], $0x80, v21, vm0, $0xb8;
	[tilespmem:$0x1E400] =	vst v63  }
0x24d: {  	v50 =	vperm.xlane v18, v9;
	v49 =	vadd.s32 v4, v48;
	s8 =	simm.s32 $0x9180  }
0x24e: {  	[tilespmem:s8], [sflag:$0x2] =	stream.indirect_vreg.gather [hbm4b:s11+s7], $0x80, v19, vm0, $0xb8;
	[tilespmem:$0x1E400] =	vst v63  }
0x24f: {  	v51 =	vperm.xlane v18, v1;
	v19 =	vadd.s32 v4, v50;
	s8 =	simm.s32 $0x9200  }
0x250: {  	[tilespmem:s8], [sflag:$0x2] =	stream.indirect_vreg.gather [hbm4b:s11+s7], $0x80, v47, vm0, $0xb8;
	[tilespmem:$0x1E400] =	vst v63  }
0x251: {  	v53 =	vperm.xlane v18, v10;
	v52 =	vadd.s32 v4, v51;
	s8 =	simm.s32 $0x9280  }
0x252: {  	[tilespmem:s8], [sflag:$0x2] =	stream.indirect_vreg.gather [hbm4b:s11+s7], $0x80, v49, vm0, $0xb8;
	[tilespmem:$0x1E400] =	vst v63  }
0x253: {  	v55 =	vperm.xlane v18, v11;
	v54 =	vadd.s32 v4, v53;
	s8 =	simm.s32 $0x9300  }
0x254: {  	[tilespmem:s8], [sflag:$0x2] =	stream.indirect_vreg.gather [hbm4b:s11+s7], $0x80, v19, vm0, $0xb8;
	[tilespmem:$0x1E400] =	vst v63  }
0x255: {  	v56 =	vperm.xlane v18, v12;
	v19 =	vadd.s32 v4, v55;
	s8 =	simm.s32 $0x9380  }
0x256: {  	[tilespmem:s8], [sflag:$0x2] =	stream.indirect_vreg.gather [hbm4b:s11+s7], $0x80, v52, vm0, $0xb8;
	[tilespmem:$0x1E400] =	vst v63  }
0x257: {  	v58 =	vperm.xlane v18, v13;
	v57 =	vadd.s32 v4, v56;
	s8 =	simm.s32 $0x9400  }
0x258: {  	[tilespmem:s8], [sflag:$0x2] =	stream.indirect_vreg.gather [hbm4b:s11+s7], $0x80, v54, vm0, $0xb8;
	[tilespmem:$0x1E400] =	vst v63  }
0x259: {  	v60 =	vperm.xlane v18, v14;
	v59 =	vadd.s32 v4, v58;
	s8 =	simm.s32 $0x9480  }
0x25a: {  	[tilespmem:s8], [sflag:$0x2] =	stream.indirect_vreg.gather [hbm4b:s11+s7], $0x80, v19, vm0, $0xb8;
	[tilespmem:$0x1E400] =	vst v63  }
0x25b: {  	v61 =	vperm.xlane v18, v15;
	v19 =	vadd.s32 v4, v60;
	s8 =	simm.s32 $0x9500  }
0x25c: {  	[tilespmem:s8], [sflag:$0x2] =	stream.indirect_vreg.gather [hbm4b:s11+s7], $0x80, v57, vm0, $0xb8;
	[tilespmem:$0x1E400] =	vst v63  }
0x25d: {  	v63 =	vperm.xlane v18, v16;
	v62 =	vadd.s32 v4, v61;
	s8 =	simm.s32 $0x9580  }
0x25e: {  	[tilespmem:s8], [sflag:$0x2] =	stream.indirect_vreg.gather [hbm4b:s11+s7], $0x80, v59, vm0, $0xb8;
	[tilespmem:$0x1E400] =	vst v63  }
0x25f: {  	v18 =	vperm.xlane v18, v17;
	v24 =	vadd.s32 v4, v63;
	s8 =	simm.s32 $0x9600  }
0x260: {  	[tilespmem:s8], [sflag:$0x2] =	stream.indirect_vreg.gather [hbm4b:s11+s7], $0x80, v19, vm0, $0xb8;
	[tilespmem:$0x1E400] =	vst v63  }
0x261: {  	v18 =	vadd.s32 v4, v18;
	s8 =	simm.s32 $0x9680  }
0x262: {  	[tilespmem:s8], [sflag:$0x2] =	stream.indirect_vreg.gather [hbm4b:s11+s7], $0x80, v62, vm0, $0xb8;
	[tilespmem:$0x1E400] =	vst v63  }
0x263: {  	s8 =	simm.s32 $0x9700  }
0x264: {  	[tilespmem:s8], [sflag:$0x2] =	stream.indirect_vreg.gather [hbm4b:s11+s7], $0x80, v24, vm0, $0xb8;
	[tilespmem:$0x1E400] =	vst v63  }
0x265: {  	s8 =	simm.s32 $0x9780  }
0x266: {  	[tilespmem:s8], [sflag:$0x2] =	stream.indirect_vreg.gather [hbm4b:s11+s7], $0x80, v18, vm0, $0xb8;
	[tilespmem:$0x1E400] =	vst v63  }
0x267: {  	v18 =	vld [tilespmem:$0xE0];
	_ =	sdelay $0x4  }
0x268: {  	v19 =	vshll.u32 v18, $0x1  }
0x269: {  	v18 =	vand.u32 $0x7, v18;
	v19 =	vand.u32 $0xFFFFFFF0, v19  }
0x26a: {  	v18 =	vor.u32 v18, v19  }
0x26b: {  	v19 =	vperm.xlane v18, v3;
	_ =	sdelay $0x1  }
0x26c: {  	v25 =	vperm.xlane v18, v2;
	v19 =	vadd.s32 v4, v19;
	_ =	sdelay $0x1  }
0x26d: {  	v26 =	vperm.xlane v18, v5;
	v20 =	vadd.s32 v4, v25;
	_ =	sdelay $0x1  }
0x26e: {  	s8 =	simm.s32 $0x9800;
	v27 =	vperm.xlane v18, v6;
	v21 =	vadd.s32 v4, v26  }
0x26f: {  	[tilespmem:s8], [sflag:$0x2] =	stream.indirect_vreg.gather [hbm4b:s11+s7], $0x80, v19, vm0, $0xb8;
	[tilespmem:$0x1E400] =	vst v63  }
0x270: {  	v28 =	vperm.xlane v18, v7;
	v19 =	vadd.s32 v4, v27;
	s8 =	simm.s32 $0x9880  }
0x271: {  	[tilespmem:s8], [sflag:$0x2] =	stream.indirect_vreg.gather [hbm4b:s11+s7], $0x80, v20, vm0, $0xb8;
	[tilespmem:$0x1E400] =	vst v63  }
0x272: {  	v30 =	vperm.xlane v18, v8;
	v29 =	vadd.s32 v4, v28;
	s8 =	simm.s32 $0x9900  }
0x273: {  	[tilespmem:s8], [sflag:$0x2] =	stream.indirect_vreg.gather [hbm4b:s11+s7], $0x80, v21, vm0, $0xb8;
	[tilespmem:$0x1E400] =	vst v63  }
0x274: {  	v32 =	vperm.xlane v18, v9;
	v31 =	vadd.s32 v4, v30;
	s8 =	simm.s32 $0x9980  }
0x275: {  	[tilespmem:s8], [sflag:$0x2] =	stream.indirect_vreg.gather [hbm4b:s11+s7], $0x80, v19, vm0, $0xb8;
	[tilespmem:$0x1E400] =	vst v63  }
0x276: {  	v33 =	vperm.xlane v18, v1;
	v19 =	vadd.s32 v4, v32;
	s8 =	simm.s32 $0x9A00  }
0x277: {  	[tilespmem:s8], [sflag:$0x2] =	stream.indirect_vreg.gather [hbm4b:s11+s7], $0x80, v29, vm0, $0xb8;
	[tilespmem:$0x1E400] =	vst v63  }
0x278: {  	v35 =	vperm.xlane v18, v10;
	v34 =	vadd.s32 v4, v33;
	s8 =	simm.s32 $0x9A80  }
0x279: {  	[tilespmem:s8], [sflag:$0x2] =	stream.indirect_vreg.gather [hbm4b:s11+s7], $0x80, v31, vm0, $0xb8;
	[tilespmem:$0x1E400] =	vst v63  }
0x27a: {  	v37 =	vperm.xlane v18, v11;
	v36 =	vadd.s32 v4, v35;
	s8 =	simm.s32 $0x9B00  }
0x27b: {  	[tilespmem:s8], [sflag:$0x2] =	stream.indirect_vreg.gather [hbm4b:s11+s7], $0x80, v19, vm0, $0xb8;
	[tilespmem:$0x1E400] =	vst v63  }
0x27c: {  	v38 =	vperm.xlane v18, v12;
	v19 =	vadd.s32 v4, v37;
	s8 =	simm.s32 $0x9B80  }
0x27d: {  	[tilespmem:s8], [sflag:$0x2] =	stream.indirect_vreg.gather [hbm4b:s11+s7], $0x80, v34, vm0, $0xb8;
	[tilespmem:$0x1E400] =	vst v63  }
0x27e: {  	v40 =	vperm.xlane v18, v13;
	v39 =	vadd.s32 v4, v38;
	s8 =	simm.s32 $0x9C00  }
0x27f: {  	[tilespmem:s8], [sflag:$0x2] =	stream.indirect_vreg.gather [hbm4b:s11+s7], $0x80, v36, vm0, $0xb8;
	[tilespmem:$0x1E400] =	vst v63  }
0x280: {  	v42 =	vperm.xlane v18, v14;
	v41 =	vadd.s32 v4, v40;
	s8 =	simm.s32 $0x9C80  }
0x281: {  	[tilespmem:s8], [sflag:$0x2] =	stream.indirect_vreg.gather [hbm4b:s11+s7], $0x80, v19, vm0, $0xb8;
	[tilespmem:$0x1E400] =	vst v63  }
0x282: {  	v43 =	vperm.xlane v18, v15;
	v19 =	vadd.s32 v4, v42;
	s8 =	simm.s32 $0x9D00  }
0x283: {  	[tilespmem:s8], [sflag:$0x2] =	stream.indirect_vreg.gather [hbm4b:s11+s7], $0x80, v39, vm0, $0xb8;
	[tilespmem:$0x1E400] =	vst v63  }
0x284: {  	v45 =	vperm.xlane v18, v16;
	v44 =	vadd.s32 v4, v43;
	s8 =	simm.s32 $0x9D80  }
0x285: {  	[tilespmem:s8], [sflag:$0x2] =	stream.indirect_vreg.gather [hbm4b:s11+s7], $0x80, v41, vm0, $0xb8;
	[tilespmem:$0x1E400] =	vst v63  }
0x286: {  	v18 =	vperm.xlane v18, v17;
	v46 =	vadd.s32 v4, v45;
	s8 =	simm.s32 $0x9E00  }
0x287: {  	[tilespmem:s8], [sflag:$0x2] =	stream.indirect_vreg.gather [hbm4b:s11+s7], $0x80, v19, vm0, $0xb8;
	[tilespmem:$0x1E400] =	vst v63  }
0x288: {  	v18 =	vadd.s32 v4, v18;
	s8 =	simm.s32 $0x9E80  }
0x289: {  	[tilespmem:s8], [sflag:$0x2] =	stream.indirect_vreg.gather [hbm4b:s11+s7], $0x80, v44, vm0, $0xb8;
	[tilespmem:$0x1E400] =	vst v63  }
0x28a: {  	s8 =	simm.s32 $0x9F00  }
0x28b: {  	[tilespmem:s8], [sflag:$0x2] =	stream.indirect_vreg.gather [hbm4b:s11+s7], $0x80, v46, vm0, $0xb8;
	[tilespmem:$0x1E400] =	vst v63  }
0x28c: {  	s8 =	simm.s32 $0x9F80  }
0x28d: {  	[tilespmem:s8], [sflag:$0x2] =	stream.indirect_vreg.gather [hbm4b:s11+s7], $0x80, v18, vm0, $0xb8;
	[tilespmem:$0x1E400] =	vst v63  }
0x28e: {  	v18 =	vld.msk [tilespmem:$0xF0], $0x1fff;
	_ =	sdelay $0x4  }
0x28f: {  	v19 =	vshll.u32 v18, $0x1  }
0x290: {  	v18 =	vand.u32 $0x7, v18;
	v19 =	vand.u32 $0xFFFFFFF0, v19  }
0x291: {  	v18 =	vor.u32 v18, v19  }
0x292: {  	v19 =	vperm.xlane v18, v3;
	_ =	sdelay $0x1  }
0x293: {  	v47 =	vperm.xlane v18, v2;
	v19 =	vadd.s32 v4, v19;
	_ =	sdelay $0x1  }
0x294: {  	v48 =	vperm.xlane v18, v5;
	v20 =	vadd.s32 v4, v47;
	_ =	sdelay $0x1  }
0x295: {  	s8 =	simm.s32 $0xA000;
	v49 =	vperm.xlane v18, v6;
	v21 =	vadd.s32 v4, v48  }
0x296: {  	[tilespmem:s8], [sflag:$0x2] =	stream.indirect_vreg.gather [hbm4b:s11+s7], $0x80, v19, vm0, $0xb8;
	[tilespmem:$0x1E400] =	vst v63  }
0x297: {  	v50 =	vperm.xlane v18, v7;
	v19 =	vadd.s32 v4, v49;
	s8 =	simm.s32 $0xA080  }
0x298: {  	[tilespmem:s8], [sflag:$0x2] =	stream.indirect_vreg.gather [hbm4b:s11+s7], $0x80, v20, vm0, $0xb8;
	[tilespmem:$0x1E400] =	vst v63  }
0x299: {  	v52 =	vperm.xlane v18, v8;
	v51 =	vadd.s32 v4, v50;
	s8 =	simm.s32 $0xA100  }
0x29a: {  	[tilespmem:s8], [sflag:$0x2] =	stream.indirect_vreg.gather [hbm4b:s11+s7], $0x80, v21, vm0, $0xb8;
	[tilespmem:$0x1E400] =	vst v63  }
0x29b: {  	v54 =	vperm.xlane v18, v9;
	v53 =	vadd.s32 v4, v52;
	s8 =	simm.s32 $0xA180  }
0x29c: {  	[tilespmem:s8], [sflag:$0x2] =	stream.indirect_vreg.gather [hbm4b:s11+s7], $0x80, v19, vm0, $0xb8;
	[tilespmem:$0x1E400] =	vst v63  }
0x29d: {  	v55 =	vperm.xlane v18, v1;
	v19 =	vadd.s32 v4, v54;
	s8 =	simm.s32 $0xA200  }
0x29e: {  	[tilespmem:s8], [sflag:$0x2] =	stream.indirect_vreg.gather [hbm4b:s11+s7], $0x80, v51, vm0, $0xb8;
	[tilespmem:$0x1E400] =	vst v63  }
0x29f: {  	v57 =	vperm.xlane v18, v10;
	v56 =	vadd.s32 v4, v55;
	s8 =	simm.s32 $0xA280  }
0x2a0: {  	[tilespmem:s8], [sflag:$0x2] =	stream.indirect_vreg.gather [hbm4b:s11+s7], $0x80, v53, vm0, $0xb8;
	[tilespmem:$0x1E400] =	vst v63  }
0x2a1: {  	v59 =	vperm.xlane v18, v11;
	v58 =	vadd.s32 v4, v57;
	s8 =	simm.s32 $0xA300  }
0x2a2: {  	[tilespmem:s8], [sflag:$0x2] =	stream.indirect_vreg.gather [hbm4b:s11+s7], $0x80, v19, vm0, $0xb8;
	[tilespmem:$0x1E400] =	vst v63  }
0x2a3: {  	v60 =	vperm.xlane v18, v12;
	v19 =	vadd.s32 v4, v59;
	s8 =	simm.s32 $0xA380  }
0x2a4: {  	[tilespmem:s8], [sflag:$0x2] =	stream.indirect_vreg.gather [hbm4b:s11+s7], $0x80, v56, vm0, $0xb8;
	[tilespmem:$0x1E400] =	vst v63  }
0x2a5: {  	v62 =	vperm.xlane v18, v13;
	v61 =	vadd.s32 v4, v60;
	s8 =	simm.s32 $0xA400  }
0x2a6: {  	[tilespmem:s8], [sflag:$0x2] =	stream.indirect_vreg.gather [hbm4b:s11+s7], $0x80, v58, vm0, $0xb8;
	[tilespmem:$0x1E400] =	vst v63  }
0x2a7: {  	v18 =	vperm.xlane v18, v14;
	v63 =	vadd.s32 v4, v62;
	s8 =	simm.s32 $0xA480  }
0x2a8: {  	[tilespmem:s8], [sflag:$0x2] =	stream.indirect_vreg.gather [hbm4b:s11+s7], $0x80, v19, vm0, $0xb8;
	[tilespmem:$0x1E400] =	vst v63  }
0x2a9: {  	v18 =	vadd.s32 v4, v18;
	s8 =	simm.s32 $0xA500  }
0x2aa: {  	[tilespmem:s8], [sflag:$0x2] =	stream.indirect_vreg.gather [hbm4b:s11+s7], $0x80, v61, vm0, $0xb8;
	[tilespmem:$0x1E400] =	vst v63  }
0x2ab: {  	s8 =	simm.s32 $0xA580  }
0x2ac: {  	[tilespmem:s8], [sflag:$0x2] =	stream.indirect_vreg.gather [hbm4b:s11+s7], $0x80, v63, vm0, $0xb8;
	[tilespmem:$0x1E400] =	vst v63  }
0x2ad: {  	s8 =	simm.s32 $0xA600  }
0x2ae: {  	[tilespmem:s8], [sflag:$0x2] =	stream.indirect_vreg.gather [hbm4b:s11+s7], $0x80, v18, vm0, $0xb8;
	[tilespmem:$0x1E400] =	vst v63  }
0x2af: {  	_ =	swait.ge [sflag:s19], $0x3E80  }
0x2b0: {  	[sflag:s19] =	ssyncset.done $0x0  }
0x2b1: {  	[sflag:s19] =	ssyncadd.s32 $0xFFFFC180  }
0x2b2: {  	[spmem:s1] =	stream.indirect.scatter.add.f32 [tilespmem:s20], [sflag:$0x3], $0x80, s22, s5, $0xb8;
	[tilespmem:$0x1E400] =	vst v63  }
0x2b3: {  	_ =	swait.ge [sflag:s21], $0x3E80  }
0x2b4: {  	[sflag:s21] =	ssyncset.done $0x0  }
0x2b5: {  	[sflag:s21] =	ssyncadd.s32 $0xFFFFC180  }
.LBB2_4:
0x2b6: {  	s22 =	sshra.s32 s7, $0x2  }
0x2b7: {  	v18 =	vld [tilespmem:s22+$0x100];
	_ =	sdelay $0x4  }
0x2b8: {  	v19 =	vshll.u32 v18, $0x1  }
0x2b9: {  	v18 =	vand.u32 $0x7, v18;
	v19 =	vand.u32 $0xFFFFFFF0, v19  }
0x2ba: {  	v18 =	vor.u32 v18, v19  }
0x2bb: {  	v19 =	vperm.xlane v18, v3;
	_ =	sdelay $0x1  }
0x2bc: {  	v20 =	vperm.xlane v18, v2;
	v19 =	vadd.s32 v4, v19;
	_ =	sdelay $0x1  }
0x2bd: {  	v21 =	vperm.xlane v18, v5;
	v20 =	vadd.s32 v4, v20;
	_ =	sdelay $0x1  }
0x2be: {  	v22 =	vperm.xlane v18, v6;
	v21 =	vadd.s32 v4, v21  }
0x2bf: {  	[tilespmem:s20], [sflag:$0x1] =	stream.indirect_vreg.gather [hbm4b:s11+s3], $0x80, v19, vm0, $0xb8;
	[tilespmem:$0x1E400] =	vst v63  }
0x2c0: {  	v45 =	vperm.xlane v18, v7;
	v19 =	vadd.s32 v4, v22  }
0x2c1: {  	[tilespmem:s23], [sflag:$0x1] =	stream.indirect_vreg.gather [hbm4b:s11+s3], $0x80, v20, vm0, $0xb8;
	[tilespmem:$0x1E400] =	vst v63  }
0x2c2: {  	v47 =	vperm.xlane v18, v8;
	v46 =	vadd.s32 v4, v45  }
0x2c3: {  	[tilespmem:s24], [sflag:$0x1] =	stream.indirect_vreg.gather [hbm4b:s11+s3], $0x80, v21, vm0, $0xb8;
	[tilespmem:$0x1E400] =	vst v63  }
0x2c4: {  	v49 =	vperm.xlane v18, v9;
	v48 =	vadd.s32 v4, v47  }
0x2c5: {  	[tilespmem:s25], [sflag:$0x1] =	stream.indirect_vreg.gather [hbm4b:s11+s3], $0x80, v19, vm0, $0xb8;
	[tilespmem:$0x1E400] =	vst v63  }
0x2c6: {  	v50 =	vperm.xlane v18, v1;
	v19 =	vadd.s32 v4, v49  }
0x2c7: {  	[tilespmem:s26], [sflag:$0x1] =	stream.indirect_vreg.gather [hbm4b:s11+s3], $0x80, v46, vm0, $0xb8;
	[tilespmem:$0x1E400] =	vst v63  }
0x2c8: {  	v52 =	vperm.xlane v18, v10;
	v51 =	vadd.s32 v4, v50  }
0x2c9: {  	[tilespmem:s28], [sflag:$0x1] =	stream.indirect_vreg.gather [hbm4b:s11+s3], $0x80, v48, vm0, $0xb8;
	[tilespmem:$0x1E400] =	vst v63  }
0x2ca: {  	v54 =	vperm.xlane v18, v11;
	v53 =	vadd.s32 v4, v52  }
0x2cb: {  	[tilespmem:s29], [sflag:$0x1] =	stream.indirect_vreg.gather [hbm4b:s11+s3], $0x80, v19, vm0, $0xb8;
	[tilespmem:$0x1E400] =	vst v63  }
0x2cc: {  	v55 =	vperm.xlane v18, v12;
	v19 =	vadd.s32 v4, v54  }
0x2cd: {  	[tilespmem:s30], [sflag:$0x1] =	stream.indirect_vreg.gather [hbm4b:s11+s3], $0x80, v51, vm0, $0xb8;
	[tilespmem:$0x1E400] =	vst v63  }
0x2ce: {  	v57 =	vperm.xlane v18, v13;
	v56 =	vadd.s32 v4, v55  }
0x2cf: {  	[tilespmem:s31], [sflag:$0x1] =	stream.indirect_vreg.gather [hbm4b:s11+s3], $0x80, v53, vm0, $0xb8;
	[tilespmem:$0x1E400] =	vst v63  }
0x2d0: {  	v59 =	vperm.xlane v18, v14;
	v58 =	vadd.s32 v4, v57  }
0x2d1: {  	[tilespmem:s0], [sflag:$0x1] =	stream.indirect_vreg.gather [hbm4b:s11+s3], $0x80, v19, vm0, $0xb8;
	[tilespmem:$0x1E400] =	vst v63  }
0x2d2: {  	v60 =	vperm.xlane v18, v15;
	v19 =	vadd.s32 v4, v59  }
0x2d3: {  	[tilespmem:s2], [sflag:$0x1] =	stream.indirect_vreg.gather [hbm4b:s11+s3], $0x80, v56, vm0, $0xb8;
	[tilespmem:$0x1E400] =	vst v63  }
0x2d4: {  	v62 =	vperm.xlane v18, v16;
	v61 =	vadd.s32 v4, v60  }
0x2d5: {  	[tilespmem:s9], [sflag:$0x1] =	stream.indirect_vreg.gather [hbm4b:s11+s3], $0x80, v58, vm0, $0xb8;
	[tilespmem:$0x1E400] =	vst v63  }
0x2d6: {  	v18 =	vperm.xlane v18, v17;
	v63 =	vadd.s32 v4, v62  }
0x2d7: {  	[tilespmem:s10], [sflag:$0x1] =	stream.indirect_vreg.gather [hbm4b:s11+s3], $0x80, v19, vm0, $0xb8;
	[tilespmem:$0x1E400] =	vst v63  }
0x2d8: {  	v18 =	vadd.s32 v4, v18  }
0x2d9: {  	[tilespmem:s12], [sflag:$0x1] =	stream.indirect_vreg.gather [hbm4b:s11+s3], $0x80, v61, vm0, $0xb8;
	[tilespmem:$0x1E400] =	vst v63  }
0x2da: {  	_ = 	snop  }
0x2db: {  	[tilespmem:s13], [sflag:$0x1] =	stream.indirect_vreg.gather [hbm4b:s11+s3], $0x80, v63, vm0, $0xb8;
	[tilespmem:$0x1E400] =	vst v63  }
0x2dc: {  	_ = 	snop  }
0x2dd: {  	[tilespmem:s14], [sflag:$0x1] =	stream.indirect_vreg.gather [hbm4b:s11+s3], $0x80, v18, vm0, $0xb8;
	[tilespmem:$0x1E400] =	vst v63  }
0x2de: {  	v18 =	vld [tilespmem:s22+$0x110];
	_ =	sdelay $0x4  }
0x2df: {  	v19 =	vshll.u32 v18, $0x1  }
0x2e0: {  	v18 =	vand.u32 $0x7, v18;
	v19 =	vand.u32 $0xFFFFFFF0, v19  }
0x2e1: {  	v18 =	vor.u32 v18, v19  }
0x2e2: {  	v19 =	vperm.xlane v18, v3;
	_ =	sdelay $0x1  }
0x2e3: {  	v24 =	vperm.xlane v18, v2;
	v19 =	vadd.s32 v4, v19;
	_ =	sdelay $0x1  }
0x2e4: {  	v25 =	vperm.xlane v18, v5;
	v20 =	vadd.s32 v4, v24;
	_ =	sdelay $0x1  }
0x2e5: {  	v26 =	vperm.xlane v18, v6;
	v21 =	vadd.s32 v4, v25  }
0x2e6: {  	[tilespmem:s15], [sflag:$0x1] =	stream.indirect_vreg.gather [hbm4b:s11+s3], $0x80, v19, vm0, $0xb8;
	[tilespmem:$0x1E400] =	vst v63  }
0x2e7: {  	v27 =	vperm.xlane v18, v7;
	v19 =	vadd.s32 v4, v26  }
0x2e8: {  	[tilespmem:s16], [sflag:$0x1] =	stream.indirect_vreg.gather [hbm4b:s11+s3], $0x80, v20, vm0, $0xb8;
	[tilespmem:$0x1E400] =	vst v63  }
0x2e9: {  	v29 =	vperm.xlane v18, v8;
	v28 =	vadd.s32 v4, v27  }
0x2ea: {  	[tilespmem:s17], [sflag:$0x1] =	stream.indirect_vreg.gather [hbm4b:s11+s3], $0x80, v21, vm0, $0xb8;
	[tilespmem:$0x1E400] =	vst v63  }
0x2eb: {  	v31 =	vperm.xlane v18, v9;
	v30 =	vadd.s32 v4, v29  }
0x2ec: {  	[tilespmem:s18], [sflag:$0x1] =	stream.indirect_vreg.gather [hbm4b:s11+s3], $0x80, v19, vm0, $0xb8;
	[tilespmem:$0x1E400] =	vst v63  }
0x2ed: {  	s8 =	simm.s32 $0x3200;
	v32 =	vperm.xlane v18, v1;
	v19 =	vadd.s32 v4, v31  }
0x2ee: {  	[tilespmem:s8], [sflag:$0x1] =	stream.indirect_vreg.gather [hbm4b:s11+s3], $0x80, v28, vm0, $0xb8;
	[tilespmem:$0x1E400] =	vst v63  }
0x2ef: {  	v34 =	vperm.xlane v18, v10;
	v33 =	vadd.s32 v4, v32;
	s8 =	simm.s32 $0x3280  }
0x2f0: {  	[tilespmem:s8], [sflag:$0x1] =	stream.indirect_vreg.gather [hbm4b:s11+s3], $0x80, v30, vm0, $0xb8;
	[tilespmem:$0x1E400] =	vst v63  }
0x2f1: {  	v36 =	vperm.xlane v18, v11;
	v35 =	vadd.s32 v4, v34;
	s8 =	simm.s32 $0x3300  }
0x2f2: {  	[tilespmem:s8], [sflag:$0x1] =	stream.indirect_vreg.gather [hbm4b:s11+s3], $0x80, v19, vm0, $0xb8;
	[tilespmem:$0x1E400] =	vst v63  }
0x2f3: {  	v37 =	vperm.xlane v18, v12;
	v19 =	vadd.s32 v4, v36;
	s8 =	simm.s32 $0x3380  }
0x2f4: {  	[tilespmem:s8], [sflag:$0x1] =	stream.indirect_vreg.gather [hbm4b:s11+s3], $0x80, v33, vm0, $0xb8;
	[tilespmem:$0x1E400] =	vst v63  }
0x2f5: {  	v39 =	vperm.xlane v18, v13;
	v38 =	vadd.s32 v4, v37;
	s8 =	simm.s32 $0x3400  }
0x2f6: {  	[tilespmem:s8], [sflag:$0x1] =	stream.indirect_vreg.gather [hbm4b:s11+s3], $0x80, v35, vm0, $0xb8;
	[tilespmem:$0x1E400] =	vst v63  }
0x2f7: {  	v41 =	vperm.xlane v18, v14;
	v40 =	vadd.s32 v4, v39;
	s8 =	simm.s32 $0x3480  }
0x2f8: {  	[tilespmem:s8], [sflag:$0x1] =	stream.indirect_vreg.gather [hbm4b:s11+s3], $0x80, v19, vm0, $0xb8;
	[tilespmem:$0x1E400] =	vst v63  }
0x2f9: {  	v42 =	vperm.xlane v18, v15;
	v19 =	vadd.s32 v4, v41;
	s8 =	simm.s32 $0x3500  }
0x2fa: {  	[tilespmem:s8], [sflag:$0x1] =	stream.indirect_vreg.gather [hbm4b:s11+s3], $0x80, v38, vm0, $0xb8;
	[tilespmem:$0x1E400] =	vst v63  }
0x2fb: {  	v44 =	vperm.xlane v18, v16;
	v43 =	vadd.s32 v4, v42;
	s8 =	simm.s32 $0x3580  }
0x2fc: {  	[tilespmem:s8], [sflag:$0x1] =	stream.indirect_vreg.gather [hbm4b:s11+s3], $0x80, v40, vm0, $0xb8;
	[tilespmem:$0x1E400] =	vst v63  }
0x2fd: {  	v18 =	vperm.xlane v18, v17;
	v45 =	vadd.s32 v4, v44;
	s8 =	simm.s32 $0x3600  }
0x2fe: {  	[tilespmem:s8], [sflag:$0x1] =	stream.indirect_vreg.gather [hbm4b:s11+s3], $0x80, v19, vm0, $0xb8;
	[tilespmem:$0x1E400] =	vst v63  }
0x2ff: {  	v18 =	vadd.s32 v4, v18;
	s8 =	simm.s32 $0x3680  }
0x300: {  	[tilespmem:s8], [sflag:$0x1] =	stream.indirect_vreg.gather [hbm4b:s11+s3], $0x80, v43, vm0, $0xb8;
	[tilespmem:$0x1E400] =	vst v63  }
0x301: {  	s8 =	simm.s32 $0x3700  }
0x302: {  	[tilespmem:s8], [sflag:$0x1] =	stream.indirect_vreg.gather [hbm4b:s11+s3], $0x80, v45, vm0, $0xb8;
	[tilespmem:$0x1E400] =	vst v63  }
0x303: {  	s8 =	simm.s32 $0x3780  }
0x304: {  	[tilespmem:s8], [sflag:$0x1] =	stream.indirect_vreg.gather [hbm4b:s11+s3], $0x80, v18, vm0, $0xb8;
	[tilespmem:$0x1E400] =	vst v63  }
0x305: {  	v18 =	vld [tilespmem:s22+$0x120];
	_ =	sdelay $0x4  }
0x306: {  	v19 =	vshll.u32 v18, $0x1  }
0x307: {  	v18 =	vand.u32 $0x7, v18;
	v19 =	vand.u32 $0xFFFFFFF0, v19  }
0x308: {  	v18 =	vor.u32 v18, v19  }
0x309: {  	v19 =	vperm.xlane v18, v3;
	_ =	sdelay $0x1  }
0x30a: {  	v46 =	vperm.xlane v18, v2;
	v19 =	vadd.s32 v4, v19;
	_ =	sdelay $0x1  }
0x30b: {  	v47 =	vperm.xlane v18, v5;
	v20 =	vadd.s32 v4, v46;
	_ =	sdelay $0x1  }
0x30c: {  	s8 =	simm.s32 $0x3800;
	v48 =	vperm.xlane v18, v6;
	v21 =	vadd.s32 v4, v47  }
0x30d: {  	[tilespmem:s8], [sflag:$0x1] =	stream.indirect_vreg.gather [hbm4b:s11+s3], $0x80, v19, vm0, $0xb8;
	[tilespmem:$0x1E400] =	vst v63  }
0x30e: {  	v49 =	vperm.xlane v18, v7;
	v19 =	vadd.s32 v4, v48;
	s8 =	simm.s32 $0x3880  }
0x30f: {  	[tilespmem:s8], [sflag:$0x1] =	stream.indirect_vreg.gather [hbm4b:s11+s3], $0x80, v20, vm0, $0xb8;
	[tilespmem:$0x1E400] =	vst v63  }
0x310: {  	v51 =	vperm.xlane v18, v8;
	v50 =	vadd.s32 v4, v49;
	s8 =	simm.s32 $0x3900  }
0x311: {  	[tilespmem:s8], [sflag:$0x1] =	stream.indirect_vreg.gather [hbm4b:s11+s3], $0x80, v21, vm0, $0xb8;
	[tilespmem:$0x1E400] =	vst v63  }
0x312: {  	v53 =	vperm.xlane v18, v9;
	v52 =	vadd.s32 v4, v51;
	s8 =	simm.s32 $0x3980  }
0x313: {  	[tilespmem:s8], [sflag:$0x1] =	stream.indirect_vreg.gather [hbm4b:s11+s3], $0x80, v19, vm0, $0xb8;
	[tilespmem:$0x1E400] =	vst v63  }
0x314: {  	v54 =	vperm.xlane v18, v1;
	v19 =	vadd.s32 v4, v53;
	s8 =	simm.s32 $0x3A00  }
0x315: {  	[tilespmem:s8], [sflag:$0x1] =	stream.indirect_vreg.gather [hbm4b:s11+s3], $0x80, v50, vm0, $0xb8;
	[tilespmem:$0x1E400] =	vst v63  }
0x316: {  	v56 =	vperm.xlane v18, v10;
	v55 =	vadd.s32 v4, v54;
	s8 =	simm.s32 $0x3A80  }
0x317: {  	[tilespmem:s8], [sflag:$0x1] =	stream.indirect_vreg.gather [hbm4b:s11+s3], $0x80, v52, vm0, $0xb8;
	[tilespmem:$0x1E400] =	vst v63  }
0x318: {  	v58 =	vperm.xlane v18, v11;
	v57 =	vadd.s32 v4, v56;
	s8 =	simm.s32 $0x3B00  }
0x319: {  	[tilespmem:s8], [sflag:$0x1] =	stream.indirect_vreg.gather [hbm4b:s11+s3], $0x80, v19, vm0, $0xb8;
	[tilespmem:$0x1E400] =	vst v63  }
0x31a: {  	v59 =	vperm.xlane v18, v12;
	v19 =	vadd.s32 v4, v58;
	s8 =	simm.s32 $0x3B80  }
0x31b: {  	[tilespmem:s8], [sflag:$0x1] =	stream.indirect_vreg.gather [hbm4b:s11+s3], $0x80, v55, vm0, $0xb8;
	[tilespmem:$0x1E400] =	vst v63  }
0x31c: {  	v61 =	vperm.xlane v18, v13;
	v60 =	vadd.s32 v4, v59;
	s8 =	simm.s32 $0x3C00  }
0x31d: {  	[tilespmem:s8], [sflag:$0x1] =	stream.indirect_vreg.gather [hbm4b:s11+s3], $0x80, v57, vm0, $0xb8;
	[tilespmem:$0x1E400] =	vst v63  }
0x31e: {  	v63 =	vperm.xlane v18, v14;
	v62 =	vadd.s32 v4, v61;
	s8 =	simm.s32 $0x3C80  }
0x31f: {  	[tilespmem:s8], [sflag:$0x1] =	stream.indirect_vreg.gather [hbm4b:s11+s3], $0x80, v19, vm0, $0xb8;
	[tilespmem:$0x1E400] =	vst v63  }
0x320: {  	v24 =	vperm.xlane v18, v15;
	v19 =	vadd.s32 v4, v63;
	s8 =	simm.s32 $0x3D00  }
0x321: {  	[tilespmem:s8], [sflag:$0x1] =	stream.indirect_vreg.gather [hbm4b:s11+s3], $0x80, v60, vm0, $0xb8;
	[tilespmem:$0x1E400] =	vst v63  }
0x322: {  	v26 =	vperm.xlane v18, v16;
	v25 =	vadd.s32 v4, v24;
	s8 =	simm.s32 $0x3D80  }
0x323: {  	[tilespmem:s8], [sflag:$0x1] =	stream.indirect_vreg.gather [hbm4b:s11+s3], $0x80, v62, vm0, $0xb8;
	[tilespmem:$0x1E400] =	vst v63  }
0x324: {  	v18 =	vperm.xlane v18, v17;
	v27 =	vadd.s32 v4, v26;
	s8 =	simm.s32 $0x3E00  }
0x325: {  	[tilespmem:s8], [sflag:$0x1] =	stream.indirect_vreg.gather [hbm4b:s11+s3], $0x80, v19, vm0, $0xb8;
	[tilespmem:$0x1E400] =	vst v63  }
0x326: {  	v18 =	vadd.s32 v4, v18;
	s8 =	simm.s32 $0x3E80  }
0x327: {  	[tilespmem:s8], [sflag:$0x1] =	stream.indirect_vreg.gather [hbm4b:s11+s3], $0x80, v25, vm0, $0xb8;
	[tilespmem:$0x1E400] =	vst v63  }
0x328: {  	s8 =	simm.s32 $0x3F00  }
0x329: {  	[tilespmem:s8], [sflag:$0x1] =	stream.indirect_vreg.gather [hbm4b:s11+s3], $0x80, v27, vm0, $0xb8;
	[tilespmem:$0x1E400] =	vst v63  }
0x32a: {  	s8 =	simm.s32 $0x3F80  }
0x32b: {  	[tilespmem:s8], [sflag:$0x1] =	stream.indirect_vreg.gather [hbm4b:s11+s3], $0x80, v18, vm0, $0xb8;
	[tilespmem:$0x1E400] =	vst v63  }
0x32c: {  	v18 =	vld [tilespmem:s22+$0x130];
	_ =	sdelay $0x4  }
0x32d: {  	v19 =	vshll.u32 v18, $0x1  }
0x32e: {  	v18 =	vand.u32 $0x7, v18;
	v19 =	vand.u32 $0xFFFFFFF0, v19  }
0x32f: {  	v18 =	vor.u32 v18, v19  }
0x330: {  	v19 =	vperm.xlane v18, v3;
	_ =	sdelay $0x1  }
0x331: {  	v28 =	vperm.xlane v18, v2;
	v19 =	vadd.s32 v4, v19;
	_ =	sdelay $0x1  }
0x332: {  	v29 =	vperm.xlane v18, v5;
	v20 =	vadd.s32 v4, v28;
	_ =	sdelay $0x1  }
0x333: {  	s8 =	simm.s32 $0x4000;
	v30 =	vperm.xlane v18, v6;
	v21 =	vadd.s32 v4, v29  }
0x334: {  	[tilespmem:s8], [sflag:$0x1] =	stream.indirect_vreg.gather [hbm4b:s11+s3], $0x80, v19, vm0, $0xb8;
	[tilespmem:$0x1E400] =	vst v63  }
0x335: {  	v31 =	vperm.xlane v18, v7;
	v19 =	vadd.s32 v4, v30;
	s8 =	simm.s32 $0x4080  }
0x336: {  	[tilespmem:s8], [sflag:$0x1] =	stream.indirect_vreg.gather [hbm4b:s11+s3], $0x80, v20, vm0, $0xb8;
	[tilespmem:$0x1E400] =	vst v63  }
0x337: {  	v33 =	vperm.xlane v18, v8;
	v32 =	vadd.s32 v4, v31;
	s8 =	simm.s32 $0x4100  }
0x338: {  	[tilespmem:s8], [sflag:$0x1] =	stream.indirect_vreg.gather [hbm4b:s11+s3], $0x80, v21, vm0, $0xb8;
	[tilespmem:$0x1E400] =	vst v63  }
0x339: {  	v35 =	vperm.xlane v18, v9;
	v34 =	vadd.s32 v4, v33;
	s8 =	simm.s32 $0x4180  }
0x33a: {  	[tilespmem:s8], [sflag:$0x1] =	stream.indirect_vreg.gather [hbm4b:s11+s3], $0x80, v19, vm0, $0xb8;
	[tilespmem:$0x1E400] =	vst v63  }
0x33b: {  	v36 =	vperm.xlane v18, v1;
	v19 =	vadd.s32 v4, v35;
	s8 =	simm.s32 $0x4200  }
0x33c: {  	[tilespmem:s8], [sflag:$0x1] =	stream.indirect_vreg.gather [hbm4b:s11+s3], $0x80, v32, vm0, $0xb8;
	[tilespmem:$0x1E400] =	vst v63  }
0x33d: {  	v38 =	vperm.xlane v18, v10;
	v37 =	vadd.s32 v4, v36;
	s8 =	simm.s32 $0x4280  }
0x33e: {  	[tilespmem:s8], [sflag:$0x1] =	stream.indirect_vreg.gather [hbm4b:s11+s3], $0x80, v34, vm0, $0xb8;
	[tilespmem:$0x1E400] =	vst v63  }
0x33f: {  	v40 =	vperm.xlane v18, v11;
	v39 =	vadd.s32 v4, v38;
	s8 =	simm.s32 $0x4300  }
0x340: {  	[tilespmem:s8], [sflag:$0x1] =	stream.indirect_vreg.gather [hbm4b:s11+s3], $0x80, v19, vm0, $0xb8;
	[tilespmem:$0x1E400] =	vst v63  }
0x341: {  	v41 =	vperm.xlane v18, v12;
	v19 =	vadd.s32 v4, v40;
	s8 =	simm.s32 $0x4380  }
0x342: {  	[tilespmem:s8], [sflag:$0x1] =	stream.indirect_vreg.gather [hbm4b:s11+s3], $0x80, v37, vm0, $0xb8;
	[tilespmem:$0x1E400] =	vst v63  }
0x343: {  	v43 =	vperm.xlane v18, v13;
	v42 =	vadd.s32 v4, v41;
	s8 =	simm.s32 $0x4400  }
0x344: {  	[tilespmem:s8], [sflag:$0x1] =	stream.indirect_vreg.gather [hbm4b:s11+s3], $0x80, v39, vm0, $0xb8;
	[tilespmem:$0x1E400] =	vst v63  }
0x345: {  	v45 =	vperm.xlane v18, v14;
	v44 =	vadd.s32 v4, v43;
	s8 =	simm.s32 $0x4480  }
0x346: {  	[tilespmem:s8], [sflag:$0x1] =	stream.indirect_vreg.gather [hbm4b:s11+s3], $0x80, v19, vm0, $0xb8;
	[tilespmem:$0x1E400] =	vst v63  }
0x347: {  	v46 =	vperm.xlane v18, v15;
	v19 =	vadd.s32 v4, v45;
	s8 =	simm.s32 $0x4500  }
0x348: {  	[tilespmem:s8], [sflag:$0x1] =	stream.indirect_vreg.gather [hbm4b:s11+s3], $0x80, v42, vm0, $0xb8;
	[tilespmem:$0x1E400] =	vst v63  }
0x349: {  	v48 =	vperm.xlane v18, v16;
	v47 =	vadd.s32 v4, v46;
	s8 =	simm.s32 $0x4580  }
0x34a: {  	[tilespmem:s8], [sflag:$0x1] =	stream.indirect_vreg.gather [hbm4b:s11+s3], $0x80, v44, vm0, $0xb8;
	[tilespmem:$0x1E400] =	vst v63  }
0x34b: {  	v18 =	vperm.xlane v18, v17;
	v49 =	vadd.s32 v4, v48;
	s8 =	simm.s32 $0x4600  }
0x34c: {  	[tilespmem:s8], [sflag:$0x1] =	stream.indirect_vreg.gather [hbm4b:s11+s3], $0x80, v19, vm0, $0xb8;
	[tilespmem:$0x1E400] =	vst v63  }
0x34d: {  	v18 =	vadd.s32 v4, v18;
	s8 =	simm.s32 $0x4680  }
0x34e: {  	[tilespmem:s8], [sflag:$0x1] =	stream.indirect_vreg.gather [hbm4b:s11+s3], $0x80, v47, vm0, $0xb8;
	[tilespmem:$0x1E400] =	vst v63  }
0x34f: {  	s8 =	simm.s32 $0x4700  }
0x350: {  	[tilespmem:s8], [sflag:$0x1] =	stream.indirect_vreg.gather [hbm4b:s11+s3], $0x80, v49, vm0, $0xb8;
	[tilespmem:$0x1E400] =	vst v63  }
0x351: {  	s8 =	simm.s32 $0x4780  }
0x352: {  	[tilespmem:s8], [sflag:$0x1] =	stream.indirect_vreg.gather [hbm4b:s11+s3], $0x80, v18, vm0, $0xb8;
	[tilespmem:$0x1E400] =	vst v63  }
0x353: {  	v18 =	vld [tilespmem:s22+$0x140];
	_ =	sdelay $0x4  }
0x354: {  	v19 =	vshll.u32 v18, $0x1  }
0x355: {  	v18 =	vand.u32 $0x7, v18;
	v19 =	vand.u32 $0xFFFFFFF0, v19  }
0x356: {  	v18 =	vor.u32 v18, v19  }
0x357: {  	v19 =	vperm.xlane v18, v3;
	_ =	sdelay $0x1  }
0x358: {  	v50 =	vperm.xlane v18, v2;
	v19 =	vadd.s32 v4, v19;
	_ =	sdelay $0x1  }
0x359: {  	v51 =	vperm.xlane v18, v5;
	v20 =	vadd.s32 v4, v50;
	_ =	sdelay $0x1  }
0x35a: {  	s8 =	simm.s32 $0x4800;
	v52 =	vperm.xlane v18, v6;
	v21 =	vadd.s32 v4, v51  }
0x35b: {  	[tilespmem:s8], [sflag:$0x1] =	stream.indirect_vreg.gather [hbm4b:s11+s3], $0x80, v19, vm0, $0xb8;
	[tilespmem:$0x1E400] =	vst v63  }
0x35c: {  	v53 =	vperm.xlane v18, v7;
	v19 =	vadd.s32 v4, v52;
	s8 =	simm.s32 $0x4880  }
0x35d: {  	[tilespmem:s8], [sflag:$0x1] =	stream.indirect_vreg.gather [hbm4b:s11+s3], $0x80, v20, vm0, $0xb8;
	[tilespmem:$0x1E400] =	vst v63  }
0x35e: {  	v55 =	vperm.xlane v18, v8;
	v54 =	vadd.s32 v4, v53;
	s8 =	simm.s32 $0x4900  }
0x35f: {  	[tilespmem:s8], [sflag:$0x1] =	stream.indirect_vreg.gather [hbm4b:s11+s3], $0x80, v21, vm0, $0xb8;
	[tilespmem:$0x1E400] =	vst v63  }
0x360: {  	v57 =	vperm.xlane v18, v9;
	v56 =	vadd.s32 v4, v55;
	s8 =	simm.s32 $0x4980  }
0x361: {  	[tilespmem:s8], [sflag:$0x1] =	stream.indirect_vreg.gather [hbm4b:s11+s3], $0x80, v19, vm0, $0xb8;
	[tilespmem:$0x1E400] =	vst v63  }
0x362: {  	v58 =	vperm.xlane v18, v1;
	v19 =	vadd.s32 v4, v57;
	s8 =	simm.s32 $0x4A00  }
0x363: {  	[tilespmem:s8], [sflag:$0x1] =	stream.indirect_vreg.gather [hbm4b:s11+s3], $0x80, v54, vm0, $0xb8;
	[tilespmem:$0x1E400] =	vst v63  }
0x364: {  	v60 =	vperm.xlane v18, v10;
	v59 =	vadd.s32 v4, v58;
	s8 =	simm.s32 $0x4A80  }
0x365: {  	[tilespmem:s8], [sflag:$0x1] =	stream.indirect_vreg.gather [hbm4b:s11+s3], $0x80, v56, vm0, $0xb8;
	[tilespmem:$0x1E400] =	vst v63  }
0x366: {  	v62 =	vperm.xlane v18, v11;
	v61 =	vadd.s32 v4, v60;
	s8 =	simm.s32 $0x4B00  }
0x367: {  	[tilespmem:s8], [sflag:$0x1] =	stream.indirect_vreg.gather [hbm4b:s11+s3], $0x80, v19, vm0, $0xb8;
	[tilespmem:$0x1E400] =	vst v63  }
0x368: {  	v63 =	vperm.xlane v18, v12;
	v19 =	vadd.s32 v4, v62;
	s8 =	simm.s32 $0x4B80  }
0x369: {  	[tilespmem:s8], [sflag:$0x1] =	stream.indirect_vreg.gather [hbm4b:s11+s3], $0x80, v59, vm0, $0xb8;
	[tilespmem:$0x1E400] =	vst v63  }
0x36a: {  	v25 =	vperm.xlane v18, v13;
	v24 =	vadd.s32 v4, v63;
	s8 =	simm.s32 $0x4C00  }
0x36b: {  	[tilespmem:s8], [sflag:$0x1] =	stream.indirect_vreg.gather [hbm4b:s11+s3], $0x80, v61, vm0, $0xb8;
	[tilespmem:$0x1E400] =	vst v63  }
0x36c: {  	v27 =	vperm.xlane v18, v14;
	v26 =	vadd.s32 v4, v25;
	s8 =	simm.s32 $0x4C80  }
0x36d: {  	[tilespmem:s8], [sflag:$0x1] =	stream.indirect_vreg.gather [hbm4b:s11+s3], $0x80, v19, vm0, $0xb8;
	[tilespmem:$0x1E400] =	vst v63  }
0x36e: {  	v28 =	vperm.xlane v18, v15;
	v19 =	vadd.s32 v4, v27;
	s8 =	simm.s32 $0x4D00  }
0x36f: {  	[tilespmem:s8], [sflag:$0x1] =	stream.indirect_vreg.gather [hbm4b:s11+s3], $0x80, v24, vm0, $0xb8;
	[tilespmem:$0x1E400] =	vst v63  }
0x370: {  	v30 =	vperm.xlane v18, v16;
	v29 =	vadd.s32 v4, v28;
	s8 =	simm.s32 $0x4D80  }
0x371: {  	[tilespmem:s8], [sflag:$0x1] =	stream.indirect_vreg.gather [hbm4b:s11+s3], $0x80, v26, vm0, $0xb8;
	[tilespmem:$0x1E400] =	vst v63  }
0x372: {  	v18 =	vperm.xlane v18, v17;
	v31 =	vadd.s32 v4, v30;
	s8 =	simm.s32 $0x4E00  }
0x373: {  	[tilespmem:s8], [sflag:$0x1] =	stream.indirect_vreg.gather [hbm4b:s11+s3], $0x80, v19, vm0, $0xb8;
	[tilespmem:$0x1E400] =	vst v63  }
0x374: {  	v18 =	vadd.s32 v4, v18;
	s8 =	simm.s32 $0x4E80  }
0x375: {  	[tilespmem:s8], [sflag:$0x1] =	stream.indirect_vreg.gather [hbm4b:s11+s3], $0x80, v29, vm0, $0xb8;
	[tilespmem:$0x1E400] =	vst v63  }
0x376: {  	s8 =	simm.s32 $0x4F00  }
0x377: {  	[tilespmem:s8], [sflag:$0x1] =	stream.indirect_vreg.gather [hbm4b:s11+s3], $0x80, v31, vm0, $0xb8;
	[tilespmem:$0x1E400] =	vst v63  }
0x378: {  	s8 =	simm.s32 $0x4F80  }
0x379: {  	[tilespmem:s8], [sflag:$0x1] =	stream.indirect_vreg.gather [hbm4b:s11+s3], $0x80, v18, vm0, $0xb8;
	[tilespmem:$0x1E400] =	vst v63  }
0x37a: {  	v18 =	vld [tilespmem:s22+$0x150];
	_ =	sdelay $0x4  }
0x37b: {  	v19 =	vshll.u32 v18, $0x1  }
0x37c: {  	v18 =	vand.u32 $0x7, v18;
	v19 =	vand.u32 $0xFFFFFFF0, v19  }
0x37d: {  	v18 =	vor.u32 v18, v19  }
0x37e: {  	v19 =	vperm.xlane v18, v3;
	_ =	sdelay $0x1  }
0x37f: {  	v32 =	vperm.xlane v18, v2;
	v19 =	vadd.s32 v4, v19;
	_ =	sdelay $0x1  }
0x380: {  	v33 =	vperm.xlane v18, v5;
	v20 =	vadd.s32 v4, v32;
	_ =	sdelay $0x1  }
0x381: {  	s8 =	simm.s32 $0x5000;
	v34 =	vperm.xlane v18, v6;
	v21 =	vadd.s32 v4, v33  }
0x382: {  	[tilespmem:s8], [sflag:$0x1] =	stream.indirect_vreg.gather [hbm4b:s11+s3], $0x80, v19, vm0, $0xb8;
	[tilespmem:$0x1E400] =	vst v63  }
0x383: {  	v35 =	vperm.xlane v18, v7;
	v19 =	vadd.s32 v4, v34;
	s8 =	simm.s32 $0x5080  }
0x384: {  	[tilespmem:s8], [sflag:$0x1] =	stream.indirect_vreg.gather [hbm4b:s11+s3], $0x80, v20, vm0, $0xb8;
	[tilespmem:$0x1E400] =	vst v63  }
0x385: {  	v37 =	vperm.xlane v18, v8;
	v36 =	vadd.s32 v4, v35;
	s8 =	simm.s32 $0x5100  }
0x386: {  	[tilespmem:s8], [sflag:$0x1] =	stream.indirect_vreg.gather [hbm4b:s11+s3], $0x80, v21, vm0, $0xb8;
	[tilespmem:$0x1E400] =	vst v63  }
0x387: {  	v39 =	vperm.xlane v18, v9;
	v38 =	vadd.s32 v4, v37;
	s8 =	simm.s32 $0x5180  }
0x388: {  	[tilespmem:s8], [sflag:$0x1] =	stream.indirect_vreg.gather [hbm4b:s11+s3], $0x80, v19, vm0, $0xb8;
	[tilespmem:$0x1E400] =	vst v63  }
0x389: {  	v40 =	vperm.xlane v18, v1;
	v19 =	vadd.s32 v4, v39;
	s8 =	simm.s32 $0x5200  }
0x38a: {  	[tilespmem:s8], [sflag:$0x1] =	stream.indirect_vreg.gather [hbm4b:s11+s3], $0x80, v36, vm0, $0xb8;
	[tilespmem:$0x1E400] =	vst v63  }
0x38b: {  	v42 =	vperm.xlane v18, v10;
	v41 =	vadd.s32 v4, v40;
	s8 =	simm.s32 $0x5280  }
0x38c: {  	[tilespmem:s8], [sflag:$0x1] =	stream.indirect_vreg.gather [hbm4b:s11+s3], $0x80, v38, vm0, $0xb8;
	[tilespmem:$0x1E400] =	vst v63  }
0x38d: {  	v44 =	vperm.xlane v18, v11;
	v43 =	vadd.s32 v4, v42;
	s8 =	simm.s32 $0x5300  }
0x38e: {  	[tilespmem:s8], [sflag:$0x1] =	stream.indirect_vreg.gather [hbm4b:s11+s3], $0x80, v19, vm0, $0xb8;
	[tilespmem:$0x1E400] =	vst v63  }
0x38f: {  	v45 =	vperm.xlane v18, v12;
	v19 =	vadd.s32 v4, v44;
	s8 =	simm.s32 $0x5380  }
0x390: {  	[tilespmem:s8], [sflag:$0x1] =	stream.indirect_vreg.gather [hbm4b:s11+s3], $0x80, v41, vm0, $0xb8;
	[tilespmem:$0x1E400] =	vst v63  }
0x391: {  	v47 =	vperm.xlane v18, v13;
	v46 =	vadd.s32 v4, v45;
	s8 =	simm.s32 $0x5400  }
0x392: {  	[tilespmem:s8], [sflag:$0x1] =	stream.indirect_vreg.gather [hbm4b:s11+s3], $0x80, v43, vm0, $0xb8;
	[tilespmem:$0x1E400] =	vst v63  }
0x393: {  	v49 =	vperm.xlane v18, v14;
	v48 =	vadd.s32 v4, v47;
	s8 =	simm.s32 $0x5480  }
0x394: {  	[tilespmem:s8], [sflag:$0x1] =	stream.indirect_vreg.gather [hbm4b:s11+s3], $0x80, v19, vm0, $0xb8;
	[tilespmem:$0x1E400] =	vst v63  }
0x395: {  	v50 =	vperm.xlane v18, v15;
	v19 =	vadd.s32 v4, v49;
	s8 =	simm.s32 $0x5500  }
0x396: {  	[tilespmem:s8], [sflag:$0x1] =	stream.indirect_vreg.gather [hbm4b:s11+s3], $0x80, v46, vm0, $0xb8;
	[tilespmem:$0x1E400] =	vst v63  }
0x397: {  	v52 =	vperm.xlane v18, v16;
	v51 =	vadd.s32 v4, v50;
	s8 =	simm.s32 $0x5580  }
0x398: {  	[tilespmem:s8], [sflag:$0x1] =	stream.indirect_vreg.gather [hbm4b:s11+s3], $0x80, v48, vm0, $0xb8;
	[tilespmem:$0x1E400] =	vst v63  }
0x399: {  	v18 =	vperm.xlane v18, v17;
	v53 =	vadd.s32 v4, v52;
	s8 =	simm.s32 $0x5600  }
0x39a: {  	[tilespmem:s8], [sflag:$0x1] =	stream.indirect_vreg.gather [hbm4b:s11+s3], $0x80, v19, vm0, $0xb8;
	[tilespmem:$0x1E400] =	vst v63  }
0x39b: {  	v18 =	vadd.s32 v4, v18;
	s8 =	simm.s32 $0x5680  }
0x39c: {  	[tilespmem:s8], [sflag:$0x1] =	stream.indirect_vreg.gather [hbm4b:s11+s3], $0x80, v51, vm0, $0xb8;
	[tilespmem:$0x1E400] =	vst v63  }
0x39d: {  	s8 =	simm.s32 $0x5700  }
0x39e: {  	[tilespmem:s8], [sflag:$0x1] =	stream.indirect_vreg.gather [hbm4b:s11+s3], $0x80, v53, vm0, $0xb8;
	[tilespmem:$0x1E400] =	vst v63  }
0x39f: {  	s8 =	simm.s32 $0x5780  }
0x3a0: {  	[tilespmem:s8], [sflag:$0x1] =	stream.indirect_vreg.gather [hbm4b:s11+s3], $0x80, v18, vm0, $0xb8;
	[tilespmem:$0x1E400] =	vst v63  }
0x3a1: {  	v18 =	vld [tilespmem:s22+$0x160];
	_ =	sdelay $0x4  }
0x3a2: {  	v19 =	vshll.u32 v18, $0x1  }
0x3a3: {  	v18 =	vand.u32 $0x7, v18;
	v19 =	vand.u32 $0xFFFFFFF0, v19  }
0x3a4: {  	v18 =	vor.u32 v18, v19  }
0x3a5: {  	v19 =	vperm.xlane v18, v3;
	_ =	sdelay $0x1  }
0x3a6: {  	v54 =	vperm.xlane v18, v2;
	v19 =	vadd.s32 v4, v19;
	_ =	sdelay $0x1  }
0x3a7: {  	v55 =	vperm.xlane v18, v5;
	v20 =	vadd.s32 v4, v54;
	_ =	sdelay $0x1  }
0x3a8: {  	s8 =	simm.s32 $0x5800;
	v56 =	vperm.xlane v18, v6;
	v21 =	vadd.s32 v4, v55  }
0x3a9: {  	[tilespmem:s8], [sflag:$0x1] =	stream.indirect_vreg.gather [hbm4b:s11+s3], $0x80, v19, vm0, $0xb8;
	[tilespmem:$0x1E400] =	vst v63  }
0x3aa: {  	v57 =	vperm.xlane v18, v7;
	v19 =	vadd.s32 v4, v56;
	s8 =	simm.s32 $0x5880  }
0x3ab: {  	[tilespmem:s8], [sflag:$0x1] =	stream.indirect_vreg.gather [hbm4b:s11+s3], $0x80, v20, vm0, $0xb8;
	[tilespmem:$0x1E400] =	vst v63  }
0x3ac: {  	v59 =	vperm.xlane v18, v8;
	v58 =	vadd.s32 v4, v57;
	s8 =	simm.s32 $0x5900  }
0x3ad: {  	[tilespmem:s8], [sflag:$0x1] =	stream.indirect_vreg.gather [hbm4b:s11+s3], $0x80, v21, vm0, $0xb8;
	[tilespmem:$0x1E400] =	vst v63  }
0x3ae: {  	v61 =	vperm.xlane v18, v9;
	v60 =	vadd.s32 v4, v59;
	s8 =	simm.s32 $0x5980  }
0x3af: {  	[tilespmem:s8], [sflag:$0x1] =	stream.indirect_vreg.gather [hbm4b:s11+s3], $0x80, v19, vm0, $0xb8;
	[tilespmem:$0x1E400] =	vst v63  }
0x3b0: {  	v62 =	vperm.xlane v18, v1;
	v19 =	vadd.s32 v4, v61;
	s8 =	simm.s32 $0x5A00  }
0x3b1: {  	[tilespmem:s8], [sflag:$0x1] =	stream.indirect_vreg.gather [hbm4b:s11+s3], $0x80, v58, vm0, $0xb8;
	[tilespmem:$0x1E400] =	vst v63  }
0x3b2: {  	v24 =	vperm.xlane v18, v10;
	v63 =	vadd.s32 v4, v62;
	s8 =	simm.s32 $0x5A80  }
0x3b3: {  	[tilespmem:s8], [sflag:$0x1] =	stream.indirect_vreg.gather [hbm4b:s11+s3], $0x80, v60, vm0, $0xb8;
	[tilespmem:$0x1E400] =	vst v63  }
0x3b4: {  	v26 =	vperm.xlane v18, v11;
	v25 =	vadd.s32 v4, v24;
	s8 =	simm.s32 $0x5B00  }
0x3b5: {  	[tilespmem:s8], [sflag:$0x1] =	stream.indirect_vreg.gather [hbm4b:s11+s3], $0x80, v19, vm0, $0xb8;
	[tilespmem:$0x1E400] =	vst v63  }
0x3b6: {  	v27 =	vperm.xlane v18, v12;
	v19 =	vadd.s32 v4, v26;
	s8 =	simm.s32 $0x5B80  }
0x3b7: {  	[tilespmem:s8], [sflag:$0x1] =	stream.indirect_vreg.gather [hbm4b:s11+s3], $0x80, v63, vm0, $0xb8;
	[tilespmem:$0x1E400] =	vst v63  }
0x3b8: {  	v29 =	vperm.xlane v18, v13;
	v28 =	vadd.s32 v4, v27;
	s8 =	simm.s32 $0x5C00  }
0x3b9: {  	[tilespmem:s8], [sflag:$0x1] =	stream.indirect_vreg.gather [hbm4b:s11+s3], $0x80, v25, vm0, $0xb8;
	[tilespmem:$0x1E400] =	vst v63  }
0x3ba: {  	v31 =	vperm.xlane v18, v14;
	v30 =	vadd.s32 v4, v29;
	s8 =	simm.s32 $0x5C80  }
0x3bb: {  	[tilespmem:s8], [sflag:$0x1] =	stream.indirect_vreg.gather [hbm4b:s11+s3], $0x80, v19, vm0, $0xb8;
	[tilespmem:$0x1E400] =	vst v63  }
0x3bc: {  	v32 =	vperm.xlane v18, v15;
	v19 =	vadd.s32 v4, v31;
	s8 =	simm.s32 $0x5D00  }
0x3bd: {  	[tilespmem:s8], [sflag:$0x1] =	stream.indirect_vreg.gather [hbm4b:s11+s3], $0x80, v28, vm0, $0xb8;
	[tilespmem:$0x1E400] =	vst v63  }
0x3be: {  	v34 =	vperm.xlane v18, v16;
	v33 =	vadd.s32 v4, v32;
	s8 =	simm.s32 $0x5D80  }
0x3bf: {  	[tilespmem:s8], [sflag:$0x1] =	stream.indirect_vreg.gather [hbm4b:s11+s3], $0x80, v30, vm0, $0xb8;
	[tilespmem:$0x1E400] =	vst v63  }
0x3c0: {  	v18 =	vperm.xlane v18, v17;
	v35 =	vadd.s32 v4, v34;
	s8 =	simm.s32 $0x5E00  }
0x3c1: {  	[tilespmem:s8], [sflag:$0x1] =	stream.indirect_vreg.gather [hbm4b:s11+s3], $0x80, v19, vm0, $0xb8;
	[tilespmem:$0x1E400] =	vst v63  }
0x3c2: {  	v18 =	vadd.s32 v4, v18;
	s8 =	simm.s32 $0x5E80  }
0x3c3: {  	[tilespmem:s8], [sflag:$0x1] =	stream.indirect_vreg.gather [hbm4b:s11+s3], $0x80, v33, vm0, $0xb8;
	[tilespmem:$0x1E400] =	vst v63  }
0x3c4: {  	s8 =	simm.s32 $0x5F00  }
0x3c5: {  	[tilespmem:s8], [sflag:$0x1] =	stream.indirect_vreg.gather [hbm4b:s11+s3], $0x80, v35, vm0, $0xb8;
	[tilespmem:$0x1E400] =	vst v63  }
0x3c6: {  	s8 =	simm.s32 $0x5F80  }
0x3c7: {  	[tilespmem:s8], [sflag:$0x1] =	stream.indirect_vreg.gather [hbm4b:s11+s3], $0x80, v18, vm0, $0xb8;
	[tilespmem:$0x1E400] =	vst v63  }
0x3c8: {  	v18 =	vld.msk [tilespmem:s22+$0x170], $0x1fff;
	_ =	sdelay $0x4  }
0x3c9: {  	v19 =	vshll.u32 v18, $0x1  }
0x3ca: {  	v18 =	vand.u32 $0x7, v18;
	v19 =	vand.u32 $0xFFFFFFF0, v19  }
0x3cb: {  	v18 =	vor.u32 v18, v19  }
0x3cc: {  	v19 =	vperm.xlane v18, v3;
	_ =	sdelay $0x1  }
0x3cd: {  	v36 =	vperm.xlane v18, v2;
	v19 =	vadd.s32 v4, v19;
	_ =	sdelay $0x1  }
0x3ce: {  	v37 =	vperm.xlane v18, v5;
	v20 =	vadd.s32 v4, v36;
	_ =	sdelay $0x1  }
0x3cf: {  	s8 =	simm.s32 $0x6000;
	v38 =	vperm.xlane v18, v6;
	v21 =	vadd.s32 v4, v37  }
0x3d0: {  	[tilespmem:s8], [sflag:$0x1] =	stream.indirect_vreg.gather [hbm4b:s11+s3], $0x80, v19, vm0, $0xb8;
	[tilespmem:$0x1E400] =	vst v63  }
0x3d1: {  	v39 =	vperm.xlane v18, v7;
	v19 =	vadd.s32 v4, v38;
	s8 =	simm.s32 $0x6080  }
0x3d2: {  	[tilespmem:s8], [sflag:$0x1] =	stream.indirect_vreg.gather [hbm4b:s11+s3], $0x80, v20, vm0, $0xb8;
	[tilespmem:$0x1E400] =	vst v63  }
0x3d3: {  	v41 =	vperm.xlane v18, v8;
	v40 =	vadd.s32 v4, v39;
	s8 =	simm.s32 $0x6100  }
0x3d4: {  	[tilespmem:s8], [sflag:$0x1] =	stream.indirect_vreg.gather [hbm4b:s11+s3], $0x80, v21, vm0, $0xb8;
	[tilespmem:$0x1E400] =	vst v63  }
0x3d5: {  	v43 =	vperm.xlane v18, v9;
	v42 =	vadd.s32 v4, v41;
	s8 =	simm.s32 $0x6180  }
0x3d6: {  	[tilespmem:s8], [sflag:$0x1] =	stream.indirect_vreg.gather [hbm4b:s11+s3], $0x80, v19, vm0, $0xb8;
	[tilespmem:$0x1E400] =	vst v63  }
0x3d7: {  	v44 =	vperm.xlane v18, v1;
	v19 =	vadd.s32 v4, v43;
	s8 =	simm.s32 $0x6200  }
0x3d8: {  	[tilespmem:s8], [sflag:$0x1] =	stream.indirect_vreg.gather [hbm4b:s11+s3], $0x80, v40, vm0, $0xb8;
	[tilespmem:$0x1E400] =	vst v63  }
0x3d9: {  	v46 =	vperm.xlane v18, v10;
	v45 =	vadd.s32 v4, v44;
	s8 =	simm.s32 $0x6280  }
0x3da: {  	[tilespmem:s8], [sflag:$0x1] =	stream.indirect_vreg.gather [hbm4b:s11+s3], $0x80, v42, vm0, $0xb8;
	[tilespmem:$0x1E400] =	vst v63  }
0x3db: {  	v48 =	vperm.xlane v18, v11;
	v47 =	vadd.s32 v4, v46;
	s8 =	simm.s32 $0x6300  }
0x3dc: {  	[tilespmem:s8], [sflag:$0x1] =	stream.indirect_vreg.gather [hbm4b:s11+s3], $0x80, v19, vm0, $0xb8;
	[tilespmem:$0x1E400] =	vst v63  }
0x3dd: {  	v49 =	vperm.xlane v18, v12;
	v19 =	vadd.s32 v4, v48;
	s8 =	simm.s32 $0x6380  }
0x3de: {  	[tilespmem:s8], [sflag:$0x1] =	stream.indirect_vreg.gather [hbm4b:s11+s3], $0x80, v45, vm0, $0xb8;
	[tilespmem:$0x1E400] =	vst v63  }
0x3df: {  	v51 =	vperm.xlane v18, v13;
	v50 =	vadd.s32 v4, v49;
	s8 =	simm.s32 $0x6400  }
0x3e0: {  	[tilespmem:s8], [sflag:$0x1] =	stream.indirect_vreg.gather [hbm4b:s11+s3], $0x80, v47, vm0, $0xb8;
	[tilespmem:$0x1E400] =	vst v63  }
0x3e1: {  	v18 =	vperm.xlane v18, v14;
	v52 =	vadd.s32 v4, v51;
	s8 =	simm.s32 $0x6480  }
0x3e2: {  	[tilespmem:s8], [sflag:$0x1] =	stream.indirect_vreg.gather [hbm4b:s11+s3], $0x80, v19, vm0, $0xb8;
	[tilespmem:$0x1E400] =	vst v63  }
0x3e3: {  	v18 =	vadd.s32 v4, v18;
	s8 =	simm.s32 $0x6500  }
0x3e4: {  	[tilespmem:s8], [sflag:$0x1] =	stream.indirect_vreg.gather [hbm4b:s11+s3], $0x80, v50, vm0, $0xb8;
	[tilespmem:$0x1E400] =	vst v63  }
0x3e5: {  	s8 =	simm.s32 $0x6580  }
0x3e6: {  	[tilespmem:s8], [sflag:$0x1] =	stream.indirect_vreg.gather [hbm4b:s11+s3], $0x80, v52, vm0, $0xb8;
	[tilespmem:$0x1E400] =	vst v63  }
0x3e7: {  	s8 =	simm.s32 $0x6600  }
0x3e8: {  	[tilespmem:s8], [sflag:$0x1] =	stream.indirect_vreg.gather [hbm4b:s11+s3], $0x80, v18, vm0, $0xb8;
	[tilespmem:$0x1E400] =	vst v63  }
0x3e9: {  	_ =	swait.ge [sflag:s6], $0x3E80  }
0x3ea: {  	[sflag:s6] =	ssyncset.done $0x0  }
0x3eb: {  	s8 =	sadd.s32 $0x1480, s22;
	[sflag:s6] =	ssyncadd.s32 $0xFFFFC180  }
0x3ec: {  	[spmem:s1] =	stream.indirect.scatter.add.f32 [tilespmem:s4], [sflag:$0x3], $0x80, s8, s5, $0xb8;
	[tilespmem:$0x1E400] =	vst v63  }
0x3ed: {  	_ =	swait.ge [sflag:s21], $0x3E80  }
0x3ee: {  	[sflag:s21] =	ssyncset.done $0x0  }
0x3ef: {  	[sflag:s21] =	ssyncadd.s32 $0xFFFFC180  }
0x3f0: {  	v18 =	vld [tilespmem:s22+$0x180];
	_ =	sdelay $0x4  }
0x3f1: {  	v19 =	vshll.u32 v18, $0x1  }
0x3f2: {  	v18 =	vand.u32 $0x7, v18;
	v19 =	vand.u32 $0xFFFFFFF0, v19  }
0x3f3: {  	v18 =	vor.u32 v18, v19  }
0x3f4: {  	v19 =	vperm.xlane v18, v3;
	_ =	sdelay $0x1  }
0x3f5: {  	v53 =	vperm.xlane v18, v2;
	v19 =	vadd.s32 v4, v19;
	_ =	sdelay $0x1  }
0x3f6: {  	v54 =	vperm.xlane v18, v5;
	v20 =	vadd.s32 v4, v53;
	_ =	sdelay $0x1  }
0x3f7: {  	v55 =	vperm.xlane v18, v6;
	v21 =	vadd.s32 v4, v54  }
0x3f8: {  	[tilespmem:s4], [sflag:$0x2] =	stream.indirect_vreg.gather [hbm4b:s11+s3], $0x80, v19, vm0, $0xb8;
	[tilespmem:$0x1E400] =	vst v63  }
0x3f9: {  	s8 =	simm.s32 $0x6880;
	v56 =	vperm.xlane v18, v7;
	v19 =	vadd.s32 v4, v55  }
0x3fa: {  	[tilespmem:s8], [sflag:$0x2] =	stream.indirect_vreg.gather [hbm4b:s11+s3], $0x80, v20, vm0, $0xb8;
	[tilespmem:$0x1E400] =	vst v63  }
0x3fb: {  	v58 =	vperm.xlane v18, v8;
	v57 =	vadd.s32 v4, v56;
	s8 =	simm.s32 $0x6900  }
0x3fc: {  	[tilespmem:s8], [sflag:$0x2] =	stream.indirect_vreg.gather [hbm4b:s11+s3], $0x80, v21, vm0, $0xb8;
	[tilespmem:$0x1E400] =	vst v63  }
0x3fd: {  	v60 =	vperm.xlane v18, v9;
	v59 =	vadd.s32 v4, v58;
	s8 =	simm.s32 $0x6980  }
0x3fe: {  	[tilespmem:s8], [sflag:$0x2] =	stream.indirect_vreg.gather [hbm4b:s11+s3], $0x80, v19, vm0, $0xb8;
	[tilespmem:$0x1E400] =	vst v63  }
0x3ff: {  	v61 =	vperm.xlane v18, v1;
	v19 =	vadd.s32 v4, v60;
	s8 =	simm.s32 $0x6A00  }
0x400: {  	[tilespmem:s8], [sflag:$0x2] =	stream.indirect_vreg.gather [hbm4b:s11+s3], $0x80, v57, vm0, $0xb8;
	[tilespmem:$0x1E400] =	vst v63  }
0x401: {  	v63 =	vperm.xlane v18, v10;
	v62 =	vadd.s32 v4, v61;
	s8 =	simm.s32 $0x6A80  }
0x402: {  	[tilespmem:s8], [sflag:$0x2] =	stream.indirect_vreg.gather [hbm4b:s11+s3], $0x80, v59, vm0, $0xb8;
	[tilespmem:$0x1E400] =	vst v63  }
0x403: {  	v25 =	vperm.xlane v18, v11;
	v24 =	vadd.s32 v4, v63;
	s8 =	simm.s32 $0x6B00  }
0x404: {  	[tilespmem:s8], [sflag:$0x2] =	stream.indirect_vreg.gather [hbm4b:s11+s3], $0x80, v19, vm0, $0xb8;
	[tilespmem:$0x1E400] =	vst v63  }
0x405: {  	v26 =	vperm.xlane v18, v12;
	v19 =	vadd.s32 v4, v25;
	s8 =	simm.s32 $0x6B80  }
0x406: {  	[tilespmem:s8], [sflag:$0x2] =	stream.indirect_vreg.gather [hbm4b:s11+s3], $0x80, v62, vm0, $0xb8;
	[tilespmem:$0x1E400] =	vst v63  }
0x407: {  	v28 =	vperm.xlane v18, v13;
	v27 =	vadd.s32 v4, v26;
	s8 =	simm.s32 $0x6C00  }
0x408: {  	[tilespmem:s8], [sflag:$0x2] =	stream.indirect_vreg.gather [hbm4b:s11+s3], $0x80, v24, vm0, $0xb8;
	[tilespmem:$0x1E400] =	vst v63  }
0x409: {  	v30 =	vperm.xlane v18, v14;
	v29 =	vadd.s32 v4, v28;
	s8 =	simm.s32 $0x6C80  }
0x40a: {  	[tilespmem:s8], [sflag:$0x2] =	stream.indirect_vreg.gather [hbm4b:s11+s3], $0x80, v19, vm0, $0xb8;
	[tilespmem:$0x1E400] =	vst v63  }
0x40b: {  	v31 =	vperm.xlane v18, v15;
	v19 =	vadd.s32 v4, v30;
	s8 =	simm.s32 $0x6D00  }
0x40c: {  	[tilespmem:s8], [sflag:$0x2] =	stream.indirect_vreg.gather [hbm4b:s11+s3], $0x80, v27, vm0, $0xb8;
	[tilespmem:$0x1E400] =	vst v63  }
0x40d: {  	v33 =	vperm.xlane v18, v16;
	v32 =	vadd.s32 v4, v31;
	s8 =	simm.s32 $0x6D80  }
0x40e: {  	[tilespmem:s8], [sflag:$0x2] =	stream.indirect_vreg.gather [hbm4b:s11+s3], $0x80, v29, vm0, $0xb8;
	[tilespmem:$0x1E400] =	vst v63  }
0x40f: {  	v18 =	vperm.xlane v18, v17;
	v34 =	vadd.s32 v4, v33;
	s8 =	simm.s32 $0x6E00  }
0x410: {  	[tilespmem:s8], [sflag:$0x2] =	stream.indirect_vreg.gather [hbm4b:s11+s3], $0x80, v19, vm0, $0xb8;
	[tilespmem:$0x1E400] =	vst v63  }
0x411: {  	v18 =	vadd.s32 v4, v18;
	s8 =	simm.s32 $0x6E80  }
0x412: {  	[tilespmem:s8], [sflag:$0x2] =	stream.indirect_vreg.gather [hbm4b:s11+s3], $0x80, v32, vm0, $0xb8;
	[tilespmem:$0x1E400] =	vst v63  }
0x413: {  	s8 =	simm.s32 $0x6F00  }
0x414: {  	[tilespmem:s8], [sflag:$0x2] =	stream.indirect_vreg.gather [hbm4b:s11+s3], $0x80, v34, vm0, $0xb8;
	[tilespmem:$0x1E400] =	vst v63  }
0x415: {  	s8 =	simm.s32 $0x6F80  }
0x416: {  	[tilespmem:s8], [sflag:$0x2] =	stream.indirect_vreg.gather [hbm4b:s11+s3], $0x80, v18, vm0, $0xb8;
	[tilespmem:$0x1E400] =	vst v63  }
0x417: {  	v18 =	vld [tilespmem:s22+$0x190];
	_ =	sdelay $0x4  }
0x418: {  	v19 =	vshll.u32 v18, $0x1  }
0x419: {  	v18 =	vand.u32 $0x7, v18;
	v19 =	vand.u32 $0xFFFFFFF0, v19  }
0x41a: {  	v18 =	vor.u32 v18, v19  }
0x41b: {  	v19 =	vperm.xlane v18, v3;
	_ =	sdelay $0x1  }
0x41c: {  	v35 =	vperm.xlane v18, v2;
	v19 =	vadd.s32 v4, v19;
	_ =	sdelay $0x1  }
0x41d: {  	v36 =	vperm.xlane v18, v5;
	v20 =	vadd.s32 v4, v35;
	_ =	sdelay $0x1  }
0x41e: {  	s8 =	simm.s32 $0x7000;
	v37 =	vperm.xlane v18, v6;
	v21 =	vadd.s32 v4, v36  }
0x41f: {  	[tilespmem:s8], [sflag:$0x2] =	stream.indirect_vreg.gather [hbm4b:s11+s3], $0x80, v19, vm0, $0xb8;
	[tilespmem:$0x1E400] =	vst v63  }
0x420: {  	v38 =	vperm.xlane v18, v7;
	v19 =	vadd.s32 v4, v37;
	s8 =	simm.s32 $0x7080  }
0x421: {  	[tilespmem:s8], [sflag:$0x2] =	stream.indirect_vreg.gather [hbm4b:s11+s3], $0x80, v20, vm0, $0xb8;
	[tilespmem:$0x1E400] =	vst v63  }
0x422: {  	v40 =	vperm.xlane v18, v8;
	v39 =	vadd.s32 v4, v38;
	s8 =	simm.s32 $0x7100  }
0x423: {  	[tilespmem:s8], [sflag:$0x2] =	stream.indirect_vreg.gather [hbm4b:s11+s3], $0x80, v21, vm0, $0xb8;
	[tilespmem:$0x1E400] =	vst v63  }
0x424: {  	v42 =	vperm.xlane v18, v9;
	v41 =	vadd.s32 v4, v40;
	s8 =	simm.s32 $0x7180  }
0x425: {  	[tilespmem:s8], [sflag:$0x2] =	stream.indirect_vreg.gather [hbm4b:s11+s3], $0x80, v19, vm0, $0xb8;
	[tilespmem:$0x1E400] =	vst v63  }
0x426: {  	v43 =	vperm.xlane v18, v1;
	v19 =	vadd.s32 v4, v42;
	s8 =	simm.s32 $0x7200  }
0x427: {  	[tilespmem:s8], [sflag:$0x2] =	stream.indirect_vreg.gather [hbm4b:s11+s3], $0x80, v39, vm0, $0xb8;
	[tilespmem:$0x1E400] =	vst v63  }
0x428: {  	v45 =	vperm.xlane v18, v10;
	v44 =	vadd.s32 v4, v43;
	s8 =	simm.s32 $0x7280  }
0x429: {  	[tilespmem:s8], [sflag:$0x2] =	stream.indirect_vreg.gather [hbm4b:s11+s3], $0x80, v41, vm0, $0xb8;
	[tilespmem:$0x1E400] =	vst v63  }
0x42a: {  	v47 =	vperm.xlane v18, v11;
	v46 =	vadd.s32 v4, v45;
	s8 =	simm.s32 $0x7300  }
0x42b: {  	[tilespmem:s8], [sflag:$0x2] =	stream.indirect_vreg.gather [hbm4b:s11+s3], $0x80, v19, vm0, $0xb8;
	[tilespmem:$0x1E400] =	vst v63  }
0x42c: {  	v48 =	vperm.xlane v18, v12;
	v19 =	vadd.s32 v4, v47;
	s8 =	simm.s32 $0x7380  }
0x42d: {  	[tilespmem:s8], [sflag:$0x2] =	stream.indirect_vreg.gather [hbm4b:s11+s3], $0x80, v44, vm0, $0xb8;
	[tilespmem:$0x1E400] =	vst v63  }
0x42e: {  	v50 =	vperm.xlane v18, v13;
	v49 =	vadd.s32 v4, v48;
	s8 =	simm.s32 $0x7400  }
0x42f: {  	[tilespmem:s8], [sflag:$0x2] =	stream.indirect_vreg.gather [hbm4b:s11+s3], $0x80, v46, vm0, $0xb8;
	[tilespmem:$0x1E400] =	vst v63  }
0x430: {  	v52 =	vperm.xlane v18, v14;
	v51 =	vadd.s32 v4, v50;
	s8 =	simm.s32 $0x7480  }
0x431: {  	[tilespmem:s8], [sflag:$0x2] =	stream.indirect_vreg.gather [hbm4b:s11+s3], $0x80, v19, vm0, $0xb8;
	[tilespmem:$0x1E400] =	vst v63  }
0x432: {  	v53 =	vperm.xlane v18, v15;
	v19 =	vadd.s32 v4, v52;
	s8 =	simm.s32 $0x7500  }
0x433: {  	[tilespmem:s8], [sflag:$0x2] =	stream.indirect_vreg.gather [hbm4b:s11+s3], $0x80, v49, vm0, $0xb8;
	[tilespmem:$0x1E400] =	vst v63  }
0x434: {  	v55 =	vperm.xlane v18, v16;
	v54 =	vadd.s32 v4, v53;
	s8 =	simm.s32 $0x7580  }
0x435: {  	[tilespmem:s8], [sflag:$0x2] =	stream.indirect_vreg.gather [hbm4b:s11+s3], $0x80, v51, vm0, $0xb8;
	[tilespmem:$0x1E400] =	vst v63  }
0x436: {  	v18 =	vperm.xlane v18, v17;
	v56 =	vadd.s32 v4, v55;
	s8 =	simm.s32 $0x7600  }
0x437: {  	[tilespmem:s8], [sflag:$0x2] =	stream.indirect_vreg.gather [hbm4b:s11+s3], $0x80, v19, vm0, $0xb8;
	[tilespmem:$0x1E400] =	vst v63  }
0x438: {  	v18 =	vadd.s32 v4, v18;
	s8 =	simm.s32 $0x7680  }
0x439: {  	[tilespmem:s8], [sflag:$0x2] =	stream.indirect_vreg.gather [hbm4b:s11+s3], $0x80, v54, vm0, $0xb8;
	[tilespmem:$0x1E400] =	vst v63  }
0x43a: {  	s8 =	simm.s32 $0x7700  }
0x43b: {  	[tilespmem:s8], [sflag:$0x2] =	stream.indirect_vreg.gather [hbm4b:s11+s3], $0x80, v56, vm0, $0xb8;
	[tilespmem:$0x1E400] =	vst v63  }
0x43c: {  	s8 =	simm.s32 $0x7780  }
0x43d: {  	[tilespmem:s8], [sflag:$0x2] =	stream.indirect_vreg.gather [hbm4b:s11+s3], $0x80, v18, vm0, $0xb8;
	[tilespmem:$0x1E400] =	vst v63  }
0x43e: {  	v18 =	vld [tilespmem:s22+$0x1A0];
	_ =	sdelay $0x4  }
0x43f: {  	v19 =	vshll.u32 v18, $0x1  }
0x440: {  	v18 =	vand.u32 $0x7, v18;
	v19 =	vand.u32 $0xFFFFFFF0, v19  }
0x441: {  	v18 =	vor.u32 v18, v19  }
0x442: {  	v19 =	vperm.xlane v18, v3;
	_ =	sdelay $0x1  }
0x443: {  	v57 =	vperm.xlane v18, v2;
	v19 =	vadd.s32 v4, v19;
	_ =	sdelay $0x1  }
0x444: {  	v58 =	vperm.xlane v18, v5;
	v20 =	vadd.s32 v4, v57;
	_ =	sdelay $0x1  }
0x445: {  	s8 =	simm.s32 $0x7800;
	v59 =	vperm.xlane v18, v6;
	v21 =	vadd.s32 v4, v58  }
0x446: {  	[tilespmem:s8], [sflag:$0x2] =	stream.indirect_vreg.gather [hbm4b:s11+s3], $0x80, v19, vm0, $0xb8;
	[tilespmem:$0x1E400] =	vst v63  }
0x447: {  	v60 =	vperm.xlane v18, v7;
	v19 =	vadd.s32 v4, v59;
	s8 =	simm.s32 $0x7880  }
0x448: {  	[tilespmem:s8], [sflag:$0x2] =	stream.indirect_vreg.gather [hbm4b:s11+s3], $0x80, v20, vm0, $0xb8;
	[tilespmem:$0x1E400] =	vst v63  }
0x449: {  	v62 =	vperm.xlane v18, v8;
	v61 =	vadd.s32 v4, v60;
	s8 =	simm.s32 $0x7900  }
0x44a: {  	[tilespmem:s8], [sflag:$0x2] =	stream.indirect_vreg.gather [hbm4b:s11+s3], $0x80, v21, vm0, $0xb8;
	[tilespmem:$0x1E400] =	vst v63  }
0x44b: {  	v24 =	vperm.xlane v18, v9;
	v63 =	vadd.s32 v4, v62;
	s8 =	simm.s32 $0x7980  }
0x44c: {  	[tilespmem:s8], [sflag:$0x2] =	stream.indirect_vreg.gather [hbm4b:s11+s3], $0x80, v19, vm0, $0xb8;
	[tilespmem:$0x1E400] =	vst v63  }
0x44d: {  	v25 =	vperm.xlane v18, v1;
	v19 =	vadd.s32 v4, v24;
	s8 =	simm.s32 $0x7A00  }
0x44e: {  	[tilespmem:s8], [sflag:$0x2] =	stream.indirect_vreg.gather [hbm4b:s11+s3], $0x80, v61, vm0, $0xb8;
	[tilespmem:$0x1E400] =	vst v63  }
0x44f: {  	v27 =	vperm.xlane v18, v10;
	v26 =	vadd.s32 v4, v25;
	s8 =	simm.s32 $0x7A80  }
0x450: {  	[tilespmem:s8], [sflag:$0x2] =	stream.indirect_vreg.gather [hbm4b:s11+s3], $0x80, v63, vm0, $0xb8;
	[tilespmem:$0x1E400] =	vst v63  }
0x451: {  	v29 =	vperm.xlane v18, v11;
	v28 =	vadd.s32 v4, v27;
	s8 =	simm.s32 $0x7B00  }
0x452: {  	[tilespmem:s8], [sflag:$0x2] =	stream.indirect_vreg.gather [hbm4b:s11+s3], $0x80, v19, vm0, $0xb8;
	[tilespmem:$0x1E400] =	vst v63  }
0x453: {  	v30 =	vperm.xlane v18, v12;
	v19 =	vadd.s32 v4, v29;
	s8 =	simm.s32 $0x7B80  }
0x454: {  	[tilespmem:s8], [sflag:$0x2] =	stream.indirect_vreg.gather [hbm4b:s11+s3], $0x80, v26, vm0, $0xb8;
	[tilespmem:$0x1E400] =	vst v63  }
0x455: {  	v32 =	vperm.xlane v18, v13;
	v31 =	vadd.s32 v4, v30;
	s8 =	simm.s32 $0x7C00  }
0x456: {  	[tilespmem:s8], [sflag:$0x2] =	stream.indirect_vreg.gather [hbm4b:s11+s3], $0x80, v28, vm0, $0xb8;
	[tilespmem:$0x1E400] =	vst v63  }
0x457: {  	v34 =	vperm.xlane v18, v14;
	v33 =	vadd.s32 v4, v32;
	s8 =	simm.s32 $0x7C80  }
0x458: {  	[tilespmem:s8], [sflag:$0x2] =	stream.indirect_vreg.gather [hbm4b:s11+s3], $0x80, v19, vm0, $0xb8;
	[tilespmem:$0x1E400] =	vst v63  }
0x459: {  	v35 =	vperm.xlane v18, v15;
	v19 =	vadd.s32 v4, v34;
	s8 =	simm.s32 $0x7D00  }
0x45a: {  	[tilespmem:s8], [sflag:$0x2] =	stream.indirect_vreg.gather [hbm4b:s11+s3], $0x80, v31, vm0, $0xb8;
	[tilespmem:$0x1E400] =	vst v63  }
0x45b: {  	v37 =	vperm.xlane v18, v16;
	v36 =	vadd.s32 v4, v35;
	s8 =	simm.s32 $0x7D80  }
0x45c: {  	[tilespmem:s8], [sflag:$0x2] =	stream.indirect_vreg.gather [hbm4b:s11+s3], $0x80, v33, vm0, $0xb8;
	[tilespmem:$0x1E400] =	vst v63  }
0x45d: {  	v18 =	vperm.xlane v18, v17;
	v38 =	vadd.s32 v4, v37;
	s8 =	simm.s32 $0x7E00  }
0x45e: {  	[tilespmem:s8], [sflag:$0x2] =	stream.indirect_vreg.gather [hbm4b:s11+s3], $0x80, v19, vm0, $0xb8;
	[tilespmem:$0x1E400] =	vst v63  }
0x45f: {  	v18 =	vadd.s32 v4, v18;
	s8 =	simm.s32 $0x7E80  }
0x460: {  	[tilespmem:s8], [sflag:$0x2] =	stream.indirect_vreg.gather [hbm4b:s11+s3], $0x80, v36, vm0, $0xb8;
	[tilespmem:$0x1E400] =	vst v63  }
0x461: {  	s8 =	simm.s32 $0x7F00  }
0x462: {  	[tilespmem:s8], [sflag:$0x2] =	stream.indirect_vreg.gather [hbm4b:s11+s3], $0x80, v38, vm0, $0xb8;
	[tilespmem:$0x1E400] =	vst v63  }
0x463: {  	s8 =	simm.s32 $0x7F80  }
0x464: {  	[tilespmem:s8], [sflag:$0x2] =	stream.indirect_vreg.gather [hbm4b:s11+s3], $0x80, v18, vm0, $0xb8;
	[tilespmem:$0x1E400] =	vst v63  }
0x465: {  	v18 =	vld [tilespmem:s22+$0x1B0];
	_ =	sdelay $0x4  }
0x466: {  	v19 =	vshll.u32 v18, $0x1  }
0x467: {  	v18 =	vand.u32 $0x7, v18;
	v19 =	vand.u32 $0xFFFFFFF0, v19  }
0x468: {  	v18 =	vor.u32 v18, v19  }
0x469: {  	v19 =	vperm.xlane v18, v3;
	_ =	sdelay $0x1  }
0x46a: {  	v39 =	vperm.xlane v18, v2;
	v19 =	vadd.s32 v4, v19;
	_ =	sdelay $0x1  }
0x46b: {  	v40 =	vperm.xlane v18, v5;
	v20 =	vadd.s32 v4, v39;
	_ =	sdelay $0x1  }
0x46c: {  	s8 =	simm.s32 $0x8000;
	v41 =	vperm.xlane v18, v6;
	v21 =	vadd.s32 v4, v40  }
0x46d: {  	[tilespmem:s8], [sflag:$0x2] =	stream.indirect_vreg.gather [hbm4b:s11+s3], $0x80, v19, vm0, $0xb8;
	[tilespmem:$0x1E400] =	vst v63  }
0x46e: {  	v42 =	vperm.xlane v18, v7;
	v19 =	vadd.s32 v4, v41;
	s8 =	simm.s32 $0x8080  }
0x46f: {  	[tilespmem:s8], [sflag:$0x2] =	stream.indirect_vreg.gather [hbm4b:s11+s3], $0x80, v20, vm0, $0xb8;
	[tilespmem:$0x1E400] =	vst v63  }
0x470: {  	v44 =	vperm.xlane v18, v8;
	v43 =	vadd.s32 v4, v42;
	s8 =	simm.s32 $0x8100  }
0x471: {  	[tilespmem:s8], [sflag:$0x2] =	stream.indirect_vreg.gather [hbm4b:s11+s3], $0x80, v21, vm0, $0xb8;
	[tilespmem:$0x1E400] =	vst v63  }
0x472: {  	v46 =	vperm.xlane v18, v9;
	v45 =	vadd.s32 v4, v44;
	s8 =	simm.s32 $0x8180  }
0x473: {  	[tilespmem:s8], [sflag:$0x2] =	stream.indirect_vreg.gather [hbm4b:s11+s3], $0x80, v19, vm0, $0xb8;
	[tilespmem:$0x1E400] =	vst v63  }
0x474: {  	v47 =	vperm.xlane v18, v1;
	v19 =	vadd.s32 v4, v46;
	s8 =	simm.s32 $0x8200  }
0x475: {  	[tilespmem:s8], [sflag:$0x2] =	stream.indirect_vreg.gather [hbm4b:s11+s3], $0x80, v43, vm0, $0xb8;
	[tilespmem:$0x1E400] =	vst v63  }
0x476: {  	v49 =	vperm.xlane v18, v10;
	v48 =	vadd.s32 v4, v47;
	s8 =	simm.s32 $0x8280  }
0x477: {  	[tilespmem:s8], [sflag:$0x2] =	stream.indirect_vreg.gather [hbm4b:s11+s3], $0x80, v45, vm0, $0xb8;
	[tilespmem:$0x1E400] =	vst v63  }
0x478: {  	v51 =	vperm.xlane v18, v11;
	v50 =	vadd.s32 v4, v49;
	s8 =	simm.s32 $0x8300  }
0x479: {  	[tilespmem:s8], [sflag:$0x2] =	stream.indirect_vreg.gather [hbm4b:s11+s3], $0x80, v19, vm0, $0xb8;
	[tilespmem:$0x1E400] =	vst v63  }
0x47a: {  	v52 =	vperm.xlane v18, v12;
	v19 =	vadd.s32 v4, v51;
	s8 =	simm.s32 $0x8380  }
0x47b: {  	[tilespmem:s8], [sflag:$0x2] =	stream.indirect_vreg.gather [hbm4b:s11+s3], $0x80, v48, vm0, $0xb8;
	[tilespmem:$0x1E400] =	vst v63  }
0x47c: {  	v54 =	vperm.xlane v18, v13;
	v53 =	vadd.s32 v4, v52;
	s8 =	simm.s32 $0x8400  }
0x47d: {  	[tilespmem:s8], [sflag:$0x2] =	stream.indirect_vreg.gather [hbm4b:s11+s3], $0x80, v50, vm0, $0xb8;
	[tilespmem:$0x1E400] =	vst v63  }
0x47e: {  	v56 =	vperm.xlane v18, v14;
	v55 =	vadd.s32 v4, v54;
	s8 =	simm.s32 $0x8480  }
0x47f: {  	[tilespmem:s8], [sflag:$0x2] =	stream.indirect_vreg.gather [hbm4b:s11+s3], $0x80, v19, vm0, $0xb8;
	[tilespmem:$0x1E400] =	vst v63  }
0x480: {  	v57 =	vperm.xlane v18, v15;
	v19 =	vadd.s32 v4, v56;
	s8 =	simm.s32 $0x8500  }
0x481: {  	[tilespmem:s8], [sflag:$0x2] =	stream.indirect_vreg.gather [hbm4b:s11+s3], $0x80, v53, vm0, $0xb8;
	[tilespmem:$0x1E400] =	vst v63  }
0x482: {  	v59 =	vperm.xlane v18, v16;
	v58 =	vadd.s32 v4, v57;
	s8 =	simm.s32 $0x8580  }
0x483: {  	[tilespmem:s8], [sflag:$0x2] =	stream.indirect_vreg.gather [hbm4b:s11+s3], $0x80, v55, vm0, $0xb8;
	[tilespmem:$0x1E400] =	vst v63  }
0x484: {  	v18 =	vperm.xlane v18, v17;
	v60 =	vadd.s32 v4, v59;
	s8 =	simm.s32 $0x8600  }
0x485: {  	[tilespmem:s8], [sflag:$0x2] =	stream.indirect_vreg.gather [hbm4b:s11+s3], $0x80, v19, vm0, $0xb8;
	[tilespmem:$0x1E400] =	vst v63  }
0x486: {  	v18 =	vadd.s32 v4, v18;
	s8 =	simm.s32 $0x8680  }
0x487: {  	[tilespmem:s8], [sflag:$0x2] =	stream.indirect_vreg.gather [hbm4b:s11+s3], $0x80, v58, vm0, $0xb8;
	[tilespmem:$0x1E400] =	vst v63  }
0x488: {  	s8 =	simm.s32 $0x8700  }
0x489: {  	[tilespmem:s8], [sflag:$0x2] =	stream.indirect_vreg.gather [hbm4b:s11+s3], $0x80, v60, vm0, $0xb8;
	[tilespmem:$0x1E400] =	vst v63  }
0x48a: {  	s8 =	simm.s32 $0x8780  }
0x48b: {  	[tilespmem:s8], [sflag:$0x2] =	stream.indirect_vreg.gather [hbm4b:s11+s3], $0x80, v18, vm0, $0xb8;
	[tilespmem:$0x1E400] =	vst v63  }
0x48c: {  	v18 =	vld [tilespmem:s22+$0x1C0];
	_ =	sdelay $0x4  }
0x48d: {  	v19 =	vshll.u32 v18, $0x1  }
0x48e: {  	v18 =	vand.u32 $0x7, v18;
	v19 =	vand.u32 $0xFFFFFFF0, v19  }
0x48f: {  	v18 =	vor.u32 v18, v19  }
0x490: {  	v19 =	vperm.xlane v18, v3;
	_ =	sdelay $0x1  }
0x491: {  	v61 =	vperm.xlane v18, v2;
	v19 =	vadd.s32 v4, v19;
	_ =	sdelay $0x1  }
0x492: {  	v62 =	vperm.xlane v18, v5;
	v20 =	vadd.s32 v4, v61;
	_ =	sdelay $0x1  }
0x493: {  	s8 =	simm.s32 $0x8800;
	v63 =	vperm.xlane v18, v6;
	v21 =	vadd.s32 v4, v62  }
0x494: {  	[tilespmem:s8], [sflag:$0x2] =	stream.indirect_vreg.gather [hbm4b:s11+s3], $0x80, v19, vm0, $0xb8;
	[tilespmem:$0x1E400] =	vst v63  }
0x495: {  	v24 =	vperm.xlane v18, v7;
	v19 =	vadd.s32 v4, v63;
	s8 =	simm.s32 $0x8880  }
0x496: {  	[tilespmem:s8], [sflag:$0x2] =	stream.indirect_vreg.gather [hbm4b:s11+s3], $0x80, v20, vm0, $0xb8;
	[tilespmem:$0x1E400] =	vst v63  }
0x497: {  	v26 =	vperm.xlane v18, v8;
	v25 =	vadd.s32 v4, v24;
	s8 =	simm.s32 $0x8900  }
0x498: {  	[tilespmem:s8], [sflag:$0x2] =	stream.indirect_vreg.gather [hbm4b:s11+s3], $0x80, v21, vm0, $0xb8;
	[tilespmem:$0x1E400] =	vst v63  }
0x499: {  	v28 =	vperm.xlane v18, v9;
	v27 =	vadd.s32 v4, v26;
	s8 =	simm.s32 $0x8980  }
0x49a: {  	[tilespmem:s8], [sflag:$0x2] =	stream.indirect_vreg.gather [hbm4b:s11+s3], $0x80, v19, vm0, $0xb8;
	[tilespmem:$0x1E400] =	vst v63  }
0x49b: {  	v29 =	vperm.xlane v18, v1;
	v19 =	vadd.s32 v4, v28;
	s8 =	simm.s32 $0x8A00  }
0x49c: {  	[tilespmem:s8], [sflag:$0x2] =	stream.indirect_vreg.gather [hbm4b:s11+s3], $0x80, v25, vm0, $0xb8;
	[tilespmem:$0x1E400] =	vst v63  }
0x49d: {  	v31 =	vperm.xlane v18, v10;
	v30 =	vadd.s32 v4, v29;
	s8 =	simm.s32 $0x8A80  }
0x49e: {  	[tilespmem:s8], [sflag:$0x2] =	stream.indirect_vreg.gather [hbm4b:s11+s3], $0x80, v27, vm0, $0xb8;
	[tilespmem:$0x1E400] =	vst v63  }
0x49f: {  	v33 =	vperm.xlane v18, v11;
	v32 =	vadd.s32 v4, v31;
	s8 =	simm.s32 $0x8B00  }
0x4a0: {  	[tilespmem:s8], [sflag:$0x2] =	stream.indirect_vreg.gather [hbm4b:s11+s3], $0x80, v19, vm0, $0xb8;
	[tilespmem:$0x1E400] =	vst v63  }
0x4a1: {  	v34 =	vperm.xlane v18, v12;
	v19 =	vadd.s32 v4, v33;
	s8 =	simm.s32 $0x8B80  }
0x4a2: {  	[tilespmem:s8], [sflag:$0x2] =	stream.indirect_vreg.gather [hbm4b:s11+s3], $0x80, v30, vm0, $0xb8;
	[tilespmem:$0x1E400] =	vst v63  }
0x4a3: {  	v36 =	vperm.xlane v18, v13;
	v35 =	vadd.s32 v4, v34;
	s8 =	simm.s32 $0x8C00  }
0x4a4: {  	[tilespmem:s8], [sflag:$0x2] =	stream.indirect_vreg.gather [hbm4b:s11+s3], $0x80, v32, vm0, $0xb8;
	[tilespmem:$0x1E400] =	vst v63  }
0x4a5: {  	v38 =	vperm.xlane v18, v14;
	v37 =	vadd.s32 v4, v36;
	s8 =	simm.s32 $0x8C80  }
0x4a6: {  	[tilespmem:s8], [sflag:$0x2] =	stream.indirect_vreg.gather [hbm4b:s11+s3], $0x80, v19, vm0, $0xb8;
	[tilespmem:$0x1E400] =	vst v63  }
0x4a7: {  	v39 =	vperm.xlane v18, v15;
	v19 =	vadd.s32 v4, v38;
	s8 =	simm.s32 $0x8D00  }
0x4a8: {  	[tilespmem:s8], [sflag:$0x2] =	stream.indirect_vreg.gather [hbm4b:s11+s3], $0x80, v35, vm0, $0xb8;
	[tilespmem:$0x1E400] =	vst v63  }
0x4a9: {  	v41 =	vperm.xlane v18, v16;
	v40 =	vadd.s32 v4, v39;
	s8 =	simm.s32 $0x8D80  }
0x4aa: {  	[tilespmem:s8], [sflag:$0x2] =	stream.indirect_vreg.gather [hbm4b:s11+s3], $0x80, v37, vm0, $0xb8;
	[tilespmem:$0x1E400] =	vst v63  }
0x4ab: {  	v18 =	vperm.xlane v18, v17;
	v42 =	vadd.s32 v4, v41;
	s8 =	simm.s32 $0x8E00  }
0x4ac: {  	[tilespmem:s8], [sflag:$0x2] =	stream.indirect_vreg.gather [hbm4b:s11+s3], $0x80, v19, vm0, $0xb8;
	[tilespmem:$0x1E400] =	vst v63  }
0x4ad: {  	v18 =	vadd.s32 v4, v18;
	s8 =	simm.s32 $0x8E80  }
0x4ae: {  	[tilespmem:s8], [sflag:$0x2] =	stream.indirect_vreg.gather [hbm4b:s11+s3], $0x80, v40, vm0, $0xb8;
	[tilespmem:$0x1E400] =	vst v63  }
0x4af: {  	s8 =	simm.s32 $0x8F00  }
0x4b0: {  	[tilespmem:s8], [sflag:$0x2] =	stream.indirect_vreg.gather [hbm4b:s11+s3], $0x80, v42, vm0, $0xb8;
	[tilespmem:$0x1E400] =	vst v63  }
0x4b1: {  	s8 =	simm.s32 $0x8F80  }
0x4b2: {  	[tilespmem:s8], [sflag:$0x2] =	stream.indirect_vreg.gather [hbm4b:s11+s3], $0x80, v18, vm0, $0xb8;
	[tilespmem:$0x1E400] =	vst v63  }
0x4b3: {  	v18 =	vld [tilespmem:s22+$0x1D0];
	_ =	sdelay $0x4  }
0x4b4: {  	v19 =	vshll.u32 v18, $0x1  }
0x4b5: {  	v18 =	vand.u32 $0x7, v18;
	v19 =	vand.u32 $0xFFFFFFF0, v19  }
0x4b6: {  	v18 =	vor.u32 v18, v19  }
0x4b7: {  	v19 =	vperm.xlane v18, v3;
	_ =	sdelay $0x1  }
0x4b8: {  	v43 =	vperm.xlane v18, v2;
	v19 =	vadd.s32 v4, v19;
	_ =	sdelay $0x1  }
0x4b9: {  	v44 =	vperm.xlane v18, v5;
	v20 =	vadd.s32 v4, v43;
	_ =	sdelay $0x1  }
0x4ba: {  	s8 =	simm.s32 $0x9000;
	v45 =	vperm.xlane v18, v6;
	v21 =	vadd.s32 v4, v44  }
0x4bb: {  	[tilespmem:s8], [sflag:$0x2] =	stream.indirect_vreg.gather [hbm4b:s11+s3], $0x80, v19, vm0, $0xb8;
	[tilespmem:$0x1E400] =	vst v63  }
0x4bc: {  	v46 =	vperm.xlane v18, v7;
	v19 =	vadd.s32 v4, v45;
	s8 =	simm.s32 $0x9080  }
0x4bd: {  	[tilespmem:s8], [sflag:$0x2] =	stream.indirect_vreg.gather [hbm4b:s11+s3], $0x80, v20, vm0, $0xb8;
	[tilespmem:$0x1E400] =	vst v63  }
0x4be: {  	v48 =	vperm.xlane v18, v8;
	v47 =	vadd.s32 v4, v46;
	s8 =	simm.s32 $0x9100  }
0x4bf: {  	[tilespmem:s8], [sflag:$0x2] =	stream.indirect_vreg.gather [hbm4b:s11+s3], $0x80, v21, vm0, $0xb8;
	[tilespmem:$0x1E400] =	vst v63  }
0x4c0: {  	v50 =	vperm.xlane v18, v9;
	v49 =	vadd.s32 v4, v48;
	s8 =	simm.s32 $0x9180  }
0x4c1: {  	[tilespmem:s8], [sflag:$0x2] =	stream.indirect_vreg.gather [hbm4b:s11+s3], $0x80, v19, vm0, $0xb8;
	[tilespmem:$0x1E400] =	vst v63  }
0x4c2: {  	v51 =	vperm.xlane v18, v1;
	v19 =	vadd.s32 v4, v50;
	s8 =	simm.s32 $0x9200  }
0x4c3: {  	[tilespmem:s8], [sflag:$0x2] =	stream.indirect_vreg.gather [hbm4b:s11+s3], $0x80, v47, vm0, $0xb8;
	[tilespmem:$0x1E400] =	vst v63  }
0x4c4: {  	v53 =	vperm.xlane v18, v10;
	v52 =	vadd.s32 v4, v51;
	s8 =	simm.s32 $0x9280  }
0x4c5: {  	[tilespmem:s8], [sflag:$0x2] =	stream.indirect_vreg.gather [hbm4b:s11+s3], $0x80, v49, vm0, $0xb8;
	[tilespmem:$0x1E400] =	vst v63  }
0x4c6: {  	v55 =	vperm.xlane v18, v11;
	v54 =	vadd.s32 v4, v53;
	s8 =	simm.s32 $0x9300  }
0x4c7: {  	[tilespmem:s8], [sflag:$0x2] =	stream.indirect_vreg.gather [hbm4b:s11+s3], $0x80, v19, vm0, $0xb8;
	[tilespmem:$0x1E400] =	vst v63  }
0x4c8: {  	v56 =	vperm.xlane v18, v12;
	v19 =	vadd.s32 v4, v55;
	s8 =	simm.s32 $0x9380  }
0x4c9: {  	[tilespmem:s8], [sflag:$0x2] =	stream.indirect_vreg.gather [hbm4b:s11+s3], $0x80, v52, vm0, $0xb8;
	[tilespmem:$0x1E400] =	vst v63  }
0x4ca: {  	v58 =	vperm.xlane v18, v13;
	v57 =	vadd.s32 v4, v56;
	s8 =	simm.s32 $0x9400  }
0x4cb: {  	[tilespmem:s8], [sflag:$0x2] =	stream.indirect_vreg.gather [hbm4b:s11+s3], $0x80, v54, vm0, $0xb8;
	[tilespmem:$0x1E400] =	vst v63  }
0x4cc: {  	v60 =	vperm.xlane v18, v14;
	v59 =	vadd.s32 v4, v58;
	s8 =	simm.s32 $0x9480  }
0x4cd: {  	[tilespmem:s8], [sflag:$0x2] =	stream.indirect_vreg.gather [hbm4b:s11+s3], $0x80, v19, vm0, $0xb8;
	[tilespmem:$0x1E400] =	vst v63  }
0x4ce: {  	v61 =	vperm.xlane v18, v15;
	v19 =	vadd.s32 v4, v60;
	s8 =	simm.s32 $0x9500  }
0x4cf: {  	[tilespmem:s8], [sflag:$0x2] =	stream.indirect_vreg.gather [hbm4b:s11+s3], $0x80, v57, vm0, $0xb8;
	[tilespmem:$0x1E400] =	vst v63  }
0x4d0: {  	v63 =	vperm.xlane v18, v16;
	v62 =	vadd.s32 v4, v61;
	s8 =	simm.s32 $0x9580  }
0x4d1: {  	[tilespmem:s8], [sflag:$0x2] =	stream.indirect_vreg.gather [hbm4b:s11+s3], $0x80, v59, vm0, $0xb8;
	[tilespmem:$0x1E400] =	vst v63  }
0x4d2: {  	v18 =	vperm.xlane v18, v17;
	v24 =	vadd.s32 v4, v63;
	s8 =	simm.s32 $0x9600  }
0x4d3: {  	[tilespmem:s8], [sflag:$0x2] =	stream.indirect_vreg.gather [hbm4b:s11+s3], $0x80, v19, vm0, $0xb8;
	[tilespmem:$0x1E400] =	vst v63  }
0x4d4: {  	v18 =	vadd.s32 v4, v18;
	s8 =	simm.s32 $0x9680  }
0x4d5: {  	[tilespmem:s8], [sflag:$0x2] =	stream.indirect_vreg.gather [hbm4b:s11+s3], $0x80, v62, vm0, $0xb8;
	[tilespmem:$0x1E400] =	vst v63  }
0x4d6: {  	s8 =	simm.s32 $0x9700  }
0x4d7: {  	[tilespmem:s8], [sflag:$0x2] =	stream.indirect_vreg.gather [hbm4b:s11+s3], $0x80, v24, vm0, $0xb8;
	[tilespmem:$0x1E400] =	vst v63  }
0x4d8: {  	s8 =	simm.s32 $0x9780  }
0x4d9: {  	[tilespmem:s8], [sflag:$0x2] =	stream.indirect_vreg.gather [hbm4b:s11+s3], $0x80, v18, vm0, $0xb8;
	[tilespmem:$0x1E400] =	vst v63  }
0x4da: {  	v18 =	vld [tilespmem:s22+$0x1E0];
	_ =	sdelay $0x4  }
0x4db: {  	v19 =	vshll.u32 v18, $0x1  }
0x4dc: {  	v18 =	vand.u32 $0x7, v18;
	v19 =	vand.u32 $0xFFFFFFF0, v19  }
0x4dd: {  	v18 =	vor.u32 v18, v19  }
0x4de: {  	v19 =	vperm.xlane v18, v3;
	_ =	sdelay $0x1  }
0x4df: {  	v25 =	vperm.xlane v18, v2;
	v19 =	vadd.s32 v4, v19;
	_ =	sdelay $0x1  }
0x4e0: {  	v26 =	vperm.xlane v18, v5;
	v20 =	vadd.s32 v4, v25;
	_ =	sdelay $0x1  }
0x4e1: {  	s8 =	simm.s32 $0x9800;
	v27 =	vperm.xlane v18, v6;
	v21 =	vadd.s32 v4, v26  }
0x4e2: {  	[tilespmem:s8], [sflag:$0x2] =	stream.indirect_vreg.gather [hbm4b:s11+s3], $0x80, v19, vm0, $0xb8;
	[tilespmem:$0x1E400] =	vst v63  }
0x4e3: {  	v28 =	vperm.xlane v18, v7;
	v19 =	vadd.s32 v4, v27;
	s8 =	simm.s32 $0x9880  }
0x4e4: {  	[tilespmem:s8], [sflag:$0x2] =	stream.indirect_vreg.gather [hbm4b:s11+s3], $0x80, v20, vm0, $0xb8;
	[tilespmem:$0x1E400] =	vst v63  }
0x4e5: {  	v30 =	vperm.xlane v18, v8;
	v29 =	vadd.s32 v4, v28;
	s8 =	simm.s32 $0x9900  }
0x4e6: {  	[tilespmem:s8], [sflag:$0x2] =	stream.indirect_vreg.gather [hbm4b:s11+s3], $0x80, v21, vm0, $0xb8;
	[tilespmem:$0x1E400] =	vst v63  }
0x4e7: {  	v32 =	vperm.xlane v18, v9;
	v31 =	vadd.s32 v4, v30;
	s8 =	simm.s32 $0x9980  }
0x4e8: {  	[tilespmem:s8], [sflag:$0x2] =	stream.indirect_vreg.gather [hbm4b:s11+s3], $0x80, v19, vm0, $0xb8;
	[tilespmem:$0x1E400] =	vst v63  }
0x4e9: {  	v33 =	vperm.xlane v18, v1;
	v19 =	vadd.s32 v4, v32;
	s8 =	simm.s32 $0x9A00  }
0x4ea: {  	[tilespmem:s8], [sflag:$0x2] =	stream.indirect_vreg.gather [hbm4b:s11+s3], $0x80, v29, vm0, $0xb8;
	[tilespmem:$0x1E400] =	vst v63  }
0x4eb: {  	v35 =	vperm.xlane v18, v10;
	v34 =	vadd.s32 v4, v33;
	s8 =	simm.s32 $0x9A80  }
0x4ec: {  	[tilespmem:s8], [sflag:$0x2] =	stream.indirect_vreg.gather [hbm4b:s11+s3], $0x80, v31, vm0, $0xb8;
	[tilespmem:$0x1E400] =	vst v63  }
0x4ed: {  	v37 =	vperm.xlane v18, v11;
	v36 =	vadd.s32 v4, v35;
	s8 =	simm.s32 $0x9B00  }
0x4ee: {  	[tilespmem:s8], [sflag:$0x2] =	stream.indirect_vreg.gather [hbm4b:s11+s3], $0x80, v19, vm0, $0xb8;
	[tilespmem:$0x1E400] =	vst v63  }
0x4ef: {  	v38 =	vperm.xlane v18, v12;
	v19 =	vadd.s32 v4, v37;
	s8 =	simm.s32 $0x9B80  }
0x4f0: {  	[tilespmem:s8], [sflag:$0x2] =	stream.indirect_vreg.gather [hbm4b:s11+s3], $0x80, v34, vm0, $0xb8;
	[tilespmem:$0x1E400] =	vst v63  }
0x4f1: {  	v40 =	vperm.xlane v18, v13;
	v39 =	vadd.s32 v4, v38;
	s8 =	simm.s32 $0x9C00  }
0x4f2: {  	[tilespmem:s8], [sflag:$0x2] =	stream.indirect_vreg.gather [hbm4b:s11+s3], $0x80, v36, vm0, $0xb8;
	[tilespmem:$0x1E400] =	vst v63  }
0x4f3: {  	v42 =	vperm.xlane v18, v14;
	v41 =	vadd.s32 v4, v40;
	s8 =	simm.s32 $0x9C80  }
0x4f4: {  	[tilespmem:s8], [sflag:$0x2] =	stream.indirect_vreg.gather [hbm4b:s11+s3], $0x80, v19, vm0, $0xb8;
	[tilespmem:$0x1E400] =	vst v63  }
0x4f5: {  	v43 =	vperm.xlane v18, v15;
	v19 =	vadd.s32 v4, v42;
	s8 =	simm.s32 $0x9D00  }
0x4f6: {  	[tilespmem:s8], [sflag:$0x2] =	stream.indirect_vreg.gather [hbm4b:s11+s3], $0x80, v39, vm0, $0xb8;
	[tilespmem:$0x1E400] =	vst v63  }
0x4f7: {  	v45 =	vperm.xlane v18, v16;
	v44 =	vadd.s32 v4, v43;
	s8 =	simm.s32 $0x9D80  }
0x4f8: {  	[tilespmem:s8], [sflag:$0x2] =	stream.indirect_vreg.gather [hbm4b:s11+s3], $0x80, v41, vm0, $0xb8;
	[tilespmem:$0x1E400] =	vst v63  }
0x4f9: {  	v18 =	vperm.xlane v18, v17;
	v46 =	vadd.s32 v4, v45;
	s8 =	simm.s32 $0x9E00  }
0x4fa: {  	[tilespmem:s8], [sflag:$0x2] =	stream.indirect_vreg.gather [hbm4b:s11+s3], $0x80, v19, vm0, $0xb8;
	[tilespmem:$0x1E400] =	vst v63  }
0x4fb: {  	v18 =	vadd.s32 v4, v18;
	s8 =	simm.s32 $0x9E80  }
0x4fc: {  	[tilespmem:s8], [sflag:$0x2] =	stream.indirect_vreg.gather [hbm4b:s11+s3], $0x80, v44, vm0, $0xb8;
	[tilespmem:$0x1E400] =	vst v63  }
0x4fd: {  	s8 =	simm.s32 $0x9F00  }
0x4fe: {  	[tilespmem:s8], [sflag:$0x2] =	stream.indirect_vreg.gather [hbm4b:s11+s3], $0x80, v46, vm0, $0xb8;
	[tilespmem:$0x1E400] =	vst v63  }
0x4ff: {  	s8 =	simm.s32 $0x9F80  }
0x500: {  	[tilespmem:s8], [sflag:$0x2] =	stream.indirect_vreg.gather [hbm4b:s11+s3], $0x80, v18, vm0, $0xb8;
	[tilespmem:$0x1E400] =	vst v63  }
0x501: {  	v18 =	vld.msk [tilespmem:s22+$0x1F0], $0x1fff;
	_ =	sdelay $0x4  }
0x502: {  	v19 =	vshll.u32 v18, $0x1  }
0x503: {  	v18 =	vand.u32 $0x7, v18;
	v19 =	vand.u32 $0xFFFFFFF0, v19  }
0x504: {  	v18 =	vor.u32 v18, v19  }
0x505: {  	v19 =	vperm.xlane v18, v3;
	_ =	sdelay $0x1  }
0x506: {  	v47 =	vperm.xlane v18, v2;
	v19 =	vadd.s32 v4, v19;
	_ =	sdelay $0x1  }
0x507: {  	v48 =	vperm.xlane v18, v5;
	v20 =	vadd.s32 v4, v47;
	_ =	sdelay $0x1  }
0x508: {  	s8 =	simm.s32 $0xA000;
	v49 =	vperm.xlane v18, v6;
	v21 =	vadd.s32 v4, v48  }
0x509: {  	[tilespmem:s8], [sflag:$0x2] =	stream.indirect_vreg.gather [hbm4b:s11+s3], $0x80, v19, vm0, $0xb8;
	[tilespmem:$0x1E400] =	vst v63  }
0x50a: {  	v50 =	vperm.xlane v18, v7;
	v19 =	vadd.s32 v4, v49;
	s8 =	simm.s32 $0xA080  }
0x50b: {  	[tilespmem:s8], [sflag:$0x2] =	stream.indirect_vreg.gather [hbm4b:s11+s3], $0x80, v20, vm0, $0xb8;
	[tilespmem:$0x1E400] =	vst v63  }
0x50c: {  	v52 =	vperm.xlane v18, v8;
	v51 =	vadd.s32 v4, v50;
	s8 =	simm.s32 $0xA100  }
0x50d: {  	[tilespmem:s8], [sflag:$0x2] =	stream.indirect_vreg.gather [hbm4b:s11+s3], $0x80, v21, vm0, $0xb8;
	[tilespmem:$0x1E400] =	vst v63  }
0x50e: {  	v54 =	vperm.xlane v18, v9;
	v53 =	vadd.s32 v4, v52;
	s8 =	simm.s32 $0xA180  }
0x50f: {  	[tilespmem:s8], [sflag:$0x2] =	stream.indirect_vreg.gather [hbm4b:s11+s3], $0x80, v19, vm0, $0xb8;
	[tilespmem:$0x1E400] =	vst v63  }
0x510: {  	v55 =	vperm.xlane v18, v1;
	v19 =	vadd.s32 v4, v54;
	s8 =	simm.s32 $0xA200  }
0x511: {  	[tilespmem:s8], [sflag:$0x2] =	stream.indirect_vreg.gather [hbm4b:s11+s3], $0x80, v51, vm0, $0xb8;
	[tilespmem:$0x1E400] =	vst v63  }
0x512: {  	v57 =	vperm.xlane v18, v10;
	v56 =	vadd.s32 v4, v55;
	s8 =	simm.s32 $0xA280  }
0x513: {  	[tilespmem:s8], [sflag:$0x2] =	stream.indirect_vreg.gather [hbm4b:s11+s3], $0x80, v53, vm0, $0xb8;
	[tilespmem:$0x1E400] =	vst v63  }
0x514: {  	v59 =	vperm.xlane v18, v11;
	v58 =	vadd.s32 v4, v57;
	s8 =	simm.s32 $0xA300  }
0x515: {  	[tilespmem:s8], [sflag:$0x2] =	stream.indirect_vreg.gather [hbm4b:s11+s3], $0x80, v19, vm0, $0xb8;
	[tilespmem:$0x1E400] =	vst v63  }
0x516: {  	v60 =	vperm.xlane v18, v12;
	v19 =	vadd.s32 v4, v59;
	s8 =	simm.s32 $0xA380  }
0x517: {  	[tilespmem:s8], [sflag:$0x2] =	stream.indirect_vreg.gather [hbm4b:s11+s3], $0x80, v56, vm0, $0xb8;
	[tilespmem:$0x1E400] =	vst v63  }
0x518: {  	v62 =	vperm.xlane v18, v13;
	v61 =	vadd.s32 v4, v60;
	s8 =	simm.s32 $0xA400  }
0x519: {  	[tilespmem:s8], [sflag:$0x2] =	stream.indirect_vreg.gather [hbm4b:s11+s3], $0x80, v58, vm0, $0xb8;
	[tilespmem:$0x1E400] =	vst v63  }
0x51a: {  	v18 =	vperm.xlane v18, v14;
	v63 =	vadd.s32 v4, v62;
	s8 =	simm.s32 $0xA480  }
0x51b: {  	[tilespmem:s8], [sflag:$0x2] =	stream.indirect_vreg.gather [hbm4b:s11+s3], $0x80, v19, vm0, $0xb8;
	[tilespmem:$0x1E400] =	vst v63  }
0x51c: {  	v18 =	vadd.s32 v4, v18;
	s8 =	simm.s32 $0xA500  }
0x51d: {  	[tilespmem:s8], [sflag:$0x2] =	stream.indirect_vreg.gather [hbm4b:s11+s3], $0x80, v61, vm0, $0xb8;
	[tilespmem:$0x1E400] =	vst v63  }
0x51e: {  	s8 =	simm.s32 $0xA580  }
0x51f: {  	[tilespmem:s8], [sflag:$0x2] =	stream.indirect_vreg.gather [hbm4b:s11+s3], $0x80, v63, vm0, $0xb8;
	[tilespmem:$0x1E400] =	vst v63  }
0x520: {  	s8 =	simm.s32 $0xA600  }
0x521: {  	[tilespmem:s8], [sflag:$0x2] =	stream.indirect_vreg.gather [hbm4b:s11+s3], $0x80, v18, vm0, $0xb8;
	[tilespmem:$0x1E400] =	vst v63  }
0x522: {  	s7 =	sadd.s32 $0x400, s7;
	_ =	swait.ge [sflag:s19], $0x3E80  }
0x523: {  	p0 =	sne.s32 s7, $0x4C00;
	[sflag:s19] =	ssyncset.done $0x0  }
.Ltmp1:
0x524: {  	s22 =	sadd.s32 $0x1500, s22;
	[sflag:s19] =	ssyncadd.s32 $0xFFFFC180;
	(pc) =	sbr.rel @p0 .LBB2_4-.Ltmp1, $4  }
0x525: {  	[spmem:s1] =	stream.indirect.scatter.add.f32 [tilespmem:s20], [sflag:$0x3], $0x80, s22, s5, $0xb8;
	[tilespmem:$0x1E400] =	vst v63  }
0x526: {  	_ =	swait.ge [sflag:s21], $0x3E80  }
0x527: {  	[sflag:s21] =	ssyncset.done $0x0  }
0x528: {  	[sflag:s21] =	ssyncadd.s32 $0xFFFFC180  }
0x529: {  	_ =	swait.ge [sflag:s6], $0x3E80  }
0x52a: {  	s7 =	sshra.s32 s7, $0x2;
	[sflag:s6] =	ssyncset.done $0x0  }
0x52b: {  	s7 =	sadd.s32 $0x1480, s7;
	[sflag:s6] =	ssyncadd.s32 $0xFFFFC180  }
0x52c: {  	[spmem:s1] =	stream.indirect.scatter.add.f32 [tilespmem:s4], [sflag:$0x3], $0x80, s7, s5, $0xb8;
	[tilespmem:$0x1E400] =	vst v63  }
0x52d: {  	_ =	swait.ge [sflag:s21], $0x3E80  }
0x52e: {  	[sflag:s21] =	ssyncset.done $0x0  }
0x52f: {  	s7 =	simm.s32 $0x0;
	s8 =	rddreg [dreg:$0xb];
	[sflag:s21] =	ssyncadd.s32 $0xFFFFC180  }
0x530: {  	[tilespmem:s7], [sflag:$0x3] =	stream.linear.gather [hbm4b:s8+s7], $0x1400, $0x38;
	[tilespmem:$0x1E400] =	vst v63  }
0x531: {  	_ =	swait.ge [sflag:s21], $0x1400  }
0x532: {  	[sflag:s21] =	ssyncset.done $0x0  }
0x533: {  	s22 =	simm.s32 $0x1400;
	s8 =	rddreg [dreg:$0xc];
	[sflag:s21] =	ssyncadd.s32 $0xFFFFEC00  }
0x534: {  	[tilespmem:s22], [sflag:$0x3] =	stream.linear.gather [hbm4b:s8+s7], $0x1400, $0x38;
	[tilespmem:$0x1E400] =	vst v63  }
0x535: {  	_ =	swait.ge [sflag:s21], $0x1400  }
0x536: {  	[sflag:s21] =	ssyncset.done $0x0  }
0x537: {  	[sflag:s21] =	ssyncadd.s32 $0xFFFFEC00  }
0x538: {  	v18 =	vld [tilespmem:$0x0];
	_ =	sdelay $0x4  }
0x539: {  	v19 =	vshll.u32 v18, $0x1  }
0x53a: {  	v18 =	vand.u32 $0x7, v18;
	v19 =	vand.u32 $0xFFFFFFF0, v19  }
0x53b: {  	v18 =	vor.u32 v18, v19  }
0x53c: {  	v19 =	vperm.xlane v18, v3;
	_ =	sdelay $0x1  }
0x53d: {  	v20 =	vperm.xlane v18, v2;
	v19 =	vadd.s32 v4, v19;
	_ =	sdelay $0x1  }
0x53e: {  	v21 =	vperm.xlane v18, v5;
	v20 =	vadd.s32 v4, v20;
	_ =	sdelay $0x1  }
0x53f: {  	v22 =	vperm.xlane v18, v6;
	v21 =	vadd.s32 v4, v21  }
0x540: {  	[tilespmem:s20], [sflag:$0x1] =	stream.indirect_vreg.gather [hbm4b:s11+s7], $0x80, v19, vm0, $0xb8;
	[tilespmem:$0x1E400] =	vst v63  }
0x541: {  	v45 =	vperm.xlane v18, v7;
	v19 =	vadd.s32 v4, v22  }
0x542: {  	[tilespmem:s23], [sflag:$0x1] =	stream.indirect_vreg.gather [hbm4b:s11+s7], $0x80, v20, vm0, $0xb8;
	[tilespmem:$0x1E400] =	vst v63  }
0x543: {  	v47 =	vperm.xlane v18, v8;
	v46 =	vadd.s32 v4, v45  }
0x544: {  	[tilespmem:s24], [sflag:$0x1] =	stream.indirect_vreg.gather [hbm4b:s11+s7], $0x80, v21, vm0, $0xb8;
	[tilespmem:$0x1E400] =	vst v63  }
0x545: {  	v49 =	vperm.xlane v18, v9;
	v48 =	vadd.s32 v4, v47  }
0x546: {  	[tilespmem:s25], [sflag:$0x1] =	stream.indirect_vreg.gather [hbm4b:s11+s7], $0x80, v19, vm0, $0xb8;
	[tilespmem:$0x1E400] =	vst v63  }
0x547: {  	v50 =	vperm.xlane v18, v1;
	v19 =	vadd.s32 v4, v49  }
0x548: {  	[tilespmem:s26], [sflag:$0x1] =	stream.indirect_vreg.gather [hbm4b:s11+s7], $0x80, v46, vm0, $0xb8;
	[tilespmem:$0x1E400] =	vst v63  }
0x549: {  	v52 =	vperm.xlane v18, v10;
	v51 =	vadd.s32 v4, v50  }
0x54a: {  	[tilespmem:s28], [sflag:$0x1] =	stream.indirect_vreg.gather [hbm4b:s11+s7], $0x80, v48, vm0, $0xb8;
	[tilespmem:$0x1E400] =	vst v63  }
0x54b: {  	v54 =	vperm.xlane v18, v11;
	v53 =	vadd.s32 v4, v52  }
0x54c: {  	[tilespmem:s29], [sflag:$0x1] =	stream.indirect_vreg.gather [hbm4b:s11+s7], $0x80, v19, vm0, $0xb8;
	[tilespmem:$0x1E400] =	vst v63  }
0x54d: {  	v55 =	vperm.xlane v18, v12;
	v19 =	vadd.s32 v4, v54  }
0x54e: {  	[tilespmem:s30], [sflag:$0x1] =	stream.indirect_vreg.gather [hbm4b:s11+s7], $0x80, v51, vm0, $0xb8;
	[tilespmem:$0x1E400] =	vst v63  }
0x54f: {  	v57 =	vperm.xlane v18, v13;
	v56 =	vadd.s32 v4, v55  }
0x550: {  	[tilespmem:s31], [sflag:$0x1] =	stream.indirect_vreg.gather [hbm4b:s11+s7], $0x80, v53, vm0, $0xb8;
	[tilespmem:$0x1E400] =	vst v63  }
0x551: {  	v59 =	vperm.xlane v18, v14;
	v58 =	vadd.s32 v4, v57  }
0x552: {  	[tilespmem:s0], [sflag:$0x1] =	stream.indirect_vreg.gather [hbm4b:s11+s7], $0x80, v19, vm0, $0xb8;
	[tilespmem:$0x1E400] =	vst v63  }
0x553: {  	v60 =	vperm.xlane v18, v15;
	v19 =	vadd.s32 v4, v59  }
0x554: {  	[tilespmem:s2], [sflag:$0x1] =	stream.indirect_vreg.gather [hbm4b:s11+s7], $0x80, v56, vm0, $0xb8;
	[tilespmem:$0x1E400] =	vst v63  }
0x555: {  	v62 =	vperm.xlane v18, v16;
	v61 =	vadd.s32 v4, v60  }
0x556: {  	[tilespmem:s9], [sflag:$0x1] =	stream.indirect_vreg.gather [hbm4b:s11+s7], $0x80, v58, vm0, $0xb8;
	[tilespmem:$0x1E400] =	vst v63  }
0x557: {  	v18 =	vperm.xlane v18, v17;
	v63 =	vadd.s32 v4, v62  }
0x558: {  	[tilespmem:s10], [sflag:$0x1] =	stream.indirect_vreg.gather [hbm4b:s11+s7], $0x80, v19, vm0, $0xb8;
	[tilespmem:$0x1E400] =	vst v63  }
0x559: {  	v18 =	vadd.s32 v4, v18  }
0x55a: {  	[tilespmem:s12], [sflag:$0x1] =	stream.indirect_vreg.gather [hbm4b:s11+s7], $0x80, v61, vm0, $0xb8;
	[tilespmem:$0x1E400] =	vst v63  }
0x55b: {  	_ = 	snop  }
0x55c: {  	[tilespmem:s13], [sflag:$0x1] =	stream.indirect_vreg.gather [hbm4b:s11+s7], $0x80, v63, vm0, $0xb8;
	[tilespmem:$0x1E400] =	vst v63  }
0x55d: {  	_ = 	snop  }
0x55e: {  	[tilespmem:s14], [sflag:$0x1] =	stream.indirect_vreg.gather [hbm4b:s11+s7], $0x80, v18, vm0, $0xb8;
	[tilespmem:$0x1E400] =	vst v63  }
0x55f: {  	v18 =	vld [tilespmem:$0x10];
	_ =	sdelay $0x4  }
0x560: {  	v19 =	vshll.u32 v18, $0x1  }
0x561: {  	v18 =	vand.u32 $0x7, v18;
	v19 =	vand.u32 $0xFFFFFFF0, v19  }
0x562: {  	v18 =	vor.u32 v18, v19  }
0x563: {  	v19 =	vperm.xlane v18, v3;
	_ =	sdelay $0x1  }
0x564: {  	v24 =	vperm.xlane v18, v2;
	v19 =	vadd.s32 v4, v19;
	_ =	sdelay $0x1  }
0x565: {  	v25 =	vperm.xlane v18, v5;
	v20 =	vadd.s32 v4, v24;
	_ =	sdelay $0x1  }
0x566: {  	v26 =	vperm.xlane v18, v6;
	v21 =	vadd.s32 v4, v25  }
0x567: {  	[tilespmem:s15], [sflag:$0x1] =	stream.indirect_vreg.gather [hbm4b:s11+s7], $0x80, v19, vm0, $0xb8;
	[tilespmem:$0x1E400] =	vst v63  }
0x568: {  	v27 =	vperm.xlane v18, v7;
	v19 =	vadd.s32 v4, v26  }
0x569: {  	[tilespmem:s16], [sflag:$0x1] =	stream.indirect_vreg.gather [hbm4b:s11+s7], $0x80, v20, vm0, $0xb8;
	[tilespmem:$0x1E400] =	vst v63  }
0x56a: {  	v29 =	vperm.xlane v18, v8;
	v28 =	vadd.s32 v4, v27  }
0x56b: {  	[tilespmem:s17], [sflag:$0x1] =	stream.indirect_vreg.gather [hbm4b:s11+s7], $0x80, v21, vm0, $0xb8;
	[tilespmem:$0x1E400] =	vst v63  }
0x56c: {  	v31 =	vperm.xlane v18, v9;
	v30 =	vadd.s32 v4, v29  }
0x56d: {  	[tilespmem:s18], [sflag:$0x1] =	stream.indirect_vreg.gather [hbm4b:s11+s7], $0x80, v19, vm0, $0xb8;
	[tilespmem:$0x1E400] =	vst v63  }
0x56e: {  	s23 =	simm.s32 $0x3200;
	v32 =	vperm.xlane v18, v1;
	v19 =	vadd.s32 v4, v31  }
0x56f: {  	[tilespmem:s23], [sflag:$0x1] =	stream.indirect_vreg.gather [hbm4b:s11+s7], $0x80, v28, vm0, $0xb8;
	[tilespmem:$0x1E400] =	vst v63  }
0x570: {  	s24 =	simm.s32 $0x3280;
	v34 =	vperm.xlane v18, v10;
	v33 =	vadd.s32 v4, v32  }
0x571: {  	[tilespmem:s24], [sflag:$0x1] =	stream.indirect_vreg.gather [hbm4b:s11+s7], $0x80, v30, vm0, $0xb8;
	[tilespmem:$0x1E400] =	vst v63  }
0x572: {  	s25 =	simm.s32 $0x3300;
	v36 =	vperm.xlane v18, v11;
	v35 =	vadd.s32 v4, v34  }
0x573: {  	[tilespmem:s25], [sflag:$0x1] =	stream.indirect_vreg.gather [hbm4b:s11+s7], $0x80, v19, vm0, $0xb8;
	[tilespmem:$0x1E400] =	vst v63  }
0x574: {  	s26 =	simm.s32 $0x3380;
	v37 =	vperm.xlane v18, v12;
	v19 =	vadd.s32 v4, v36  }
0x575: {  	[tilespmem:s26], [sflag:$0x1] =	stream.indirect_vreg.gather [hbm4b:s11+s7], $0x80, v33, vm0, $0xb8;
	[tilespmem:$0x1E400] =	vst v63  }
0x576: {  	s2 =	simm.s32 $0x3400;
	v39 =	vperm.xlane v18, v13;
	v38 =	vadd.s32 v4, v37  }
0x577: {  	[tilespmem:s2], [sflag:$0x1] =	stream.indirect_vreg.gather [hbm4b:s11+s7], $0x80, v35, vm0, $0xb8;
	[tilespmem:$0x1E400] =	vst v63  }
0x578: {  	s8 =	simm.s32 $0x3480;
	v41 =	vperm.xlane v18, v14;
	v40 =	vadd.s32 v4, v39  }
0x579: {  	[tilespmem:s8], [sflag:$0x1] =	stream.indirect_vreg.gather [hbm4b:s11+s7], $0x80, v19, vm0, $0xb8;
	[tilespmem:$0x1E400] =	vst v63  }
0x57a: {  	s9 =	simm.s32 $0x3500;
	v42 =	vperm.xlane v18, v15;
	v19 =	vadd.s32 v4, v41  }
0x57b: {  	[tilespmem:s9], [sflag:$0x1] =	stream.indirect_vreg.gather [hbm4b:s11+s7], $0x80, v38, vm0, $0xb8;
	[tilespmem:$0x1E400] =	vst v63  }
0x57c: {  	s10 =	simm.s32 $0x3580;
	v44 =	vperm.xlane v18, v16;
	v43 =	vadd.s32 v4, v42  }
0x57d: {  	[tilespmem:s10], [sflag:$0x1] =	stream.indirect_vreg.gather [hbm4b:s11+s7], $0x80, v40, vm0, $0xb8;
	[tilespmem:$0x1E400] =	vst v63  }
0x57e: {  	s12 =	simm.s32 $0x3600;
	v18 =	vperm.xlane v18, v17;
	v45 =	vadd.s32 v4, v44  }
0x57f: {  	[tilespmem:s12], [sflag:$0x1] =	stream.indirect_vreg.gather [hbm4b:s11+s7], $0x80, v19, vm0, $0xb8;
	[tilespmem:$0x1E400] =	vst v63  }
0x580: {  	s13 =	simm.s32 $0x3680;
	v18 =	vadd.s32 v4, v18  }
0x581: {  	[tilespmem:s13], [sflag:$0x1] =	stream.indirect_vreg.gather [hbm4b:s11+s7], $0x80, v43, vm0, $0xb8;
	[tilespmem:$0x1E400] =	vst v63  }
0x582: {  	s14 =	simm.s32 $0x3700  }
0x583: {  	[tilespmem:s14], [sflag:$0x1] =	stream.indirect_vreg.gather [hbm4b:s11+s7], $0x80, v45, vm0, $0xb8;
	[tilespmem:$0x1E400] =	vst v63  }
0x584: {  	s15 =	simm.s32 $0x3780  }
0x585: {  	[tilespmem:s15], [sflag:$0x1] =	stream.indirect_vreg.gather [hbm4b:s11+s7], $0x80, v18, vm0, $0xb8;
	[tilespmem:$0x1E400] =	vst v63  }
0x586: {  	v18 =	vld [tilespmem:$0x20];
	_ =	sdelay $0x4  }
0x587: {  	v19 =	vshll.u32 v18, $0x1  }
0x588: {  	v18 =	vand.u32 $0x7, v18;
	v19 =	vand.u32 $0xFFFFFFF0, v19  }
0x589: {  	v18 =	vor.u32 v18, v19  }
0x58a: {  	v19 =	vperm.xlane v18, v3;
	_ =	sdelay $0x1  }
0x58b: {  	v46 =	vperm.xlane v18, v2;
	v19 =	vadd.s32 v4, v19;
	_ =	sdelay $0x1  }
0x58c: {  	v47 =	vperm.xlane v18, v5;
	v20 =	vadd.s32 v4, v46;
	_ =	sdelay $0x1  }
0x58d: {  	s16 =	simm.s32 $0x3800;
	v48 =	vperm.xlane v18, v6;
	v21 =	vadd.s32 v4, v47  }
0x58e: {  	[tilespmem:s16], [sflag:$0x1] =	stream.indirect_vreg.gather [hbm4b:s11+s7], $0x80, v19, vm0, $0xb8;
	[tilespmem:$0x1E400] =	vst v63  }
0x58f: {  	s17 =	simm.s32 $0x3880;
	v49 =	vperm.xlane v18, v7;
	v19 =	vadd.s32 v4, v48  }
0x590: {  	[tilespmem:s17], [sflag:$0x1] =	stream.indirect_vreg.gather [hbm4b:s11+s7], $0x80, v20, vm0, $0xb8;
	[tilespmem:$0x1E400] =	vst v63  }
0x591: {  	s18 =	simm.s32 $0x3900;
	v51 =	vperm.xlane v18, v8;
	v50 =	vadd.s32 v4, v49  }
0x592: {  	[tilespmem:s18], [sflag:$0x1] =	stream.indirect_vreg.gather [hbm4b:s11+s7], $0x80, v21, vm0, $0xb8;
	[tilespmem:$0x1E400] =	vst v63  }
0x593: {  	s23 =	simm.s32 $0x3980;
	v53 =	vperm.xlane v18, v9;
	v52 =	vadd.s32 v4, v51  }
0x594: {  	[tilespmem:s23], [sflag:$0x1] =	stream.indirect_vreg.gather [hbm4b:s11+s7], $0x80, v19, vm0, $0xb8;
	[tilespmem:$0x1E400] =	vst v63  }
0x595: {  	s24 =	simm.s32 $0x3A00;
	v54 =	vperm.xlane v18, v1;
	v19 =	vadd.s32 v4, v53  }
0x596: {  	[tilespmem:s24], [sflag:$0x1] =	stream.indirect_vreg.gather [hbm4b:s11+s7], $0x80, v50, vm0, $0xb8;
	[tilespmem:$0x1E400] =	vst v63  }
0x597: {  	s25 =	simm.s32 $0x3A80;
	v56 =	vperm.xlane v18, v10;
	v55 =	vadd.s32 v4, v54  }
0x598: {  	[tilespmem:s25], [sflag:$0x1] =	stream.indirect_vreg.gather [hbm4b:s11+s7], $0x80, v52, vm0, $0xb8;
	[tilespmem:$0x1E400] =	vst v63  }
0x599: {  	s26 =	simm.s32 $0x3B00;
	v58 =	vperm.xlane v18, v11;
	v57 =	vadd.s32 v4, v56  }
0x59a: {  	[tilespmem:s26], [sflag:$0x1] =	stream.indirect_vreg.gather [hbm4b:s11+s7], $0x80, v19, vm0, $0xb8;
	[tilespmem:$0x1E400] =	vst v63  }
0x59b: {  	s2 =	simm.s32 $0x3B80;
	v59 =	vperm.xlane v18, v12;
	v19 =	vadd.s32 v4, v58  }
0x59c: {  	[tilespmem:s2], [sflag:$0x1] =	stream.indirect_vreg.gather [hbm4b:s11+s7], $0x80, v55, vm0, $0xb8;
	[tilespmem:$0x1E400] =	vst v63  }
0x59d: {  	s8 =	simm.s32 $0x3C00;
	v61 =	vperm.xlane v18, v13;
	v60 =	vadd.s32 v4, v59  }
0x59e: {  	[tilespmem:s8], [sflag:$0x1] =	stream.indirect_vreg.gather [hbm4b:s11+s7], $0x80, v57, vm0, $0xb8;
	[tilespmem:$0x1E400] =	vst v63  }
0x59f: {  	s9 =	simm.s32 $0x3C80;
	v63 =	vperm.xlane v18, v14;
	v62 =	vadd.s32 v4, v61  }
0x5a0: {  	[tilespmem:s9], [sflag:$0x1] =	stream.indirect_vreg.gather [hbm4b:s11+s7], $0x80, v19, vm0, $0xb8;
	[tilespmem:$0x1E400] =	vst v63  }
0x5a1: {  	s10 =	simm.s32 $0x3D00;
	v24 =	vperm.xlane v18, v15;
	v19 =	vadd.s32 v4, v63  }
0x5a2: {  	[tilespmem:s10], [sflag:$0x1] =	stream.indirect_vreg.gather [hbm4b:s11+s7], $0x80, v60, vm0, $0xb8;
	[tilespmem:$0x1E400] =	vst v63  }
0x5a3: {  	s12 =	simm.s32 $0x3D80;
	v26 =	vperm.xlane v18, v16;
	v25 =	vadd.s32 v4, v24  }
0x5a4: {  	[tilespmem:s12], [sflag:$0x1] =	stream.indirect_vreg.gather [hbm4b:s11+s7], $0x80, v62, vm0, $0xb8;
	[tilespmem:$0x1E400] =	vst v63  }
0x5a5: {  	s13 =	simm.s32 $0x3E00;
	v18 =	vperm.xlane v18, v17;
	v27 =	vadd.s32 v4, v26  }
0x5a6: {  	[tilespmem:s13], [sflag:$0x1] =	stream.indirect_vreg.gather [hbm4b:s11+s7], $0x80, v19, vm0, $0xb8;
	[tilespmem:$0x1E400] =	vst v63  }
0x5a7: {  	s14 =	simm.s32 $0x3E80;
	v18 =	vadd.s32 v4, v18  }
0x5a8: {  	[tilespmem:s14], [sflag:$0x1] =	stream.indirect_vreg.gather [hbm4b:s11+s7], $0x80, v25, vm0, $0xb8;
	[tilespmem:$0x1E400] =	vst v63  }
0x5a9: {  	s15 =	simm.s32 $0x3F00  }
0x5aa: {  	[tilespmem:s15], [sflag:$0x1] =	stream.indirect_vreg.gather [hbm4b:s11+s7], $0x80, v27, vm0, $0xb8;
	[tilespmem:$0x1E400] =	vst v63  }
0x5ab: {  	s16 =	simm.s32 $0x3F80  }
0x5ac: {  	[tilespmem:s16], [sflag:$0x1] =	stream.indirect_vreg.gather [hbm4b:s11+s7], $0x80, v18, vm0, $0xb8;
	[tilespmem:$0x1E400] =	vst v63  }
0x5ad: {  	v18 =	vld [tilespmem:$0x30];
	_ =	sdelay $0x4  }
0x5ae: {  	v19 =	vshll.u32 v18, $0x1  }
0x5af: {  	v18 =	vand.u32 $0x7, v18;
	v19 =	vand.u32 $0xFFFFFFF0, v19  }
0x5b0: {  	v18 =	vor.u32 v18, v19  }
0x5b1: {  	v19 =	vperm.xlane v18, v3;
	_ =	sdelay $0x1  }
0x5b2: {  	v28 =	vperm.xlane v18, v2;
	v19 =	vadd.s32 v4, v19;
	_ =	sdelay $0x1  }
0x5b3: {  	v29 =	vperm.xlane v18, v5;
	v20 =	vadd.s32 v4, v28;
	_ =	sdelay $0x1  }
0x5b4: {  	s17 =	simm.s32 $0x4000;
	v30 =	vperm.xlane v18, v6;
	v21 =	vadd.s32 v4, v29  }
0x5b5: {  	[tilespmem:s17], [sflag:$0x1] =	stream.indirect_vreg.gather [hbm4b:s11+s7], $0x80, v19, vm0, $0xb8;
	[tilespmem:$0x1E400] =	vst v63  }
0x5b6: {  	s18 =	simm.s32 $0x4080;
	v31 =	vperm.xlane v18, v7;
	v19 =	vadd.s32 v4, v30  }
0x5b7: {  	[tilespmem:s18], [sflag:$0x1] =	stream.indirect_vreg.gather [hbm4b:s11+s7], $0x80, v20, vm0, $0xb8;
	[tilespmem:$0x1E400] =	vst v63  }
0x5b8: {  	s23 =	simm.s32 $0x4100;
	v33 =	vperm.xlane v18, v8;
	v32 =	vadd.s32 v4, v31  }
0x5b9: {  	[tilespmem:s23], [sflag:$0x1] =	stream.indirect_vreg.gather [hbm4b:s11+s7], $0x80, v21, vm0, $0xb8;
	[tilespmem:$0x1E400] =	vst v63  }
0x5ba: {  	s24 =	simm.s32 $0x4180;
	v35 =	vperm.xlane v18, v9;
	v34 =	vadd.s32 v4, v33  }
0x5bb: {  	[tilespmem:s24], [sflag:$0x1] =	stream.indirect_vreg.gather [hbm4b:s11+s7], $0x80, v19, vm0, $0xb8;
	[tilespmem:$0x1E400] =	vst v63  }
0x5bc: {  	s25 =	simm.s32 $0x4200;
	v36 =	vperm.xlane v18, v1;
	v19 =	vadd.s32 v4, v35  }
0x5bd: {  	[tilespmem:s25], [sflag:$0x1] =	stream.indirect_vreg.gather [hbm4b:s11+s7], $0x80, v32, vm0, $0xb8;
	[tilespmem:$0x1E400] =	vst v63  }
0x5be: {  	s26 =	simm.s32 $0x4280;
	v38 =	vperm.xlane v18, v10;
	v37 =	vadd.s32 v4, v36  }
0x5bf: {  	[tilespmem:s26], [sflag:$0x1] =	stream.indirect_vreg.gather [hbm4b:s11+s7], $0x80, v34, vm0, $0xb8;
	[tilespmem:$0x1E400] =	vst v63  }
0x5c0: {  	s2 =	simm.s32 $0x4300;
	v40 =	vperm.xlane v18, v11;
	v39 =	vadd.s32 v4, v38  }
0x5c1: {  	[tilespmem:s2], [sflag:$0x1] =	stream.indirect_vreg.gather [hbm4b:s11+s7], $0x80, v19, vm0, $0xb8;
	[tilespmem:$0x1E400] =	vst v63  }
0x5c2: {  	s8 =	simm.s32 $0x4380;
	v41 =	vperm.xlane v18, v12;
	v19 =	vadd.s32 v4, v40  }
0x5c3: {  	[tilespmem:s8], [sflag:$0x1] =	stream.indirect_vreg.gather [hbm4b:s11+s7], $0x80, v37, vm0, $0xb8;
	[tilespmem:$0x1E400] =	vst v63  }
0x5c4: {  	s9 =	simm.s32 $0x4400;
	v43 =	vperm.xlane v18, v13;
	v42 =	vadd.s32 v4, v41  }
0x5c5: {  	[tilespmem:s9], [sflag:$0x1] =	stream.indirect_vreg.gather [hbm4b:s11+s7], $0x80, v39, vm0, $0xb8;
	[tilespmem:$0x1E400] =	vst v63  }
0x5c6: {  	s10 =	simm.s32 $0x4480;
	v45 =	vperm.xlane v18, v14;
	v44 =	vadd.s32 v4, v43  }
0x5c7: {  	[tilespmem:s10], [sflag:$0x1] =	stream.indirect_vreg.gather [hbm4b:s11+s7], $0x80, v19, vm0, $0xb8;
	[tilespmem:$0x1E400] =	vst v63  }
0x5c8: {  	s12 =	simm.s32 $0x4500;
	v46 =	vperm.xlane v18, v15;
	v19 =	vadd.s32 v4, v45  }
0x5c9: {  	[tilespmem:s12], [sflag:$0x1] =	stream.indirect_vreg.gather [hbm4b:s11+s7], $0x80, v42, vm0, $0xb8;
	[tilespmem:$0x1E400] =	vst v63  }
0x5ca: {  	s13 =	simm.s32 $0x4580;
	v48 =	vperm.xlane v18, v16;
	v47 =	vadd.s32 v4, v46  }
0x5cb: {  	[tilespmem:s13], [sflag:$0x1] =	stream.indirect_vreg.gather [hbm4b:s11+s7], $0x80, v44, vm0, $0xb8;
	[tilespmem:$0x1E400] =	vst v63  }
0x5cc: {  	s14 =	simm.s32 $0x4600;
	v18 =	vperm.xlane v18, v17;
	v49 =	vadd.s32 v4, v48  }
0x5cd: {  	[tilespmem:s14], [sflag:$0x1] =	stream.indirect_vreg.gather [hbm4b:s11+s7], $0x80, v19, vm0, $0xb8;
	[tilespmem:$0x1E400] =	vst v63  }
0x5ce: {  	s15 =	simm.s32 $0x4680;
	v18 =	vadd.s32 v4, v18  }
0x5cf: {  	[tilespmem:s15], [sflag:$0x1] =	stream.indirect_vreg.gather [hbm4b:s11+s7], $0x80, v47, vm0, $0xb8;
	[tilespmem:$0x1E400] =	vst v63  }
0x5d0: {  	s16 =	simm.s32 $0x4700  }
0x5d1: {  	[tilespmem:s16], [sflag:$0x1] =	stream.indirect_vreg.gather [hbm4b:s11+s7], $0x80, v49, vm0, $0xb8;
	[tilespmem:$0x1E400] =	vst v63  }
0x5d2: {  	s17 =	simm.s32 $0x4780  }
0x5d3: {  	[tilespmem:s17], [sflag:$0x1] =	stream.indirect_vreg.gather [hbm4b:s11+s7], $0x80, v18, vm0, $0xb8;
	[tilespmem:$0x1E400] =	vst v63  }
0x5d4: {  	v18 =	vld [tilespmem:$0x40];
	_ =	sdelay $0x4  }
0x5d5: {  	v19 =	vshll.u32 v18, $0x1  }
0x5d6: {  	v18 =	vand.u32 $0x7, v18;
	v19 =	vand.u32 $0xFFFFFFF0, v19  }
0x5d7: {  	v18 =	vor.u32 v18, v19  }
0x5d8: {  	v19 =	vperm.xlane v18, v3;
	_ =	sdelay $0x1  }
0x5d9: {  	v50 =	vperm.xlane v18, v2;
	v19 =	vadd.s32 v4, v19;
	_ =	sdelay $0x1  }
0x5da: {  	v51 =	vperm.xlane v18, v5;
	v20 =	vadd.s32 v4, v50;
	_ =	sdelay $0x1  }
0x5db: {  	s18 =	simm.s32 $0x4800;
	v52 =	vperm.xlane v18, v6;
	v21 =	vadd.s32 v4, v51  }
0x5dc: {  	[tilespmem:s18], [sflag:$0x1] =	stream.indirect_vreg.gather [hbm4b:s11+s7], $0x80, v19, vm0, $0xb8;
	[tilespmem:$0x1E400] =	vst v63  }
0x5dd: {  	s23 =	simm.s32 $0x4880;
	v53 =	vperm.xlane v18, v7;
	v19 =	vadd.s32 v4, v52  }
0x5de: {  	[tilespmem:s23], [sflag:$0x1] =	stream.indirect_vreg.gather [hbm4b:s11+s7], $0x80, v20, vm0, $0xb8;
	[tilespmem:$0x1E400] =	vst v63  }
0x5df: {  	s24 =	simm.s32 $0x4900;
	v55 =	vperm.xlane v18, v8;
	v54 =	vadd.s32 v4, v53  }
0x5e0: {  	[tilespmem:s24], [sflag:$0x1] =	stream.indirect_vreg.gather [hbm4b:s11+s7], $0x80, v21, vm0, $0xb8;
	[tilespmem:$0x1E400] =	vst v63  }
0x5e1: {  	s25 =	simm.s32 $0x4980;
	v57 =	vperm.xlane v18, v9;
	v56 =	vadd.s32 v4, v55  }
0x5e2: {  	[tilespmem:s25], [sflag:$0x1] =	stream.indirect_vreg.gather [hbm4b:s11+s7], $0x80, v19, vm0, $0xb8;
	[tilespmem:$0x1E400] =	vst v63  }
0x5e3: {  	s26 =	simm.s32 $0x4A00;
	v58 =	vperm.xlane v18, v1;
	v19 =	vadd.s32 v4, v57  }
0x5e4: {  	[tilespmem:s26], [sflag:$0x1] =	stream.indirect_vreg.gather [hbm4b:s11+s7], $0x80, v54, vm0, $0xb8;
	[tilespmem:$0x1E400] =	vst v63  }
0x5e5: {  	s2 =	simm.s32 $0x4A80;
	v60 =	vperm.xlane v18, v10;
	v59 =	vadd.s32 v4, v58  }
0x5e6: {  	[tilespmem:s2], [sflag:$0x1] =	stream.indirect_vreg.gather [hbm4b:s11+s7], $0x80, v56, vm0, $0xb8;
	[tilespmem:$0x1E400] =	vst v63  }
0x5e7: {  	s8 =	simm.s32 $0x4B00;
	v62 =	vperm.xlane v18, v11;
	v61 =	vadd.s32 v4, v60  }
0x5e8: {  	[tilespmem:s8], [sflag:$0x1] =	stream.indirect_vreg.gather [hbm4b:s11+s7], $0x80, v19, vm0, $0xb8;
	[tilespmem:$0x1E400] =	vst v63  }
0x5e9: {  	s9 =	simm.s32 $0x4B80;
	v63 =	vperm.xlane v18, v12;
	v19 =	vadd.s32 v4, v62  }
0x5ea: {  	[tilespmem:s9], [sflag:$0x1] =	stream.indirect_vreg.gather [hbm4b:s11+s7], $0x80, v59, vm0, $0xb8;
	[tilespmem:$0x1E400] =	vst v63  }
0x5eb: {  	s10 =	simm.s32 $0x4C00;
	v25 =	vperm.xlane v18, v13;
	v24 =	vadd.s32 v4, v63  }
0x5ec: {  	[tilespmem:s10], [sflag:$0x1] =	stream.indirect_vreg.gather [hbm4b:s11+s7], $0x80, v61, vm0, $0xb8;
	[tilespmem:$0x1E400] =	vst v63  }
0x5ed: {  	s12 =	simm.s32 $0x4C80;
	v27 =	vperm.xlane v18, v14;
	v26 =	vadd.s32 v4, v25  }
0x5ee: {  	[tilespmem:s12], [sflag:$0x1] =	stream.indirect_vreg.gather [hbm4b:s11+s7], $0x80, v19, vm0, $0xb8;
	[tilespmem:$0x1E400] =	vst v63  }
0x5ef: {  	s13 =	simm.s32 $0x4D00;
	v28 =	vperm.xlane v18, v15;
	v19 =	vadd.s32 v4, v27  }
0x5f0: {  	[tilespmem:s13], [sflag:$0x1] =	stream.indirect_vreg.gather [hbm4b:s11+s7], $0x80, v24, vm0, $0xb8;
	[tilespmem:$0x1E400] =	vst v63  }
0x5f1: {  	s14 =	simm.s32 $0x4D80;
	v30 =	vperm.xlane v18, v16;
	v29 =	vadd.s32 v4, v28  }
0x5f2: {  	[tilespmem:s14], [sflag:$0x1] =	stream.indirect_vreg.gather [hbm4b:s11+s7], $0x80, v26, vm0, $0xb8;
	[tilespmem:$0x1E400] =	vst v63  }
0x5f3: {  	s15 =	simm.s32 $0x4E00;
	v18 =	vperm.xlane v18, v17;
	v31 =	vadd.s32 v4, v30  }
0x5f4: {  	[tilespmem:s15], [sflag:$0x1] =	stream.indirect_vreg.gather [hbm4b:s11+s7], $0x80, v19, vm0, $0xb8;
	[tilespmem:$0x1E400] =	vst v63  }
0x5f5: {  	s16 =	simm.s32 $0x4E80;
	v18 =	vadd.s32 v4, v18  }
0x5f6: {  	[tilespmem:s16], [sflag:$0x1] =	stream.indirect_vreg.gather [hbm4b:s11+s7], $0x80, v29, vm0, $0xb8;
	[tilespmem:$0x1E400] =	vst v63  }
0x5f7: {  	s17 =	simm.s32 $0x4F00  }
0x5f8: {  	[tilespmem:s17], [sflag:$0x1] =	stream.indirect_vreg.gather [hbm4b:s11+s7], $0x80, v31, vm0, $0xb8;
	[tilespmem:$0x1E400] =	vst v63  }
0x5f9: {  	s18 =	simm.s32 $0x4F80  }
0x5fa: {  	[tilespmem:s18], [sflag:$0x1] =	stream.indirect_vreg.gather [hbm4b:s11+s7], $0x80, v18, vm0, $0xb8;
	[tilespmem:$0x1E400] =	vst v63  }
0x5fb: {  	v18 =	vld [tilespmem:$0x50];
	_ =	sdelay $0x4  }
0x5fc: {  	v19 =	vshll.u32 v18, $0x1  }
0x5fd: {  	v18 =	vand.u32 $0x7, v18;
	v19 =	vand.u32 $0xFFFFFFF0, v19  }
0x5fe: {  	v18 =	vor.u32 v18, v19  }
0x5ff: {  	v19 =	vperm.xlane v18, v3;
	_ =	sdelay $0x1  }
0x600: {  	v32 =	vperm.xlane v18, v2;
	v19 =	vadd.s32 v4, v19;
	_ =	sdelay $0x1  }
0x601: {  	v33 =	vperm.xlane v18, v5;
	v20 =	vadd.s32 v4, v32;
	_ =	sdelay $0x1  }
0x602: {  	s23 =	simm.s32 $0x5000;
	v34 =	vperm.xlane v18, v6;
	v21 =	vadd.s32 v4, v33  }
0x603: {  	[tilespmem:s23], [sflag:$0x1] =	stream.indirect_vreg.gather [hbm4b:s11+s7], $0x80, v19, vm0, $0xb8;
	[tilespmem:$0x1E400] =	vst v63  }
0x604: {  	s24 =	simm.s32 $0x5080;
	v35 =	vperm.xlane v18, v7;
	v19 =	vadd.s32 v4, v34  }
0x605: {  	[tilespmem:s24], [sflag:$0x1] =	stream.indirect_vreg.gather [hbm4b:s11+s7], $0x80, v20, vm0, $0xb8;
	[tilespmem:$0x1E400] =	vst v63  }
0x606: {  	s25 =	simm.s32 $0x5100;
	v37 =	vperm.xlane v18, v8;
	v36 =	vadd.s32 v4, v35  }
0x607: {  	[tilespmem:s25], [sflag:$0x1] =	stream.indirect_vreg.gather [hbm4b:s11+s7], $0x80, v21, vm0, $0xb8;
	[tilespmem:$0x1E400] =	vst v63  }
0x608: {  	s26 =	simm.s32 $0x5180;
	v39 =	vperm.xlane v18, v9;
	v38 =	vadd.s32 v4, v37  }
0x609: {  	[tilespmem:s26], [sflag:$0x1] =	stream.indirect_vreg.gather [hbm4b:s11+s7], $0x80, v19, vm0, $0xb8;
	[tilespmem:$0x1E400] =	vst v63  }
0x60a: {  	s2 =	simm.s32 $0x5200;
	v40 =	vperm.xlane v18, v1;
	v19 =	vadd.s32 v4, v39  }
0x60b: {  	[tilespmem:s2], [sflag:$0x1] =	stream.indirect_vreg.gather [hbm4b:s11+s7], $0x80, v36, vm0, $0xb8;
	[tilespmem:$0x1E400] =	vst v63  }
0x60c: {  	s8 =	simm.s32 $0x5280;
	v42 =	vperm.xlane v18, v10;
	v41 =	vadd.s32 v4, v40  }
0x60d: {  	[tilespmem:s8], [sflag:$0x1] =	stream.indirect_vreg.gather [hbm4b:s11+s7], $0x80, v38, vm0, $0xb8;
	[tilespmem:$0x1E400] =	vst v63  }
0x60e: {  	s9 =	simm.s32 $0x5300;
	v44 =	vperm.xlane v18, v11;
	v43 =	vadd.s32 v4, v42  }
0x60f: {  	[tilespmem:s9], [sflag:$0x1] =	stream.indirect_vreg.gather [hbm4b:s11+s7], $0x80, v19, vm0, $0xb8;
	[tilespmem:$0x1E400] =	vst v63  }
0x610: {  	s10 =	simm.s32 $0x5380;
	v45 =	vperm.xlane v18, v12;
	v19 =	vadd.s32 v4, v44  }
0x611: {  	[tilespmem:s10], [sflag:$0x1] =	stream.indirect_vreg.gather [hbm4b:s11+s7], $0x80, v41, vm0, $0xb8;
	[tilespmem:$0x1E400] =	vst v63  }
0x612: {  	s12 =	simm.s32 $0x5400;
	v47 =	vperm.xlane v18, v13;
	v46 =	vadd.s32 v4, v45  }
0x613: {  	[tilespmem:s12], [sflag:$0x1] =	stream.indirect_vreg.gather [hbm4b:s11+s7], $0x80, v43, vm0, $0xb8;
	[tilespmem:$0x1E400] =	vst v63  }
0x614: {  	s13 =	simm.s32 $0x5480;
	v49 =	vperm.xlane v18, v14;
	v48 =	vadd.s32 v4, v47  }
0x615: {  	[tilespmem:s13], [sflag:$0x1] =	stream.indirect_vreg.gather [hbm4b:s11+s7], $0x80, v19, vm0, $0xb8;
	[tilespmem:$0x1E400] =	vst v63  }
0x616: {  	s14 =	simm.s32 $0x5500;
	v50 =	vperm.xlane v18, v15;
	v19 =	vadd.s32 v4, v49  }
0x617: {  	[tilespmem:s14], [sflag:$0x1] =	stream.indirect_vreg.gather [hbm4b:s11+s7], $0x80, v46, vm0, $0xb8;
	[tilespmem:$0x1E400] =	vst v63  }
0x618: {  	s15 =	simm.s32 $0x5580;
	v52 =	vperm.xlane v18, v16;
	v51 =	vadd.s32 v4, v50  }
0x619: {  	[tilespmem:s15], [sflag:$0x1] =	stream.indirect_vreg.gather [hbm4b:s11+s7], $0x80, v48, vm0, $0xb8;
	[tilespmem:$0x1E400] =	vst v63  }
0x61a: {  	s16 =	simm.s32 $0x5600;
	v18 =	vperm.xlane v18, v17;
	v53 =	vadd.s32 v4, v52  }
0x61b: {  	[tilespmem:s16], [sflag:$0x1] =	stream.indirect_vreg.gather [hbm4b:s11+s7], $0x80, v19, vm0, $0xb8;
	[tilespmem:$0x1E400] =	vst v63  }
0x61c: {  	s17 =	simm.s32 $0x5680;
	v18 =	vadd.s32 v4, v18  }
0x61d: {  	[tilespmem:s17], [sflag:$0x1] =	stream.indirect_vreg.gather [hbm4b:s11+s7], $0x80, v51, vm0, $0xb8;
	[tilespmem:$0x1E400] =	vst v63  }
0x61e: {  	s18 =	simm.s32 $0x5700  }
0x61f: {  	[tilespmem:s18], [sflag:$0x1] =	stream.indirect_vreg.gather [hbm4b:s11+s7], $0x80, v53, vm0, $0xb8;
	[tilespmem:$0x1E400] =	vst v63  }
0x620: {  	s23 =	simm.s32 $0x5780  }
0x621: {  	[tilespmem:s23], [sflag:$0x1] =	stream.indirect_vreg.gather [hbm4b:s11+s7], $0x80, v18, vm0, $0xb8;
	[tilespmem:$0x1E400] =	vst v63  }
0x622: {  	v18 =	vld [tilespmem:$0x60];
	_ =	sdelay $0x4  }
0x623: {  	v19 =	vshll.u32 v18, $0x1  }
0x624: {  	v18 =	vand.u32 $0x7, v18;
	v19 =	vand.u32 $0xFFFFFFF0, v19  }
0x625: {  	v18 =	vor.u32 v18, v19  }
0x626: {  	v19 =	vperm.xlane v18, v3;
	_ =	sdelay $0x1  }
0x627: {  	v54 =	vperm.xlane v18, v2;
	v19 =	vadd.s32 v4, v19;
	_ =	sdelay $0x1  }
0x628: {  	v55 =	vperm.xlane v18, v5;
	v20 =	vadd.s32 v4, v54;
	_ =	sdelay $0x1  }
0x629: {  	s24 =	simm.s32 $0x5800;
	v56 =	vperm.xlane v18, v6;
	v21 =	vadd.s32 v4, v55  }
0x62a: {  	[tilespmem:s24], [sflag:$0x1] =	stream.indirect_vreg.gather [hbm4b:s11+s7], $0x80, v19, vm0, $0xb8;
	[tilespmem:$0x1E400] =	vst v63  }
0x62b: {  	s25 =	simm.s32 $0x5880;
	v57 =	vperm.xlane v18, v7;
	v19 =	vadd.s32 v4, v56  }
0x62c: {  	[tilespmem:s25], [sflag:$0x1] =	stream.indirect_vreg.gather [hbm4b:s11+s7], $0x80, v20, vm0, $0xb8;
	[tilespmem:$0x1E400] =	vst v63  }
0x62d: {  	s26 =	simm.s32 $0x5900;
	v59 =	vperm.xlane v18, v8;
	v58 =	vadd.s32 v4, v57  }
0x62e: {  	[tilespmem:s26], [sflag:$0x1] =	stream.indirect_vreg.gather [hbm4b:s11+s7], $0x80, v21, vm0, $0xb8;
	[tilespmem:$0x1E400] =	vst v63  }
0x62f: {  	s2 =	simm.s32 $0x5980;
	v61 =	vperm.xlane v18, v9;
	v60 =	vadd.s32 v4, v59  }
0x630: {  	[tilespmem:s2], [sflag:$0x1] =	stream.indirect_vreg.gather [hbm4b:s11+s7], $0x80, v19, vm0, $0xb8;
	[tilespmem:$0x1E400] =	vst v63  }
0x631: {  	s8 =	simm.s32 $0x5A00;
	v62 =	vperm.xlane v18, v1;
	v19 =	vadd.s32 v4, v61  }
0x632: {  	[tilespmem:s8], [sflag:$0x1] =	stream.indirect_vreg.gather [hbm4b:s11+s7], $0x80, v58, vm0, $0xb8;
	[tilespmem:$0x1E400] =	vst v63  }
0x633: {  	s9 =	simm.s32 $0x5A80;
	v24 =	vperm.xlane v18, v10;
	v63 =	vadd.s32 v4, v62  }
0x634: {  	[tilespmem:s9], [sflag:$0x1] =	stream.indirect_vreg.gather [hbm4b:s11+s7], $0x80, v60, vm0, $0xb8;
	[tilespmem:$0x1E400] =	vst v63  }
0x635: {  	s10 =	simm.s32 $0x5B00;
	v26 =	vperm.xlane v18, v11;
	v25 =	vadd.s32 v4, v24  }
0x636: {  	[tilespmem:s10], [sflag:$0x1] =	stream.indirect_vreg.gather [hbm4b:s11+s7], $0x80, v19, vm0, $0xb8;
	[tilespmem:$0x1E400] =	vst v63  }
0x637: {  	s12 =	simm.s32 $0x5B80;
	v27 =	vperm.xlane v18, v12;
	v19 =	vadd.s32 v4, v26  }
0x638: {  	[tilespmem:s12], [sflag:$0x1] =	stream.indirect_vreg.gather [hbm4b:s11+s7], $0x80, v63, vm0, $0xb8;
	[tilespmem:$0x1E400] =	vst v63  }
0x639: {  	s13 =	simm.s32 $0x5C00;
	v29 =	vperm.xlane v18, v13;
	v28 =	vadd.s32 v4, v27  }
0x63a: {  	[tilespmem:s13], [sflag:$0x1] =	stream.indirect_vreg.gather [hbm4b:s11+s7], $0x80, v25, vm0, $0xb8;
	[tilespmem:$0x1E400] =	vst v63  }
0x63b: {  	s14 =	simm.s32 $0x5C80;
	v31 =	vperm.xlane v18, v14;
	v30 =	vadd.s32 v4, v29  }
0x63c: {  	[tilespmem:s14], [sflag:$0x1] =	stream.indirect_vreg.gather [hbm4b:s11+s7], $0x80, v19, vm0, $0xb8;
	[tilespmem:$0x1E400] =	vst v63  }
0x63d: {  	s15 =	simm.s32 $0x5D00;
	v32 =	vperm.xlane v18, v15;
	v19 =	vadd.s32 v4, v31  }
0x63e: {  	[tilespmem:s15], [sflag:$0x1] =	stream.indirect_vreg.gather [hbm4b:s11+s7], $0x80, v28, vm0, $0xb8;
	[tilespmem:$0x1E400] =	vst v63  }
0x63f: {  	s16 =	simm.s32 $0x5D80;
	v34 =	vperm.xlane v18, v16;
	v33 =	vadd.s32 v4, v32  }
0x640: {  	[tilespmem:s16], [sflag:$0x1] =	stream.indirect_vreg.gather [hbm4b:s11+s7], $0x80, v30, vm0, $0xb8;
	[tilespmem:$0x1E400] =	vst v63  }
0x641: {  	s17 =	simm.s32 $0x5E00;
	v18 =	vperm.xlane v18, v17;
	v35 =	vadd.s32 v4, v34  }
0x642: {  	[tilespmem:s17], [sflag:$0x1] =	stream.indirect_vreg.gather [hbm4b:s11+s7], $0x80, v19, vm0, $0xb8;
	[tilespmem:$0x1E400] =	vst v63  }
0x643: {  	s18 =	simm.s32 $0x5E80;
	v18 =	vadd.s32 v4, v18  }
0x644: {  	[tilespmem:s18], [sflag:$0x1] =	stream.indirect_vreg.gather [hbm4b:s11+s7], $0x80, v33, vm0, $0xb8;
	[tilespmem:$0x1E400] =	vst v63  }
0x645: {  	s23 =	simm.s32 $0x5F00  }
0x646: {  	[tilespmem:s23], [sflag:$0x1] =	stream.indirect_vreg.gather [hbm4b:s11+s7], $0x80, v35, vm0, $0xb8;
	[tilespmem:$0x1E400] =	vst v63  }
0x647: {  	s24 =	simm.s32 $0x5F80  }
0x648: {  	[tilespmem:s24], [sflag:$0x1] =	stream.indirect_vreg.gather [hbm4b:s11+s7], $0x80, v18, vm0, $0xb8;
	[tilespmem:$0x1E400] =	vst v63  }
0x649: {  	v18 =	vld.msk [tilespmem:$0x70], $0x1fff;
	_ =	sdelay $0x4  }
0x64a: {  	v19 =	vshll.u32 v18, $0x1  }
0x64b: {  	v18 =	vand.u32 $0x7, v18;
	v19 =	vand.u32 $0xFFFFFFF0, v19  }
0x64c: {  	v18 =	vor.u32 v18, v19  }
0x64d: {  	v19 =	vperm.xlane v18, v3;
	_ =	sdelay $0x1  }
0x64e: {  	v36 =	vperm.xlane v18, v2;
	v19 =	vadd.s32 v4, v19;
	_ =	sdelay $0x1  }
0x64f: {  	v37 =	vperm.xlane v18, v5;
	v20 =	vadd.s32 v4, v36;
	_ =	sdelay $0x1  }
0x650: {  	s25 =	simm.s32 $0x6000;
	v38 =	vperm.xlane v18, v6;
	v21 =	vadd.s32 v4, v37  }
0x651: {  	[tilespmem:s25], [sflag:$0x1] =	stream.indirect_vreg.gather [hbm4b:s11+s7], $0x80, v19, vm0, $0xb8;
	[tilespmem:$0x1E400] =	vst v63  }
0x652: {  	s26 =	simm.s32 $0x6080;
	v39 =	vperm.xlane v18, v7;
	v19 =	vadd.s32 v4, v38  }
0x653: {  	[tilespmem:s26], [sflag:$0x1] =	stream.indirect_vreg.gather [hbm4b:s11+s7], $0x80, v20, vm0, $0xb8;
	[tilespmem:$0x1E400] =	vst v63  }
0x654: {  	s2 =	simm.s32 $0x6100;
	v41 =	vperm.xlane v18, v8;
	v40 =	vadd.s32 v4, v39  }
0x655: {  	[tilespmem:s2], [sflag:$0x1] =	stream.indirect_vreg.gather [hbm4b:s11+s7], $0x80, v21, vm0, $0xb8;
	[tilespmem:$0x1E400] =	vst v63  }
0x656: {  	s8 =	simm.s32 $0x6180;
	v43 =	vperm.xlane v18, v9;
	v42 =	vadd.s32 v4, v41  }
0x657: {  	[tilespmem:s8], [sflag:$0x1] =	stream.indirect_vreg.gather [hbm4b:s11+s7], $0x80, v19, vm0, $0xb8;
	[tilespmem:$0x1E400] =	vst v63  }
0x658: {  	s9 =	simm.s32 $0x6200;
	v44 =	vperm.xlane v18, v1;
	v19 =	vadd.s32 v4, v43  }
0x659: {  	[tilespmem:s9], [sflag:$0x1] =	stream.indirect_vreg.gather [hbm4b:s11+s7], $0x80, v40, vm0, $0xb8;
	[tilespmem:$0x1E400] =	vst v63  }
0x65a: {  	s10 =	simm.s32 $0x6280;
	v46 =	vperm.xlane v18, v10;
	v45 =	vadd.s32 v4, v44  }
0x65b: {  	[tilespmem:s10], [sflag:$0x1] =	stream.indirect_vreg.gather [hbm4b:s11+s7], $0x80, v42, vm0, $0xb8;
	[tilespmem:$0x1E400] =	vst v63  }
0x65c: {  	s12 =	simm.s32 $0x6300;
	v48 =	vperm.xlane v18, v11;
	v47 =	vadd.s32 v4, v46  }
0x65d: {  	[tilespmem:s12], [sflag:$0x1] =	stream.indirect_vreg.gather [hbm4b:s11+s7], $0x80, v19, vm0, $0xb8;
	[tilespmem:$0x1E400] =	vst v63  }
0x65e: {  	s13 =	simm.s32 $0x6380;
	v49 =	vperm.xlane v18, v12;
	v19 =	vadd.s32 v4, v48  }
0x65f: {  	[tilespmem:s13], [sflag:$0x1] =	stream.indirect_vreg.gather [hbm4b:s11+s7], $0x80, v45, vm0, $0xb8;
	[tilespmem:$0x1E400] =	vst v63  }
0x660: {  	s14 =	simm.s32 $0x6400;
	v51 =	vperm.xlane v18, v13;
	v50 =	vadd.s32 v4, v49  }
0x661: {  	[tilespmem:s14], [sflag:$0x1] =	stream.indirect_vreg.gather [hbm4b:s11+s7], $0x80, v47, vm0, $0xb8;
	[tilespmem:$0x1E400] =	vst v63  }
0x662: {  	s15 =	simm.s32 $0x6480;
	v18 =	vperm.xlane v18, v14;
	v52 =	vadd.s32 v4, v51  }
0x663: {  	[tilespmem:s15], [sflag:$0x1] =	stream.indirect_vreg.gather [hbm4b:s11+s7], $0x80, v19, vm0, $0xb8;
	[tilespmem:$0x1E400] =	vst v63  }
0x664: {  	s16 =	simm.s32 $0x6500;
	v18 =	vadd.s32 v4, v18  }
0x665: {  	[tilespmem:s16], [sflag:$0x1] =	stream.indirect_vreg.gather [hbm4b:s11+s7], $0x80, v50, vm0, $0xb8;
	[tilespmem:$0x1E400] =	vst v63  }
0x666: {  	s17 =	simm.s32 $0x6580  }
0x667: {  	[tilespmem:s17], [sflag:$0x1] =	stream.indirect_vreg.gather [hbm4b:s11+s7], $0x80, v52, vm0, $0xb8;
	[tilespmem:$0x1E400] =	vst v63  }
0x668: {  	s18 =	simm.s32 $0x6600  }
0x669: {  	[tilespmem:s18], [sflag:$0x1] =	stream.indirect_vreg.gather [hbm4b:s11+s7], $0x80, v18, vm0, $0xb8;
	[tilespmem:$0x1E400] =	vst v63  }
0x66a: {  	v18 =	vld [tilespmem:$0x80];
	_ =	sdelay $0x4  }
0x66b: {  	v19 =	vshll.u32 v18, $0x1  }
0x66c: {  	v18 =	vand.u32 $0x7, v18;
	v19 =	vand.u32 $0xFFFFFFF0, v19  }
0x66d: {  	v18 =	vor.u32 v18, v19  }
0x66e: {  	v19 =	vperm.xlane v18, v3;
	_ =	sdelay $0x1  }
0x66f: {  	v53 =	vperm.xlane v18, v2;
	v19 =	vadd.s32 v4, v19;
	_ =	sdelay $0x1  }
0x670: {  	v54 =	vperm.xlane v18, v5;
	v20 =	vadd.s32 v4, v53;
	_ =	sdelay $0x1  }
0x671: {  	v55 =	vperm.xlane v18, v6;
	v21 =	vadd.s32 v4, v54  }
0x672: {  	[tilespmem:s4], [sflag:$0x2] =	stream.indirect_vreg.gather [hbm4b:s11+s7], $0x80, v19, vm0, $0xb8;
	[tilespmem:$0x1E400] =	vst v63  }
0x673: {  	s23 =	simm.s32 $0x6880;
	v56 =	vperm.xlane v18, v7;
	v19 =	vadd.s32 v4, v55  }
0x674: {  	[tilespmem:s23], [sflag:$0x2] =	stream.indirect_vreg.gather [hbm4b:s11+s7], $0x80, v20, vm0, $0xb8;
	[tilespmem:$0x1E400] =	vst v63  }
0x675: {  	s24 =	simm.s32 $0x6900;
	v58 =	vperm.xlane v18, v8;
	v57 =	vadd.s32 v4, v56  }
0x676: {  	[tilespmem:s24], [sflag:$0x2] =	stream.indirect_vreg.gather [hbm4b:s11+s7], $0x80, v21, vm0, $0xb8;
	[tilespmem:$0x1E400] =	vst v63  }
0x677: {  	s25 =	simm.s32 $0x6980;
	v60 =	vperm.xlane v18, v9;
	v59 =	vadd.s32 v4, v58  }
0x678: {  	[tilespmem:s25], [sflag:$0x2] =	stream.indirect_vreg.gather [hbm4b:s11+s7], $0x80, v19, vm0, $0xb8;
	[tilespmem:$0x1E400] =	vst v63  }
0x679: {  	s26 =	simm.s32 $0x6A00;
	v61 =	vperm.xlane v18, v1;
	v19 =	vadd.s32 v4, v60  }
0x67a: {  	[tilespmem:s26], [sflag:$0x2] =	stream.indirect_vreg.gather [hbm4b:s11+s7], $0x80, v57, vm0, $0xb8;
	[tilespmem:$0x1E400] =	vst v63  }
0x67b: {  	s2 =	simm.s32 $0x6A80;
	v63 =	vperm.xlane v18, v10;
	v62 =	vadd.s32 v4, v61  }
0x67c: {  	[tilespmem:s2], [sflag:$0x2] =	stream.indirect_vreg.gather [hbm4b:s11+s7], $0x80, v59, vm0, $0xb8;
	[tilespmem:$0x1E400] =	vst v63  }
0x67d: {  	s8 =	simm.s32 $0x6B00;
	v25 =	vperm.xlane v18, v11;
	v24 =	vadd.s32 v4, v63  }
0x67e: {  	[tilespmem:s8], [sflag:$0x2] =	stream.indirect_vreg.gather [hbm4b:s11+s7], $0x80, v19, vm0, $0xb8;
	[tilespmem:$0x1E400] =	vst v63  }
0x67f: {  	s9 =	simm.s32 $0x6B80;
	v26 =	vperm.xlane v18, v12;
	v19 =	vadd.s32 v4, v25  }
0x680: {  	[tilespmem:s9], [sflag:$0x2] =	stream.indirect_vreg.gather [hbm4b:s11+s7], $0x80, v62, vm0, $0xb8;
	[tilespmem:$0x1E400] =	vst v63  }
0x681: {  	s10 =	simm.s32 $0x6C00;
	v28 =	vperm.xlane v18, v13;
	v27 =	vadd.s32 v4, v26  }
0x682: {  	[tilespmem:s10], [sflag:$0x2] =	stream.indirect_vreg.gather [hbm4b:s11+s7], $0x80, v24, vm0, $0xb8;
	[tilespmem:$0x1E400] =	vst v63  }
0x683: {  	s12 =	simm.s32 $0x6C80;
	v30 =	vperm.xlane v18, v14;
	v29 =	vadd.s32 v4, v28  }
0x684: {  	[tilespmem:s12], [sflag:$0x2] =	stream.indirect_vreg.gather [hbm4b:s11+s7], $0x80, v19, vm0, $0xb8;
	[tilespmem:$0x1E400] =	vst v63  }
0x685: {  	s13 =	simm.s32 $0x6D00;
	v31 =	vperm.xlane v18, v15;
	v19 =	vadd.s32 v4, v30  }
0x686: {  	[tilespmem:s13], [sflag:$0x2] =	stream.indirect_vreg.gather [hbm4b:s11+s7], $0x80, v27, vm0, $0xb8;
	[tilespmem:$0x1E400] =	vst v63  }
0x687: {  	s14 =	simm.s32 $0x6D80;
	v33 =	vperm.xlane v18, v16;
	v32 =	vadd.s32 v4, v31  }
0x688: {  	[tilespmem:s14], [sflag:$0x2] =	stream.indirect_vreg.gather [hbm4b:s11+s7], $0x80, v29, vm0, $0xb8;
	[tilespmem:$0x1E400] =	vst v63  }
0x689: {  	s15 =	simm.s32 $0x6E00;
	v18 =	vperm.xlane v18, v17;
	v34 =	vadd.s32 v4, v33  }
0x68a: {  	[tilespmem:s15], [sflag:$0x2] =	stream.indirect_vreg.gather [hbm4b:s11+s7], $0x80, v19, vm0, $0xb8;
	[tilespmem:$0x1E400] =	vst v63  }
0x68b: {  	s16 =	simm.s32 $0x6E80;
	v18 =	vadd.s32 v4, v18  }
0x68c: {  	[tilespmem:s16], [sflag:$0x2] =	stream.indirect_vreg.gather [hbm4b:s11+s7], $0x80, v32, vm0, $0xb8;
	[tilespmem:$0x1E400] =	vst v63  }
0x68d: {  	s17 =	simm.s32 $0x6F00  }
0x68e: {  	[tilespmem:s17], [sflag:$0x2] =	stream.indirect_vreg.gather [hbm4b:s11+s7], $0x80, v34, vm0, $0xb8;
	[tilespmem:$0x1E400] =	vst v63  }
0x68f: {  	s18 =	simm.s32 $0x6F80  }
0x690: {  	[tilespmem:s18], [sflag:$0x2] =	stream.indirect_vreg.gather [hbm4b:s11+s7], $0x80, v18, vm0, $0xb8;
	[tilespmem:$0x1E400] =	vst v63  }
0x691: {  	v18 =	vld [tilespmem:$0x90];
	_ =	sdelay $0x4  }
0x692: {  	v19 =	vshll.u32 v18, $0x1  }
0x693: {  	v18 =	vand.u32 $0x7, v18;
	v19 =	vand.u32 $0xFFFFFFF0, v19  }
0x694: {  	v18 =	vor.u32 v18, v19  }
0x695: {  	v19 =	vperm.xlane v18, v3;
	_ =	sdelay $0x1  }
0x696: {  	v35 =	vperm.xlane v18, v2;
	v19 =	vadd.s32 v4, v19;
	_ =	sdelay $0x1  }
0x697: {  	v36 =	vperm.xlane v18, v5;
	v20 =	vadd.s32 v4, v35;
	_ =	sdelay $0x1  }
0x698: {  	s23 =	simm.s32 $0x7000;
	v37 =	vperm.xlane v18, v6;
	v21 =	vadd.s32 v4, v36  }
0x699: {  	[tilespmem:s23], [sflag:$0x2] =	stream.indirect_vreg.gather [hbm4b:s11+s7], $0x80, v19, vm0, $0xb8;
	[tilespmem:$0x1E400] =	vst v63  }
0x69a: {  	s24 =	simm.s32 $0x7080;
	v38 =	vperm.xlane v18, v7;
	v19 =	vadd.s32 v4, v37  }
0x69b: {  	[tilespmem:s24], [sflag:$0x2] =	stream.indirect_vreg.gather [hbm4b:s11+s7], $0x80, v20, vm0, $0xb8;
	[tilespmem:$0x1E400] =	vst v63  }
0x69c: {  	s25 =	simm.s32 $0x7100;
	v40 =	vperm.xlane v18, v8;
	v39 =	vadd.s32 v4, v38  }
0x69d: {  	[tilespmem:s25], [sflag:$0x2] =	stream.indirect_vreg.gather [hbm4b:s11+s7], $0x80, v21, vm0, $0xb8;
	[tilespmem:$0x1E400] =	vst v63  }
0x69e: {  	s26 =	simm.s32 $0x7180;
	v42 =	vperm.xlane v18, v9;
	v41 =	vadd.s32 v4, v40  }
0x69f: {  	[tilespmem:s26], [sflag:$0x2] =	stream.indirect_vreg.gather [hbm4b:s11+s7], $0x80, v19, vm0, $0xb8;
	[tilespmem:$0x1E400] =	vst v63  }
0x6a0: {  	s2 =	simm.s32 $0x7200;
	v43 =	vperm.xlane v18, v1;
	v19 =	vadd.s32 v4, v42  }
0x6a1: {  	[tilespmem:s2], [sflag:$0x2] =	stream.indirect_vreg.gather [hbm4b:s11+s7], $0x80, v39, vm0, $0xb8;
	[tilespmem:$0x1E400] =	vst v63  }
0x6a2: {  	s8 =	simm.s32 $0x7280;
	v45 =	vperm.xlane v18, v10;
	v44 =	vadd.s32 v4, v43  }
0x6a3: {  	[tilespmem:s8], [sflag:$0x2] =	stream.indirect_vreg.gather [hbm4b:s11+s7], $0x80, v41, vm0, $0xb8;
	[tilespmem:$0x1E400] =	vst v63  }
0x6a4: {  	s9 =	simm.s32 $0x7300;
	v47 =	vperm.xlane v18, v11;
	v46 =	vadd.s32 v4, v45  }
0x6a5: {  	[tilespmem:s9], [sflag:$0x2] =	stream.indirect_vreg.gather [hbm4b:s11+s7], $0x80, v19, vm0, $0xb8;
	[tilespmem:$0x1E400] =	vst v63  }
0x6a6: {  	s10 =	simm.s32 $0x7380;
	v48 =	vperm.xlane v18, v12;
	v19 =	vadd.s32 v4, v47  }
0x6a7: {  	[tilespmem:s10], [sflag:$0x2] =	stream.indirect_vreg.gather [hbm4b:s11+s7], $0x80, v44, vm0, $0xb8;
	[tilespmem:$0x1E400] =	vst v63  }
0x6a8: {  	s12 =	simm.s32 $0x7400;
	v50 =	vperm.xlane v18, v13;
	v49 =	vadd.s32 v4, v48  }
0x6a9: {  	[tilespmem:s12], [sflag:$0x2] =	stream.indirect_vreg.gather [hbm4b:s11+s7], $0x80, v46, vm0, $0xb8;
	[tilespmem:$0x1E400] =	vst v63  }
0x6aa: {  	s13 =	simm.s32 $0x7480;
	v52 =	vperm.xlane v18, v14;
	v51 =	vadd.s32 v4, v50  }
0x6ab: {  	[tilespmem:s13], [sflag:$0x2] =	stream.indirect_vreg.gather [hbm4b:s11+s7], $0x80, v19, vm0, $0xb8;
	[tilespmem:$0x1E400] =	vst v63  }
0x6ac: {  	s14 =	simm.s32 $0x7500;
	v53 =	vperm.xlane v18, v15;
	v19 =	vadd.s32 v4, v52  }
0x6ad: {  	[tilespmem:s14], [sflag:$0x2] =	stream.indirect_vreg.gather [hbm4b:s11+s7], $0x80, v49, vm0, $0xb8;
	[tilespmem:$0x1E400] =	vst v63  }
0x6ae: {  	s15 =	simm.s32 $0x7580;
	v55 =	vperm.xlane v18, v16;
	v54 =	vadd.s32 v4, v53  }
0x6af: {  	[tilespmem:s15], [sflag:$0x2] =	stream.indirect_vreg.gather [hbm4b:s11+s7], $0x80, v51, vm0, $0xb8;
	[tilespmem:$0x1E400] =	vst v63  }
0x6b0: {  	s16 =	simm.s32 $0x7600;
	v18 =	vperm.xlane v18, v17;
	v56 =	vadd.s32 v4, v55  }
0x6b1: {  	[tilespmem:s16], [sflag:$0x2] =	stream.indirect_vreg.gather [hbm4b:s11+s7], $0x80, v19, vm0, $0xb8;
	[tilespmem:$0x1E400] =	vst v63  }
0x6b2: {  	s17 =	simm.s32 $0x7680;
	v18 =	vadd.s32 v4, v18  }
0x6b3: {  	[tilespmem:s17], [sflag:$0x2] =	stream.indirect_vreg.gather [hbm4b:s11+s7], $0x80, v54, vm0, $0xb8;
	[tilespmem:$0x1E400] =	vst v63  }
0x6b4: {  	s18 =	simm.s32 $0x7700  }
0x6b5: {  	[tilespmem:s18], [sflag:$0x2] =	stream.indirect_vreg.gather [hbm4b:s11+s7], $0x80, v56, vm0, $0xb8;
	[tilespmem:$0x1E400] =	vst v63  }
0x6b6: {  	s23 =	simm.s32 $0x7780  }
0x6b7: {  	[tilespmem:s23], [sflag:$0x2] =	stream.indirect_vreg.gather [hbm4b:s11+s7], $0x80, v18, vm0, $0xb8;
	[tilespmem:$0x1E400] =	vst v63  }
0x6b8: {  	v18 =	vld [tilespmem:$0xA0];
	_ =	sdelay $0x4  }
0x6b9: {  	v19 =	vshll.u32 v18, $0x1  }
0x6ba: {  	v18 =	vand.u32 $0x7, v18;
	v19 =	vand.u32 $0xFFFFFFF0, v19  }
0x6bb: {  	v18 =	vor.u32 v18, v19  }
0x6bc: {  	v19 =	vperm.xlane v18, v3;
	_ =	sdelay $0x1  }
0x6bd: {  	v57 =	vperm.xlane v18, v2;
	v19 =	vadd.s32 v4, v19;
	_ =	sdelay $0x1  }
0x6be: {  	v58 =	vperm.xlane v18, v5;
	v20 =	vadd.s32 v4, v57;
	_ =	sdelay $0x1  }
0x6bf: {  	s24 =	simm.s32 $0x7800;
	v59 =	vperm.xlane v18, v6;
	v21 =	vadd.s32 v4, v58  }
0x6c0: {  	[tilespmem:s24], [sflag:$0x2] =	stream.indirect_vreg.gather [hbm4b:s11+s7], $0x80, v19, vm0, $0xb8;
	[tilespmem:$0x1E400] =	vst v63  }
0x6c1: {  	s25 =	simm.s32 $0x7880;
	v60 =	vperm.xlane v18, v7;
	v19 =	vadd.s32 v4, v59  }
0x6c2: {  	[tilespmem:s25], [sflag:$0x2] =	stream.indirect_vreg.gather [hbm4b:s11+s7], $0x80, v20, vm0, $0xb8;
	[tilespmem:$0x1E400] =	vst v63  }
0x6c3: {  	s26 =	simm.s32 $0x7900;
	v62 =	vperm.xlane v18, v8;
	v61 =	vadd.s32 v4, v60  }
0x6c4: {  	[tilespmem:s26], [sflag:$0x2] =	stream.indirect_vreg.gather [hbm4b:s11+s7], $0x80, v21, vm0, $0xb8;
	[tilespmem:$0x1E400] =	vst v63  }
0x6c5: {  	s2 =	simm.s32 $0x7980;
	v24 =	vperm.xlane v18, v9;
	v63 =	vadd.s32 v4, v62  }
0x6c6: {  	[tilespmem:s2], [sflag:$0x2] =	stream.indirect_vreg.gather [hbm4b:s11+s7], $0x80, v19, vm0, $0xb8;
	[tilespmem:$0x1E400] =	vst v63  }
0x6c7: {  	s8 =	simm.s32 $0x7A00;
	v25 =	vperm.xlane v18, v1;
	v19 =	vadd.s32 v4, v24  }
0x6c8: {  	[tilespmem:s8], [sflag:$0x2] =	stream.indirect_vreg.gather [hbm4b:s11+s7], $0x80, v61, vm0, $0xb8;
	[tilespmem:$0x1E400] =	vst v63  }
0x6c9: {  	s9 =	simm.s32 $0x7A80;
	v27 =	vperm.xlane v18, v10;
	v26 =	vadd.s32 v4, v25  }
0x6ca: {  	[tilespmem:s9], [sflag:$0x2] =	stream.indirect_vreg.gather [hbm4b:s11+s7], $0x80, v63, vm0, $0xb8;
	[tilespmem:$0x1E400] =	vst v63  }
0x6cb: {  	s10 =	simm.s32 $0x7B00;
	v29 =	vperm.xlane v18, v11;
	v28 =	vadd.s32 v4, v27  }
0x6cc: {  	[tilespmem:s10], [sflag:$0x2] =	stream.indirect_vreg.gather [hbm4b:s11+s7], $0x80, v19, vm0, $0xb8;
	[tilespmem:$0x1E400] =	vst v63  }
0x6cd: {  	s12 =	simm.s32 $0x7B80;
	v30 =	vperm.xlane v18, v12;
	v19 =	vadd.s32 v4, v29  }
0x6ce: {  	[tilespmem:s12], [sflag:$0x2] =	stream.indirect_vreg.gather [hbm4b:s11+s7], $0x80, v26, vm0, $0xb8;
	[tilespmem:$0x1E400] =	vst v63  }
0x6cf: {  	s13 =	simm.s32 $0x7C00;
	v32 =	vperm.xlane v18, v13;
	v31 =	vadd.s32 v4, v30  }
0x6d0: {  	[tilespmem:s13], [sflag:$0x2] =	stream.indirect_vreg.gather [hbm4b:s11+s7], $0x80, v28, vm0, $0xb8;
	[tilespmem:$0x1E400] =	vst v63  }
0x6d1: {  	s14 =	simm.s32 $0x7C80;
	v34 =	vperm.xlane v18, v14;
	v33 =	vadd.s32 v4, v32  }
0x6d2: {  	[tilespmem:s14], [sflag:$0x2] =	stream.indirect_vreg.gather [hbm4b:s11+s7], $0x80, v19, vm0, $0xb8;
	[tilespmem:$0x1E400] =	vst v63  }
0x6d3: {  	s15 =	simm.s32 $0x7D00;
	v35 =	vperm.xlane v18, v15;
	v19 =	vadd.s32 v4, v34  }
0x6d4: {  	[tilespmem:s15], [sflag:$0x2] =	stream.indirect_vreg.gather [hbm4b:s11+s7], $0x80, v31, vm0, $0xb8;
	[tilespmem:$0x1E400] =	vst v63  }
0x6d5: {  	s16 =	simm.s32 $0x7D80;
	v37 =	vperm.xlane v18, v16;
	v36 =	vadd.s32 v4, v35  }
0x6d6: {  	[tilespmem:s16], [sflag:$0x2] =	stream.indirect_vreg.gather [hbm4b:s11+s7], $0x80, v33, vm0, $0xb8;
	[tilespmem:$0x1E400] =	vst v63  }
0x6d7: {  	s17 =	simm.s32 $0x7E00;
	v18 =	vperm.xlane v18, v17;
	v38 =	vadd.s32 v4, v37  }
0x6d8: {  	[tilespmem:s17], [sflag:$0x2] =	stream.indirect_vreg.gather [hbm4b:s11+s7], $0x80, v19, vm0, $0xb8;
	[tilespmem:$0x1E400] =	vst v63  }
0x6d9: {  	s18 =	simm.s32 $0x7E80;
	v18 =	vadd.s32 v4, v18  }
0x6da: {  	[tilespmem:s18], [sflag:$0x2] =	stream.indirect_vreg.gather [hbm4b:s11+s7], $0x80, v36, vm0, $0xb8;
	[tilespmem:$0x1E400] =	vst v63  }
0x6db: {  	s23 =	simm.s32 $0x7F00  }
0x6dc: {  	[tilespmem:s23], [sflag:$0x2] =	stream.indirect_vreg.gather [hbm4b:s11+s7], $0x80, v38, vm0, $0xb8;
	[tilespmem:$0x1E400] =	vst v63  }
0x6dd: {  	s24 =	simm.s32 $0x7F80  }
0x6de: {  	[tilespmem:s24], [sflag:$0x2] =	stream.indirect_vreg.gather [hbm4b:s11+s7], $0x80, v18, vm0, $0xb8;
	[tilespmem:$0x1E400] =	vst v63  }
0x6df: {  	v18 =	vld [tilespmem:$0xB0];
	_ =	sdelay $0x4  }
0x6e0: {  	v19 =	vshll.u32 v18, $0x1  }
0x6e1: {  	v18 =	vand.u32 $0x7, v18;
	v19 =	vand.u32 $0xFFFFFFF0, v19  }
0x6e2: {  	v18 =	vor.u32 v18, v19  }
0x6e3: {  	v19 =	vperm.xlane v18, v3;
	_ =	sdelay $0x1  }
0x6e4: {  	v39 =	vperm.xlane v18, v2;
	v19 =	vadd.s32 v4, v19;
	_ =	sdelay $0x1  }
0x6e5: {  	v40 =	vperm.xlane v18, v5;
	v20 =	vadd.s32 v4, v39;
	_ =	sdelay $0x1  }
0x6e6: {  	s25 =	simm.s32 $0x8000;
	v41 =	vperm.xlane v18, v6;
	v21 =	vadd.s32 v4, v40  }
0x6e7: {  	[tilespmem:s25], [sflag:$0x2] =	stream.indirect_vreg.gather [hbm4b:s11+s7], $0x80, v19, vm0, $0xb8;
	[tilespmem:$0x1E400] =	vst v63  }
0x6e8: {  	s26 =	simm.s32 $0x8080;
	v42 =	vperm.xlane v18, v7;
	v19 =	vadd.s32 v4, v41  }
0x6e9: {  	[tilespmem:s26], [sflag:$0x2] =	stream.indirect_vreg.gather [hbm4b:s11+s7], $0x80, v20, vm0, $0xb8;
	[tilespmem:$0x1E400] =	vst v63  }
0x6ea: {  	s2 =	simm.s32 $0x8100;
	v44 =	vperm.xlane v18, v8;
	v43 =	vadd.s32 v4, v42  }
0x6eb: {  	[tilespmem:s2], [sflag:$0x2] =	stream.indirect_vreg.gather [hbm4b:s11+s7], $0x80, v21, vm0, $0xb8;
	[tilespmem:$0x1E400] =	vst v63  }
0x6ec: {  	s8 =	simm.s32 $0x8180;
	v46 =	vperm.xlane v18, v9;
	v45 =	vadd.s32 v4, v44  }
0x6ed: {  	[tilespmem:s8], [sflag:$0x2] =	stream.indirect_vreg.gather [hbm4b:s11+s7], $0x80, v19, vm0, $0xb8;
	[tilespmem:$0x1E400] =	vst v63  }
0x6ee: {  	s9 =	simm.s32 $0x8200;
	v47 =	vperm.xlane v18, v1;
	v19 =	vadd.s32 v4, v46  }
0x6ef: {  	[tilespmem:s9], [sflag:$0x2] =	stream.indirect_vreg.gather [hbm4b:s11+s7], $0x80, v43, vm0, $0xb8;
	[tilespmem:$0x1E400] =	vst v63  }
0x6f0: {  	s10 =	simm.s32 $0x8280;
	v49 =	vperm.xlane v18, v10;
	v48 =	vadd.s32 v4, v47  }
0x6f1: {  	[tilespmem:s10], [sflag:$0x2] =	stream.indirect_vreg.gather [hbm4b:s11+s7], $0x80, v45, vm0, $0xb8;
	[tilespmem:$0x1E400] =	vst v63  }
0x6f2: {  	s12 =	simm.s32 $0x8300;
	v51 =	vperm.xlane v18, v11;
	v50 =	vadd.s32 v4, v49  }
0x6f3: {  	[tilespmem:s12], [sflag:$0x2] =	stream.indirect_vreg.gather [hbm4b:s11+s7], $0x80, v19, vm0, $0xb8;
	[tilespmem:$0x1E400] =	vst v63  }
0x6f4: {  	s13 =	simm.s32 $0x8380;
	v52 =	vperm.xlane v18, v12;
	v19 =	vadd.s32 v4, v51  }
0x6f5: {  	[tilespmem:s13], [sflag:$0x2] =	stream.indirect_vreg.gather [hbm4b:s11+s7], $0x80, v48, vm0, $0xb8;
	[tilespmem:$0x1E400] =	vst v63  }
0x6f6: {  	s14 =	simm.s32 $0x8400;
	v54 =	vperm.xlane v18, v13;
	v53 =	vadd.s32 v4, v52  }
0x6f7: {  	[tilespmem:s14], [sflag:$0x2] =	stream.indirect_vreg.gather [hbm4b:s11+s7], $0x80, v50, vm0, $0xb8;
	[tilespmem:$0x1E400] =	vst v63  }
0x6f8: {  	s15 =	simm.s32 $0x8480;
	v56 =	vperm.xlane v18, v14;
	v55 =	vadd.s32 v4, v54  }
0x6f9: {  	[tilespmem:s15], [sflag:$0x2] =	stream.indirect_vreg.gather [hbm4b:s11+s7], $0x80, v19, vm0, $0xb8;
	[tilespmem:$0x1E400] =	vst v63  }
0x6fa: {  	s16 =	simm.s32 $0x8500;
	v57 =	vperm.xlane v18, v15;
	v19 =	vadd.s32 v4, v56  }
0x6fb: {  	[tilespmem:s16], [sflag:$0x2] =	stream.indirect_vreg.gather [hbm4b:s11+s7], $0x80, v53, vm0, $0xb8;
	[tilespmem:$0x1E400] =	vst v63  }
0x6fc: {  	s17 =	simm.s32 $0x8580;
	v59 =	vperm.xlane v18, v16;
	v58 =	vadd.s32 v4, v57  }
0x6fd: {  	[tilespmem:s17], [sflag:$0x2] =	stream.indirect_vreg.gather [hbm4b:s11+s7], $0x80, v55, vm0, $0xb8;
	[tilespmem:$0x1E400] =	vst v63  }
0x6fe: {  	s18 =	simm.s32 $0x8600;
	v18 =	vperm.xlane v18, v17;
	v60 =	vadd.s32 v4, v59  }
0x6ff: {  	[tilespmem:s18], [sflag:$0x2] =	stream.indirect_vreg.gather [hbm4b:s11+s7], $0x80, v19, vm0, $0xb8;
	[tilespmem:$0x1E400] =	vst v63  }
0x700: {  	s23 =	simm.s32 $0x8680;
	v18 =	vadd.s32 v4, v18  }
0x701: {  	[tilespmem:s23], [sflag:$0x2] =	stream.indirect_vreg.gather [hbm4b:s11+s7], $0x80, v58, vm0, $0xb8;
	[tilespmem:$0x1E400] =	vst v63  }
0x702: {  	s24 =	simm.s32 $0x8700  }
0x703: {  	[tilespmem:s24], [sflag:$0x2] =	stream.indirect_vreg.gather [hbm4b:s11+s7], $0x80, v60, vm0, $0xb8;
	[tilespmem:$0x1E400] =	vst v63  }
0x704: {  	s25 =	simm.s32 $0x8780  }
0x705: {  	[tilespmem:s25], [sflag:$0x2] =	stream.indirect_vreg.gather [hbm4b:s11+s7], $0x80, v18, vm0, $0xb8;
	[tilespmem:$0x1E400] =	vst v63  }
0x706: {  	v18 =	vld [tilespmem:$0xC0];
	_ =	sdelay $0x4  }
0x707: {  	v19 =	vshll.u32 v18, $0x1  }
0x708: {  	v18 =	vand.u32 $0x7, v18;
	v19 =	vand.u32 $0xFFFFFFF0, v19  }
0x709: {  	v18 =	vor.u32 v18, v19  }
0x70a: {  	v19 =	vperm.xlane v18, v3;
	_ =	sdelay $0x1  }
0x70b: {  	v61 =	vperm.xlane v18, v2;
	v19 =	vadd.s32 v4, v19;
	_ =	sdelay $0x1  }
0x70c: {  	v62 =	vperm.xlane v18, v5;
	v20 =	vadd.s32 v4, v61;
	_ =	sdelay $0x1  }
0x70d: {  	s26 =	simm.s32 $0x8800;
	v63 =	vperm.xlane v18, v6;
	v21 =	vadd.s32 v4, v62  }
0x70e: {  	[tilespmem:s26], [sflag:$0x2] =	stream.indirect_vreg.gather [hbm4b:s11+s7], $0x80, v19, vm0, $0xb8;
	[tilespmem:$0x1E400] =	vst v63  }
0x70f: {  	s2 =	simm.s32 $0x8880;
	v24 =	vperm.xlane v18, v7;
	v19 =	vadd.s32 v4, v63  }
0x710: {  	[tilespmem:s2], [sflag:$0x2] =	stream.indirect_vreg.gather [hbm4b:s11+s7], $0x80, v20, vm0, $0xb8;
	[tilespmem:$0x1E400] =	vst v63  }
0x711: {  	s8 =	simm.s32 $0x8900;
	v26 =	vperm.xlane v18, v8;
	v25 =	vadd.s32 v4, v24  }
0x712: {  	[tilespmem:s8], [sflag:$0x2] =	stream.indirect_vreg.gather [hbm4b:s11+s7], $0x80, v21, vm0, $0xb8;
	[tilespmem:$0x1E400] =	vst v63  }
0x713: {  	s9 =	simm.s32 $0x8980;
	v28 =	vperm.xlane v18, v9;
	v27 =	vadd.s32 v4, v26  }
0x714: {  	[tilespmem:s9], [sflag:$0x2] =	stream.indirect_vreg.gather [hbm4b:s11+s7], $0x80, v19, vm0, $0xb8;
	[tilespmem:$0x1E400] =	vst v63  }
0x715: {  	s10 =	simm.s32 $0x8A00;
	v29 =	vperm.xlane v18, v1;
	v19 =	vadd.s32 v4, v28  }
0x716: {  	[tilespmem:s10], [sflag:$0x2] =	stream.indirect_vreg.gather [hbm4b:s11+s7], $0x80, v25, vm0, $0xb8;
	[tilespmem:$0x1E400] =	vst v63  }
0x717: {  	s12 =	simm.s32 $0x8A80;
	v31 =	vperm.xlane v18, v10;
	v30 =	vadd.s32 v4, v29  }
0x718: {  	[tilespmem:s12], [sflag:$0x2] =	stream.indirect_vreg.gather [hbm4b:s11+s7], $0x80, v27, vm0, $0xb8;
	[tilespmem:$0x1E400] =	vst v63  }
0x719: {  	s13 =	simm.s32 $0x8B00;
	v33 =	vperm.xlane v18, v11;
	v32 =	vadd.s32 v4, v31  }
0x71a: {  	[tilespmem:s13], [sflag:$0x2] =	stream.indirect_vreg.gather [hbm4b:s11+s7], $0x80, v19, vm0, $0xb8;
	[tilespmem:$0x1E400] =	vst v63  }
0x71b: {  	s14 =	simm.s32 $0x8B80;
	v34 =	vperm.xlane v18, v12;
	v19 =	vadd.s32 v4, v33  }
0x71c: {  	[tilespmem:s14], [sflag:$0x2] =	stream.indirect_vreg.gather [hbm4b:s11+s7], $0x80, v30, vm0, $0xb8;
	[tilespmem:$0x1E400] =	vst v63  }
0x71d: {  	s15 =	simm.s32 $0x8C00;
	v36 =	vperm.xlane v18, v13;
	v35 =	vadd.s32 v4, v34  }
0x71e: {  	[tilespmem:s15], [sflag:$0x2] =	stream.indirect_vreg.gather [hbm4b:s11+s7], $0x80, v32, vm0, $0xb8;
	[tilespmem:$0x1E400] =	vst v63  }
0x71f: {  	s16 =	simm.s32 $0x8C80;
	v38 =	vperm.xlane v18, v14;
	v37 =	vadd.s32 v4, v36  }
0x720: {  	[tilespmem:s16], [sflag:$0x2] =	stream.indirect_vreg.gather [hbm4b:s11+s7], $0x80, v19, vm0, $0xb8;
	[tilespmem:$0x1E400] =	vst v63  }
0x721: {  	s17 =	simm.s32 $0x8D00;
	v39 =	vperm.xlane v18, v15;
	v19 =	vadd.s32 v4, v38  }
0x722: {  	[tilespmem:s17], [sflag:$0x2] =	stream.indirect_vreg.gather [hbm4b:s11+s7], $0x80, v35, vm0, $0xb8;
	[tilespmem:$0x1E400] =	vst v63  }
0x723: {  	s18 =	simm.s32 $0x8D80;
	v41 =	vperm.xlane v18, v16;
	v40 =	vadd.s32 v4, v39  }
0x724: {  	[tilespmem:s18], [sflag:$0x2] =	stream.indirect_vreg.gather [hbm4b:s11+s7], $0x80, v37, vm0, $0xb8;
	[tilespmem:$0x1E400] =	vst v63  }
0x725: {  	s23 =	simm.s32 $0x8E00;
	v18 =	vperm.xlane v18, v17;
	v42 =	vadd.s32 v4, v41  }
0x726: {  	[tilespmem:s23], [sflag:$0x2] =	stream.indirect_vreg.gather [hbm4b:s11+s7], $0x80, v19, vm0, $0xb8;
	[tilespmem:$0x1E400] =	vst v63  }
0x727: {  	s24 =	simm.s32 $0x8E80;
	v18 =	vadd.s32 v4, v18  }
0x728: {  	[tilespmem:s24], [sflag:$0x2] =	stream.indirect_vreg.gather [hbm4b:s11+s7], $0x80, v40, vm0, $0xb8;
	[tilespmem:$0x1E400] =	vst v63  }
0x729: {  	s25 =	simm.s32 $0x8F00  }
0x72a: {  	[tilespmem:s25], [sflag:$0x2] =	stream.indirect_vreg.gather [hbm4b:s11+s7], $0x80, v42, vm0, $0xb8;
	[tilespmem:$0x1E400] =	vst v63  }
0x72b: {  	s26 =	simm.s32 $0x8F80  }
0x72c: {  	[tilespmem:s26], [sflag:$0x2] =	stream.indirect_vreg.gather [hbm4b:s11+s7], $0x80, v18, vm0, $0xb8;
	[tilespmem:$0x1E400] =	vst v63  }
0x72d: {  	v18 =	vld [tilespmem:$0xD0];
	_ =	sdelay $0x4  }
0x72e: {  	v19 =	vshll.u32 v18, $0x1  }
0x72f: {  	v18 =	vand.u32 $0x7, v18;
	v19 =	vand.u32 $0xFFFFFFF0, v19  }
0x730: {  	v18 =	vor.u32 v18, v19  }
0x731: {  	v19 =	vperm.xlane v18, v3;
	_ =	sdelay $0x1  }
0x732: {  	v43 =	vperm.xlane v18, v2;
	v19 =	vadd.s32 v4, v19;
	_ =	sdelay $0x1  }
0x733: {  	v44 =	vperm.xlane v18, v5;
	v20 =	vadd.s32 v4, v43;
	_ =	sdelay $0x1  }
0x734: {  	s2 =	simm.s32 $0x9000;
	v45 =	vperm.xlane v18, v6;
	v21 =	vadd.s32 v4, v44  }
0x735: {  	[tilespmem:s2], [sflag:$0x2] =	stream.indirect_vreg.gather [hbm4b:s11+s7], $0x80, v19, vm0, $0xb8;
	[tilespmem:$0x1E400] =	vst v63  }
0x736: {  	s8 =	simm.s32 $0x9080;
	v46 =	vperm.xlane v18, v7;
	v19 =	vadd.s32 v4, v45  }
0x737: {  	[tilespmem:s8], [sflag:$0x2] =	stream.indirect_vreg.gather [hbm4b:s11+s7], $0x80, v20, vm0, $0xb8;
	[tilespmem:$0x1E400] =	vst v63  }
0x738: {  	s9 =	simm.s32 $0x9100;
	v48 =	vperm.xlane v18, v8;
	v47 =	vadd.s32 v4, v46  }
0x739: {  	[tilespmem:s9], [sflag:$0x2] =	stream.indirect_vreg.gather [hbm4b:s11+s7], $0x80, v21, vm0, $0xb8;
	[tilespmem:$0x1E400] =	vst v63  }
0x73a: {  	s10 =	simm.s32 $0x9180;
	v50 =	vperm.xlane v18, v9;
	v49 =	vadd.s32 v4, v48  }
0x73b: {  	[tilespmem:s10], [sflag:$0x2] =	stream.indirect_vreg.gather [hbm4b:s11+s7], $0x80, v19, vm0, $0xb8;
	[tilespmem:$0x1E400] =	vst v63  }
0x73c: {  	s12 =	simm.s32 $0x9200;
	v51 =	vperm.xlane v18, v1;
	v19 =	vadd.s32 v4, v50  }
0x73d: {  	[tilespmem:s12], [sflag:$0x2] =	stream.indirect_vreg.gather [hbm4b:s11+s7], $0x80, v47, vm0, $0xb8;
	[tilespmem:$0x1E400] =	vst v63  }
0x73e: {  	s13 =	simm.s32 $0x9280;
	v53 =	vperm.xlane v18, v10;
	v52 =	vadd.s32 v4, v51  }
0x73f: {  	[tilespmem:s13], [sflag:$0x2] =	stream.indirect_vreg.gather [hbm4b:s11+s7], $0x80, v49, vm0, $0xb8;
	[tilespmem:$0x1E400] =	vst v63  }
0x740: {  	s14 =	simm.s32 $0x9300;
	v55 =	vperm.xlane v18, v11;
	v54 =	vadd.s32 v4, v53  }
0x741: {  	[tilespmem:s14], [sflag:$0x2] =	stream.indirect_vreg.gather [hbm4b:s11+s7], $0x80, v19, vm0, $0xb8;
	[tilespmem:$0x1E400] =	vst v63  }
0x742: {  	s15 =	simm.s32 $0x9380;
	v56 =	vperm.xlane v18, v12;
	v19 =	vadd.s32 v4, v55  }
0x743: {  	[tilespmem:s15], [sflag:$0x2] =	stream.indirect_vreg.gather [hbm4b:s11+s7], $0x80, v52, vm0, $0xb8;
	[tilespmem:$0x1E400] =	vst v63  }
0x744: {  	s16 =	simm.s32 $0x9400;
	v58 =	vperm.xlane v18, v13;
	v57 =	vadd.s32 v4, v56  }
0x745: {  	[tilespmem:s16], [sflag:$0x2] =	stream.indirect_vreg.gather [hbm4b:s11+s7], $0x80, v54, vm0, $0xb8;
	[tilespmem:$0x1E400] =	vst v63  }
0x746: {  	s17 =	simm.s32 $0x9480;
	v60 =	vperm.xlane v18, v14;
	v59 =	vadd.s32 v4, v58  }
0x747: {  	[tilespmem:s17], [sflag:$0x2] =	stream.indirect_vreg.gather [hbm4b:s11+s7], $0x80, v19, vm0, $0xb8;
	[tilespmem:$0x1E400] =	vst v63  }
0x748: {  	s18 =	simm.s32 $0x9500;
	v61 =	vperm.xlane v18, v15;
	v19 =	vadd.s32 v4, v60  }
0x749: {  	[tilespmem:s18], [sflag:$0x2] =	stream.indirect_vreg.gather [hbm4b:s11+s7], $0x80, v57, vm0, $0xb8;
	[tilespmem:$0x1E400] =	vst v63  }
0x74a: {  	s23 =	simm.s32 $0x9580;
	v63 =	vperm.xlane v18, v16;
	v62 =	vadd.s32 v4, v61  }
0x74b: {  	[tilespmem:s23], [sflag:$0x2] =	stream.indirect_vreg.gather [hbm4b:s11+s7], $0x80, v59, vm0, $0xb8;
	[tilespmem:$0x1E400] =	vst v63  }
0x74c: {  	s24 =	simm.s32 $0x9600;
	v18 =	vperm.xlane v18, v17;
	v24 =	vadd.s32 v4, v63  }
0x74d: {  	[tilespmem:s24], [sflag:$0x2] =	stream.indirect_vreg.gather [hbm4b:s11+s7], $0x80, v19, vm0, $0xb8;
	[tilespmem:$0x1E400] =	vst v63  }
0x74e: {  	s25 =	simm.s32 $0x9680;
	v18 =	vadd.s32 v4, v18  }
0x74f: {  	[tilespmem:s25], [sflag:$0x2] =	stream.indirect_vreg.gather [hbm4b:s11+s7], $0x80, v62, vm0, $0xb8;
	[tilespmem:$0x1E400] =	vst v63  }
0x750: {  	s26 =	simm.s32 $0x9700  }
0x751: {  	[tilespmem:s26], [sflag:$0x2] =	stream.indirect_vreg.gather [hbm4b:s11+s7], $0x80, v24, vm0, $0xb8;
	[tilespmem:$0x1E400] =	vst v63  }
0x752: {  	s2 =	simm.s32 $0x9780  }
0x753: {  	[tilespmem:s2], [sflag:$0x2] =	stream.indirect_vreg.gather [hbm4b:s11+s7], $0x80, v18, vm0, $0xb8;
	[tilespmem:$0x1E400] =	vst v63  }
0x754: {  	v18 =	vld [tilespmem:$0xE0];
	_ =	sdelay $0x4  }
0x755: {  	v19 =	vshll.u32 v18, $0x1  }
0x756: {  	v18 =	vand.u32 $0x7, v18;
	v19 =	vand.u32 $0xFFFFFFF0, v19  }
0x757: {  	v18 =	vor.u32 v18, v19  }
0x758: {  	v19 =	vperm.xlane v18, v3;
	_ =	sdelay $0x1  }
0x759: {  	v25 =	vperm.xlane v18, v2;
	v19 =	vadd.s32 v4, v19;
	_ =	sdelay $0x1  }
0x75a: {  	v26 =	vperm.xlane v18, v5;
	v20 =	vadd.s32 v4, v25;
	_ =	sdelay $0x1  }
0x75b: {  	s8 =	simm.s32 $0x9800;
	v27 =	vperm.xlane v18, v6;
	v21 =	vadd.s32 v4, v26  }
0x75c: {  	[tilespmem:s8], [sflag:$0x2] =	stream.indirect_vreg.gather [hbm4b:s11+s7], $0x80, v19, vm0, $0xb8;
	[tilespmem:$0x1E400] =	vst v63  }
0x75d: {  	s9 =	simm.s32 $0x9880;
	v28 =	vperm.xlane v18, v7;
	v19 =	vadd.s32 v4, v27  }
0x75e: {  	[tilespmem:s9], [sflag:$0x2] =	stream.indirect_vreg.gather [hbm4b:s11+s7], $0x80, v20, vm0, $0xb8;
	[tilespmem:$0x1E400] =	vst v63  }
0x75f: {  	s10 =	simm.s32 $0x9900;
	v30 =	vperm.xlane v18, v8;
	v29 =	vadd.s32 v4, v28  }
0x760: {  	[tilespmem:s10], [sflag:$0x2] =	stream.indirect_vreg.gather [hbm4b:s11+s7], $0x80, v21, vm0, $0xb8;
	[tilespmem:$0x1E400] =	vst v63  }
0x761: {  	s12 =	simm.s32 $0x9980;
	v32 =	vperm.xlane v18, v9;
	v31 =	vadd.s32 v4, v30  }
0x762: {  	[tilespmem:s12], [sflag:$0x2] =	stream.indirect_vreg.gather [hbm4b:s11+s7], $0x80, v19, vm0, $0xb8;
	[tilespmem:$0x1E400] =	vst v63  }
0x763: {  	s13 =	simm.s32 $0x9A00;
	v33 =	vperm.xlane v18, v1;
	v19 =	vadd.s32 v4, v32  }
0x764: {  	[tilespmem:s13], [sflag:$0x2] =	stream.indirect_vreg.gather [hbm4b:s11+s7], $0x80, v29, vm0, $0xb8;
	[tilespmem:$0x1E400] =	vst v63  }
0x765: {  	s14 =	simm.s32 $0x9A80;
	v35 =	vperm.xlane v18, v10;
	v34 =	vadd.s32 v4, v33  }
0x766: {  	[tilespmem:s14], [sflag:$0x2] =	stream.indirect_vreg.gather [hbm4b:s11+s7], $0x80, v31, vm0, $0xb8;
	[tilespmem:$0x1E400] =	vst v63  }
0x767: {  	s15 =	simm.s32 $0x9B00;
	v37 =	vperm.xlane v18, v11;
	v36 =	vadd.s32 v4, v35  }
0x768: {  	[tilespmem:s15], [sflag:$0x2] =	stream.indirect_vreg.gather [hbm4b:s11+s7], $0x80, v19, vm0, $0xb8;
	[tilespmem:$0x1E400] =	vst v63  }
0x769: {  	s16 =	simm.s32 $0x9B80;
	v38 =	vperm.xlane v18, v12;
	v19 =	vadd.s32 v4, v37  }
0x76a: {  	[tilespmem:s16], [sflag:$0x2] =	stream.indirect_vreg.gather [hbm4b:s11+s7], $0x80, v34, vm0, $0xb8;
	[tilespmem:$0x1E400] =	vst v63  }
0x76b: {  	s17 =	simm.s32 $0x9C00;
	v40 =	vperm.xlane v18, v13;
	v39 =	vadd.s32 v4, v38  }
0x76c: {  	[tilespmem:s17], [sflag:$0x2] =	stream.indirect_vreg.gather [hbm4b:s11+s7], $0x80, v36, vm0, $0xb8;
	[tilespmem:$0x1E400] =	vst v63  }
0x76d: {  	s18 =	simm.s32 $0x9C80;
	v42 =	vperm.xlane v18, v14;
	v41 =	vadd.s32 v4, v40  }
0x76e: {  	[tilespmem:s18], [sflag:$0x2] =	stream.indirect_vreg.gather [hbm4b:s11+s7], $0x80, v19, vm0, $0xb8;
	[tilespmem:$0x1E400] =	vst v63  }
0x76f: {  	s23 =	simm.s32 $0x9D00;
	v43 =	vperm.xlane v18, v15;
	v19 =	vadd.s32 v4, v42  }
0x770: {  	[tilespmem:s23], [sflag:$0x2] =	stream.indirect_vreg.gather [hbm4b:s11+s7], $0x80, v39, vm0, $0xb8;
	[tilespmem:$0x1E400] =	vst v63  }
0x771: {  	s24 =	simm.s32 $0x9D80;
	v45 =	vperm.xlane v18, v16;
	v44 =	vadd.s32 v4, v43  }
0x772: {  	[tilespmem:s24], [sflag:$0x2] =	stream.indirect_vreg.gather [hbm4b:s11+s7], $0x80, v41, vm0, $0xb8;
	[tilespmem:$0x1E400] =	vst v63  }
0x773: {  	s25 =	simm.s32 $0x9E00;
	v18 =	vperm.xlane v18, v17;
	v46 =	vadd.s32 v4, v45  }
0x774: {  	[tilespmem:s25], [sflag:$0x2] =	stream.indirect_vreg.gather [hbm4b:s11+s7], $0x80, v19, vm0, $0xb8;
	[tilespmem:$0x1E400] =	vst v63  }
0x775: {  	s26 =	simm.s32 $0x9E80;
	v18 =	vadd.s32 v4, v18  }
0x776: {  	[tilespmem:s26], [sflag:$0x2] =	stream.indirect_vreg.gather [hbm4b:s11+s7], $0x80, v44, vm0, $0xb8;
	[tilespmem:$0x1E400] =	vst v63  }
0x777: {  	s2 =	simm.s32 $0x9F00  }
0x778: {  	[tilespmem:s2], [sflag:$0x2] =	stream.indirect_vreg.gather [hbm4b:s11+s7], $0x80, v46, vm0, $0xb8;
	[tilespmem:$0x1E400] =	vst v63  }
0x779: {  	s8 =	simm.s32 $0x9F80  }
0x77a: {  	[tilespmem:s8], [sflag:$0x2] =	stream.indirect_vreg.gather [hbm4b:s11+s7], $0x80, v18, vm0, $0xb8;
	[tilespmem:$0x1E400] =	vst v63  }
0x77b: {  	v18 =	vld.msk [tilespmem:$0xF0], $0x1fff;
	_ =	sdelay $0x4  }
0x77c: {  	v19 =	vshll.u32 v18, $0x1  }
0x77d: {  	v18 =	vand.u32 $0x7, v18;
	v19 =	vand.u32 $0xFFFFFFF0, v19  }
0x77e: {  	v18 =	vor.u32 v18, v19  }
0x77f: {  	v19 =	vperm.xlane v18, v3;
	_ =	sdelay $0x1  }
0x780: {  	v47 =	vperm.xlane v18, v2;
	v19 =	vadd.s32 v4, v19;
	_ =	sdelay $0x1  }
0x781: {  	v48 =	vperm.xlane v18, v5;
	v20 =	vadd.s32 v4, v47;
	_ =	sdelay $0x1  }
0x782: {  	s9 =	simm.s32 $0xA000;
	v49 =	vperm.xlane v18, v6;
	v21 =	vadd.s32 v4, v48  }
0x783: {  	[tilespmem:s9], [sflag:$0x2] =	stream.indirect_vreg.gather [hbm4b:s11+s7], $0x80, v19, vm0, $0xb8;
	[tilespmem:$0x1E400] =	vst v63  }
0x784: {  	s10 =	simm.s32 $0xA080;
	v50 =	vperm.xlane v18, v7;
	v19 =	vadd.s32 v4, v49  }
0x785: {  	[tilespmem:s10], [sflag:$0x2] =	stream.indirect_vreg.gather [hbm4b:s11+s7], $0x80, v20, vm0, $0xb8;
	[tilespmem:$0x1E400] =	vst v63  }
0x786: {  	s12 =	simm.s32 $0xA100;
	v52 =	vperm.xlane v18, v8;
	v51 =	vadd.s32 v4, v50  }
0x787: {  	[tilespmem:s12], [sflag:$0x2] =	stream.indirect_vreg.gather [hbm4b:s11+s7], $0x80, v21, vm0, $0xb8;
	[tilespmem:$0x1E400] =	vst v63  }
0x788: {  	s13 =	simm.s32 $0xA180;
	v54 =	vperm.xlane v18, v9;
	v53 =	vadd.s32 v4, v52  }
0x789: {  	[tilespmem:s13], [sflag:$0x2] =	stream.indirect_vreg.gather [hbm4b:s11+s7], $0x80, v19, vm0, $0xb8;
	[tilespmem:$0x1E400] =	vst v63  }
0x78a: {  	s14 =	simm.s32 $0xA200;
	v55 =	vperm.xlane v18, v1;
	v19 =	vadd.s32 v4, v54  }
0x78b: {  	[tilespmem:s14], [sflag:$0x2] =	stream.indirect_vreg.gather [hbm4b:s11+s7], $0x80, v51, vm0, $0xb8;
	[tilespmem:$0x1E400] =	vst v63  }
0x78c: {  	s15 =	simm.s32 $0xA280;
	v57 =	vperm.xlane v18, v10;
	v56 =	vadd.s32 v4, v55  }
0x78d: {  	[tilespmem:s15], [sflag:$0x2] =	stream.indirect_vreg.gather [hbm4b:s11+s7], $0x80, v53, vm0, $0xb8;
	[tilespmem:$0x1E400] =	vst v63  }
0x78e: {  	s16 =	simm.s32 $0xA300;
	v59 =	vperm.xlane v18, v11;
	v58 =	vadd.s32 v4, v57  }
0x78f: {  	[tilespmem:s16], [sflag:$0x2] =	stream.indirect_vreg.gather [hbm4b:s11+s7], $0x80, v19, vm0, $0xb8;
	[tilespmem:$0x1E400] =	vst v63  }
0x790: {  	s17 =	simm.s32 $0xA380;
	v60 =	vperm.xlane v18, v12;
	v19 =	vadd.s32 v4, v59  }
0x791: {  	[tilespmem:s17], [sflag:$0x2] =	stream.indirect_vreg.gather [hbm4b:s11+s7], $0x80, v56, vm0, $0xb8;
	[tilespmem:$0x1E400] =	vst v63  }
0x792: {  	s18 =	simm.s32 $0xA400;
	v62 =	vperm.xlane v18, v13;
	v61 =	vadd.s32 v4, v60  }
0x793: {  	[tilespmem:s18], [sflag:$0x2] =	stream.indirect_vreg.gather [hbm4b:s11+s7], $0x80, v58, vm0, $0xb8;
	[tilespmem:$0x1E400] =	vst v63  }
0x794: {  	s28 =	simm.s32 $0x2B00;
	s29 =	simm.s32 $0x2B80;
	s23 =	simm.s32 $0xA480;
	v18 =	vperm.xlane v18, v14;
	v63 =	vadd.s32 v4, v62  }
0x795: {  	[tilespmem:s23], [sflag:$0x2] =	stream.indirect_vreg.gather [hbm4b:s11+s7], $0x80, v19, vm0, $0xb8;
	[tilespmem:$0x1E400] =	vst v63  }
0x796: {  	s30 =	simm.s32 $0x2C00;
	s31 =	simm.s32 $0x3200;
	s24 =	simm.s32 $0xA500;
	v18 =	vadd.s32 v4, v18  }
0x797: {  	[tilespmem:s24], [sflag:$0x2] =	stream.indirect_vreg.gather [hbm4b:s11+s7], $0x80, v61, vm0, $0xb8;
	[tilespmem:$0x1E400] =	vst v63  }
0x798: {  	s0 =	simm.s32 $0x2C80;
	s25 =	simm.s32 $0xA580;
	s26 =	simm.s32 $0xA600  }
0x799: {  	[tilespmem:s25], [sflag:$0x2] =	stream.indirect_vreg.gather [hbm4b:s11+s7], $0x80, v63, vm0, $0xb8;
	[tilespmem:$0x1E400] =	vst v63  }
0x79a: {  	s2 =	simm.s32 $0x2D00;
	s8 =	simm.s32 $0x2880;
	s9 =	simm.s32 $0x2D80  }
0x79b: {  	[tilespmem:s26], [sflag:$0x2] =	stream.indirect_vreg.gather [hbm4b:s11+s7], $0x80, v18, vm0, $0xb8;
	[tilespmem:$0x1E400] =	vst v63  }
0x79c: {  	s10 =	simm.s32 $0x2E00;
	s12 =	simm.s32 $0x2E80;
	_ =	swait.ge [sflag:s19], $0x3E80  }
0x79d: {  	s13 =	simm.s32 $0x2F00;
	s14 =	simm.s32 $0x2F80;
	[sflag:s19] =	ssyncset.done $0x0  }
0x79e: {  	s15 =	simm.s32 $0x3000;
	s16 =	simm.s32 $0x3080;
	[sflag:s19] =	ssyncadd.s32 $0xFFFFC180  }
0x79f: {  	[spmem:s1] =	stream.indirect.scatter.add.f32 [tilespmem:s20], [sflag:$0x3], $0x80, s22, s5, $0xb8;
	[tilespmem:$0x1E400] =	vst v63  }
0x7a0: {  	s17 =	simm.s32 $0x3100;
	s18 =	simm.s32 $0x3180;
	_ =	swait.ge [sflag:s21], $0x3E80  }
0x7a1: {  	s23 =	simm.s32 $0x2900;
	s24 =	simm.s32 $0x2980;
	[sflag:s21] =	ssyncset.done $0x0  }
0x7a2: {  	s25 =	simm.s32 $0x2A00;
	s26 =	simm.s32 $0x2A80;
	[sflag:s21] =	ssyncadd.s32 $0xFFFFC180  }
.LBB2_6:
0x7a3: {  	s22 =	sshra.s32 s7, $0x2  }
0x7a4: {  	v18 =	vld [tilespmem:s22+$0x100];
	_ =	sdelay $0x4  }
0x7a5: {  	v19 =	vshll.u32 v18, $0x1  }
0x7a6: {  	v18 =	vand.u32 $0x7, v18;
	v19 =	vand.u32 $0xFFFFFFF0, v19  }
0x7a7: {  	v18 =	vor.u32 v18, v19  }
0x7a8: {  	v19 =	vperm.xlane v18, v3;
	_ =	sdelay $0x1  }
0x7a9: {  	v20 =	vperm.xlane v18, v2;
	v19 =	vadd.s32 v4, v19;
	_ =	sdelay $0x1  }
0x7aa: {  	v21 =	vperm.xlane v18, v5;
	v20 =	vadd.s32 v4, v20;
	_ =	sdelay $0x1  }
0x7ab: {  	v22 =	vperm.xlane v18, v6;
	v21 =	vadd.s32 v4, v21  }
0x7ac: {  	[tilespmem:s20], [sflag:$0x1] =	stream.indirect_vreg.gather [hbm4b:s11+s3], $0x80, v19, vm0, $0xb8;
	[tilespmem:$0x1E400] =	vst v63  }
0x7ad: {  	v45 =	vperm.xlane v18, v7;
	v19 =	vadd.s32 v4, v22  }
0x7ae: {  	[tilespmem:s8], [sflag:$0x1] =	stream.indirect_vreg.gather [hbm4b:s11+s3], $0x80, v20, vm0, $0xb8;
	[tilespmem:$0x1E400] =	vst v63  }
0x7af: {  	v47 =	vperm.xlane v18, v8;
	v46 =	vadd.s32 v4, v45  }
0x7b0: {  	[tilespmem:s23], [sflag:$0x1] =	stream.indirect_vreg.gather [hbm4b:s11+s3], $0x80, v21, vm0, $0xb8;
	[tilespmem:$0x1E400] =	vst v63  }
0x7b1: {  	v49 =	vperm.xlane v18, v9;
	v48 =	vadd.s32 v4, v47  }
0x7b2: {  	[tilespmem:s24], [sflag:$0x1] =	stream.indirect_vreg.gather [hbm4b:s11+s3], $0x80, v19, vm0, $0xb8;
	[tilespmem:$0x1E400] =	vst v63  }
0x7b3: {  	v50 =	vperm.xlane v18, v1;
	v19 =	vadd.s32 v4, v49  }
0x7b4: {  	[tilespmem:s25], [sflag:$0x1] =	stream.indirect_vreg.gather [hbm4b:s11+s3], $0x80, v46, vm0, $0xb8;
	[tilespmem:$0x1E400] =	vst v63  }
0x7b5: {  	v52 =	vperm.xlane v18, v10;
	v51 =	vadd.s32 v4, v50  }
0x7b6: {  	[tilespmem:s26], [sflag:$0x1] =	stream.indirect_vreg.gather [hbm4b:s11+s3], $0x80, v48, vm0, $0xb8;
	[tilespmem:$0x1E400] =	vst v63  }
0x7b7: {  	v54 =	vperm.xlane v18, v11;
	v53 =	vadd.s32 v4, v52  }
0x7b8: {  	[tilespmem:s28], [sflag:$0x1] =	stream.indirect_vreg.gather [hbm4b:s11+s3], $0x80, v19, vm0, $0xb8;
	[tilespmem:$0x1E400] =	vst v63  }
0x7b9: {  	v55 =	vperm.xlane v18, v12;
	v19 =	vadd.s32 v4, v54  }
0x7ba: {  	[tilespmem:s29], [sflag:$0x1] =	stream.indirect_vreg.gather [hbm4b:s11+s3], $0x80, v51, vm0, $0xb8;
	[tilespmem:$0x1E400] =	vst v63  }
0x7bb: {  	v57 =	vperm.xlane v18, v13;
	v56 =	vadd.s32 v4, v55  }
0x7bc: {  	[tilespmem:s30], [sflag:$0x1] =	stream.indirect_vreg.gather [hbm4b:s11+s3], $0x80, v53, vm0, $0xb8;
	[tilespmem:$0x1E400] =	vst v63  }
0x7bd: {  	v59 =	vperm.xlane v18, v14;
	v58 =	vadd.s32 v4, v57  }
0x7be: {  	[tilespmem:s0], [sflag:$0x1] =	stream.indirect_vreg.gather [hbm4b:s11+s3], $0x80, v19, vm0, $0xb8;
	[tilespmem:$0x1E400] =	vst v63  }
0x7bf: {  	v60 =	vperm.xlane v18, v15;
	v19 =	vadd.s32 v4, v59  }
0x7c0: {  	[tilespmem:s2], [sflag:$0x1] =	stream.indirect_vreg.gather [hbm4b:s11+s3], $0x80, v56, vm0, $0xb8;
	[tilespmem:$0x1E400] =	vst v63  }
0x7c1: {  	v62 =	vperm.xlane v18, v16;
	v61 =	vadd.s32 v4, v60  }
0x7c2: {  	[tilespmem:s9], [sflag:$0x1] =	stream.indirect_vreg.gather [hbm4b:s11+s3], $0x80, v58, vm0, $0xb8;
	[tilespmem:$0x1E400] =	vst v63  }
0x7c3: {  	v18 =	vperm.xlane v18, v17;
	v63 =	vadd.s32 v4, v62  }
0x7c4: {  	[tilespmem:s10], [sflag:$0x1] =	stream.indirect_vreg.gather [hbm4b:s11+s3], $0x80, v19, vm0, $0xb8;
	[tilespmem:$0x1E400] =	vst v63  }
0x7c5: {  	v18 =	vadd.s32 v4, v18  }
0x7c6: {  	[tilespmem:s12], [sflag:$0x1] =	stream.indirect_vreg.gather [hbm4b:s11+s3], $0x80, v61, vm0, $0xb8;
	[tilespmem:$0x1E400] =	vst v63  }
0x7c7: {  	_ = 	snop  }
0x7c8: {  	[tilespmem:s13], [sflag:$0x1] =	stream.indirect_vreg.gather [hbm4b:s11+s3], $0x80, v63, vm0, $0xb8;
	[tilespmem:$0x1E400] =	vst v63  }
0x7c9: {  	_ = 	snop  }
0x7ca: {  	[tilespmem:s14], [sflag:$0x1] =	stream.indirect_vreg.gather [hbm4b:s11+s3], $0x80, v18, vm0, $0xb8;
	[tilespmem:$0x1E400] =	vst v63  }
0x7cb: {  	v18 =	vld [tilespmem:s22+$0x110];
	_ =	sdelay $0x4  }
0x7cc: {  	v19 =	vshll.u32 v18, $0x1  }
0x7cd: {  	v18 =	vand.u32 $0x7, v18;
	v19 =	vand.u32 $0xFFFFFFF0, v19  }
0x7ce: {  	v18 =	vor.u32 v18, v19  }
0x7cf: {  	v19 =	vperm.xlane v18, v3;
	_ =	sdelay $0x1  }
0x7d0: {  	v24 =	vperm.xlane v18, v2;
	v19 =	vadd.s32 v4, v19;
	_ =	sdelay $0x1  }
0x7d1: {  	v25 =	vperm.xlane v18, v5;
	v20 =	vadd.s32 v4, v24;
	_ =	sdelay $0x1  }
0x7d2: {  	v26 =	vperm.xlane v18, v6;
	v21 =	vadd.s32 v4, v25  }
0x7d3: {  	[tilespmem:s15], [sflag:$0x1] =	stream.indirect_vreg.gather [hbm4b:s11+s3], $0x80, v19, vm0, $0xb8;
	[tilespmem:$0x1E400] =	vst v63  }
0x7d4: {  	v27 =	vperm.xlane v18, v7;
	v19 =	vadd.s32 v4, v26  }
0x7d5: {  	[tilespmem:s16], [sflag:$0x1] =	stream.indirect_vreg.gather [hbm4b:s11+s3], $0x80, v20, vm0, $0xb8;
	[tilespmem:$0x1E400] =	vst v63  }
0x7d6: {  	v29 =	vperm.xlane v18, v8;
	v28 =	vadd.s32 v4, v27  }
0x7d7: {  	[tilespmem:s17], [sflag:$0x1] =	stream.indirect_vreg.gather [hbm4b:s11+s3], $0x80, v21, vm0, $0xb8;
	[tilespmem:$0x1E400] =	vst v63  }
0x7d8: {  	v31 =	vperm.xlane v18, v9;
	v30 =	vadd.s32 v4, v29  }
0x7d9: {  	[tilespmem:s18], [sflag:$0x1] =	stream.indirect_vreg.gather [hbm4b:s11+s3], $0x80, v19, vm0, $0xb8;
	[tilespmem:$0x1E400] =	vst v63  }
0x7da: {  	v32 =	vperm.xlane v18, v1;
	v19 =	vadd.s32 v4, v31  }
0x7db: {  	[tilespmem:s31], [sflag:$0x1] =	stream.indirect_vreg.gather [hbm4b:s11+s3], $0x80, v28, vm0, $0xb8;
	[tilespmem:$0x1E400] =	vst v63  }
0x7dc: {  	s8 =	simm.s32 $0x3280;
	v34 =	vperm.xlane v18, v10;
	v33 =	vadd.s32 v4, v32  }
0x7dd: {  	[tilespmem:s8], [sflag:$0x1] =	stream.indirect_vreg.gather [hbm4b:s11+s3], $0x80, v30, vm0, $0xb8;
	[tilespmem:$0x1E400] =	vst v63  }
0x7de: {  	v36 =	vperm.xlane v18, v11;
	v35 =	vadd.s32 v4, v34;
	s8 =	simm.s32 $0x3300  }
0x7df: {  	[tilespmem:s8], [sflag:$0x1] =	stream.indirect_vreg.gather [hbm4b:s11+s3], $0x80, v19, vm0, $0xb8;
	[tilespmem:$0x1E400] =	vst v63  }
0x7e0: {  	v37 =	vperm.xlane v18, v12;
	v19 =	vadd.s32 v4, v36;
	s8 =	simm.s32 $0x3380  }
0x7e1: {  	[tilespmem:s8], [sflag:$0x1] =	stream.indirect_vreg.gather [hbm4b:s11+s3], $0x80, v33, vm0, $0xb8;
	[tilespmem:$0x1E400] =	vst v63  }
0x7e2: {  	v39 =	vperm.xlane v18, v13;
	v38 =	vadd.s32 v4, v37;
	s8 =	simm.s32 $0x3400  }
0x7e3: {  	[tilespmem:s8], [sflag:$0x1] =	stream.indirect_vreg.gather [hbm4b:s11+s3], $0x80, v35, vm0, $0xb8;
	[tilespmem:$0x1E400] =	vst v63  }
0x7e4: {  	v41 =	vperm.xlane v18, v14;
	v40 =	vadd.s32 v4, v39;
	s8 =	simm.s32 $0x3480  }
0x7e5: {  	[tilespmem:s8], [sflag:$0x1] =	stream.indirect_vreg.gather [hbm4b:s11+s3], $0x80, v19, vm0, $0xb8;
	[tilespmem:$0x1E400] =	vst v63  }
0x7e6: {  	v42 =	vperm.xlane v18, v15;
	v19 =	vadd.s32 v4, v41;
	s8 =	simm.s32 $0x3500  }
0x7e7: {  	[tilespmem:s8], [sflag:$0x1] =	stream.indirect_vreg.gather [hbm4b:s11+s3], $0x80, v38, vm0, $0xb8;
	[tilespmem:$0x1E400] =	vst v63  }
0x7e8: {  	v44 =	vperm.xlane v18, v16;
	v43 =	vadd.s32 v4, v42;
	s8 =	simm.s32 $0x3580  }
0x7e9: {  	[tilespmem:s8], [sflag:$0x1] =	stream.indirect_vreg.gather [hbm4b:s11+s3], $0x80, v40, vm0, $0xb8;
	[tilespmem:$0x1E400] =	vst v63  }
0x7ea: {  	v18 =	vperm.xlane v18, v17;
	v45 =	vadd.s32 v4, v44;
	s8 =	simm.s32 $0x3600  }
0x7eb: {  	[tilespmem:s8], [sflag:$0x1] =	stream.indirect_vreg.gather [hbm4b:s11+s3], $0x80, v19, vm0, $0xb8;
	[tilespmem:$0x1E400] =	vst v63  }
0x7ec: {  	v18 =	vadd.s32 v4, v18;
	s8 =	simm.s32 $0x3680  }
0x7ed: {  	[tilespmem:s8], [sflag:$0x1] =	stream.indirect_vreg.gather [hbm4b:s11+s3], $0x80, v43, vm0, $0xb8;
	[tilespmem:$0x1E400] =	vst v63  }
0x7ee: {  	s8 =	simm.s32 $0x3700  }
0x7ef: {  	[tilespmem:s8], [sflag:$0x1] =	stream.indirect_vreg.gather [hbm4b:s11+s3], $0x80, v45, vm0, $0xb8;
	[tilespmem:$0x1E400] =	vst v63  }
0x7f0: {  	s8 =	simm.s32 $0x3780  }
0x7f1: {  	[tilespmem:s8], [sflag:$0x1] =	stream.indirect_vreg.gather [hbm4b:s11+s3], $0x80, v18, vm0, $0xb8;
	[tilespmem:$0x1E400] =	vst v63  }
0x7f2: {  	v18 =	vld [tilespmem:s22+$0x120];
	_ =	sdelay $0x4  }
0x7f3: {  	v19 =	vshll.u32 v18, $0x1  }
0x7f4: {  	v18 =	vand.u32 $0x7, v18;
	v19 =	vand.u32 $0xFFFFFFF0, v19  }
0x7f5: {  	v18 =	vor.u32 v18, v19  }
0x7f6: {  	v19 =	vperm.xlane v18, v3;
	_ =	sdelay $0x1  }
0x7f7: {  	v46 =	vperm.xlane v18, v2;
	v19 =	vadd.s32 v4, v19;
	_ =	sdelay $0x1  }
0x7f8: {  	v47 =	vperm.xlane v18, v5;
	v20 =	vadd.s32 v4, v46;
	_ =	sdelay $0x1  }
0x7f9: {  	s8 =	simm.s32 $0x3800;
	v48 =	vperm.xlane v18, v6;
	v21 =	vadd.s32 v4, v47  }
0x7fa: {  	[tilespmem:s8], [sflag:$0x1] =	stream.indirect_vreg.gather [hbm4b:s11+s3], $0x80, v19, vm0, $0xb8;
	[tilespmem:$0x1E400] =	vst v63  }
0x7fb: {  	v49 =	vperm.xlane v18, v7;
	v19 =	vadd.s32 v4, v48;
	s8 =	simm.s32 $0x3880  }
0x7fc: {  	[tilespmem:s8], [sflag:$0x1] =	stream.indirect_vreg.gather [hbm4b:s11+s3], $0x80, v20, vm0, $0xb8;
	[tilespmem:$0x1E400] =	vst v63  }
0x7fd: {  	v51 =	vperm.xlane v18, v8;
	v50 =	vadd.s32 v4, v49;
	s8 =	simm.s32 $0x3900  }
0x7fe: {  	[tilespmem:s8], [sflag:$0x1] =	stream.indirect_vreg.gather [hbm4b:s11+s3], $0x80, v21, vm0, $0xb8;
	[tilespmem:$0x1E400] =	vst v63  }
0x7ff: {  	v53 =	vperm.xlane v18, v9;
	v52 =	vadd.s32 v4, v51;
	s8 =	simm.s32 $0x3980  }
0x800: {  	[tilespmem:s8], [sflag:$0x1] =	stream.indirect_vreg.gather [hbm4b:s11+s3], $0x80, v19, vm0, $0xb8;
	[tilespmem:$0x1E400] =	vst v63  }
0x801: {  	v54 =	vperm.xlane v18, v1;
	v19 =	vadd.s32 v4, v53;
	s8 =	simm.s32 $0x3A00  }
0x802: {  	[tilespmem:s8], [sflag:$0x1] =	stream.indirect_vreg.gather [hbm4b:s11+s3], $0x80, v50, vm0, $0xb8;
	[tilespmem:$0x1E400] =	vst v63  }
0x803: {  	v56 =	vperm.xlane v18, v10;
	v55 =	vadd.s32 v4, v54;
	s8 =	simm.s32 $0x3A80  }
0x804: {  	[tilespmem:s8], [sflag:$0x1] =	stream.indirect_vreg.gather [hbm4b:s11+s3], $0x80, v52, vm0, $0xb8;
	[tilespmem:$0x1E400] =	vst v63  }
0x805: {  	v58 =	vperm.xlane v18, v11;
	v57 =	vadd.s32 v4, v56;
	s8 =	simm.s32 $0x3B00  }
0x806: {  	[tilespmem:s8], [sflag:$0x1] =	stream.indirect_vreg.gather [hbm4b:s11+s3], $0x80, v19, vm0, $0xb8;
	[tilespmem:$0x1E400] =	vst v63  }
0x807: {  	v59 =	vperm.xlane v18, v12;
	v19 =	vadd.s32 v4, v58;
	s8 =	simm.s32 $0x3B80  }
0x808: {  	[tilespmem:s8], [sflag:$0x1] =	stream.indirect_vreg.gather [hbm4b:s11+s3], $0x80, v55, vm0, $0xb8;
	[tilespmem:$0x1E400] =	vst v63  }
0x809: {  	v61 =	vperm.xlane v18, v13;
	v60 =	vadd.s32 v4, v59;
	s8 =	simm.s32 $0x3C00  }
0x80a: {  	[tilespmem:s8], [sflag:$0x1] =	stream.indirect_vreg.gather [hbm4b:s11+s3], $0x80, v57, vm0, $0xb8;
	[tilespmem:$0x1E400] =	vst v63  }
0x80b: {  	v63 =	vperm.xlane v18, v14;
	v62 =	vadd.s32 v4, v61;
	s8 =	simm.s32 $0x3C80  }
0x80c: {  	[tilespmem:s8], [sflag:$0x1] =	stream.indirect_vreg.gather [hbm4b:s11+s3], $0x80, v19, vm0, $0xb8;
	[tilespmem:$0x1E400] =	vst v63  }
0x80d: {  	v24 =	vperm.xlane v18, v15;
	v19 =	vadd.s32 v4, v63;
	s8 =	simm.s32 $0x3D00  }
0x80e: {  	[tilespmem:s8], [sflag:$0x1] =	stream.indirect_vreg.gather [hbm4b:s11+s3], $0x80, v60, vm0, $0xb8;
	[tilespmem:$0x1E400] =	vst v63  }
0x80f: {  	v26 =	vperm.xlane v18, v16;
	v25 =	vadd.s32 v4, v24;
	s8 =	simm.s32 $0x3D80  }
0x810: {  	[tilespmem:s8], [sflag:$0x1] =	stream.indirect_vreg.gather [hbm4b:s11+s3], $0x80, v62, vm0, $0xb8;
	[tilespmem:$0x1E400] =	vst v63  }
0x811: {  	v18 =	vperm.xlane v18, v17;
	v27 =	vadd.s32 v4, v26;
	s8 =	simm.s32 $0x3E00  }
0x812: {  	[tilespmem:s8], [sflag:$0x1] =	stream.indirect_vreg.gather [hbm4b:s11+s3], $0x80, v19, vm0, $0xb8;
	[tilespmem:$0x1E400] =	vst v63  }
0x813: {  	v18 =	vadd.s32 v4, v18;
	s8 =	simm.s32 $0x3E80  }
0x814: {  	[tilespmem:s8], [sflag:$0x1] =	stream.indirect_vreg.gather [hbm4b:s11+s3], $0x80, v25, vm0, $0xb8;
	[tilespmem:$0x1E400] =	vst v63  }
0x815: {  	s8 =	simm.s32 $0x3F00  }
0x816: {  	[tilespmem:s8], [sflag:$0x1] =	stream.indirect_vreg.gather [hbm4b:s11+s3], $0x80, v27, vm0, $0xb8;
	[tilespmem:$0x1E400] =	vst v63  }
0x817: {  	s8 =	simm.s32 $0x3F80  }
0x818: {  	[tilespmem:s8], [sflag:$0x1] =	stream.indirect_vreg.gather [hbm4b:s11+s3], $0x80, v18, vm0, $0xb8;
	[tilespmem:$0x1E400] =	vst v63  }
0x819: {  	v18 =	vld [tilespmem:s22+$0x130];
	_ =	sdelay $0x4  }
0x81a: {  	v19 =	vshll.u32 v18, $0x1  }
0x81b: {  	v18 =	vand.u32 $0x7, v18;
	v19 =	vand.u32 $0xFFFFFFF0, v19  }
0x81c: {  	v18 =	vor.u32 v18, v19  }
0x81d: {  	v19 =	vperm.xlane v18, v3;
	_ =	sdelay $0x1  }
0x81e: {  	v28 =	vperm.xlane v18, v2;
	v19 =	vadd.s32 v4, v19;
	_ =	sdelay $0x1  }
0x81f: {  	v29 =	vperm.xlane v18, v5;
	v20 =	vadd.s32 v4, v28;
	_ =	sdelay $0x1  }
0x820: {  	s8 =	simm.s32 $0x4000;
	v30 =	vperm.xlane v18, v6;
	v21 =	vadd.s32 v4, v29  }
0x821: {  	[tilespmem:s8], [sflag:$0x1] =	stream.indirect_vreg.gather [hbm4b:s11+s3], $0x80, v19, vm0, $0xb8;
	[tilespmem:$0x1E400] =	vst v63  }
0x822: {  	v31 =	vperm.xlane v18, v7;
	v19 =	vadd.s32 v4, v30;
	s8 =	simm.s32 $0x4080  }
0x823: {  	[tilespmem:s8], [sflag:$0x1] =	stream.indirect_vreg.gather [hbm4b:s11+s3], $0x80, v20, vm0, $0xb8;
	[tilespmem:$0x1E400] =	vst v63  }
0x824: {  	v33 =	vperm.xlane v18, v8;
	v32 =	vadd.s32 v4, v31;
	s8 =	simm.s32 $0x4100  }
0x825: {  	[tilespmem:s8], [sflag:$0x1] =	stream.indirect_vreg.gather [hbm4b:s11+s3], $0x80, v21, vm0, $0xb8;
	[tilespmem:$0x1E400] =	vst v63  }
0x826: {  	v35 =	vperm.xlane v18, v9;
	v34 =	vadd.s32 v4, v33;
	s8 =	simm.s32 $0x4180  }
0x827: {  	[tilespmem:s8], [sflag:$0x1] =	stream.indirect_vreg.gather [hbm4b:s11+s3], $0x80, v19, vm0, $0xb8;
	[tilespmem:$0x1E400] =	vst v63  }
0x828: {  	v36 =	vperm.xlane v18, v1;
	v19 =	vadd.s32 v4, v35;
	s8 =	simm.s32 $0x4200  }
0x829: {  	[tilespmem:s8], [sflag:$0x1] =	stream.indirect_vreg.gather [hbm4b:s11+s3], $0x80, v32, vm0, $0xb8;
	[tilespmem:$0x1E400] =	vst v63  }
0x82a: {  	v38 =	vperm.xlane v18, v10;
	v37 =	vadd.s32 v4, v36;
	s8 =	simm.s32 $0x4280  }
0x82b: {  	[tilespmem:s8], [sflag:$0x1] =	stream.indirect_vreg.gather [hbm4b:s11+s3], $0x80, v34, vm0, $0xb8;
	[tilespmem:$0x1E400] =	vst v63  }
0x82c: {  	v40 =	vperm.xlane v18, v11;
	v39 =	vadd.s32 v4, v38;
	s8 =	simm.s32 $0x4300  }
0x82d: {  	[tilespmem:s8], [sflag:$0x1] =	stream.indirect_vreg.gather [hbm4b:s11+s3], $0x80, v19, vm0, $0xb8;
	[tilespmem:$0x1E400] =	vst v63  }
0x82e: {  	v41 =	vperm.xlane v18, v12;
	v19 =	vadd.s32 v4, v40;
	s8 =	simm.s32 $0x4380  }
0x82f: {  	[tilespmem:s8], [sflag:$0x1] =	stream.indirect_vreg.gather [hbm4b:s11+s3], $0x80, v37, vm0, $0xb8;
	[tilespmem:$0x1E400] =	vst v63  }
0x830: {  	v43 =	vperm.xlane v18, v13;
	v42 =	vadd.s32 v4, v41;
	s8 =	simm.s32 $0x4400  }
0x831: {  	[tilespmem:s8], [sflag:$0x1] =	stream.indirect_vreg.gather [hbm4b:s11+s3], $0x80, v39, vm0, $0xb8;
	[tilespmem:$0x1E400] =	vst v63  }
0x832: {  	v45 =	vperm.xlane v18, v14;
	v44 =	vadd.s32 v4, v43;
	s8 =	simm.s32 $0x4480  }
0x833: {  	[tilespmem:s8], [sflag:$0x1] =	stream.indirect_vreg.gather [hbm4b:s11+s3], $0x80, v19, vm0, $0xb8;
	[tilespmem:$0x1E400] =	vst v63  }
0x834: {  	v46 =	vperm.xlane v18, v15;
	v19 =	vadd.s32 v4, v45;
	s8 =	simm.s32 $0x4500  }
0x835: {  	[tilespmem:s8], [sflag:$0x1] =	stream.indirect_vreg.gather [hbm4b:s11+s3], $0x80, v42, vm0, $0xb8;
	[tilespmem:$0x1E400] =	vst v63  }
0x836: {  	v48 =	vperm.xlane v18, v16;
	v47 =	vadd.s32 v4, v46;
	s8 =	simm.s32 $0x4580  }
0x837: {  	[tilespmem:s8], [sflag:$0x1] =	stream.indirect_vreg.gather [hbm4b:s11+s3], $0x80, v44, vm0, $0xb8;
	[tilespmem:$0x1E400] =	vst v63  }
0x838: {  	v18 =	vperm.xlane v18, v17;
	v49 =	vadd.s32 v4, v48;
	s8 =	simm.s32 $0x4600  }
0x839: {  	[tilespmem:s8], [sflag:$0x1] =	stream.indirect_vreg.gather [hbm4b:s11+s3], $0x80, v19, vm0, $0xb8;
	[tilespmem:$0x1E400] =	vst v63  }
0x83a: {  	v18 =	vadd.s32 v4, v18;
	s8 =	simm.s32 $0x4680  }
0x83b: {  	[tilespmem:s8], [sflag:$0x1] =	stream.indirect_vreg.gather [hbm4b:s11+s3], $0x80, v47, vm0, $0xb8;
	[tilespmem:$0x1E400] =	vst v63  }
0x83c: {  	s8 =	simm.s32 $0x4700  }
0x83d: {  	[tilespmem:s8], [sflag:$0x1] =	stream.indirect_vreg.gather [hbm4b:s11+s3], $0x80, v49, vm0, $0xb8;
	[tilespmem:$0x1E400] =	vst v63  }
0x83e: {  	s8 =	simm.s32 $0x4780  }
0x83f: {  	[tilespmem:s8], [sflag:$0x1] =	stream.indirect_vreg.gather [hbm4b:s11+s3], $0x80, v18, vm0, $0xb8;
	[tilespmem:$0x1E400] =	vst v63  }
0x840: {  	v18 =	vld [tilespmem:s22+$0x140];
	_ =	sdelay $0x4  }
0x841: {  	v19 =	vshll.u32 v18, $0x1  }
0x842: {  	v18 =	vand.u32 $0x7, v18;
	v19 =	vand.u32 $0xFFFFFFF0, v19  }
0x843: {  	v18 =	vor.u32 v18, v19  }
0x844: {  	v19 =	vperm.xlane v18, v3;
	_ =	sdelay $0x1  }
0x845: {  	v50 =	vperm.xlane v18, v2;
	v19 =	vadd.s32 v4, v19;
	_ =	sdelay $0x1  }
0x846: {  	v51 =	vperm.xlane v18, v5;
	v20 =	vadd.s32 v4, v50;
	_ =	sdelay $0x1  }
0x847: {  	s8 =	simm.s32 $0x4800;
	v52 =	vperm.xlane v18, v6;
	v21 =	vadd.s32 v4, v51  }
0x848: {  	[tilespmem:s8], [sflag:$0x1] =	stream.indirect_vreg.gather [hbm4b:s11+s3], $0x80, v19, vm0, $0xb8;
	[tilespmem:$0x1E400] =	vst v63  }
0x849: {  	v53 =	vperm.xlane v18, v7;
	v19 =	vadd.s32 v4, v52;
	s8 =	simm.s32 $0x4880  }
0x84a: {  	[tilespmem:s8], [sflag:$0x1] =	stream.indirect_vreg.gather [hbm4b:s11+s3], $0x80, v20, vm0, $0xb8;
	[tilespmem:$0x1E400] =	vst v63  }
0x84b: {  	v55 =	vperm.xlane v18, v8;
	v54 =	vadd.s32 v4, v53;
	s8 =	simm.s32 $0x4900  }
0x84c: {  	[tilespmem:s8], [sflag:$0x1] =	stream.indirect_vreg.gather [hbm4b:s11+s3], $0x80, v21, vm0, $0xb8;
	[tilespmem:$0x1E400] =	vst v63  }
0x84d: {  	v57 =	vperm.xlane v18, v9;
	v56 =	vadd.s32 v4, v55;
	s8 =	simm.s32 $0x4980  }
0x84e: {  	[tilespmem:s8], [sflag:$0x1] =	stream.indirect_vreg.gather [hbm4b:s11+s3], $0x80, v19, vm0, $0xb8;
	[tilespmem:$0x1E400] =	vst v63  }
0x84f: {  	v58 =	vperm.xlane v18, v1;
	v19 =	vadd.s32 v4, v57;
	s8 =	simm.s32 $0x4A00  }
0x850: {  	[tilespmem:s8], [sflag:$0x1] =	stream.indirect_vreg.gather [hbm4b:s11+s3], $0x80, v54, vm0, $0xb8;
	[tilespmem:$0x1E400] =	vst v63  }
0x851: {  	v60 =	vperm.xlane v18, v10;
	v59 =	vadd.s32 v4, v58;
	s8 =	simm.s32 $0x4A80  }
0x852: {  	[tilespmem:s8], [sflag:$0x1] =	stream.indirect_vreg.gather [hbm4b:s11+s3], $0x80, v56, vm0, $0xb8;
	[tilespmem:$0x1E400] =	vst v63  }
0x853: {  	v62 =	vperm.xlane v18, v11;
	v61 =	vadd.s32 v4, v60;
	s8 =	simm.s32 $0x4B00  }
0x854: {  	[tilespmem:s8], [sflag:$0x1] =	stream.indirect_vreg.gather [hbm4b:s11+s3], $0x80, v19, vm0, $0xb8;
	[tilespmem:$0x1E400] =	vst v63  }
0x855: {  	v63 =	vperm.xlane v18, v12;
	v19 =	vadd.s32 v4, v62;
	s8 =	simm.s32 $0x4B80  }
0x856: {  	[tilespmem:s8], [sflag:$0x1] =	stream.indirect_vreg.gather [hbm4b:s11+s3], $0x80, v59, vm0, $0xb8;
	[tilespmem:$0x1E400] =	vst v63  }
0x857: {  	v25 =	vperm.xlane v18, v13;
	v24 =	vadd.s32 v4, v63;
	s8 =	simm.s32 $0x4C00  }
0x858: {  	[tilespmem:s8], [sflag:$0x1] =	stream.indirect_vreg.gather [hbm4b:s11+s3], $0x80, v61, vm0, $0xb8;
	[tilespmem:$0x1E400] =	vst v63  }
0x859: {  	v27 =	vperm.xlane v18, v14;
	v26 =	vadd.s32 v4, v25;
	s8 =	simm.s32 $0x4C80  }
0x85a: {  	[tilespmem:s8], [sflag:$0x1] =	stream.indirect_vreg.gather [hbm4b:s11+s3], $0x80, v19, vm0, $0xb8;
	[tilespmem:$0x1E400] =	vst v63  }
0x85b: {  	v28 =	vperm.xlane v18, v15;
	v19 =	vadd.s32 v4, v27;
	s8 =	simm.s32 $0x4D00  }
0x85c: {  	[tilespmem:s8], [sflag:$0x1] =	stream.indirect_vreg.gather [hbm4b:s11+s3], $0x80, v24, vm0, $0xb8;
	[tilespmem:$0x1E400] =	vst v63  }
0x85d: {  	v30 =	vperm.xlane v18, v16;
	v29 =	vadd.s32 v4, v28;
	s8 =	simm.s32 $0x4D80  }
0x85e: {  	[tilespmem:s8], [sflag:$0x1] =	stream.indirect_vreg.gather [hbm4b:s11+s3], $0x80, v26, vm0, $0xb8;
	[tilespmem:$0x1E400] =	vst v63  }
0x85f: {  	v18 =	vperm.xlane v18, v17;
	v31 =	vadd.s32 v4, v30;
	s8 =	simm.s32 $0x4E00  }
0x860: {  	[tilespmem:s8], [sflag:$0x1] =	stream.indirect_vreg.gather [hbm4b:s11+s3], $0x80, v19, vm0, $0xb8;
	[tilespmem:$0x1E400] =	vst v63  }
0x861: {  	v18 =	vadd.s32 v4, v18;
	s8 =	simm.s32 $0x4E80  }
0x862: {  	[tilespmem:s8], [sflag:$0x1] =	stream.indirect_vreg.gather [hbm4b:s11+s3], $0x80, v29, vm0, $0xb8;
	[tilespmem:$0x1E400] =	vst v63  }
0x863: {  	s8 =	simm.s32 $0x4F00  }
0x864: {  	[tilespmem:s8], [sflag:$0x1] =	stream.indirect_vreg.gather [hbm4b:s11+s3], $0x80, v31, vm0, $0xb8;
	[tilespmem:$0x1E400] =	vst v63  }
0x865: {  	s8 =	simm.s32 $0x4F80  }
0x866: {  	[tilespmem:s8], [sflag:$0x1] =	stream.indirect_vreg.gather [hbm4b:s11+s3], $0x80, v18, vm0, $0xb8;
	[tilespmem:$0x1E400] =	vst v63  }
0x867: {  	v18 =	vld [tilespmem:s22+$0x150];
	_ =	sdelay $0x4  }
0x868: {  	v19 =	vshll.u32 v18, $0x1  }
0x869: {  	v18 =	vand.u32 $0x7, v18;
	v19 =	vand.u32 $0xFFFFFFF0, v19  }
0x86a: {  	v18 =	vor.u32 v18, v19  }
0x86b: {  	v19 =	vperm.xlane v18, v3;
	_ =	sdelay $0x1  }
0x86c: {  	v32 =	vperm.xlane v18, v2;
	v19 =	vadd.s32 v4, v19;
	_ =	sdelay $0x1  }
0x86d: {  	v33 =	vperm.xlane v18, v5;
	v20 =	vadd.s32 v4, v32;
	_ =	sdelay $0x1  }
0x86e: {  	s8 =	simm.s32 $0x5000;
	v34 =	vperm.xlane v18, v6;
	v21 =	vadd.s32 v4, v33  }
0x86f: {  	[tilespmem:s8], [sflag:$0x1] =	stream.indirect_vreg.gather [hbm4b:s11+s3], $0x80, v19, vm0, $0xb8;
	[tilespmem:$0x1E400] =	vst v63  }
0x870: {  	v35 =	vperm.xlane v18, v7;
	v19 =	vadd.s32 v4, v34;
	s8 =	simm.s32 $0x5080  }
0x871: {  	[tilespmem:s8], [sflag:$0x1] =	stream.indirect_vreg.gather [hbm4b:s11+s3], $0x80, v20, vm0, $0xb8;
	[tilespmem:$0x1E400] =	vst v63  }
0x872: {  	v37 =	vperm.xlane v18, v8;
	v36 =	vadd.s32 v4, v35;
	s8 =	simm.s32 $0x5100  }
0x873: {  	[tilespmem:s8], [sflag:$0x1] =	stream.indirect_vreg.gather [hbm4b:s11+s3], $0x80, v21, vm0, $0xb8;
	[tilespmem:$0x1E400] =	vst v63  }
0x874: {  	v39 =	vperm.xlane v18, v9;
	v38 =	vadd.s32 v4, v37;
	s8 =	simm.s32 $0x5180  }
0x875: {  	[tilespmem:s8], [sflag:$0x1] =	stream.indirect_vreg.gather [hbm4b:s11+s3], $0x80, v19, vm0, $0xb8;
	[tilespmem:$0x1E400] =	vst v63  }
0x876: {  	v40 =	vperm.xlane v18, v1;
	v19 =	vadd.s32 v4, v39;
	s8 =	simm.s32 $0x5200  }
0x877: {  	[tilespmem:s8], [sflag:$0x1] =	stream.indirect_vreg.gather [hbm4b:s11+s3], $0x80, v36, vm0, $0xb8;
	[tilespmem:$0x1E400] =	vst v63  }
0x878: {  	v42 =	vperm.xlane v18, v10;
	v41 =	vadd.s32 v4, v40;
	s8 =	simm.s32 $0x5280  }
0x879: {  	[tilespmem:s8], [sflag:$0x1] =	stream.indirect_vreg.gather [hbm4b:s11+s3], $0x80, v38, vm0, $0xb8;
	[tilespmem:$0x1E400] =	vst v63  }
0x87a: {  	v44 =	vperm.xlane v18, v11;
	v43 =	vadd.s32 v4, v42;
	s8 =	simm.s32 $0x5300  }
0x87b: {  	[tilespmem:s8], [sflag:$0x1] =	stream.indirect_vreg.gather [hbm4b:s11+s3], $0x80, v19, vm0, $0xb8;
	[tilespmem:$0x1E400] =	vst v63  }
0x87c: {  	v45 =	vperm.xlane v18, v12;
	v19 =	vadd.s32 v4, v44;
	s8 =	simm.s32 $0x5380  }
0x87d: {  	[tilespmem:s8], [sflag:$0x1] =	stream.indirect_vreg.gather [hbm4b:s11+s3], $0x80, v41, vm0, $0xb8;
	[tilespmem:$0x1E400] =	vst v63  }
0x87e: {  	v47 =	vperm.xlane v18, v13;
	v46 =	vadd.s32 v4, v45;
	s8 =	simm.s32 $0x5400  }
0x87f: {  	[tilespmem:s8], [sflag:$0x1] =	stream.indirect_vreg.gather [hbm4b:s11+s3], $0x80, v43, vm0, $0xb8;
	[tilespmem:$0x1E400] =	vst v63  }
0x880: {  	v49 =	vperm.xlane v18, v14;
	v48 =	vadd.s32 v4, v47;
	s8 =	simm.s32 $0x5480  }
0x881: {  	[tilespmem:s8], [sflag:$0x1] =	stream.indirect_vreg.gather [hbm4b:s11+s3], $0x80, v19, vm0, $0xb8;
	[tilespmem:$0x1E400] =	vst v63  }
0x882: {  	v50 =	vperm.xlane v18, v15;
	v19 =	vadd.s32 v4, v49;
	s8 =	simm.s32 $0x5500  }
0x883: {  	[tilespmem:s8], [sflag:$0x1] =	stream.indirect_vreg.gather [hbm4b:s11+s3], $0x80, v46, vm0, $0xb8;
	[tilespmem:$0x1E400] =	vst v63  }
0x884: {  	v52 =	vperm.xlane v18, v16;
	v51 =	vadd.s32 v4, v50;
	s8 =	simm.s32 $0x5580  }
0x885: {  	[tilespmem:s8], [sflag:$0x1] =	stream.indirect_vreg.gather [hbm4b:s11+s3], $0x80, v48, vm0, $0xb8;
	[tilespmem:$0x1E400] =	vst v63  }
0x886: {  	v18 =	vperm.xlane v18, v17;
	v53 =	vadd.s32 v4, v52;
	s8 =	simm.s32 $0x5600  }
0x887: {  	[tilespmem:s8], [sflag:$0x1] =	stream.indirect_vreg.gather [hbm4b:s11+s3], $0x80, v19, vm0, $0xb8;
	[tilespmem:$0x1E400] =	vst v63  }
0x888: {  	v18 =	vadd.s32 v4, v18;
	s8 =	simm.s32 $0x5680  }
0x889: {  	[tilespmem:s8], [sflag:$0x1] =	stream.indirect_vreg.gather [hbm4b:s11+s3], $0x80, v51, vm0, $0xb8;
	[tilespmem:$0x1E400] =	vst v63  }
0x88a: {  	s8 =	simm.s32 $0x5700  }
0x88b: {  	[tilespmem:s8], [sflag:$0x1] =	stream.indirect_vreg.gather [hbm4b:s11+s3], $0x80, v53, vm0, $0xb8;
	[tilespmem:$0x1E400] =	vst v63  }
0x88c: {  	s8 =	simm.s32 $0x5780  }
0x88d: {  	[tilespmem:s8], [sflag:$0x1] =	stream.indirect_vreg.gather [hbm4b:s11+s3], $0x80, v18, vm0, $0xb8;
	[tilespmem:$0x1E400] =	vst v63  }
0x88e: {  	v18 =	vld [tilespmem:s22+$0x160];
	_ =	sdelay $0x4  }
0x88f: {  	v19 =	vshll.u32 v18, $0x1  }
0x890: {  	v18 =	vand.u32 $0x7, v18;
	v19 =	vand.u32 $0xFFFFFFF0, v19  }
0x891: {  	v18 =	vor.u32 v18, v19  }
0x892: {  	v19 =	vperm.xlane v18, v3;
	_ =	sdelay $0x1  }
0x893: {  	v54 =	vperm.xlane v18, v2;
	v19 =	vadd.s32 v4, v19;
	_ =	sdelay $0x1  }
0x894: {  	v55 =	vperm.xlane v18, v5;
	v20 =	vadd.s32 v4, v54;
	_ =	sdelay $0x1  }
0x895: {  	s8 =	simm.s32 $0x5800;
	v56 =	vperm.xlane v18, v6;
	v21 =	vadd.s32 v4, v55  }
0x896: {  	[tilespmem:s8], [sflag:$0x1] =	stream.indirect_vreg.gather [hbm4b:s11+s3], $0x80, v19, vm0, $0xb8;
	[tilespmem:$0x1E400] =	vst v63  }
0x897: {  	v57 =	vperm.xlane v18, v7;
	v19 =	vadd.s32 v4, v56;
	s8 =	simm.s32 $0x5880  }
0x898: {  	[tilespmem:s8], [sflag:$0x1] =	stream.indirect_vreg.gather [hbm4b:s11+s3], $0x80, v20, vm0, $0xb8;
	[tilespmem:$0x1E400] =	vst v63  }
0x899: {  	v59 =	vperm.xlane v18, v8;
	v58 =	vadd.s32 v4, v57;
	s8 =	simm.s32 $0x5900  }
0x89a: {  	[tilespmem:s8], [sflag:$0x1] =	stream.indirect_vreg.gather [hbm4b:s11+s3], $0x80, v21, vm0, $0xb8;
	[tilespmem:$0x1E400] =	vst v63  }
0x89b: {  	v61 =	vperm.xlane v18, v9;
	v60 =	vadd.s32 v4, v59;
	s8 =	simm.s32 $0x5980  }
0x89c: {  	[tilespmem:s8], [sflag:$0x1] =	stream.indirect_vreg.gather [hbm4b:s11+s3], $0x80, v19, vm0, $0xb8;
	[tilespmem:$0x1E400] =	vst v63  }
0x89d: {  	v62 =	vperm.xlane v18, v1;
	v19 =	vadd.s32 v4, v61;
	s8 =	simm.s32 $0x5A00  }
0x89e: {  	[tilespmem:s8], [sflag:$0x1] =	stream.indirect_vreg.gather [hbm4b:s11+s3], $0x80, v58, vm0, $0xb8;
	[tilespmem:$0x1E400] =	vst v63  }
0x89f: {  	v24 =	vperm.xlane v18, v10;
	v63 =	vadd.s32 v4, v62;
	s8 =	simm.s32 $0x5A80  }
0x8a0: {  	[tilespmem:s8], [sflag:$0x1] =	stream.indirect_vreg.gather [hbm4b:s11+s3], $0x80, v60, vm0, $0xb8;
	[tilespmem:$0x1E400] =	vst v63  }
0x8a1: {  	v26 =	vperm.xlane v18, v11;
	v25 =	vadd.s32 v4, v24;
	s8 =	simm.s32 $0x5B00  }
0x8a2: {  	[tilespmem:s8], [sflag:$0x1] =	stream.indirect_vreg.gather [hbm4b:s11+s3], $0x80, v19, vm0, $0xb8;
	[tilespmem:$0x1E400] =	vst v63  }
0x8a3: {  	v27 =	vperm.xlane v18, v12;
	v19 =	vadd.s32 v4, v26;
	s8 =	simm.s32 $0x5B80  }
0x8a4: {  	[tilespmem:s8], [sflag:$0x1] =	stream.indirect_vreg.gather [hbm4b:s11+s3], $0x80, v63, vm0, $0xb8;
	[tilespmem:$0x1E400] =	vst v63  }
0x8a5: {  	v29 =	vperm.xlane v18, v13;
	v28 =	vadd.s32 v4, v27;
	s8 =	simm.s32 $0x5C00  }
0x8a6: {  	[tilespmem:s8], [sflag:$0x1] =	stream.indirect_vreg.gather [hbm4b:s11+s3], $0x80, v25, vm0, $0xb8;
	[tilespmem:$0x1E400] =	vst v63  }
0x8a7: {  	v31 =	vperm.xlane v18, v14;
	v30 =	vadd.s32 v4, v29;
	s8 =	simm.s32 $0x5C80  }
0x8a8: {  	[tilespmem:s8], [sflag:$0x1] =	stream.indirect_vreg.gather [hbm4b:s11+s3], $0x80, v19, vm0, $0xb8;
	[tilespmem:$0x1E400] =	vst v63  }
0x8a9: {  	v32 =	vperm.xlane v18, v15;
	v19 =	vadd.s32 v4, v31;
	s8 =	simm.s32 $0x5D00  }
0x8aa: {  	[tilespmem:s8], [sflag:$0x1] =	stream.indirect_vreg.gather [hbm4b:s11+s3], $0x80, v28, vm0, $0xb8;
	[tilespmem:$0x1E400] =	vst v63  }
0x8ab: {  	v34 =	vperm.xlane v18, v16;
	v33 =	vadd.s32 v4, v32;
	s8 =	simm.s32 $0x5D80  }
0x8ac: {  	[tilespmem:s8], [sflag:$0x1] =	stream.indirect_vreg.gather [hbm4b:s11+s3], $0x80, v30, vm0, $0xb8;
	[tilespmem:$0x1E400] =	vst v63  }
0x8ad: {  	v18 =	vperm.xlane v18, v17;
	v35 =	vadd.s32 v4, v34;
	s8 =	simm.s32 $0x5E00  }
0x8ae: {  	[tilespmem:s8], [sflag:$0x1] =	stream.indirect_vreg.gather [hbm4b:s11+s3], $0x80, v19, vm0, $0xb8;
	[tilespmem:$0x1E400] =	vst v63  }
0x8af: {  	v18 =	vadd.s32 v4, v18;
	s8 =	simm.s32 $0x5E80  }
0x8b0: {  	[tilespmem:s8], [sflag:$0x1] =	stream.indirect_vreg.gather [hbm4b:s11+s3], $0x80, v33, vm0, $0xb8;
	[tilespmem:$0x1E400] =	vst v63  }
0x8b1: {  	s8 =	simm.s32 $0x5F00  }
0x8b2: {  	[tilespmem:s8], [sflag:$0x1] =	stream.indirect_vreg.gather [hbm4b:s11+s3], $0x80, v35, vm0, $0xb8;
	[tilespmem:$0x1E400] =	vst v63  }
0x8b3: {  	s8 =	simm.s32 $0x5F80  }
0x8b4: {  	[tilespmem:s8], [sflag:$0x1] =	stream.indirect_vreg.gather [hbm4b:s11+s3], $0x80, v18, vm0, $0xb8;
	[tilespmem:$0x1E400] =	vst v63  }
0x8b5: {  	v18 =	vld.msk [tilespmem:s22+$0x170], $0x1fff;
	_ =	sdelay $0x4  }
0x8b6: {  	v19 =	vshll.u32 v18, $0x1  }
0x8b7: {  	v18 =	vand.u32 $0x7, v18;
	v19 =	vand.u32 $0xFFFFFFF0, v19  }
0x8b8: {  	v18 =	vor.u32 v18, v19  }
0x8b9: {  	v19 =	vperm.xlane v18, v3;
	_ =	sdelay $0x1  }
0x8ba: {  	v36 =	vperm.xlane v18, v2;
	v19 =	vadd.s32 v4, v19;
	_ =	sdelay $0x1  }
0x8bb: {  	v37 =	vperm.xlane v18, v5;
	v20 =	vadd.s32 v4, v36;
	_ =	sdelay $0x1  }
0x8bc: {  	s8 =	simm.s32 $0x6000;
	v38 =	vperm.xlane v18, v6;
	v21 =	vadd.s32 v4, v37  }
0x8bd: {  	[tilespmem:s8], [sflag:$0x1] =	stream.indirect_vreg.gather [hbm4b:s11+s3], $0x80, v19, vm0, $0xb8;
	[tilespmem:$0x1E400] =	vst v63  }
0x8be: {  	v39 =	vperm.xlane v18, v7;
	v19 =	vadd.s32 v4, v38;
	s8 =	simm.s32 $0x6080  }
0x8bf: {  	[tilespmem:s8], [sflag:$0x1] =	stream.indirect_vreg.gather [hbm4b:s11+s3], $0x80, v20, vm0, $0xb8;
	[tilespmem:$0x1E400] =	vst v63  }
0x8c0: {  	v41 =	vperm.xlane v18, v8;
	v40 =	vadd.s32 v4, v39;
	s8 =	simm.s32 $0x6100  }
0x8c1: {  	[tilespmem:s8], [sflag:$0x1] =	stream.indirect_vreg.gather [hbm4b:s11+s3], $0x80, v21, vm0, $0xb8;
	[tilespmem:$0x1E400] =	vst v63  }
0x8c2: {  	v43 =	vperm.xlane v18, v9;
	v42 =	vadd.s32 v4, v41;
	s8 =	simm.s32 $0x6180  }
0x8c3: {  	[tilespmem:s8], [sflag:$0x1] =	stream.indirect_vreg.gather [hbm4b:s11+s3], $0x80, v19, vm0, $0xb8;
	[tilespmem:$0x1E400] =	vst v63  }
0x8c4: {  	v44 =	vperm.xlane v18, v1;
	v19 =	vadd.s32 v4, v43;
	s8 =	simm.s32 $0x6200  }
0x8c5: {  	[tilespmem:s8], [sflag:$0x1] =	stream.indirect_vreg.gather [hbm4b:s11+s3], $0x80, v40, vm0, $0xb8;
	[tilespmem:$0x1E400] =	vst v63  }
0x8c6: {  	v46 =	vperm.xlane v18, v10;
	v45 =	vadd.s32 v4, v44;
	s8 =	simm.s32 $0x6280  }
0x8c7: {  	[tilespmem:s8], [sflag:$0x1] =	stream.indirect_vreg.gather [hbm4b:s11+s3], $0x80, v42, vm0, $0xb8;
	[tilespmem:$0x1E400] =	vst v63  }
0x8c8: {  	v48 =	vperm.xlane v18, v11;
	v47 =	vadd.s32 v4, v46;
	s8 =	simm.s32 $0x6300  }
0x8c9: {  	[tilespmem:s8], [sflag:$0x1] =	stream.indirect_vreg.gather [hbm4b:s11+s3], $0x80, v19, vm0, $0xb8;
	[tilespmem:$0x1E400] =	vst v63  }
0x8ca: {  	v49 =	vperm.xlane v18, v12;
	v19 =	vadd.s32 v4, v48;
	s8 =	simm.s32 $0x6380  }
0x8cb: {  	[tilespmem:s8], [sflag:$0x1] =	stream.indirect_vreg.gather [hbm4b:s11+s3], $0x80, v45, vm0, $0xb8;
	[tilespmem:$0x1E400] =	vst v63  }
0x8cc: {  	v51 =	vperm.xlane v18, v13;
	v50 =	vadd.s32 v4, v49;
	s8 =	simm.s32 $0x6400  }
0x8cd: {  	[tilespmem:s8], [sflag:$0x1] =	stream.indirect_vreg.gather [hbm4b:s11+s3], $0x80, v47, vm0, $0xb8;
	[tilespmem:$0x1E400] =	vst v63  }
0x8ce: {  	v18 =	vperm.xlane v18, v14;
	v52 =	vadd.s32 v4, v51;
	s8 =	simm.s32 $0x6480  }
0x8cf: {  	[tilespmem:s8], [sflag:$0x1] =	stream.indirect_vreg.gather [hbm4b:s11+s3], $0x80, v19, vm0, $0xb8;
	[tilespmem:$0x1E400] =	vst v63  }
0x8d0: {  	v18 =	vadd.s32 v4, v18;
	s8 =	simm.s32 $0x6500  }
0x8d1: {  	[tilespmem:s8], [sflag:$0x1] =	stream.indirect_vreg.gather [hbm4b:s11+s3], $0x80, v50, vm0, $0xb8;
	[tilespmem:$0x1E400] =	vst v63  }
0x8d2: {  	s8 =	simm.s32 $0x6580  }
0x8d3: {  	[tilespmem:s8], [sflag:$0x1] =	stream.indirect_vreg.gather [hbm4b:s11+s3], $0x80, v52, vm0, $0xb8;
	[tilespmem:$0x1E400] =	vst v63  }
0x8d4: {  	s8 =	simm.s32 $0x6600  }
0x8d5: {  	[tilespmem:s8], [sflag:$0x1] =	stream.indirect_vreg.gather [hbm4b:s11+s3], $0x80, v18, vm0, $0xb8;
	[tilespmem:$0x1E400] =	vst v63  }
0x8d6: {  	_ =	swait.ge [sflag:s6], $0x3E80  }
0x8d7: {  	[sflag:s6] =	ssyncset.done $0x0  }
0x8d8: {  	s8 =	sadd.s32 $0x1480, s22;
	[sflag:s6] =	ssyncadd.s32 $0xFFFFC180  }
0x8d9: {  	[spmem:s1] =	stream.indirect.scatter.add.f32 [tilespmem:s4], [sflag:$0x3], $0x80, s8, s5, $0xb8;
	[tilespmem:$0x1E400] =	vst v63  }
0x8da: {  	_ =	swait.ge [sflag:s21], $0x3E80  }
0x8db: {  	[sflag:s21] =	ssyncset.done $0x0  }
0x8dc: {  	[sflag:s21] =	ssyncadd.s32 $0xFFFFC180  }
0x8dd: {  	v18 =	vld [tilespmem:s22+$0x180];
	_ =	sdelay $0x4  }
0x8de: {  	v19 =	vshll.u32 v18, $0x1  }
0x8df: {  	v18 =	vand.u32 $0x7, v18;
	v19 =	vand.u32 $0xFFFFFFF0, v19  }
0x8e0: {  	v18 =	vor.u32 v18, v19  }
0x8e1: {  	v19 =	vperm.xlane v18, v3;
	_ =	sdelay $0x1  }
0x8e2: {  	v53 =	vperm.xlane v18, v2;
	v19 =	vadd.s32 v4, v19;
	_ =	sdelay $0x1  }
0x8e3: {  	v54 =	vperm.xlane v18, v5;
	v20 =	vadd.s32 v4, v53;
	_ =	sdelay $0x1  }
0x8e4: {  	v55 =	vperm.xlane v18, v6;
	v21 =	vadd.s32 v4, v54  }
0x8e5: {  	[tilespmem:s4], [sflag:$0x2] =	stream.indirect_vreg.gather [hbm4b:s11+s3], $0x80, v19, vm0, $0xb8;
	[tilespmem:$0x1E400] =	vst v63  }
0x8e6: {  	s8 =	simm.s32 $0x6880;
	v56 =	vperm.xlane v18, v7;
	v19 =	vadd.s32 v4, v55  }
0x8e7: {  	[tilespmem:s8], [sflag:$0x2] =	stream.indirect_vreg.gather [hbm4b:s11+s3], $0x80, v20, vm0, $0xb8;
	[tilespmem:$0x1E400] =	vst v63  }
0x8e8: {  	v58 =	vperm.xlane v18, v8;
	v57 =	vadd.s32 v4, v56;
	s8 =	simm.s32 $0x6900  }
0x8e9: {  	[tilespmem:s8], [sflag:$0x2] =	stream.indirect_vreg.gather [hbm4b:s11+s3], $0x80, v21, vm0, $0xb8;
	[tilespmem:$0x1E400] =	vst v63  }
0x8ea: {  	v60 =	vperm.xlane v18, v9;
	v59 =	vadd.s32 v4, v58;
	s8 =	simm.s32 $0x6980  }
0x8eb: {  	[tilespmem:s8], [sflag:$0x2] =	stream.indirect_vreg.gather [hbm4b:s11+s3], $0x80, v19, vm0, $0xb8;
	[tilespmem:$0x1E400] =	vst v63  }
0x8ec: {  	v61 =	vperm.xlane v18, v1;
	v19 =	vadd.s32 v4, v60;
	s8 =	simm.s32 $0x6A00  }
0x8ed: {  	[tilespmem:s8], [sflag:$0x2] =	stream.indirect_vreg.gather [hbm4b:s11+s3], $0x80, v57, vm0, $0xb8;
	[tilespmem:$0x1E400] =	vst v63  }
0x8ee: {  	v63 =	vperm.xlane v18, v10;
	v62 =	vadd.s32 v4, v61;
	s8 =	simm.s32 $0x6A80  }
0x8ef: {  	[tilespmem:s8], [sflag:$0x2] =	stream.indirect_vreg.gather [hbm4b:s11+s3], $0x80, v59, vm0, $0xb8;
	[tilespmem:$0x1E400] =	vst v63  }
0x8f0: {  	v25 =	vperm.xlane v18, v11;
	v24 =	vadd.s32 v4, v63;
	s8 =	simm.s32 $0x6B00  }
0x8f1: {  	[tilespmem:s8], [sflag:$0x2] =	stream.indirect_vreg.gather [hbm4b:s11+s3], $0x80, v19, vm0, $0xb8;
	[tilespmem:$0x1E400] =	vst v63  }
0x8f2: {  	v26 =	vperm.xlane v18, v12;
	v19 =	vadd.s32 v4, v25;
	s8 =	simm.s32 $0x6B80  }
0x8f3: {  	[tilespmem:s8], [sflag:$0x2] =	stream.indirect_vreg.gather [hbm4b:s11+s3], $0x80, v62, vm0, $0xb8;
	[tilespmem:$0x1E400] =	vst v63  }
0x8f4: {  	v28 =	vperm.xlane v18, v13;
	v27 =	vadd.s32 v4, v26;
	s8 =	simm.s32 $0x6C00  }
0x8f5: {  	[tilespmem:s8], [sflag:$0x2] =	stream.indirect_vreg.gather [hbm4b:s11+s3], $0x80, v24, vm0, $0xb8;
	[tilespmem:$0x1E400] =	vst v63  }
0x8f6: {  	v30 =	vperm.xlane v18, v14;
	v29 =	vadd.s32 v4, v28;
	s8 =	simm.s32 $0x6C80  }
0x8f7: {  	[tilespmem:s8], [sflag:$0x2] =	stream.indirect_vreg.gather [hbm4b:s11+s3], $0x80, v19, vm0, $0xb8;
	[tilespmem:$0x1E400] =	vst v63  }
0x8f8: {  	v31 =	vperm.xlane v18, v15;
	v19 =	vadd.s32 v4, v30;
	s8 =	simm.s32 $0x6D00  }
0x8f9: {  	[tilespmem:s8], [sflag:$0x2] =	stream.indirect_vreg.gather [hbm4b:s11+s3], $0x80, v27, vm0, $0xb8;
	[tilespmem:$0x1E400] =	vst v63  }
0x8fa: {  	v33 =	vperm.xlane v18, v16;
	v32 =	vadd.s32 v4, v31;
	s8 =	simm.s32 $0x6D80  }
0x8fb: {  	[tilespmem:s8], [sflag:$0x2] =	stream.indirect_vreg.gather [hbm4b:s11+s3], $0x80, v29, vm0, $0xb8;
	[tilespmem:$0x1E400] =	vst v63  }
0x8fc: {  	v18 =	vperm.xlane v18, v17;
	v34 =	vadd.s32 v4, v33;
	s8 =	simm.s32 $0x6E00  }
0x8fd: {  	[tilespmem:s8], [sflag:$0x2] =	stream.indirect_vreg.gather [hbm4b:s11+s3], $0x80, v19, vm0, $0xb8;
	[tilespmem:$0x1E400] =	vst v63  }
0x8fe: {  	v18 =	vadd.s32 v4, v18;
	s8 =	simm.s32 $0x6E80  }
0x8ff: {  	[tilespmem:s8], [sflag:$0x2] =	stream.indirect_vreg.gather [hbm4b:s11+s3], $0x80, v32, vm0, $0xb8;
	[tilespmem:$0x1E400] =	vst v63  }
0x900: {  	s8 =	simm.s32 $0x6F00  }
0x901: {  	[tilespmem:s8], [sflag:$0x2] =	stream.indirect_vreg.gather [hbm4b:s11+s3], $0x80, v34, vm0, $0xb8;
	[tilespmem:$0x1E400] =	vst v63  }
0x902: {  	s8 =	simm.s32 $0x6F80  }
0x903: {  	[tilespmem:s8], [sflag:$0x2] =	stream.indirect_vreg.gather [hbm4b:s11+s3], $0x80, v18, vm0, $0xb8;
	[tilespmem:$0x1E400] =	vst v63  }
0x904: {  	v18 =	vld [tilespmem:s22+$0x190];
	_ =	sdelay $0x4  }
0x905: {  	v19 =	vshll.u32 v18, $0x1  }
0x906: {  	v18 =	vand.u32 $0x7, v18;
	v19 =	vand.u32 $0xFFFFFFF0, v19  }
0x907: {  	v18 =	vor.u32 v18, v19  }
0x908: {  	v19 =	vperm.xlane v18, v3;
	_ =	sdelay $0x1  }
0x909: {  	v35 =	vperm.xlane v18, v2;
	v19 =	vadd.s32 v4, v19;
	_ =	sdelay $0x1  }
0x90a: {  	v36 =	vperm.xlane v18, v5;
	v20 =	vadd.s32 v4, v35;
	_ =	sdelay $0x1  }
0x90b: {  	s8 =	simm.s32 $0x7000;
	v37 =	vperm.xlane v18, v6;
	v21 =	vadd.s32 v4, v36  }
0x90c: {  	[tilespmem:s8], [sflag:$0x2] =	stream.indirect_vreg.gather [hbm4b:s11+s3], $0x80, v19, vm0, $0xb8;
	[tilespmem:$0x1E400] =	vst v63  }
0x90d: {  	v38 =	vperm.xlane v18, v7;
	v19 =	vadd.s32 v4, v37;
	s8 =	simm.s32 $0x7080  }
0x90e: {  	[tilespmem:s8], [sflag:$0x2] =	stream.indirect_vreg.gather [hbm4b:s11+s3], $0x80, v20, vm0, $0xb8;
	[tilespmem:$0x1E400] =	vst v63  }
0x90f: {  	v40 =	vperm.xlane v18, v8;
	v39 =	vadd.s32 v4, v38;
	s8 =	simm.s32 $0x7100  }
0x910: {  	[tilespmem:s8], [sflag:$0x2] =	stream.indirect_vreg.gather [hbm4b:s11+s3], $0x80, v21, vm0, $0xb8;
	[tilespmem:$0x1E400] =	vst v63  }
0x911: {  	v42 =	vperm.xlane v18, v9;
	v41 =	vadd.s32 v4, v40;
	s8 =	simm.s32 $0x7180  }
0x912: {  	[tilespmem:s8], [sflag:$0x2] =	stream.indirect_vreg.gather [hbm4b:s11+s3], $0x80, v19, vm0, $0xb8;
	[tilespmem:$0x1E400] =	vst v63  }
0x913: {  	v43 =	vperm.xlane v18, v1;
	v19 =	vadd.s32 v4, v42;
	s8 =	simm.s32 $0x7200  }
0x914: {  	[tilespmem:s8], [sflag:$0x2] =	stream.indirect_vreg.gather [hbm4b:s11+s3], $0x80, v39, vm0, $0xb8;
	[tilespmem:$0x1E400] =	vst v63  }
0x915: {  	v45 =	vperm.xlane v18, v10;
	v44 =	vadd.s32 v4, v43;
	s8 =	simm.s32 $0x7280  }
0x916: {  	[tilespmem:s8], [sflag:$0x2] =	stream.indirect_vreg.gather [hbm4b:s11+s3], $0x80, v41, vm0, $0xb8;
	[tilespmem:$0x1E400] =	vst v63  }
0x917: {  	v47 =	vperm.xlane v18, v11;
	v46 =	vadd.s32 v4, v45;
	s8 =	simm.s32 $0x7300  }
0x918: {  	[tilespmem:s8], [sflag:$0x2] =	stream.indirect_vreg.gather [hbm4b:s11+s3], $0x80, v19, vm0, $0xb8;
	[tilespmem:$0x1E400] =	vst v63  }
0x919: {  	v48 =	vperm.xlane v18, v12;
	v19 =	vadd.s32 v4, v47;
	s8 =	simm.s32 $0x7380  }
0x91a: {  	[tilespmem:s8], [sflag:$0x2] =	stream.indirect_vreg.gather [hbm4b:s11+s3], $0x80, v44, vm0, $0xb8;
	[tilespmem:$0x1E400] =	vst v63  }
0x91b: {  	v50 =	vperm.xlane v18, v13;
	v49 =	vadd.s32 v4, v48;
	s8 =	simm.s32 $0x7400  }
0x91c: {  	[tilespmem:s8], [sflag:$0x2] =	stream.indirect_vreg.gather [hbm4b:s11+s3], $0x80, v46, vm0, $0xb8;
	[tilespmem:$0x1E400] =	vst v63  }
0x91d: {  	v52 =	vperm.xlane v18, v14;
	v51 =	vadd.s32 v4, v50;
	s8 =	simm.s32 $0x7480  }
0x91e: {  	[tilespmem:s8], [sflag:$0x2] =	stream.indirect_vreg.gather [hbm4b:s11+s3], $0x80, v19, vm0, $0xb8;
	[tilespmem:$0x1E400] =	vst v63  }
0x91f: {  	v53 =	vperm.xlane v18, v15;
	v19 =	vadd.s32 v4, v52;
	s8 =	simm.s32 $0x7500  }
0x920: {  	[tilespmem:s8], [sflag:$0x2] =	stream.indirect_vreg.gather [hbm4b:s11+s3], $0x80, v49, vm0, $0xb8;
	[tilespmem:$0x1E400] =	vst v63  }
0x921: {  	v55 =	vperm.xlane v18, v16;
	v54 =	vadd.s32 v4, v53;
	s8 =	simm.s32 $0x7580  }
0x922: {  	[tilespmem:s8], [sflag:$0x2] =	stream.indirect_vreg.gather [hbm4b:s11+s3], $0x80, v51, vm0, $0xb8;
	[tilespmem:$0x1E400] =	vst v63  }
0x923: {  	v18 =	vperm.xlane v18, v17;
	v56 =	vadd.s32 v4, v55;
	s8 =	simm.s32 $0x7600  }
0x924: {  	[tilespmem:s8], [sflag:$0x2] =	stream.indirect_vreg.gather [hbm4b:s11+s3], $0x80, v19, vm0, $0xb8;
	[tilespmem:$0x1E400] =	vst v63  }
0x925: {  	v18 =	vadd.s32 v4, v18;
	s8 =	simm.s32 $0x7680  }
0x926: {  	[tilespmem:s8], [sflag:$0x2] =	stream.indirect_vreg.gather [hbm4b:s11+s3], $0x80, v54, vm0, $0xb8;
	[tilespmem:$0x1E400] =	vst v63  }
0x927: {  	s8 =	simm.s32 $0x7700  }
0x928: {  	[tilespmem:s8], [sflag:$0x2] =	stream.indirect_vreg.gather [hbm4b:s11+s3], $0x80, v56, vm0, $0xb8;
	[tilespmem:$0x1E400] =	vst v63  }
0x929: {  	s8 =	simm.s32 $0x7780  }
0x92a: {  	[tilespmem:s8], [sflag:$0x2] =	stream.indirect_vreg.gather [hbm4b:s11+s3], $0x80, v18, vm0, $0xb8;
	[tilespmem:$0x1E400] =	vst v63  }
0x92b: {  	v18 =	vld [tilespmem:s22+$0x1A0];
	_ =	sdelay $0x4  }
0x92c: {  	v19 =	vshll.u32 v18, $0x1  }
0x92d: {  	v18 =	vand.u32 $0x7, v18;
	v19 =	vand.u32 $0xFFFFFFF0, v19  }
0x92e: {  	v18 =	vor.u32 v18, v19  }
0x92f: {  	v19 =	vperm.xlane v18, v3;
	_ =	sdelay $0x1  }
0x930: {  	v57 =	vperm.xlane v18, v2;
	v19 =	vadd.s32 v4, v19;
	_ =	sdelay $0x1  }
0x931: {  	v58 =	vperm.xlane v18, v5;
	v20 =	vadd.s32 v4, v57;
	_ =	sdelay $0x1  }
0x932: {  	s8 =	simm.s32 $0x7800;
	v59 =	vperm.xlane v18, v6;
	v21 =	vadd.s32 v4, v58  }
0x933: {  	[tilespmem:s8], [sflag:$0x2] =	stream.indirect_vreg.gather [hbm4b:s11+s3], $0x80, v19, vm0, $0xb8;
	[tilespmem:$0x1E400] =	vst v63  }
0x934: {  	v60 =	vperm.xlane v18, v7;
	v19 =	vadd.s32 v4, v59;
	s8 =	simm.s32 $0x7880  }
0x935: {  	[tilespmem:s8], [sflag:$0x2] =	stream.indirect_vreg.gather [hbm4b:s11+s3], $0x80, v20, vm0, $0xb8;
	[tilespmem:$0x1E400] =	vst v63  }
0x936: {  	v62 =	vperm.xlane v18, v8;
	v61 =	vadd.s32 v4, v60;
	s8 =	simm.s32 $0x7900  }
0x937: {  	[tilespmem:s8], [sflag:$0x2] =	stream.indirect_vreg.gather [hbm4b:s11+s3], $0x80, v21, vm0, $0xb8;
	[tilespmem:$0x1E400] =	vst v63  }
0x938: {  	v24 =	vperm.xlane v18, v9;
	v63 =	vadd.s32 v4, v62;
	s8 =	simm.s32 $0x7980  }
0x939: {  	[tilespmem:s8], [sflag:$0x2] =	stream.indirect_vreg.gather [hbm4b:s11+s3], $0x80, v19, vm0, $0xb8;
	[tilespmem:$0x1E400] =	vst v63  }
0x93a: {  	v25 =	vperm.xlane v18, v1;
	v19 =	vadd.s32 v4, v24;
	s8 =	simm.s32 $0x7A00  }
0x93b: {  	[tilespmem:s8], [sflag:$0x2] =	stream.indirect_vreg.gather [hbm4b:s11+s3], $0x80, v61, vm0, $0xb8;
	[tilespmem:$0x1E400] =	vst v63  }
0x93c: {  	v27 =	vperm.xlane v18, v10;
	v26 =	vadd.s32 v4, v25;
	s8 =	simm.s32 $0x7A80  }
0x93d: {  	[tilespmem:s8], [sflag:$0x2] =	stream.indirect_vreg.gather [hbm4b:s11+s3], $0x80, v63, vm0, $0xb8;
	[tilespmem:$0x1E400] =	vst v63  }
0x93e: {  	v29 =	vperm.xlane v18, v11;
	v28 =	vadd.s32 v4, v27;
	s8 =	simm.s32 $0x7B00  }
0x93f: {  	[tilespmem:s8], [sflag:$0x2] =	stream.indirect_vreg.gather [hbm4b:s11+s3], $0x80, v19, vm0, $0xb8;
	[tilespmem:$0x1E400] =	vst v63  }
0x940: {  	v30 =	vperm.xlane v18, v12;
	v19 =	vadd.s32 v4, v29;
	s8 =	simm.s32 $0x7B80  }
0x941: {  	[tilespmem:s8], [sflag:$0x2] =	stream.indirect_vreg.gather [hbm4b:s11+s3], $0x80, v26, vm0, $0xb8;
	[tilespmem:$0x1E400] =	vst v63  }
0x942: {  	v32 =	vperm.xlane v18, v13;
	v31 =	vadd.s32 v4, v30;
	s8 =	simm.s32 $0x7C00  }
0x943: {  	[tilespmem:s8], [sflag:$0x2] =	stream.indirect_vreg.gather [hbm4b:s11+s3], $0x80, v28, vm0, $0xb8;
	[tilespmem:$0x1E400] =	vst v63  }
0x944: {  	v34 =	vperm.xlane v18, v14;
	v33 =	vadd.s32 v4, v32;
	s8 =	simm.s32 $0x7C80  }
0x945: {  	[tilespmem:s8], [sflag:$0x2] =	stream.indirect_vreg.gather [hbm4b:s11+s3], $0x80, v19, vm0, $0xb8;
	[tilespmem:$0x1E400] =	vst v63  }
0x946: {  	v35 =	vperm.xlane v18, v15;
	v19 =	vadd.s32 v4, v34;
	s8 =	simm.s32 $0x7D00  }
0x947: {  	[tilespmem:s8], [sflag:$0x2] =	stream.indirect_vreg.gather [hbm4b:s11+s3], $0x80, v31, vm0, $0xb8;
	[tilespmem:$0x1E400] =	vst v63  }
0x948: {  	v37 =	vperm.xlane v18, v16;
	v36 =	vadd.s32 v4, v35;
	s8 =	simm.s32 $0x7D80  }
0x949: {  	[tilespmem:s8], [sflag:$0x2] =	stream.indirect_vreg.gather [hbm4b:s11+s3], $0x80, v33, vm0, $0xb8;
	[tilespmem:$0x1E400] =	vst v63  }
0x94a: {  	v18 =	vperm.xlane v18, v17;
	v38 =	vadd.s32 v4, v37;
	s8 =	simm.s32 $0x7E00  }
0x94b: {  	[tilespmem:s8], [sflag:$0x2] =	stream.indirect_vreg.gather [hbm4b:s11+s3], $0x80, v19, vm0, $0xb8;
	[tilespmem:$0x1E400] =	vst v63  }
0x94c: {  	v18 =	vadd.s32 v4, v18;
	s8 =	simm.s32 $0x7E80  }
0x94d: {  	[tilespmem:s8], [sflag:$0x2] =	stream.indirect_vreg.gather [hbm4b:s11+s3], $0x80, v36, vm0, $0xb8;
	[tilespmem:$0x1E400] =	vst v63  }
0x94e: {  	s8 =	simm.s32 $0x7F00  }
0x94f: {  	[tilespmem:s8], [sflag:$0x2] =	stream.indirect_vreg.gather [hbm4b:s11+s3], $0x80, v38, vm0, $0xb8;
	[tilespmem:$0x1E400] =	vst v63  }
0x950: {  	s8 =	simm.s32 $0x7F80  }
0x951: {  	[tilespmem:s8], [sflag:$0x2] =	stream.indirect_vreg.gather [hbm4b:s11+s3], $0x80, v18, vm0, $0xb8;
	[tilespmem:$0x1E400] =	vst v63  }
0x952: {  	v18 =	vld [tilespmem:s22+$0x1B0];
	_ =	sdelay $0x4  }
0x953: {  	v19 =	vshll.u32 v18, $0x1  }
0x954: {  	v18 =	vand.u32 $0x7, v18;
	v19 =	vand.u32 $0xFFFFFFF0, v19  }
0x955: {  	v18 =	vor.u32 v18, v19  }
0x956: {  	v19 =	vperm.xlane v18, v3;
	_ =	sdelay $0x1  }
0x957: {  	v39 =	vperm.xlane v18, v2;
	v19 =	vadd.s32 v4, v19;
	_ =	sdelay $0x1  }
0x958: {  	v40 =	vperm.xlane v18, v5;
	v20 =	vadd.s32 v4, v39;
	_ =	sdelay $0x1  }
0x959: {  	s8 =	simm.s32 $0x8000;
	v41 =	vperm.xlane v18, v6;
	v21 =	vadd.s32 v4, v40  }
0x95a: {  	[tilespmem:s8], [sflag:$0x2] =	stream.indirect_vreg.gather [hbm4b:s11+s3], $0x80, v19, vm0, $0xb8;
	[tilespmem:$0x1E400] =	vst v63  }
0x95b: {  	v42 =	vperm.xlane v18, v7;
	v19 =	vadd.s32 v4, v41;
	s8 =	simm.s32 $0x8080  }
0x95c: {  	[tilespmem:s8], [sflag:$0x2] =	stream.indirect_vreg.gather [hbm4b:s11+s3], $0x80, v20, vm0, $0xb8;
	[tilespmem:$0x1E400] =	vst v63  }
0x95d: {  	v44 =	vperm.xlane v18, v8;
	v43 =	vadd.s32 v4, v42;
	s8 =	simm.s32 $0x8100  }
0x95e: {  	[tilespmem:s8], [sflag:$0x2] =	stream.indirect_vreg.gather [hbm4b:s11+s3], $0x80, v21, vm0, $0xb8;
	[tilespmem:$0x1E400] =	vst v63  }
0x95f: {  	v46 =	vperm.xlane v18, v9;
	v45 =	vadd.s32 v4, v44;
	s8 =	simm.s32 $0x8180  }
0x960: {  	[tilespmem:s8], [sflag:$0x2] =	stream.indirect_vreg.gather [hbm4b:s11+s3], $0x80, v19, vm0, $0xb8;
	[tilespmem:$0x1E400] =	vst v63  }
0x961: {  	v47 =	vperm.xlane v18, v1;
	v19 =	vadd.s32 v4, v46;
	s8 =	simm.s32 $0x8200  }
0x962: {  	[tilespmem:s8], [sflag:$0x2] =	stream.indirect_vreg.gather [hbm4b:s11+s3], $0x80, v43, vm0, $0xb8;
	[tilespmem:$0x1E400] =	vst v63  }
0x963: {  	v49 =	vperm.xlane v18, v10;
	v48 =	vadd.s32 v4, v47;
	s8 =	simm.s32 $0x8280  }
0x964: {  	[tilespmem:s8], [sflag:$0x2] =	stream.indirect_vreg.gather [hbm4b:s11+s3], $0x80, v45, vm0, $0xb8;
	[tilespmem:$0x1E400] =	vst v63  }
0x965: {  	v51 =	vperm.xlane v18, v11;
	v50 =	vadd.s32 v4, v49;
	s8 =	simm.s32 $0x8300  }
0x966: {  	[tilespmem:s8], [sflag:$0x2] =	stream.indirect_vreg.gather [hbm4b:s11+s3], $0x80, v19, vm0, $0xb8;
	[tilespmem:$0x1E400] =	vst v63  }
0x967: {  	v52 =	vperm.xlane v18, v12;
	v19 =	vadd.s32 v4, v51;
	s8 =	simm.s32 $0x8380  }
0x968: {  	[tilespmem:s8], [sflag:$0x2] =	stream.indirect_vreg.gather [hbm4b:s11+s3], $0x80, v48, vm0, $0xb8;
	[tilespmem:$0x1E400] =	vst v63  }
0x969: {  	v54 =	vperm.xlane v18, v13;
	v53 =	vadd.s32 v4, v52;
	s8 =	simm.s32 $0x8400  }
0x96a: {  	[tilespmem:s8], [sflag:$0x2] =	stream.indirect_vreg.gather [hbm4b:s11+s3], $0x80, v50, vm0, $0xb8;
	[tilespmem:$0x1E400] =	vst v63  }
0x96b: {  	v56 =	vperm.xlane v18, v14;
	v55 =	vadd.s32 v4, v54;
	s8 =	simm.s32 $0x8480  }
0x96c: {  	[tilespmem:s8], [sflag:$0x2] =	stream.indirect_vreg.gather [hbm4b:s11+s3], $0x80, v19, vm0, $0xb8;
	[tilespmem:$0x1E400] =	vst v63  }
0x96d: {  	v57 =	vperm.xlane v18, v15;
	v19 =	vadd.s32 v4, v56;
	s8 =	simm.s32 $0x8500  }
0x96e: {  	[tilespmem:s8], [sflag:$0x2] =	stream.indirect_vreg.gather [hbm4b:s11+s3], $0x80, v53, vm0, $0xb8;
	[tilespmem:$0x1E400] =	vst v63  }
0x96f: {  	v59 =	vperm.xlane v18, v16;
	v58 =	vadd.s32 v4, v57;
	s8 =	simm.s32 $0x8580  }
0x970: {  	[tilespmem:s8], [sflag:$0x2] =	stream.indirect_vreg.gather [hbm4b:s11+s3], $0x80, v55, vm0, $0xb8;
	[tilespmem:$0x1E400] =	vst v63  }
0x971: {  	v18 =	vperm.xlane v18, v17;
	v60 =	vadd.s32 v4, v59;
	s8 =	simm.s32 $0x8600  }
0x972: {  	[tilespmem:s8], [sflag:$0x2] =	stream.indirect_vreg.gather [hbm4b:s11+s3], $0x80, v19, vm0, $0xb8;
	[tilespmem:$0x1E400] =	vst v63  }
0x973: {  	v18 =	vadd.s32 v4, v18;
	s8 =	simm.s32 $0x8680  }
0x974: {  	[tilespmem:s8], [sflag:$0x2] =	stream.indirect_vreg.gather [hbm4b:s11+s3], $0x80, v58, vm0, $0xb8;
	[tilespmem:$0x1E400] =	vst v63  }
0x975: {  	s8 =	simm.s32 $0x8700  }
0x976: {  	[tilespmem:s8], [sflag:$0x2] =	stream.indirect_vreg.gather [hbm4b:s11+s3], $0x80, v60, vm0, $0xb8;
	[tilespmem:$0x1E400] =	vst v63  }
0x977: {  	s8 =	simm.s32 $0x8780  }
0x978: {  	[tilespmem:s8], [sflag:$0x2] =	stream.indirect_vreg.gather [hbm4b:s11+s3], $0x80, v18, vm0, $0xb8;
	[tilespmem:$0x1E400] =	vst v63  }
0x979: {  	v18 =	vld [tilespmem:s22+$0x1C0];
	_ =	sdelay $0x4  }
0x97a: {  	v19 =	vshll.u32 v18, $0x1  }
0x97b: {  	v18 =	vand.u32 $0x7, v18;
	v19 =	vand.u32 $0xFFFFFFF0, v19  }
0x97c: {  	v18 =	vor.u32 v18, v19  }
0x97d: {  	v19 =	vperm.xlane v18, v3;
	_ =	sdelay $0x1  }
0x97e: {  	v61 =	vperm.xlane v18, v2;
	v19 =	vadd.s32 v4, v19;
	_ =	sdelay $0x1  }
0x97f: {  	v62 =	vperm.xlane v18, v5;
	v20 =	vadd.s32 v4, v61;
	_ =	sdelay $0x1  }
0x980: {  	s8 =	simm.s32 $0x8800;
	v63 =	vperm.xlane v18, v6;
	v21 =	vadd.s32 v4, v62  }
0x981: {  	[tilespmem:s8], [sflag:$0x2] =	stream.indirect_vreg.gather [hbm4b:s11+s3], $0x80, v19, vm0, $0xb8;
	[tilespmem:$0x1E400] =	vst v63  }
0x982: {  	v24 =	vperm.xlane v18, v7;
	v19 =	vadd.s32 v4, v63;
	s8 =	simm.s32 $0x8880  }
0x983: {  	[tilespmem:s8], [sflag:$0x2] =	stream.indirect_vreg.gather [hbm4b:s11+s3], $0x80, v20, vm0, $0xb8;
	[tilespmem:$0x1E400] =	vst v63  }
0x984: {  	v26 =	vperm.xlane v18, v8;
	v25 =	vadd.s32 v4, v24;
	s8 =	simm.s32 $0x8900  }
0x985: {  	[tilespmem:s8], [sflag:$0x2] =	stream.indirect_vreg.gather [hbm4b:s11+s3], $0x80, v21, vm0, $0xb8;
	[tilespmem:$0x1E400] =	vst v63  }
0x986: {  	v28 =	vperm.xlane v18, v9;
	v27 =	vadd.s32 v4, v26;
	s8 =	simm.s32 $0x8980  }
0x987: {  	[tilespmem:s8], [sflag:$0x2] =	stream.indirect_vreg.gather [hbm4b:s11+s3], $0x80, v19, vm0, $0xb8;
	[tilespmem:$0x1E400] =	vst v63  }
0x988: {  	v29 =	vperm.xlane v18, v1;
	v19 =	vadd.s32 v4, v28;
	s8 =	simm.s32 $0x8A00  }
0x989: {  	[tilespmem:s8], [sflag:$0x2] =	stream.indirect_vreg.gather [hbm4b:s11+s3], $0x80, v25, vm0, $0xb8;
	[tilespmem:$0x1E400] =	vst v63  }
0x98a: {  	v31 =	vperm.xlane v18, v10;
	v30 =	vadd.s32 v4, v29;
	s8 =	simm.s32 $0x8A80  }
0x98b: {  	[tilespmem:s8], [sflag:$0x2] =	stream.indirect_vreg.gather [hbm4b:s11+s3], $0x80, v27, vm0, $0xb8;
	[tilespmem:$0x1E400] =	vst v63  }
0x98c: {  	v33 =	vperm.xlane v18, v11;
	v32 =	vadd.s32 v4, v31;
	s8 =	simm.s32 $0x8B00  }
0x98d: {  	[tilespmem:s8], [sflag:$0x2] =	stream.indirect_vreg.gather [hbm4b:s11+s3], $0x80, v19, vm0, $0xb8;
	[tilespmem:$0x1E400] =	vst v63  }
0x98e: {  	v34 =	vperm.xlane v18, v12;
	v19 =	vadd.s32 v4, v33;
	s8 =	simm.s32 $0x8B80  }
0x98f: {  	[tilespmem:s8], [sflag:$0x2] =	stream.indirect_vreg.gather [hbm4b:s11+s3], $0x80, v30, vm0, $0xb8;
	[tilespmem:$0x1E400] =	vst v63  }
0x990: {  	v36 =	vperm.xlane v18, v13;
	v35 =	vadd.s32 v4, v34;
	s8 =	simm.s32 $0x8C00  }
0x991: {  	[tilespmem:s8], [sflag:$0x2] =	stream.indirect_vreg.gather [hbm4b:s11+s3], $0x80, v32, vm0, $0xb8;
	[tilespmem:$0x1E400] =	vst v63  }
0x992: {  	v38 =	vperm.xlane v18, v14;
	v37 =	vadd.s32 v4, v36;
	s8 =	simm.s32 $0x8C80  }
0x993: {  	[tilespmem:s8], [sflag:$0x2] =	stream.indirect_vreg.gather [hbm4b:s11+s3], $0x80, v19, vm0, $0xb8;
	[tilespmem:$0x1E400] =	vst v63  }
0x994: {  	v39 =	vperm.xlane v18, v15;
	v19 =	vadd.s32 v4, v38;
	s8 =	simm.s32 $0x8D00  }
0x995: {  	[tilespmem:s8], [sflag:$0x2] =	stream.indirect_vreg.gather [hbm4b:s11+s3], $0x80, v35, vm0, $0xb8;
	[tilespmem:$0x1E400] =	vst v63  }
0x996: {  	v41 =	vperm.xlane v18, v16;
	v40 =	vadd.s32 v4, v39;
	s8 =	simm.s32 $0x8D80  }
0x997: {  	[tilespmem:s8], [sflag:$0x2] =	stream.indirect_vreg.gather [hbm4b:s11+s3], $0x80, v37, vm0, $0xb8;
	[tilespmem:$0x1E400] =	vst v63  }
0x998: {  	v18 =	vperm.xlane v18, v17;
	v42 =	vadd.s32 v4, v41;
	s8 =	simm.s32 $0x8E00  }
0x999: {  	[tilespmem:s8], [sflag:$0x2] =	stream.indirect_vreg.gather [hbm4b:s11+s3], $0x80, v19, vm0, $0xb8;
	[tilespmem:$0x1E400] =	vst v63  }
0x99a: {  	v18 =	vadd.s32 v4, v18;
	s8 =	simm.s32 $0x8E80  }
0x99b: {  	[tilespmem:s8], [sflag:$0x2] =	stream.indirect_vreg.gather [hbm4b:s11+s3], $0x80, v40, vm0, $0xb8;
	[tilespmem:$0x1E400] =	vst v63  }
0x99c: {  	s8 =	simm.s32 $0x8F00  }
0x99d: {  	[tilespmem:s8], [sflag:$0x2] =	stream.indirect_vreg.gather [hbm4b:s11+s3], $0x80, v42, vm0, $0xb8;
	[tilespmem:$0x1E400] =	vst v63  }
0x99e: {  	s8 =	simm.s32 $0x8F80  }
0x99f: {  	[tilespmem:s8], [sflag:$0x2] =	stream.indirect_vreg.gather [hbm4b:s11+s3], $0x80, v18, vm0, $0xb8;
	[tilespmem:$0x1E400] =	vst v63  }
0x9a0: {  	v18 =	vld [tilespmem:s22+$0x1D0];
	_ =	sdelay $0x4  }
0x9a1: {  	v19 =	vshll.u32 v18, $0x1  }
0x9a2: {  	v18 =	vand.u32 $0x7, v18;
	v19 =	vand.u32 $0xFFFFFFF0, v19  }
0x9a3: {  	v18 =	vor.u32 v18, v19  }
0x9a4: {  	v19 =	vperm.xlane v18, v3;
	_ =	sdelay $0x1  }
0x9a5: {  	v43 =	vperm.xlane v18, v2;
	v19 =	vadd.s32 v4, v19;
	_ =	sdelay $0x1  }
0x9a6: {  	v44 =	vperm.xlane v18, v5;
	v20 =	vadd.s32 v4, v43;
	_ =	sdelay $0x1  }
0x9a7: {  	s8 =	simm.s32 $0x9000;
	v45 =	vperm.xlane v18, v6;
	v21 =	vadd.s32 v4, v44  }
0x9a8: {  	[tilespmem:s8], [sflag:$0x2] =	stream.indirect_vreg.gather [hbm4b:s11+s3], $0x80, v19, vm0, $0xb8;
	[tilespmem:$0x1E400] =	vst v63  }
0x9a9: {  	v46 =	vperm.xlane v18, v7;
	v19 =	vadd.s32 v4, v45;
	s8 =	simm.s32 $0x9080  }
0x9aa: {  	[tilespmem:s8], [sflag:$0x2] =	stream.indirect_vreg.gather [hbm4b:s11+s3], $0x80, v20, vm0, $0xb8;
	[tilespmem:$0x1E400] =	vst v63  }
0x9ab: {  	v48 =	vperm.xlane v18, v8;
	v47 =	vadd.s32 v4, v46;
	s8 =	simm.s32 $0x9100  }
0x9ac: {  	[tilespmem:s8], [sflag:$0x2] =	stream.indirect_vreg.gather [hbm4b:s11+s3], $0x80, v21, vm0, $0xb8;
	[tilespmem:$0x1E400] =	vst v63  }
0x9ad: {  	v50 =	vperm.xlane v18, v9;
	v49 =	vadd.s32 v4, v48;
	s8 =	simm.s32 $0x9180  }
0x9ae: {  	[tilespmem:s8], [sflag:$0x2] =	stream.indirect_vreg.gather [hbm4b:s11+s3], $0x80, v19, vm0, $0xb8;
	[tilespmem:$0x1E400] =	vst v63  }
0x9af: {  	v51 =	vperm.xlane v18, v1;
	v19 =	vadd.s32 v4, v50;
	s8 =	simm.s32 $0x9200  }
0x9b0: {  	[tilespmem:s8], [sflag:$0x2] =	stream.indirect_vreg.gather [hbm4b:s11+s3], $0x80, v47, vm0, $0xb8;
	[tilespmem:$0x1E400] =	vst v63  }
0x9b1: {  	v53 =	vperm.xlane v18, v10;
	v52 =	vadd.s32 v4, v51;
	s8 =	simm.s32 $0x9280  }
0x9b2: {  	[tilespmem:s8], [sflag:$0x2] =	stream.indirect_vreg.gather [hbm4b:s11+s3], $0x80, v49, vm0, $0xb8;
	[tilespmem:$0x1E400] =	vst v63  }
0x9b3: {  	v55 =	vperm.xlane v18, v11;
	v54 =	vadd.s32 v4, v53;
	s8 =	simm.s32 $0x9300  }
0x9b4: {  	[tilespmem:s8], [sflag:$0x2] =	stream.indirect_vreg.gather [hbm4b:s11+s3], $0x80, v19, vm0, $0xb8;
	[tilespmem:$0x1E400] =	vst v63  }
0x9b5: {  	v56 =	vperm.xlane v18, v12;
	v19 =	vadd.s32 v4, v55;
	s8 =	simm.s32 $0x9380  }
0x9b6: {  	[tilespmem:s8], [sflag:$0x2] =	stream.indirect_vreg.gather [hbm4b:s11+s3], $0x80, v52, vm0, $0xb8;
	[tilespmem:$0x1E400] =	vst v63  }
0x9b7: {  	v58 =	vperm.xlane v18, v13;
	v57 =	vadd.s32 v4, v56;
	s8 =	simm.s32 $0x9400  }
0x9b8: {  	[tilespmem:s8], [sflag:$0x2] =	stream.indirect_vreg.gather [hbm4b:s11+s3], $0x80, v54, vm0, $0xb8;
	[tilespmem:$0x1E400] =	vst v63  }
0x9b9: {  	v60 =	vperm.xlane v18, v14;
	v59 =	vadd.s32 v4, v58;
	s8 =	simm.s32 $0x9480  }
0x9ba: {  	[tilespmem:s8], [sflag:$0x2] =	stream.indirect_vreg.gather [hbm4b:s11+s3], $0x80, v19, vm0, $0xb8;
	[tilespmem:$0x1E400] =	vst v63  }
0x9bb: {  	v61 =	vperm.xlane v18, v15;
	v19 =	vadd.s32 v4, v60;
	s8 =	simm.s32 $0x9500  }
0x9bc: {  	[tilespmem:s8], [sflag:$0x2] =	stream.indirect_vreg.gather [hbm4b:s11+s3], $0x80, v57, vm0, $0xb8;
	[tilespmem:$0x1E400] =	vst v63  }
0x9bd: {  	v63 =	vperm.xlane v18, v16;
	v62 =	vadd.s32 v4, v61;
	s8 =	simm.s32 $0x9580  }
0x9be: {  	[tilespmem:s8], [sflag:$0x2] =	stream.indirect_vreg.gather [hbm4b:s11+s3], $0x80, v59, vm0, $0xb8;
	[tilespmem:$0x1E400] =	vst v63  }
0x9bf: {  	v18 =	vperm.xlane v18, v17;
	v24 =	vadd.s32 v4, v63;
	s8 =	simm.s32 $0x9600  }
0x9c0: {  	[tilespmem:s8], [sflag:$0x2] =	stream.indirect_vreg.gather [hbm4b:s11+s3], $0x80, v19, vm0, $0xb8;
	[tilespmem:$0x1E400] =	vst v63  }
0x9c1: {  	v18 =	vadd.s32 v4, v18;
	s8 =	simm.s32 $0x9680  }
0x9c2: {  	[tilespmem:s8], [sflag:$0x2] =	stream.indirect_vreg.gather [hbm4b:s11+s3], $0x80, v62, vm0, $0xb8;
	[tilespmem:$0x1E400] =	vst v63  }
0x9c3: {  	s8 =	simm.s32 $0x9700  }
0x9c4: {  	[tilespmem:s8], [sflag:$0x2] =	stream.indirect_vreg.gather [hbm4b:s11+s3], $0x80, v24, vm0, $0xb8;
	[tilespmem:$0x1E400] =	vst v63  }
0x9c5: {  	s8 =	simm.s32 $0x9780  }
0x9c6: {  	[tilespmem:s8], [sflag:$0x2] =	stream.indirect_vreg.gather [hbm4b:s11+s3], $0x80, v18, vm0, $0xb8;
	[tilespmem:$0x1E400] =	vst v63  }
0x9c7: {  	v18 =	vld [tilespmem:s22+$0x1E0];
	_ =	sdelay $0x4  }
0x9c8: {  	v19 =	vshll.u32 v18, $0x1  }
0x9c9: {  	v18 =	vand.u32 $0x7, v18;
	v19 =	vand.u32 $0xFFFFFFF0, v19  }
0x9ca: {  	v18 =	vor.u32 v18, v19  }
0x9cb: {  	v19 =	vperm.xlane v18, v3;
	_ =	sdelay $0x1  }
0x9cc: {  	v25 =	vperm.xlane v18, v2;
	v19 =	vadd.s32 v4, v19;
	_ =	sdelay $0x1  }
0x9cd: {  	v26 =	vperm.xlane v18, v5;
	v20 =	vadd.s32 v4, v25;
	_ =	sdelay $0x1  }
0x9ce: {  	s8 =	simm.s32 $0x9800;
	v27 =	vperm.xlane v18, v6;
	v21 =	vadd.s32 v4, v26  }
0x9cf: {  	[tilespmem:s8], [sflag:$0x2] =	stream.indirect_vreg.gather [hbm4b:s11+s3], $0x80, v19, vm0, $0xb8;
	[tilespmem:$0x1E400] =	vst v63  }
0x9d0: {  	v28 =	vperm.xlane v18, v7;
	v19 =	vadd.s32 v4, v27;
	s8 =	simm.s32 $0x9880  }
0x9d1: {  	[tilespmem:s8], [sflag:$0x2] =	stream.indirect_vreg.gather [hbm4b:s11+s3], $0x80, v20, vm0, $0xb8;
	[tilespmem:$0x1E400] =	vst v63  }
0x9d2: {  	v30 =	vperm.xlane v18, v8;
	v29 =	vadd.s32 v4, v28;
	s8 =	simm.s32 $0x9900  }
0x9d3: {  	[tilespmem:s8], [sflag:$0x2] =	stream.indirect_vreg.gather [hbm4b:s11+s3], $0x80, v21, vm0, $0xb8;
	[tilespmem:$0x1E400] =	vst v63  }
0x9d4: {  	v32 =	vperm.xlane v18, v9;
	v31 =	vadd.s32 v4, v30;
	s8 =	simm.s32 $0x9980  }
0x9d5: {  	[tilespmem:s8], [sflag:$0x2] =	stream.indirect_vreg.gather [hbm4b:s11+s3], $0x80, v19, vm0, $0xb8;
	[tilespmem:$0x1E400] =	vst v63  }
0x9d6: {  	v33 =	vperm.xlane v18, v1;
	v19 =	vadd.s32 v4, v32;
	s8 =	simm.s32 $0x9A00  }
0x9d7: {  	[tilespmem:s8], [sflag:$0x2] =	stream.indirect_vreg.gather [hbm4b:s11+s3], $0x80, v29, vm0, $0xb8;
	[tilespmem:$0x1E400] =	vst v63  }
0x9d8: {  	v35 =	vperm.xlane v18, v10;
	v34 =	vadd.s32 v4, v33;
	s8 =	simm.s32 $0x9A80  }
0x9d9: {  	[tilespmem:s8], [sflag:$0x2] =	stream.indirect_vreg.gather [hbm4b:s11+s3], $0x80, v31, vm0, $0xb8;
	[tilespmem:$0x1E400] =	vst v63  }
0x9da: {  	v37 =	vperm.xlane v18, v11;
	v36 =	vadd.s32 v4, v35;
	s8 =	simm.s32 $0x9B00  }
0x9db: {  	[tilespmem:s8], [sflag:$0x2] =	stream.indirect_vreg.gather [hbm4b:s11+s3], $0x80, v19, vm0, $0xb8;
	[tilespmem:$0x1E400] =	vst v63  }
0x9dc: {  	v38 =	vperm.xlane v18, v12;
	v19 =	vadd.s32 v4, v37;
	s8 =	simm.s32 $0x9B80  }
0x9dd: {  	[tilespmem:s8], [sflag:$0x2] =	stream.indirect_vreg.gather [hbm4b:s11+s3], $0x80, v34, vm0, $0xb8;
	[tilespmem:$0x1E400] =	vst v63  }
0x9de: {  	v40 =	vperm.xlane v18, v13;
	v39 =	vadd.s32 v4, v38;
	s8 =	simm.s32 $0x9C00  }
0x9df: {  	[tilespmem:s8], [sflag:$0x2] =	stream.indirect_vreg.gather [hbm4b:s11+s3], $0x80, v36, vm0, $0xb8;
	[tilespmem:$0x1E400] =	vst v63  }
0x9e0: {  	v42 =	vperm.xlane v18, v14;
	v41 =	vadd.s32 v4, v40;
	s8 =	simm.s32 $0x9C80  }
0x9e1: {  	[tilespmem:s8], [sflag:$0x2] =	stream.indirect_vreg.gather [hbm4b:s11+s3], $0x80, v19, vm0, $0xb8;
	[tilespmem:$0x1E400] =	vst v63  }
0x9e2: {  	v43 =	vperm.xlane v18, v15;
	v19 =	vadd.s32 v4, v42;
	s8 =	simm.s32 $0x9D00  }
0x9e3: {  	[tilespmem:s8], [sflag:$0x2] =	stream.indirect_vreg.gather [hbm4b:s11+s3], $0x80, v39, vm0, $0xb8;
	[tilespmem:$0x1E400] =	vst v63  }
0x9e4: {  	v45 =	vperm.xlane v18, v16;
	v44 =	vadd.s32 v4, v43;
	s8 =	simm.s32 $0x9D80  }
0x9e5: {  	[tilespmem:s8], [sflag:$0x2] =	stream.indirect_vreg.gather [hbm4b:s11+s3], $0x80, v41, vm0, $0xb8;
	[tilespmem:$0x1E400] =	vst v63  }
0x9e6: {  	v18 =	vperm.xlane v18, v17;
	v46 =	vadd.s32 v4, v45;
	s8 =	simm.s32 $0x9E00  }
0x9e7: {  	[tilespmem:s8], [sflag:$0x2] =	stream.indirect_vreg.gather [hbm4b:s11+s3], $0x80, v19, vm0, $0xb8;
	[tilespmem:$0x1E400] =	vst v63  }
0x9e8: {  	v18 =	vadd.s32 v4, v18;
	s8 =	simm.s32 $0x9E80  }
0x9e9: {  	[tilespmem:s8], [sflag:$0x2] =	stream.indirect_vreg.gather [hbm4b:s11+s3], $0x80, v44, vm0, $0xb8;
	[tilespmem:$0x1E400] =	vst v63  }
0x9ea: {  	s8 =	simm.s32 $0x9F00  }
0x9eb: {  	[tilespmem:s8], [sflag:$0x2] =	stream.indirect_vreg.gather [hbm4b:s11+s3], $0x80, v46, vm0, $0xb8;
	[tilespmem:$0x1E400] =	vst v63  }
0x9ec: {  	s8 =	simm.s32 $0x9F80  }
0x9ed: {  	[tilespmem:s8], [sflag:$0x2] =	stream.indirect_vreg.gather [hbm4b:s11+s3], $0x80, v18, vm0, $0xb8;
	[tilespmem:$0x1E400] =	vst v63  }
0x9ee: {  	v18 =	vld.msk [tilespmem:s22+$0x1F0], $0x1fff;
	_ =	sdelay $0x4  }
0x9ef: {  	v19 =	vshll.u32 v18, $0x1  }
0x9f0: {  	v18 =	vand.u32 $0x7, v18;
	v19 =	vand.u32 $0xFFFFFFF0, v19  }
0x9f1: {  	v18 =	vor.u32 v18, v19  }
0x9f2: {  	v19 =	vperm.xlane v18, v3;
	_ =	sdelay $0x1  }
0x9f3: {  	v47 =	vperm.xlane v18, v2;
	v19 =	vadd.s32 v4, v19;
	_ =	sdelay $0x1  }
0x9f4: {  	v48 =	vperm.xlane v18, v5;
	v20 =	vadd.s32 v4, v47;
	_ =	sdelay $0x1  }
0x9f5: {  	s8 =	simm.s32 $0xA000;
	v49 =	vperm.xlane v18, v6;
	v21 =	vadd.s32 v4, v48  }
0x9f6: {  	[tilespmem:s8], [sflag:$0x2] =	stream.indirect_vreg.gather [hbm4b:s11+s3], $0x80, v19, vm0, $0xb8;
	[tilespmem:$0x1E400] =	vst v63  }
0x9f7: {  	v50 =	vperm.xlane v18, v7;
	v19 =	vadd.s32 v4, v49;
	s8 =	simm.s32 $0xA080  }
0x9f8: {  	[tilespmem:s8], [sflag:$0x2] =	stream.indirect_vreg.gather [hbm4b:s11+s3], $0x80, v20, vm0, $0xb8;
	[tilespmem:$0x1E400] =	vst v63  }
0x9f9: {  	v52 =	vperm.xlane v18, v8;
	v51 =	vadd.s32 v4, v50;
	s8 =	simm.s32 $0xA100  }
0x9fa: {  	[tilespmem:s8], [sflag:$0x2] =	stream.indirect_vreg.gather [hbm4b:s11+s3], $0x80, v21, vm0, $0xb8;
	[tilespmem:$0x1E400] =	vst v63  }
0x9fb: {  	v54 =	vperm.xlane v18, v9;
	v53 =	vadd.s32 v4, v52;
	s8 =	simm.s32 $0xA180  }
0x9fc: {  	[tilespmem:s8], [sflag:$0x2] =	stream.indirect_vreg.gather [hbm4b:s11+s3], $0x80, v19, vm0, $0xb8;
	[tilespmem:$0x1E400] =	vst v63  }
0x9fd: {  	v55 =	vperm.xlane v18, v1;
	v19 =	vadd.s32 v4, v54;
	s8 =	simm.s32 $0xA200  }
0x9fe: {  	[tilespmem:s8], [sflag:$0x2] =	stream.indirect_vreg.gather [hbm4b:s11+s3], $0x80, v51, vm0, $0xb8;
	[tilespmem:$0x1E400] =	vst v63  }
0x9ff: {  	v57 =	vperm.xlane v18, v10;
	v56 =	vadd.s32 v4, v55;
	s8 =	simm.s32 $0xA280  }
0xa00: {  	[tilespmem:s8], [sflag:$0x2] =	stream.indirect_vreg.gather [hbm4b:s11+s3], $0x80, v53, vm0, $0xb8;
	[tilespmem:$0x1E400] =	vst v63  }
0xa01: {  	v59 =	vperm.xlane v18, v11;
	v58 =	vadd.s32 v4, v57;
	s8 =	simm.s32 $0xA300  }
0xa02: {  	[tilespmem:s8], [sflag:$0x2] =	stream.indirect_vreg.gather [hbm4b:s11+s3], $0x80, v19, vm0, $0xb8;
	[tilespmem:$0x1E400] =	vst v63  }
0xa03: {  	v60 =	vperm.xlane v18, v12;
	v19 =	vadd.s32 v4, v59;
	s8 =	simm.s32 $0xA380  }
0xa04: {  	[tilespmem:s8], [sflag:$0x2] =	stream.indirect_vreg.gather [hbm4b:s11+s3], $0x80, v56, vm0, $0xb8;
	[tilespmem:$0x1E400] =	vst v63  }
0xa05: {  	v62 =	vperm.xlane v18, v13;
	v61 =	vadd.s32 v4, v60;
	s8 =	simm.s32 $0xA400  }
0xa06: {  	[tilespmem:s8], [sflag:$0x2] =	stream.indirect_vreg.gather [hbm4b:s11+s3], $0x80, v58, vm0, $0xb8;
	[tilespmem:$0x1E400] =	vst v63  }
0xa07: {  	v18 =	vperm.xlane v18, v14;
	v63 =	vadd.s32 v4, v62;
	s8 =	simm.s32 $0xA480  }
0xa08: {  	[tilespmem:s8], [sflag:$0x2] =	stream.indirect_vreg.gather [hbm4b:s11+s3], $0x80, v19, vm0, $0xb8;
	[tilespmem:$0x1E400] =	vst v63  }
0xa09: {  	v18 =	vadd.s32 v4, v18;
	s8 =	simm.s32 $0xA500  }
0xa0a: {  	[tilespmem:s8], [sflag:$0x2] =	stream.indirect_vreg.gather [hbm4b:s11+s3], $0x80, v61, vm0, $0xb8;
	[tilespmem:$0x1E400] =	vst v63  }
0xa0b: {  	s8 =	simm.s32 $0xA580  }
0xa0c: {  	[tilespmem:s8], [sflag:$0x2] =	stream.indirect_vreg.gather [hbm4b:s11+s3], $0x80, v63, vm0, $0xb8;
	[tilespmem:$0x1E400] =	vst v63  }
0xa0d: {  	s8 =	simm.s32 $0xA600  }
0xa0e: {  	[tilespmem:s8], [sflag:$0x2] =	stream.indirect_vreg.gather [hbm4b:s11+s3], $0x80, v18, vm0, $0xb8;
	[tilespmem:$0x1E400] =	vst v63  }
0xa0f: {  	s7 =	sadd.s32 $0x400, s7;
	_ =	swait.ge [sflag:s19], $0x3E80  }
0xa10: {  	p0 =	sne.s32 s7, $0x4C00;
	[sflag:s19] =	ssyncset.done $0x0  }
.Ltmp2:
0xa11: {  	s22 =	sadd.s32 $0x1500, s22;
	[sflag:s19] =	ssyncadd.s32 $0xFFFFC180;
	(pc) =	sbr.rel @p0 .LBB2_6-.Ltmp2, $4  }
0xa12: {  	[spmem:s1] =	stream.indirect.scatter.add.f32 [tilespmem:s20], [sflag:$0x3], $0x80, s22, s5, $0xb8;
	[tilespmem:$0x1E400] =	vst v63  }
0xa13: {  	_ =	swait.ge [sflag:s21], $0x3E80  }
0xa14: {  	[sflag:s21] =	ssyncset.done $0x0  }
0xa15: {  	s8 =	simm.s32 $0x2880;
	[sflag:s21] =	ssyncadd.s32 $0xFFFFC180  }
0xa16: {  	_ =	swait.ge [sflag:s6], $0x3E80  }
0xa17: {  	s7 =	sshra.s32 s7, $0x2;
	[sflag:s6] =	ssyncset.done $0x0  }
0xa18: {  	s7 =	sadd.s32 $0x1480, s7;
	[sflag:s6] =	ssyncadd.s32 $0xFFFFC180  }
0xa19: {  	[spmem:s1] =	stream.indirect.scatter.add.f32 [tilespmem:s4], [sflag:$0x3], $0x80, s7, s5, $0xb8;
	[tilespmem:$0x1E400] =	vst v63  }
0xa1a: {  	_ =	swait.ge [sflag:s21], $0x3E80  }
0xa1b: {  	[sflag:s21] =	ssyncset.done $0x0  }
0xa1c: {  	[sflag:s21] =	ssyncadd.s32 $0xFFFFC180  }
0xa1d: {  	[bflag:$0x0] =	sbarrier.arrive $0xFFFF  }
0xa1e: {  	s17 =	rddreg [dreg:$0x4]  }
0xa1f: {  	[tilespmem:s20], [sflag:$0x3] =	stream.linear.gather [spmem:s17], $0x4000, $0x38;
	[tilespmem:$0x1E400] =	vst v63  }
0xa20: {  	_ =	swait.ge [sflag:s21], $0x4000  }
0xa21: {  	[sflag:s21] =	ssyncset.done $0x0  }
0xa22: {  	s18 =	rddreg [dreg:$0xd];
	[sflag:s21] =	ssyncadd.s32 $0xFFFFC000  }
0xa23: {  	[hbm4b:s18+s3] =	stream.linear.scatter [tilespmem:s20], [sflag:$0x3], $0x4000, $0x38;
	[tilespmem:$0x1E400] =	vst v63  }
0xa24: {  	_ =	swait.ge [sflag:s21], $0x4000  }
0xa25: {  	[sflag:s21] =	ssyncset.done $0x0  }
0xa26: {  	s22 =	rddreg [dreg:$0x5];
	[sflag:s21] =	ssyncadd.s32 $0xFFFFC000  }
0xa27: {  	[tilespmem:s20], [sflag:$0x3] =	stream.linear.gather [spmem:s22], $0x4000, $0x38;
	[tilespmem:$0x1E400] =	vst v63  }
0xa28: {  	_ =	swait.ge [sflag:s21], $0x4000  }
0xa29: {  	[sflag:s21] =	ssyncset.done $0x0  }
0xa2a: {  	s23 =	rddreg [dreg:$0xe];
	[sflag:s21] =	ssyncadd.s32 $0xFFFFC000  }
0xa2b: {  	[hbm4b:s23+s3] =	stream.linear.scatter [tilespmem:s20], [sflag:$0x3], $0x4000, $0x38;
	[tilespmem:$0x1E400] =	vst v63  }
0xa2c: {  	_ =	swait.ge [sflag:s21], $0x4000  }
0xa2d: {  	[sflag:s21] =	ssyncset.done $0x0  }
0xa2e: {  	s24 =	rddreg [dreg:$0x6];
	[sflag:s21] =	ssyncadd.s32 $0xFFFFC000  }
0xa2f: {  	[tilespmem:s20], [sflag:$0x3] =	stream.linear.gather [spmem:s24], $0x4000, $0x38;
	[tilespmem:$0x1E400] =	vst v63  }
0xa30: {  	_ =	swait.ge [sflag:s21], $0x4000  }
0xa31: {  	[sflag:s21] =	ssyncset.done $0x0  }
0xa32: {  	s25 =	rddreg [dreg:$0xf];
	[sflag:s21] =	ssyncadd.s32 $0xFFFFC000  }
0xa33: {  	[hbm4b:s25+s3] =	stream.linear.scatter [tilespmem:s20], [sflag:$0x3], $0x4000, $0x38;
	[tilespmem:$0x1E400] =	vst v63  }
0xa34: {  	_ =	swait.ge [sflag:s21], $0x4000  }
0xa35: {  	[sflag:s21] =	ssyncset.done $0x0  }
0xa36: {  	s26 =	rddreg [dreg:$0x7];
	[sflag:s21] =	ssyncadd.s32 $0xFFFFC000  }
0xa37: {  	[tilespmem:s20], [sflag:$0x3] =	stream.linear.gather [spmem:s26], $0x4000, $0x38;
	[tilespmem:$0x1E400] =	vst v63  }
0xa38: {  	_ =	swait.ge [sflag:s21], $0x4000  }
0xa39: {  	[sflag:s21] =	ssyncset.done $0x0  }
0xa3a: {  	s28 =	rddreg [dreg:$0x10];
	[sflag:s21] =	ssyncadd.s32 $0xFFFFC000  }
0xa3b: {  	[hbm4b:s28+s3] =	stream.linear.scatter [tilespmem:s20], [sflag:$0x3], $0x4000, $0x38;
	[tilespmem:$0x1E400] =	vst v63  }
0xa3c: {  	_ =	swait.ge [sflag:s21], $0x4000  }
0xa3d: {  	[sflag:s21] =	ssyncset.done $0x0  }
0xa3e: {  	s29 =	rddreg [dreg:$0x8];
	[sflag:s21] =	ssyncadd.s32 $0xFFFFC000  }
0xa3f: {  	[tilespmem:s20], [sflag:$0x3] =	stream.linear.gather [spmem:s29], $0x3C00, $0x38;
	[tilespmem:$0x1E400] =	vst v63  }
0xa40: {  	_ =	swait.ge [sflag:s21], $0x3C00  }
0xa41: {  	[sflag:s21] =	ssyncset.done $0x0  }
0xa42: {  	s30 =	rddreg [dreg:$0x11];
	[sflag:s21] =	ssyncadd.s32 $0xFFFFC400  }
0xa43: {  	[hbm4b:s30+s3] =	stream.linear.scatter [tilespmem:s20], [sflag:$0x3], $0x3C00, $0x38;
	[tilespmem:$0x1E400] =	vst v63  }
0xa44: {  	_ =	swait.ge [sflag:s21], $0x3C00  }
0xa45: {  	s0 =	rddreg [dreg:$0x13]  }
0xa46: {  	s31 =	rddreg [dreg:$0x12];
	s0 =	sadd.s32 $0x1, s0  }
0xa47: {  	p0 =	sne.s32 s0, s31  }
.Ltmp3:
0xa48: {  	_ = 	snop;
	(pc) =	sbr.rel @p0 .LBB2_1-.Ltmp3, $3  }
0xa49: {  	_ =	sdelay $0x1  }
0xa4a: {  	[sflag:s21] =	ssyncset.done $0x0  }
0xa4b: {  	[sflag:s21] =	ssyncadd.s32 $0xFFFFC400  }
0xa4c: {  	_ =	sfence.sel $0x180000  }
0xa4d: {  	[bflag:$0x0] =	sbarrier.arrive $0xFFFF  }
0xa4e: {  	_ =	strace $0x9000004A  }
0xa4f: {  	s0 =	stileid.u32;
	[bflag:$0x2] =	sbarrier.arrive $0xFFFF  }
0xa50: {  	p0 =	sne.s32 s0, $0x0;
	s0 =	rddreg [dreg:$0x3]  }
0xa51: {  	s0 =	sadd.s32 @!p0 $0x100000, s0  }
0xa52: {  	[sflag:s0] =	ssyncadd.tile.s32 @!p0 $0x1;
	_ =	shalt  }
.Lfunc_end2:
_tile_overlayer_lowered:
.L_overlay_start_2:
0xa53: {  	(tag) =	ssettag $0x2  }
0xa54: {  	s0 =	rddreg [dreg:$0x0];
	s2 =	stileid.u32  }
0xa55: {  	s1 =	rddreg [dreg:$0x1];
	p0 =	sne.s32 s2, $0x0  }
0xa56: {  	s3 =	rddreg [dreg:$0x2];
	[bflag:$0x3] =	sbarrier.arrive $0xFFFF;
	s2 =	simm.s32 @!p0 $0x1C03  }
0xa57: {  	[timem:s3], [sflag:s2] =	dma.local @!p0 [hbm:s0], s1  }
0xa58: {  	s0 =	simm.s32 @!p0 $0x3  }
0xa59: {  	_ =	swait.ge @!p0 [sflag:s0], s1  }
0xa5a: {  	s1 =	ssub.s32 @!p0 $0x0, s1;
	[sflag:s0] =	ssyncset.done @!p0 $0x0  }
0xa5b: {  	[sflag:s0] =	ssyncadd.s32 @!p0 s1  }
0xa5c: {  	[bflag:$0x3] =	sbarrier.arrive $0xFFFF  }
0xa5d: {  	_ =	shalt  }

// kernel: kernel.7.cloned.1.call-start
scs
__scs_entry_jumppad:
0x0: {  	(pc) =	sbr.rel $0x88, $3  }
0x1: {  	(tag) =	ssettag $0x0;
	lr =	simm.s32 $0x1  }
0x2: {  	[smem:$0x3F9D] =	sst lr;
	_ =	strace $0xD0000000  }
0x3: {  	_ = 	snop  }
0x4: {  	_ = 	snop  }
0x5: {  	_ = 	snop  }
0x6: {  	_ = 	snop  }
0x7: {  	_ = 	snop  }
__scs_overlays_trampoline_lowered:
0x8: {  	[smem:$0x3FAC] =	sst s0  }
0x9: {  	[smem:$0x3FAD] =	sst s1  }
0xa: {  	[smem:$0x3FAE] =	sst s2  }
0xb: {  	[smem:$0x3FAF] =	sst s3  }
0xc: {  	[smem:$0x3FB0] =	sst s4  }
0xd: {  	[smem:$0x3FB1] =	sst s5  }
0xe: {  	[smem:$0x3FB2] =	sst s6  }
0xf: {  	[smem:$0x3FB3] =	sst s7  }
0x10: {  	[smem:$0x3FB4] =	sst s8  }
0x11: {  	[smem:$0x3FB5] =	sst s9;
	s0 =	simm.s32 @!p0 $0x0  }
0x12: {  	s1 =	sld [smem:$0x3F9B];
	s0 =	simm.s32 @p0 $0x1  }
0x13: {  	[smem:$0x3FB6] =	sst s0;
	s0 =	simm.s32 @!p1 $0x0  }
0x14: {  	s2 =	sld [smem:$0x3F9A];
	s0 =	simm.s32 @p1 $0x1  }
0x15: {  	[smem:$0x3FB7] =	sst s0;
	s0 =	simm.s32 @!p2 $0x0  }
0x16: {  	s3 =	sld [smem:$0x3FDB];
	s0 =	simm.s32 @p2 $0x1  }
0x17: {  	s4 =	simm.s32 $0x1BF5;
	[smem:$0x3FB9] =	sst s0  }
0x18: {  	s0 =	sld [smem:$0x3F9C];
	_ =	swait.ge [sflag:s4], $0x0  }
0x19: {  	s7 =	sld [smem:$0x3F9D]  }
0x1a: {  	s8 =	sadd.s32 $0xFFFFE003, lr  }
0x1b: {  	s9 =	sadd.s32 $0xFFFFFEF7, lr;
	s5 =	simm.s32 $0xFFFFFFFF;
	p2 =	slt.u32 s8, $0xFFFFF086  }
0x1c: {  	p1 =	slt.u32 s9, $0xF7A;
	s5 =	simm.s32 @!p2 $0x0  }
0x1d: {  	s5 =	simm.s32 @p1 $0x1;
	p0 =	seq.s32 s7, s2  }
0x1e: {  	s7 =	smul.u32 @!p0 $0xF7A, s2;
	p2 =	seq.s32 @!p0 s5, $0x0  }
0x1f: {  	s9 =	smul.u32 $0xF7A, s1;
	s8 =	simm.s32 @!p0 $0x1BF5;
	p2 =	por !p2, p0  }
0x20: {  	[sflag:s8] =	ssyncset.s32 @!p0 $0xFFFFF086;
	s6 =	sadd.s32 @!p0 s3, s7;
	s7 =	simm.s32 @!p0 $0x108  }
0x21: {  	s3 =	sadd.s32 s3, s9;
	s6 =	sadd.s32 @!p0 $0x88, s6;
	s7 =	simm.s32 @p2 $0x1082  }
0x22: {  	[simem:s7], [sflag:s8] =	dma.local @!p0 [hbm:s6], $0xF7A  }
0x23: {  	s9 =	sor.u32 $0xD0000000, s2;
	s6 =	simm.s32 $0x108;
	_ =	swait.ge @!p0 [sflag:s8], $0x0  }
0x24: {  	s3 =	sadd.s32 $0x88, s3;
	s6 =	simm.s32 @!p1 $0x1082;
	[sflag:s4] =	ssyncset.s32 $0xFFFFF086  }
0x25: {  	[simem:s6], [sflag:s4] =	dma.local [hbm:s3], $0xF7A  }
0x26: {  	[smem:$0x3F9D] =	sst s1;
	(tag) =	ssettag s2;
	_ =	strace s9  }
0x27: {  	s1 =	sld [smem:$0x3FAD]  }
0x28: {  	s2 =	sld [smem:$0x3FAE]  }
0x29: {  	s4 =	sld [smem:$0x3FB0]  }
0x2a: {  	p0 =	seq.s32 s5, $0x0;
	s5 =	sld [smem:$0x3FB1]  }
0x2b: {  	s6 =	sld [smem:$0x3FB2]  }
0x2c: {  	s7 =	sld [smem:$0x3FB3]  }
0x2d: {  	s3 =	simm.s32 $0x108;
	s8 =	sld [smem:$0x3FB4]  }
0x2e: {  	s3 =	simm.s32 @!p0 $0x1082;
	s9 =	sld [smem:$0x3FB5]  }
0x2f: {  	lr =	sadd.s32 s0, s3;
	s0 =	sld [smem:$0x3FAC]  }
0x30: {  	s3 =	sld [smem:$0x3FAF]  }
0x31: {  	[smem:$0x3FB8] =	sst s10  }
0x32: {  	s10 =	sld [smem:$0x3FB6];
	_ =	sdelay $0x3  }
0x33: {  	p0 =	seq.s32 s10, $0x1;
	s10 =	sld [smem:$0x3FB8];
	_ =	sdelay $0x3  }
0x34: {  	[smem:$0x3FB8] =	sst s10  }
0x35: {  	s10 =	sld [smem:$0x3FB7];
	_ =	sdelay $0x3  }
0x36: {  	p1 =	seq.s32 s10, $0x1;
	s10 =	sld [smem:$0x3FB8];
	_ =	sdelay $0x3  }
0x37: {  	[smem:$0x3FB8] =	sst s10  }
0x38: {  	s10 =	sld [smem:$0x3FB9]  }
0x39: {  	_ = 	snop;
	(pc) =	sbr.ind lr, $3  }
0x3a: {  	_ = 	snop  }
0x3b: {  	_ = 	snop  }
0x3c: {  	p2 =	seq.s32 s10, $0x1;
	s10 =	sld [smem:$0x3FB8]  }
0x3d: {  	_ =	shalt  }
0x3e: {  	_ =	shalt  }
0x3f: {  	_ =	shalt  }
0x40: {  	_ =	shalt  }
0x41: {  	_ =	shalt  }
0x42: {  	_ =	shalt  }
0x43: {  	_ =	shalt  }
0x44: {  	_ =	shalt  }
0x45: {  	_ =	shalt  }
0x46: {  	_ =	shalt  }
0x47: {  	_ =	shalt  }
0x48: {  	_ =	shalt  }
0x49: {  	_ =	shalt  }
0x4a: {  	_ =	shalt  }
0x4b: {  	_ =	shalt  }
0x4c: {  	_ =	shalt  }
0x4d: {  	_ =	shalt  }
0x4e: {  	_ =	shalt  }
0x4f: {  	_ =	shalt  }
0x50: {  	_ =	shalt  }
0x51: {  	_ =	shalt  }
0x52: {  	_ =	shalt  }
0x53: {  	_ =	shalt  }
0x54: {  	_ =	shalt  }
0x55: {  	_ =	shalt  }
0x56: {  	_ =	shalt  }
0x57: {  	_ =	shalt  }
0x58: {  	_ =	shalt  }
0x59: {  	_ =	shalt  }
0x5a: {  	_ =	shalt  }
0x5b: {  	_ =	shalt  }
0x5c: {  	_ =	shalt  }
0x5d: {  	_ =	shalt  }
0x5e: {  	_ =	shalt  }
0x5f: {  	_ =	shalt  }
0x60: {  	_ =	shalt  }
0x61: {  	_ =	shalt  }
0x62: {  	_ =	shalt  }
0x63: {  	_ =	shalt  }
0x64: {  	_ =	shalt  }
0x65: {  	_ =	shalt  }
0x66: {  	_ =	shalt  }
0x67: {  	_ =	shalt  }
0x68: {  	_ =	shalt  }
0x69: {  	_ =	shalt  }
0x6a: {  	_ =	shalt  }
0x6b: {  	_ =	shalt  }
0x6c: {  	_ =	shalt  }
0x6d: {  	_ =	shalt  }
0x6e: {  	_ =	shalt  }
0x6f: {  	_ =	shalt  }
0x70: {  	_ =	shalt  }
0x71: {  	_ =	shalt  }
0x72: {  	_ =	shalt  }
0x73: {  	_ =	shalt  }
0x74: {  	_ =	shalt  }
0x75: {  	_ =	shalt  }
0x76: {  	_ =	shalt  }
0x77: {  	_ =	shalt  }
0x78: {  	_ =	shalt  }
0x79: {  	_ =	shalt  }
0x7a: {  	_ =	shalt  }
0x7b: {  	_ =	shalt  }
0x7c: {  	_ =	shalt  }
0x7d: {  	_ =	shalt  }
0x7e: {  	_ =	shalt  }
0x7f: {  	_ =	shalt  }
0x80: {  	_ =	shalt  }
0x81: {  	_ =	shalt  }
0x82: {  	_ =	shalt  }
0x83: {  	_ =	shalt  }
0x84: {  	_ =	shalt  }
0x85: {  	_ =	shalt  }
0x86: {  	_ =	shalt  }
0x87: {  	_ =	shalt  }
.Lfunc_end0:
.L_simem_size_0:
called_computation_lowered:
.L_overlay_start_0:
0x88: {  	s2 =	sld [smem:$0x3FD9]  }
0x89: {  	s3 =	sld [smem:$0x3FFE];
	_ =	sdelay $0x1  }
0x8a: {  	s1 =	srdreg.scid  }
0x8b: {  	s0 =	sand.u32 $0x1, s1  }
0x8c: {  	s17 =	sshll.u32 s0, $0xA;
	s2 =	sadd.s32 s3, s2  }
0x8d: {  	s2 =	sadd.s32 s2, s17  }
0x8e: {  	[smem:$0x3FC4] =	sst s2  }
0x8f: {  	_ = 	snop  }
0x90: {  	s2 =	sld [smem:$0x3FD0];
	(tm) =	ssettm $0x1  }
0x91: {  	s18 =	sld [smem:$0x3FFB];
	_ =	sdelay $0x3  }
0x92: {  	_ =	strace s18  }
0x93: {  	s3 =	sld [smem:$0x3FFC];
	_ =	sdelay $0x3  }
0x94: {  	_ =	strace s3  }
0x95: {  	s3 =	sld [smem:$0x3FFD];
	_ =	sdelay $0x3  }
0x96: {  	_ =	strace s3  }
0x97: {  	_ =	strace $0x8FFFFFFF  }
0x98: {  	s19 =	sld [smem:$0x3FDB];
	_ =	sdelay $0x1  }
0x99: {  	s4 =	simm.s32 $_scs_section_size  }
0x9a: {  	s5 =	simm.s32 $_size__tile_overlayer_lowered;
	s6 =	simm.s32 $_tile_overlayer_lowered  }
0x9b: {  	s22 =	simm.s32 $0x1BFF;
	s21 =	sshll.u32 s6, $0x1;
	s3 =	sadd.s32 s4, s19  }
0x9c: {  	s7 =	simm.s32 $0x0;
	s20 =	sshll.u32 s5, $0x1;
	s5 =	sadd.s32 s21, s3  }
0x9d: {  	[timem:s7], [sflag:s22] =	dma.local [hbm:s5], s20  }
0x9e: {  	_ =	swait.ge [sflag:s22], s20  }
0x9f: {  	s4 =	ssub.s32 $0x0, s20;
	[sflag:s22] =	ssyncset.done $0x0  }
0xa0: {  	[sflag:s22] =	ssyncadd.s32 s4;
	_ =	sdelay $0x1  }
0xa1: {  	s23 =	simm.s32 $0x1B8B  }
0xa2: {  	_ =	swait.ge [sflag:s23], $0x1  }
0xa3: {  	[sflag:s23] =	ssyncset.done $0x0  }
0xa4: {  	s25 =	simm.s32 $0x1B8E;
	s24 =	sld [smem:$0x3FFE];
	[sflag:s23] =	ssyncadd.s32 $0xFFFFFFFF  }
0xa5: {  	s26 =	simm.s32 $execute0_lowered;
	[smem:$0x3FD2] =	sst s25  }
0xa6: {  	s5 =	sshll.u32 s26, $0x1;
	_ =	strace $0x80000046;
	[dreg:$0x1] =	wrdreg $0xFFFFFFFF  }
0xa7: {  	s28 =	simm.s32 $_size_execute0_lowered;
	s3 =	sadd.s32 s3, s5;
	[dreg:$0x0] =	wrdreg $0x0  }
0xa8: {  	s5 =	sshll.u32 s28, $0x1;
	[dreg:$0x2] =	wrdreg s3  }
0xa9: {  	[dreg:$0x3] =	wrdreg s5  }
0xaa: {  	[dreg:$0x4] =	wrdreg $0xC0  }
0xab: {  	_ =	task [dreg:s7], $0x5FFFF  }
0xac: {  	[dreg:$0x1] =	wrdreg $0xFFFFFFFF  }
0xad: {  	[dreg:$0x0] =	wrdreg $0x60  }
0xae: {  	[dreg:$0x2] =	wrdreg s24  }
0xaf: {  	[dreg:$0x3] =	wrdreg s2  }
0xb0: {  	[dreg:$0x4] =	wrdreg $0x17000  }
0xb1: {  	[dreg:$0x5] =	wrdreg $0x9  }
0xb2: {  	_ =	task.clear_ibuf [dreg:s7], $0x6FFFF;
	_ =	strace $0x90000046  }
0xb3: {  	s29 =	simm.s32 $0x9;
	_ =	strace $0x80000048  }
0xb4: {  	_ =	swait.ge [sflag:s29], $0x1  }
0xb5: {  	[sflag:s29] =	ssyncadd.s32 $0xFFFFFFFF  }
0xb6: {  	_ =	strace $0x90000048  }
0xb7: {  	_ =	sfence  }
0xb8: {  	s30 =	sld [smem:$0x0];
	_ =	sdelay $0x2  }
0xb9: {  	s31 =	sshll.u32 s1, $0xD;
	s1 =	sshrl.u32 s1, $0x2  }
0xba: {  	s3 =	sand.u32 $0x4000, s31;
	s1 =	sadd.s32 s1, s30  }
0xbb: {  	s0 =	sor.u32 s3, s0;
	s1 =	sshll.u32 s1, $0x11  }
0xbc: {  	s0 =	sor.u32 s1, s0  }
0xbd: {  	s0 =	sadd.s32 $0x8F2B, s0  }
0xbe: {  	[sflag:s0] =	ssyncadd.remote.s32 $0x1  }
0xbf: {  	_ =	sfence.sel $0xFFFF  }
0xc0: {  	[dreg:$0x0] =	wrdreg $0xFFFFFFFF;
	(pc) =	sbr.abs _section_cstart, $3  }
0xc1: {  	[dreg:$0x1] =	wrdreg $0xFFFFFFFF  }
0xc2: {  	_ =	task.clear_ibuf [dreg:s7], $0x2FFFF;
	_ =	strace $0x9FFFFFFF  }
0xc3: {  	(tm) =	ssettm $0x7FFFFFFF  }
tec
execute0_lowered:
.L_overlay_start_1:
0x0: {  	(tag) =	ssettag $0x1  }
0x1: {  	s4 =	rddreg [dreg:$0x0]  }
0x2: {  	s6 =	rddreg [dreg:$0x1];
	s0 =	srdreg.scid  }
0x3: {  	s2 =	rddreg [dreg:$0x2];
	s1 =	stileid.u32;
	s3 =	simm.s32 $0x0  }
0x4: {  	s11 =	simm.s32 $0x1400;
	s12 =	simm.s32 $0x0;
	s5 =	sand.u32 $0x1, s0  }
0x5: {  	s0 =	rddreg [dreg:$0x3];
	s8 =	smul.u32 $0x280, s1;
	s7 =	sshll.u32 s5, $0x4  }
0x6: {  	s9 =	smul.u32 $0x2800, s5;
	s5 =	ssub.s32 $0x2, s5;
	s7 =	sor.u32 s1, s7  }
0x7: {  	[smem:$0x7FF] =	sst s3;
	s10 =	sshrl.u32 s5, $0x1;
	s7 =	smul.u32 $0x280, s7  }
0x8: {  	_ =	strace $0x80000047;
	s9 =	sadd.s32 s8, s9;
	s10 =	ssub.s32 s5, s10  }
0x9: {  	s9 =	sshrl.u32 s9, $0x3;
	s7 =	sadd.s32 s7, s4;
	s4 =	sadd.s32 s8, s2  }
0xa: {  	s6 =	sadd.s32 s6, s9;
	s8 =	simm.s32 $0x1480;
	s9 =	simm.s32 $0x1  }
0xb: {  	v0 =	vimm.f32 $0.0e+00;
	v1 =	vimm.f32 $1.000000000e+00;
	s5 =	sadd.s32 $0xC00, s7;
	s7 =	smax.u32 s10, $0x1;
	s10 =	simm.s32 $0x7D  }
.LBB2_1:
0xc: {  	[tilespmem:$0x1480] =	vst v0  }
0xd: {  	[tilespmem:$0x1490] =	vst v0  }
0xe: {  	[tilespmem:$0x14A0] =	vst v0  }
0xf: {  	[tilespmem:$0x14B0] =	vst v0  }
0x10: {  	[tilespmem:$0x14C0] =	vst v0  }
0x11: {  	[tilespmem:$0x14D0] =	vst v0  }
0x12: {  	[tilespmem:$0x14E0] =	vst v0  }
0x13: {  	[tilespmem:$0x14F0] =	vst v0  }
0x14: {  	[tilespmem:$0x1500] =	vst v0  }
0x15: {  	[tilespmem:$0x1510] =	vst v0  }
0x16: {  	[tilespmem:$0x1520] =	vst v0  }
0x17: {  	[tilespmem:$0x1530] =	vst v0  }
0x18: {  	[tilespmem:$0x1540] =	vst v0  }
0x19: {  	[tilespmem:$0x1550] =	vst v0  }
0x1a: {  	[tilespmem:$0x1560] =	vst v0  }
0x1b: {  	[tilespmem:$0x1570] =	vst v0  }
0x1c: {  	[tilespmem:$0x1580] =	vst v0  }
0x1d: {  	[tilespmem:$0x1590] =	vst v0  }
0x1e: {  	[tilespmem:$0x15A0] =	vst v0  }
0x1f: {  	[tilespmem:$0x15B0] =	vst v0  }
0x20: {  	[tilespmem:$0x15C0] =	vst v0  }
0x21: {  	[tilespmem:$0x15D0] =	vst v0  }
0x22: {  	[tilespmem:$0x15E0] =	vst v0  }
0x23: {  	[tilespmem:$0x15F0] =	vst v0  }
0x24: {  	[tilespmem:$0x1600] =	vst v0  }
0x25: {  	[tilespmem:$0x1610] =	vst v0  }
0x26: {  	[tilespmem:$0x1620] =	vst v0  }
0x27: {  	[tilespmem:$0x1630] =	vst v0  }
0x28: {  	[tilespmem:$0x1640] =	vst v0  }
0x29: {  	[tilespmem:$0x1650] =	vst v0  }
0x2a: {  	[tilespmem:$0x1660] =	vst v0  }
0x2b: {  	[tilespmem:$0x1670] =	vst v0  }
0x2c: {  	[tilespmem:$0x1680] =	vst v0  }
0x2d: {  	[tilespmem:$0x1690] =	vst v0  }
0x2e: {  	[tilespmem:$0x16A0] =	vst v0  }
0x2f: {  	[tilespmem:$0x16B0] =	vst v0  }
0x30: {  	[tilespmem:$0x16C0] =	vst v0  }
0x31: {  	[tilespmem:$0x16D0] =	vst v0  }
0x32: {  	[tilespmem:$0x16E0] =	vst v0  }
0x33: {  	[tilespmem:$0x16F0] =	vst v0  }
0x34: {  	[tilespmem:$0x1400] =	vst v1  }
0x35: {  	[tilespmem:$0x1410] =	vst v1  }
0x36: {  	[tilespmem:$0x1420] =	vst v1  }
0x37: {  	[tilespmem:$0x1430] =	vst v1  }
0x38: {  	[tilespmem:$0x1440] =	vst v1  }
0x39: {  	[tilespmem:$0x1450] =	vst v1  }
0x3a: {  	[tilespmem:$0x1460] =	vst v1  }
0x3b: {  	[tilespmem:$0x1470] =	vst v1  }
0x3c: {  	[spmem:s4] =	stream.linear.scatter [tilespmem:s8], [sflag:$0x1], $0x280, $0x38;
	[tilespmem:$0x1980] =	vst v63  }
0x3d: {  	_ =	swait.ge [sflag:s9], $0x280  }
0x3e: {  	[sflag:s9] =	ssyncset.done $0x0  }
0x3f: {  	[sflag:s9] =	ssyncadd.s32 $0xFFFFFD80  }
0x40: {  	[bflag:$0x0] =	sbarrier.arrive $0xFFFF  }
0x41: {  	[tilespmem:s3], [sflag:$0x1] =	stream.linear.gather [hbm4b:s5+s3], $0x1400, $0x38;
	[tilespmem:$0x1980] =	vst v63  }
0x42: {  	_ =	swait.ge [sflag:s9], $0x1400  }
0x43: {  	[sflag:s9] =	ssyncset.done $0x0  }
0x44: {  	s13 =	simm.s32 $0x0;
	[sflag:s9] =	ssyncadd.s32 $0xFFFFEC00  }
0x45: {  	[spmem:s2] =	stream.indirect.scatter.add.f32 [tilespmem:s11], [sflag:$0x1], $0x1, s13, s10, $0xb8;
	[tilespmem:$0x1980] =	vst v63  }
0x46: {  	_ =	swait.ge [sflag:s9], $0x7D  }
0x47: {  	s13 =	simm.s32 $0x200;
	[sflag:s9] =	ssyncset.done $0x0  }
.LBB2_2:
0x48: {  	s14 =	sshra.s32 s13, $0x2;
	[sflag:s9] =	ssyncadd.s32 $0xFFFFFF83;
	p0 =	sne.s32 s13, $0x4E00  }
0x49: {  	[spmem:s2] =	stream.indirect.scatter.add.f32 [tilespmem:s11], [sflag:$0x1], $0x1, s14, s10, $0xb8;
	[tilespmem:$0x1980] =	vst v63  }
.Ltmp0:
0x4a: {  	_ = 	snop;
	(pc) =	sbr.rel @p0 .LBB2_2-.Ltmp0, $4  }
0x4b: {  	_ = 	snop  }
0x4c: {  	s13 =	sadd.s32 $0x200, s13  }
0x4d: {  	_ =	swait.ge [sflag:s9], $0x7D  }
0x4e: {  	[sflag:s9] =	ssyncset.done $0x0  }
0x4f: {  	[sflag:s9] =	ssyncadd.s32 $0xFFFFFF83  }
0x50: {  	[bflag:$0x0] =	sbarrier.arrive $0xFFFF  }
0x51: {  	[tilespmem:s8], [sflag:$0x1] =	stream.linear.gather [spmem:s4], $0x280, $0x38;
	[tilespmem:$0x1980] =	vst v63  }
0x52: {  	s12 =	sadd.s32 $0x1, s12;
	_ =	swait.ge [sflag:s9], $0x280  }
0x53: {  	p0 =	sne.s32 s12, s7;
	[sflag:s9] =	ssyncset.done $0x0  }
.Ltmp1:
0x54: {  	[sflag:s9] =	ssyncadd.s32 $0xFFFFFD80;
	(pc) =	sbr.rel @p0 .LBB2_1-.Ltmp1, $4  }
0x55: {  	[hbm4b:s6+s3] =	stream.linear.scatter [tilespmem:s8], [sflag:$0x1], $0x280, $0x38;
	[tilespmem:$0x1980] =	vst v63  }
0x56: {  	_ =	swait.ge [sflag:s9], $0x280  }
0x57: {  	[sflag:s9] =	ssyncset.done $0x0  }
0x58: {  	[sflag:s9] =	ssyncadd.s32 $0xFFFFFD80  }
0x59: {  	_ =	sfence.sel $0x180000  }
0x5a: {  	[bflag:$0x0] =	sbarrier.arrive $0xFFFF  }
0x5b: {  	p0 =	sne.s32 s1, $0x0;
	_ =	strace $0x90000047  }
0x5c: {  	s0 =	sadd.s32 @!p0 $0x100000, s0;
	[bflag:$0x2] =	sbarrier.arrive $0xFFFF  }
0x5d: {  	[sflag:s0] =	ssyncadd.tile.s32 @!p0 $0x1;
	_ =	shalt  }
.Lfunc_end2:
_tile_overlayer_lowered:
.L_overlay_start_2:
0x5e: {  	(tag) =	ssettag $0x2  }
0x5f: {  	s0 =	rddreg [dreg:$0x0];
	s2 =	stileid.u32  }
0x60: {  	s1 =	rddreg [dreg:$0x1];
	p0 =	sne.s32 s2, $0x0  }
0x61: {  	s3 =	rddreg [dreg:$0x2];
	[bflag:$0x3] =	sbarrier.arrive $0xFFFF;
	s2 =	simm.s32 @!p0 $0x1C01  }
0x62: {  	[timem:s3], [sflag:s2] =	dma.local @!p0 [hbm:s0], s1  }
0x63: {  	s0 =	simm.s32 @!p0 $0x1  }
0x64: {  	_ =	swait.ge @!p0 [sflag:s0], s1  }
0x65: {  	s1 =	ssub.s32 @!p0 $0x0, s1;
	[sflag:s0] =	ssyncset.done @!p0 $0x0  }
0x66: {  	[sflag:s0] =	ssyncadd.s32 @!p0 s1  }
0x67: {  	[bflag:$0x3] =	sbarrier.arrive $0xFFFF  }
0x68: {  	_ =	shalt  }

</sc_bundles>
